<compile_context>
chip_gen: v7x
topology: tpu7x:2x2x1
jax: 0.10.2.dev20260603
libtpu: 0.0.44.dev20260713+nightly
codegen_flags: <defaults>
</compile_context>

<pallas_src>
import functools

import jax
import jax.numpy as jnp
from jax import lax
from jax.experimental import pallas as pl
from jax.experimental.pallas import tpu as pltpu
from jax.experimental.pallas import tpu_sc as plsc

B = 16384
T = 12
E = 32
NF = 28
H = 64

NC = 2
NS = 16
NW = NC * NS
APW = B // NW

CA = 128
ROWS = CA * T
IDX_W = 128
NGATHER = ROWS // IDX_W
NCHUNK = APW // CA


def _sc_embed_bag(idx_t, table):
    mesh = plsc.VectorSubcoreMesh(core_axis_name="c", subcore_axis_name="s")

    @functools.partial(
        pl.kernel,
        mesh=mesh,
        out_type=jax.ShapeDtypeStruct((E, B), jnp.float32),
        scratch_types=[
            pltpu.VMEM((2, T, CA), jnp.int32),
            pltpu.VMEM((2 * ROWS, E), jnp.float32),
            pltpu.VMEM((2, E, CA), jnp.float32),
            pltpu.SemaphoreType.DMA,
            pltpu.SemaphoreType.DMA,
        ],
        compiler_params=pltpu.CompilerParams(use_tc_tiling_on_sc=False,
                                             needs_layout_passes=False),
    )
    def body(idx_hbm, table_hbm, out_hbm, idx_v, rows_v, pooled_v, sem, osem):
        wid = lax.axis_index("s") * NC + lax.axis_index("c")
        dim_lo = lax.broadcasted_iota(jnp.int32, (16,), 0)
        dim_hi = dim_lo + 16

        def fire(c, buf):
            bag0 = wid * APW + c * CA
            pltpu.sync_copy(idx_hbm.at[:, pl.ds(bag0, CA)], idx_v.at[buf])
            return [
                pltpu.async_copy(
                    table_hbm.at[idx_v.at[buf, t]],
                    rows_v.at[pl.ds(buf * ROWS + t * CA, CA)],
                    sem,
                )
                for t in range(T)
            ]

        def compute(buf):
            r0 = buf * ROWS

            def action_body(a, inner):
                for u in range(4):
                    bag = a * 4 + u
                    r = r0 + bag
                    acc0 = rows_v[r, pl.ds(0, 16)]
                    acc1 = rows_v[r, pl.ds(16, 16)]
                    for t in range(1, T):
                        acc0 = acc0 + rows_v[r + t * CA, pl.ds(0, 16)]
                        acc1 = acc1 + rows_v[r + t * CA, pl.ds(16, 16)]
                    col = dim_lo * 0 + bag
                    plsc.store_scatter(pooled_v.at[buf], [dim_lo, col],
                                       acc0 * (1.0 / T))
                    plsc.store_scatter(pooled_v.at[buf], [dim_hi, col],
                                       acc1 * (1.0 / T))
                return inner

            lax.fori_loop(0, CA // 4, action_body, 0)

        gath = fire(0, 0)
        out_handles = [None, None]
        for c in range(NCHUNK):
            nxt = fire(c + 1, (c + 1) % 2) if c + 1 < NCHUNK else []
            for h in gath:
                h.wait()
            if out_handles[c % 2] is not None:
                out_handles[c % 2].wait()
            compute(c % 2)
            out_handles[c % 2] = pltpu.async_copy(
                pooled_v.at[c % 2],
                out_hbm.at[:, pl.ds(wid * APW + c * CA, CA)],
                osem,
            )
            gath = nxt
        for h in out_handles:
            if h is not None:
                h.wait()

    return body(idx_t, table)


_BM = 2048
_full = lambda shape: pl.BlockSpec(shape, lambda i: tuple(0 for _ in shape))


def _tc_numeric(numeric, W1, b1, W2, b2, Wo1b, bo1):

    def body(num_ref, W1_ref, b1_ref, W2_ref, b2_ref, Wo1b_ref, bo1_ref,
             out_ref):
        h = jnp.maximum(
            jnp.dot(num_ref[...], W1_ref[...],
                    preferred_element_type=jnp.float32) + b1_ref[...], 0.0)
        ne = jnp.dot(h, W2_ref[...],
                     preferred_element_type=jnp.float32) + b2_ref[...]
        out_ref[...] = jnp.dot(ne, Wo1b_ref[...],
                               preferred_element_type=jnp.float32) + bo1_ref[...]

    return pl.pallas_call(
        body,
        grid=(B // _BM,),
        in_specs=[
            pl.BlockSpec((_BM, NF), lambda i: (i, 0)),
            _full((NF, H)), _full((1, H)), _full((H, E)), _full((1, E)),
            _full((E, E)), _full((1, E)),
        ],
        out_specs=pl.BlockSpec((_BM, E), lambda i: (i, 0)),
        out_shape=jax.ShapeDtypeStruct((B, E), jnp.float32),
    )(numeric, W1, b1, W2, b2, Wo1b, bo1)


def _tc_head(token_embed_t, pre, Wo1a, Wo2, bo2):

    def body(te_ref, pre_ref, Wo1a_ref, Wo2_ref, bo2_ref, out_ref):
        te_blk = lax.dot_general(te_ref[...], Wo1a_ref[...],
                                 (((0,), (0,)), ((), ())),
                                 preferred_element_type=jnp.float32)
        o = jnp.maximum(te_blk + pre_ref[...], 0.0)
        out_ref[...] = lax.dot_general(Wo2_ref[...], o,
                                       (((0,), (1,)), ((), ())),
                                       preferred_element_type=jnp.float32) \
            + bo2_ref[...]

    return pl.pallas_call(
        body,
        grid=(B // _BM,),
        in_specs=[
            pl.BlockSpec((E, _BM), lambda i: (0, i)),
            pl.BlockSpec((_BM, E), lambda i: (i, 0)),
            _full((E, E)), _full((E, E)), _full((E, 1)),
        ],
        out_specs=pl.BlockSpec((E, _BM), lambda i: (0, i)),
        out_shape=jax.ShapeDtypeStruct((E, B), jnp.float32),
    )(token_embed_t, pre, Wo1a, Wo2, bo2)


def kernel(token_ids, numeric, table, W1, b1, W2, b2, Wo1, bo1, Wo2, bo2):
    token_embed_t = _sc_embed_bag(token_ids.astype(jnp.int32).T, table)
    pre = _tc_numeric(numeric, W1, b1.reshape(1, H), W2, b2.reshape(1, E),
                      Wo1[E:], bo1.reshape(1, E))
    out_t = _tc_head(token_embed_t, pre, Wo1[:E], Wo2, bo2.reshape(E, 1))
    return out_t.T

# --- scband reference (transcript-rebuilt; emitter-appended) ---
"""Pipeline reference for scband-action-encoder-59038620450900 (READ-ONLY COPY).

The authoritative reference and input builder live on the scoring server;
editing this copy changes nothing except your own understanding.
"""

import jax, jax.numpy as jnp
import numpy as np

B = 16384
TOKENS_PER_ACTION = 12
VOCAB = 100000
EMBED_DIM = 32
HIDDEN_DIM = 64
NUMERIC_ACTION_FEATURES = 28


def setup_inputs(seed: int = 0) -> dict:
    key = jax.random.key(seed)
    ks = jax.random.split(key, 12)
    token_ids = jax.random.randint(ks[0], (B, TOKENS_PER_ACTION), 0, VOCAB, dtype=jnp.int64 if jax.config.jax_enable_x64 else jnp.int32)
    numeric = jax.random.normal(ks[1], (B, NUMERIC_ACTION_FEATURES), dtype=jnp.float32)
    table = jax.random.normal(ks[2], (VOCAB, EMBED_DIM), dtype=jnp.float32) * 0.02
    W1 = jax.random.normal(ks[3], (NUMERIC_ACTION_FEATURES, HIDDEN_DIM), dtype=jnp.float32) * (1.0 / np.sqrt(NUMERIC_ACTION_FEATURES))
    b1 = jnp.zeros((HIDDEN_DIM,), dtype=jnp.float32)
    W2 = jax.random.normal(ks[4], (HIDDEN_DIM, EMBED_DIM), dtype=jnp.float32) * (1.0 / np.sqrt(HIDDEN_DIM))
    b2 = jnp.zeros((EMBED_DIM,), dtype=jnp.float32)
    Wo1 = jax.random.normal(ks[5], (EMBED_DIM * 2, EMBED_DIM), dtype=jnp.float32) * (1.0 / np.sqrt(EMBED_DIM * 2))
    bo1 = jnp.zeros((EMBED_DIM,), dtype=jnp.float32)
    Wo2 = jax.random.normal(ks[6], (EMBED_DIM, EMBED_DIM), dtype=jnp.float32) * (1.0 / np.sqrt(EMBED_DIM))
    bo2 = jnp.zeros((EMBED_DIM,), dtype=jnp.float32)
    return {"token_ids": token_ids, "numeric": numeric, "table": table,
            "W1": W1, "b1": b1, "W2": W2, "b2": b2,
            "Wo1": Wo1, "bo1": bo1, "Wo2": Wo2, "bo2": bo2}


def reference(token_ids, numeric, table, W1, b1, W2, b2, Wo1, bo1, Wo2, bo2):
    # EmbeddingBag(mode='mean'): gather token embeddings and mean-pool per action bag
    gathered = jnp.take(table, token_ids, axis=0)          # [B, T, E]
    token_embed = jnp.mean(gathered, axis=1)               # [B, E]
    # numeric_projection: Linear -> ReLU -> Linear
    h = jax.nn.relu(numeric @ W1 + b1)
    numeric_embed = h @ W2 + b2                            # [B, E]
    # output head: concat -> Linear -> ReLU -> Linear
    combined = jnp.concatenate([token_embed, numeric_embed], axis=-1)  # [B, 2E]
    o = jax.nn.relu(combined @ Wo1 + bo1)
    out = o @ Wo2 + bo2                                    # [B, E]
    return out

if __name__ == "__main__":
    import jax
    _d = setup_inputs()
    print(jax.jit(kernel)(*tuple(_d.values())))

</pallas_src>

<mosaic_0001>
#map = affine_map<(d0, d1) -> (0, 0)>
module attributes {stable_mosaic.version = 14 : i64} {
  func.func @body(%arg0: i32, %arg1: i32, %arg2: memref<12x16384xi32, #tpu.memory_space<hbm>>, %arg3: memref<100000x32xf32, #tpu.memory_space<hbm>>, %arg4: memref<32x16384xf32, #tpu.memory_space<hbm>>, %arg5: memref<2x12x128xi32, #tpu.memory_space<vmem>>, %arg6: memref<3072x32xf32, #tpu.memory_space<vmem>>, %arg7: memref<2x32x128xf32, #tpu.memory_space<vmem>>, %arg8: memref<!tpu.dma_semaphore, #tpu.memory_space<semaphore_mem>>, %arg9: memref<!tpu.dma_semaphore, #tpu.memory_space<semaphore_mem>>) attributes {dimension_semantics = [#tpu.dimension_semantics<core_parallel>, #tpu.dimension_semantics<subcore_parallel>], iteration_bounds = array<i64: 2, 16>, scalar_prefetch = 0 : i64, scratch_operands = 5 : i64, tpu.core_type = #tpu.core_type<sc_vector_subcore>, window_params = [{transform_indices = #map}, {transform_indices = #map}, {transform_indices = #map}]} {
    %mul3A = arith.constant 2 : i32
    %mul3A_0 = arith.muli %arg1, %mul3A : i32
    %add3A = arith.addi %mul3A_0, %arg0 : i32
    %iota3A = tpu.iota {dimensions = array<i32: 0>} : vector<16xi32>
    %add3A_1 = arith.constant 16 : i32
    %add3A_2 = vector.broadcast %add3A_1 : i32 to vector<16xi32>
    %add3A_3 = arith.addi %iota3A, %add3A_2 : vector<16xi32>
    %mul3A_4 = arith.constant 512 : i32
    %mul3A_5 = arith.muli %add3A, %mul3A_4 : i32
    %add3A_6 = arith.constant 0 : i32
    %add3A_7 = arith.addi %mul3A_5, %add3A_6 : i32
    %run_scoped3A = arith.constant 0 : i32
    "tpu.region"() ({
      %run_scoped3A_1220 = tpu.sem_alloc : memref<!tpu.dma_semaphore, #tpu.memory_space<semaphore_mem>>
      %dma_start3A_1221 = arith.constant 0 : i32
      %dma_start3A_1222 = arith.constant 0 : i32
      %dma_start3A_1223 = tpu.memref_slice %arg5[%run_scoped3A, %dma_start3A_1221, %dma_start3A_1222] : memref<2x12x128xi32, #tpu.memory_space<vmem>> -> memref<1x12x128xi32, #tpu.memory_space<vmem>>
      %dma_start3A_1224 = tpu.memref_squeeze %dma_start3A_1223 : memref<1x12x128xi32, #tpu.memory_space<vmem>> -> memref<12x128xi32, #tpu.memory_space<vmem>>
      %dma_start3A_1225 = arith.constant 0 : i32
      %dma_start3A_1226 = tpu.memref_slice %arg2[%dma_start3A_1225, %add3A_7] : memref<12x16384xi32, #tpu.memory_space<hbm>> -> memref<12x128xi32, #tpu.memory_space<hbm>>
      %dma_start3A_1227 = arith.constant 0 : i32
      %dma_start3A_1228 = arith.constant 0 : i32
      %dma_start3A_1229 = tpu.memref_slice %arg5[%run_scoped3A, %dma_start3A_1227, %dma_start3A_1228] : memref<2x12x128xi32, #tpu.memory_space<vmem>> -> memref<1x12x128xi32, #tpu.memory_space<vmem>>
      %dma_start3A_1230 = tpu.memref_squeeze %dma_start3A_1229 : memref<1x12x128xi32, #tpu.memory_space<vmem>> -> memref<12x128xi32, #tpu.memory_space<vmem>>
      %dma_start3A_1231 = arith.constant 0 : i32
      %dma_start3A_1232 = tpu.memref_slice %arg2[%dma_start3A_1231, %add3A_7] : memref<12x16384xi32, #tpu.memory_space<hbm>> -> memref<12x128xi32, #tpu.memory_space<hbm>>
      tpu.enqueue_dma source(%dma_start3A_1232 : memref<12x128xi32, #tpu.memory_space<hbm>>) target(%dma_start3A_1230 : memref<12x128xi32, #tpu.memory_space<vmem>>) target_semaphore(%run_scoped3A_1220 : memref<!tpu.dma_semaphore, #tpu.memory_space<semaphore_mem>>)
      %dma_wait3A_1233 = arith.constant 0 : i32
      %dma_wait3A_1234 = arith.constant 0 : i32
      %dma_wait3A_1235 = tpu.memref_slice %arg5[%run_scoped3A, %dma_wait3A_1233, %dma_wait3A_1234] : memref<2x12x128xi32, #tpu.memory_space<vmem>> -> memref<1x12x128xi32, #tpu.memory_space<vmem>>
      %dma_wait3A_1236 = tpu.memref_squeeze %dma_wait3A_1235 : memref<1x12x128xi32, #tpu.memory_space<vmem>> -> memref<12x128xi32, #tpu.memory_space<vmem>>
      %dma_wait3A_1237 = arith.constant 0 : i32
      %dma_wait3A_1238 = tpu.memref_slice %arg2[%dma_wait3A_1237, %add3A_7] : memref<12x16384xi32, #tpu.memory_space<hbm>> -> memref<12x128xi32, #tpu.memory_space<hbm>>
      %dma_wait3A_1239 = arith.constant 0 : i32
      %dma_wait3A_1240 = arith.constant 0 : i32
      %dma_wait3A_1241 = tpu.memref_slice %arg5[%run_scoped3A, %dma_wait3A_1239, %dma_wait3A_1240] : memref<2x12x128xi32, #tpu.memory_space<vmem>> -> memref<1x12x128xi32, #tpu.memory_space<vmem>>
      %dma_wait3A_1242 = tpu.memref_squeeze %dma_wait3A_1241 : memref<1x12x128xi32, #tpu.memory_space<vmem>> -> memref<12x128xi32, #tpu.memory_space<vmem>>
      %dma_wait3A_1243 = arith.constant 0 : i32
      %dma_wait3A_1244 = tpu.memref_slice %arg2[%dma_wait3A_1243, %add3A_7] : memref<12x16384xi32, #tpu.memory_space<hbm>> -> memref<12x128xi32, #tpu.memory_space<hbm>>
      tpu.wait_dma2 semaphore(%run_scoped3A_1220 : memref<!tpu.dma_semaphore, #tpu.memory_space<semaphore_mem>>) src(%dma_wait3A_1244 : memref<12x128xi32, #tpu.memory_space<hbm>>) dst(%dma_wait3A_1242 : memref<12x128xi32, #tpu.memory_space<vmem>>)
      tpu.yield
    }) : () -> ()
    %dma_start3A = arith.constant 0 : i32
    %dma_start3A_8 = arith.constant 0 : i32
    %dma_start3A_9 = arith.constant 0 : i32
    %dma_start3A_10 = arith.constant 0 : i32
    %dma_start3A_11 = tpu.memref_slice %arg6[%dma_start3A_9, %dma_start3A_10] : memref<3072x32xf32, #tpu.memory_space<vmem>> -> memref<128x32xf32, #tpu.memory_space<vmem>>
    %dma_start3A_12 = arith.constant 0 : i32
    %dma_start3A_13 = tpu.memref_slice %arg5[%dma_start3A, %dma_start3A_8, %dma_start3A_12] : memref<2x12x128xi32, #tpu.memory_space<vmem>> -> memref<1x1x128xi32, #tpu.memory_space<vmem>>
    %dma_start3A_14 = tpu.memref_squeeze %dma_start3A_13 : memref<1x1x128xi32, #tpu.memory_space<vmem>> -> memref<128xi32, #tpu.memory_space<vmem>>
    %dma_start3A_15 = arith.constant 0 : i32
    %dma_start3A_16 = arith.constant 0 : i32
    %dma_start3A_17 = tpu.memref_slice %arg3[%dma_start3A_15, %dma_start3A_16] : memref<100000x32xf32, #tpu.memory_space<hbm>> -> memref<100000x32xf32, #tpu.memory_space<hbm>>
    tpu.enqueue_indirect_dma source(%dma_start3A_17 : memref<100000x32xf32, #tpu.memory_space<hbm>>) target(%dma_start3A_11 : memref<128x32xf32, #tpu.memory_space<vmem>>) offsets(%dma_start3A_14 : memref<128xi32, #tpu.memory_space<vmem>>) semaphore(%arg8 : memref<!tpu.dma_semaphore, #tpu.memory_space<semaphore_mem>>)
    %dma_start3A_18 = arith.constant 0 : i32
    %dma_start3A_19 = arith.constant 1 : i32
    %dma_start3A_20 = arith.constant 128 : i32
    %dma_start3A_21 = arith.constant 0 : i32
    %dma_start3A_22 = tpu.memref_slice %arg6[%dma_start3A_20, %dma_start3A_21] : memref<3072x32xf32, #tpu.memory_space<vmem>> -> memref<128x32xf32, #tpu.memory_space<vmem>>
    %dma_start3A_23 = arith.constant 0 : i32
    %dma_start3A_24 = tpu.memref_slice %arg5[%dma_start3A_18, %dma_start3A_19, %dma_start3A_23] : memref<2x12x128xi32, #tpu.memory_space<vmem>> -> memref<1x1x128xi32, #tpu.memory_space<vmem>>
    %dma_start3A_25 = tpu.memref_squeeze %dma_start3A_24 : memref<1x1x128xi32, #tpu.memory_space<vmem>> -> memref<128xi32, #tpu.memory_space<vmem>>
    %dma_start3A_26 = arith.constant 0 : i32
    %dma_start3A_27 = arith.constant 0 : i32
    %dma_start3A_28 = tpu.memref_slice %arg3[%dma_start3A_26, %dma_start3A_27] : memref<100000x32xf32, #tpu.memory_space<hbm>> -> memref<100000x32xf32, #tpu.memory_space<hbm>>
    tpu.enqueue_indirect_dma source(%dma_start3A_28 : memref<100000x32xf32, #tpu.memory_space<hbm>>) target(%dma_start3A_22 : memref<128x32xf32, #tpu.memory_space<vmem>>) offsets(%dma_start3A_25 : memref<128xi32, #tpu.memory_space<vmem>>) semaphore(%arg8 : memref<!tpu.dma_semaphore, #tpu.memory_space<semaphore_mem>>)
    %dma_start3A_29 = arith.constant 0 : i32
    %dma_start3A_30 = arith.constant 2 : i32
    %dma_start3A_31 = arith.constant 256 : i32
    %dma_start3A_32 = arith.constant 0 : i32
    %dma_start3A_33 = tpu.memref_slice %arg6[%dma_start3A_31, %dma_start3A_32] : memref<3072x32xf32, #tpu.memory_space<vmem>> -> memref<128x32xf32, #tpu.memory_space<vmem>>
    %dma_start3A_34 = arith.constant 0 : i32
    %dma_start3A_35 = tpu.memref_slice %arg5[%dma_start3A_29, %dma_start3A_30, %dma_start3A_34] : memref<2x12x128xi32, #tpu.memory_space<vmem>> -> memref<1x1x128xi32, #tpu.memory_space<vmem>>
    %dma_start3A_36 = tpu.memref_squeeze %dma_start3A_35 : memref<1x1x128xi32, #tpu.memory_space<vmem>> -> memref<128xi32, #tpu.memory_space<vmem>>
    %dma_start3A_37 = arith.constant 0 : i32
    %dma_start3A_38 = arith.constant 0 : i32
    %dma_start3A_39 = tpu.memref_slice %arg3[%dma_start3A_37, %dma_start3A_38] : memref<100000x32xf32, #tpu.memory_space<hbm>> -> memref<100000x32xf32, #tpu.memory_space<hbm>>
    tpu.enqueue_indirect_dma source(%dma_start3A_39 : memref<100000x32xf32, #tpu.memory_space<hbm>>) target(%dma_start3A_33 : memref<128x32xf32, #tpu.memory_space<vmem>>) offsets(%dma_start3A_36 : memref<128xi32, #tpu.memory_space<vmem>>) semaphore(%arg8 : memref<!tpu.dma_semaphore, #tpu.memory_space<semaphore_mem>>)
    %dma_start3A_40 = arith.constant 0 : i32
    %dma_start3A_41 = arith.constant 3 : i32
    %dma_start3A_42 = arith.constant 384 : i32
    %dma_start3A_43 = arith.constant 0 : i32
    %dma_start3A_44 = tpu.memref_slice %arg6[%dma_start3A_42, %dma_start3A_43] : memref<3072x32xf32, #tpu.memory_space<vmem>> -> memref<128x32xf32, #tpu.memory_space<vmem>>
    %dma_start3A_45 = arith.constant 0 : i32
    %dma_start3A_46 = tpu.memref_slice %arg5[%dma_start3A_40, %dma_start3A_41, %dma_start3A_45] : memref<2x12x128xi32, #tpu.memory_space<vmem>> -> memref<1x1x128xi32, #tpu.memory_space<vmem>>
    %dma_start3A_47 = tpu.memref_squeeze %dma_start3A_46 : memref<1x1x128xi32, #tpu.memory_space<vmem>> -> memref<128xi32, #tpu.memory_space<vmem>>
    %dma_start3A_48 = arith.constant 0 : i32
    %dma_start3A_49 = arith.constant 0 : i32
    %dma_start3A_50 = tpu.memref_slice %arg3[%dma_start3A_48, %dma_start3A_49] : memref<100000x32xf32, #tpu.memory_space<hbm>> -> memref<100000x32xf32, #tpu.memory_space<hbm>>
    tpu.enqueue_indirect_dma source(%dma_start3A_50 : memref<100000x32xf32, #tpu.memory_space<hbm>>) target(%dma_start3A_44 : memref<128x32xf32, #tpu.memory_space<vmem>>) offsets(%dma_start3A_47 : memref<128xi32, #tpu.memory_space<vmem>>) semaphore(%arg8 : memref<!tpu.dma_semaphore, #tpu.memory_space<semaphore_mem>>)
    %dma_start3A_51 = arith.constant 0 : i32
    %dma_start3A_52 = arith.constant 4 : i32
    %dma_start3A_53 = arith.constant 512 : i32
    %dma_start3A_54 = arith.constant 0 : i32
    %dma_start3A_55 = tpu.memref_slice %arg6[%dma_start3A_53, %dma_start3A_54] : memref<3072x32xf32, #tpu.memory_space<vmem>> -> memref<128x32xf32, #tpu.memory_space<vmem>>
    %dma_start3A_56 = arith.constant 0 : i32
    %dma_start3A_57 = tpu.memref_slice %arg5[%dma_start3A_51, %dma_start3A_52, %dma_start3A_56] : memref<2x12x128xi32, #tpu.memory_space<vmem>> -> memref<1x1x128xi32, #tpu.memory_space<vmem>>
    %dma_start3A_58 = tpu.memref_squeeze %dma_start3A_57 : memref<1x1x128xi32, #tpu.memory_space<vmem>> -> memref<128xi32, #tpu.memory_space<vmem>>
    %dma_start3A_59 = arith.constant 0 : i32
    %dma_start3A_60 = arith.constant 0 : i32
    %dma_start3A_61 = tpu.memref_slice %arg3[%dma_start3A_59, %dma_start3A_60] : memref<100000x32xf32, #tpu.memory_space<hbm>> -> memref<100000x32xf32, #tpu.memory_space<hbm>>
    tpu.enqueue_indirect_dma source(%dma_start3A_61 : memref<100000x32xf32, #tpu.memory_space<hbm>>) target(%dma_start3A_55 : memref<128x32xf32, #tpu.memory_space<vmem>>) offsets(%dma_start3A_58 : memref<128xi32, #tpu.memory_space<vmem>>) semaphore(%arg8 : memref<!tpu.dma_semaphore, #tpu.memory_space<semaphore_mem>>)
    %dma_start3A_62 = arith.constant 0 : i32
    %dma_start3A_63 = arith.constant 5 : i32
    %dma_start3A_64 = arith.constant 640 : i32
    %dma_start3A_65 = arith.constant 0 : i32
    %dma_start3A_66 = tpu.memref_slice %arg6[%dma_start3A_64, %dma_start3A_65] : memref<3072x32xf32, #tpu.memory_space<vmem>> -> memref<128x32xf32, #tpu.memory_space<vmem>>
    %dma_start3A_67 = arith.constant 0 : i32
    %dma_start3A_68 = tpu.memref_slice %arg5[%dma_start3A_62, %dma_start3A_63, %dma_start3A_67] : memref<2x12x128xi32, #tpu.memory_space<vmem>> -> memref<1x1x128xi32, #tpu.memory_space<vmem>>
    %dma_start3A_69 = tpu.memref_squeeze %dma_start3A_68 : memref<1x1x128xi32, #tpu.memory_space<vmem>> -> memref<128xi32, #tpu.memory_space<vmem>>
    %dma_start3A_70 = arith.constant 0 : i32
    %dma_start3A_71 = arith.constant 0 : i32
    %dma_start3A_72 = tpu.memref_slice %arg3[%dma_start3A_70, %dma_start3A_71] : memref<100000x32xf32, #tpu.memory_space<hbm>> -> memref<100000x32xf32, #tpu.memory_space<hbm>>
    tpu.enqueue_indirect_dma source(%dma_start3A_72 : memref<100000x32xf32, #tpu.memory_space<hbm>>) target(%dma_start3A_66 : memref<128x32xf32, #tpu.memory_space<vmem>>) offsets(%dma_start3A_69 : memref<128xi32, #tpu.memory_space<vmem>>) semaphore(%arg8 : memref<!tpu.dma_semaphore, #tpu.memory_space<semaphore_mem>>)
    %dma_start3A_73 = arith.constant 0 : i32
    %dma_start3A_74 = arith.constant 6 : i32
    %dma_start3A_75 = arith.constant 768 : i32
    %dma_start3A_76 = arith.constant 0 : i32
    %dma_start3A_77 = tpu.memref_slice %arg6[%dma_start3A_75, %dma_start3A_76] : memref<3072x32xf32, #tpu.memory_space<vmem>> -> memref<128x32xf32, #tpu.memory_space<vmem>>
    %dma_start3A_78 = arith.constant 0 : i32
    %dma_start3A_79 = tpu.memref_slice %arg5[%dma_start3A_73, %dma_start3A_74, %dma_start3A_78] : memref<2x12x128xi32, #tpu.memory_space<vmem>> -> memref<1x1x128xi32, #tpu.memory_space<vmem>>
    %dma_start3A_80 = tpu.memref_squeeze %dma_start3A_79 : memref<1x1x128xi32, #tpu.memory_space<vmem>> -> memref<128xi32, #tpu.memory_space<vmem>>
    %dma_start3A_81 = arith.constant 0 : i32
    %dma_start3A_82 = arith.constant 0 : i32
    %dma_start3A_83 = tpu.memref_slice %arg3[%dma_start3A_81, %dma_start3A_82] : memref<100000x32xf32, #tpu.memory_space<hbm>> -> memref<100000x32xf32, #tpu.memory_space<hbm>>
    tpu.enqueue_indirect_dma source(%dma_start3A_83 : memref<100000x32xf32, #tpu.memory_space<hbm>>) target(%dma_start3A_77 : memref<128x32xf32, #tpu.memory_space<vmem>>) offsets(%dma_start3A_80 : memref<128xi32, #tpu.memory_space<vmem>>) semaphore(%arg8 : memref<!tpu.dma_semaphore, #tpu.memory_space<semaphore_mem>>)
    %dma_start3A_84 = arith.constant 0 : i32
    %dma_start3A_85 = arith.constant 7 : i32
    %dma_start3A_86 = arith.constant 896 : i32
    %dma_start3A_87 = arith.constant 0 : i32
    %dma_start3A_88 = tpu.memref_slice %arg6[%dma_start3A_86, %dma_start3A_87] : memref<3072x32xf32, #tpu.memory_space<vmem>> -> memref<128x32xf32, #tpu.memory_space<vmem>>
    %dma_start3A_89 = arith.constant 0 : i32
    %dma_start3A_90 = tpu.memref_slice %arg5[%dma_start3A_84, %dma_start3A_85, %dma_start3A_89] : memref<2x12x128xi32, #tpu.memory_space<vmem>> -> memref<1x1x128xi32, #tpu.memory_space<vmem>>
    %dma_start3A_91 = tpu.memref_squeeze %dma_start3A_90 : memref<1x1x128xi32, #tpu.memory_space<vmem>> -> memref<128xi32, #tpu.memory_space<vmem>>
    %dma_start3A_92 = arith.constant 0 : i32
    %dma_start3A_93 = arith.constant 0 : i32
    %dma_start3A_94 = tpu.memref_slice %arg3[%dma_start3A_92, %dma_start3A_93] : memref<100000x32xf32, #tpu.memory_space<hbm>> -> memref<100000x32xf32, #tpu.memory_space<hbm>>
    tpu.enqueue_indirect_dma source(%dma_start3A_94 : memref<100000x32xf32, #tpu.memory_space<hbm>>) target(%dma_start3A_88 : memref<128x32xf32, #tpu.memory_space<vmem>>) offsets(%dma_start3A_91 : memref<128xi32, #tpu.memory_space<vmem>>) semaphore(%arg8 : memref<!tpu.dma_semaphore, #tpu.memory_space<semaphore_mem>>)
    %dma_start3A_95 = arith.constant 0 : i32
    %dma_start3A_96 = arith.constant 8 : i32
    %dma_start3A_97 = arith.constant 1024 : i32
    %dma_start3A_98 = arith.constant 0 : i32
    %dma_start3A_99 = tpu.memref_slice %arg6[%dma_start3A_97, %dma_start3A_98] : memref<3072x32xf32, #tpu.memory_space<vmem>> -> memref<128x32xf32, #tpu.memory_space<vmem>>
    %dma_start3A_100 = arith.constant 0 : i32
    %dma_start3A_101 = tpu.memref_slice %arg5[%dma_start3A_95, %dma_start3A_96, %dma_start3A_100] : memref<2x12x128xi32, #tpu.memory_space<vmem>> -> memref<1x1x128xi32, #tpu.memory_space<vmem>>
    %dma_start3A_102 = tpu.memref_squeeze %dma_start3A_101 : memref<1x1x128xi32, #tpu.memory_space<vmem>> -> memref<128xi32, #tpu.memory_space<vmem>>
    %dma_start3A_103 = arith.constant 0 : i32
    %dma_start3A_104 = arith.constant 0 : i32
    %dma_start3A_105 = tpu.memref_slice %arg3[%dma_start3A_103, %dma_start3A_104] : memref<100000x32xf32, #tpu.memory_space<hbm>> -> memref<100000x32xf32, #tpu.memory_space<hbm>>
    tpu.enqueue_indirect_dma source(%dma_start3A_105 : memref<100000x32xf32, #tpu.memory_space<hbm>>) target(%dma_start3A_99 : memref<128x32xf32, #tpu.memory_space<vmem>>) offsets(%dma_start3A_102 : memref<128xi32, #tpu.memory_space<vmem>>) semaphore(%arg8 : memref<!tpu.dma_semaphore, #tpu.memory_space<semaphore_mem>>)
    %dma_start3A_106 = arith.constant 0 : i32
    %dma_start3A_107 = arith.constant 9 : i32
    %dma_start3A_108 = arith.constant 1152 : i32
    %dma_start3A_109 = arith.constant 0 : i32
    %dma_start3A_110 = tpu.memref_slice %arg6[%dma_start3A_108, %dma_start3A_109] : memref<3072x32xf32, #tpu.memory_space<vmem>> -> memref<128x32xf32, #tpu.memory_space<vmem>>
    %dma_start3A_111 = arith.constant 0 : i32
    %dma_start3A_112 = tpu.memref_slice %arg5[%dma_start3A_106, %dma_start3A_107, %dma_start3A_111] : memref<2x12x128xi32, #tpu.memory_space<vmem>> -> memref<1x1x128xi32, #tpu.memory_space<vmem>>
    %dma_start3A_113 = tpu.memref_squeeze %dma_start3A_112 : memref<1x1x128xi32, #tpu.memory_space<vmem>> -> memref<128xi32, #tpu.memory_space<vmem>>
    %dma_start3A_114 = arith.constant 0 : i32
    %dma_start3A_115 = arith.constant 0 : i32
    %dma_start3A_116 = tpu.memref_slice %arg3[%dma_start3A_114, %dma_start3A_115] : memref<100000x32xf32, #tpu.memory_space<hbm>> -> memref<100000x32xf32, #tpu.memory_space<hbm>>
    tpu.enqueue_indirect_dma source(%dma_start3A_116 : memref<100000x32xf32, #tpu.memory_space<hbm>>) target(%dma_start3A_110 : memref<128x32xf32, #tpu.memory_space<vmem>>) offsets(%dma_start3A_113 : memref<128xi32, #tpu.memory_space<vmem>>) semaphore(%arg8 : memref<!tpu.dma_semaphore, #tpu.memory_space<semaphore_mem>>)
    %dma_start3A_117 = arith.constant 0 : i32
    %dma_start3A_118 = arith.constant 10 : i32
    %dma_start3A_119 = arith.constant 1280 : i32
    %dma_start3A_120 = arith.constant 0 : i32
    %dma_start3A_121 = tpu.memref_slice %arg6[%dma_start3A_119, %dma_start3A_120] : memref<3072x32xf32, #tpu.memory_space<vmem>> -> memref<128x32xf32, #tpu.memory_space<vmem>>
    %dma_start3A_122 = arith.constant 0 : i32
    %dma_start3A_123 = tpu.memref_slice %arg5[%dma_start3A_117, %dma_start3A_118, %dma_start3A_122] : memref<2x12x128xi32, #tpu.memory_space<vmem>> -> memref<1x1x128xi32, #tpu.memory_space<vmem>>
    %dma_start3A_124 = tpu.memref_squeeze %dma_start3A_123 : memref<1x1x128xi32, #tpu.memory_space<vmem>> -> memref<128xi32, #tpu.memory_space<vmem>>
    %dma_start3A_125 = arith.constant 0 : i32
    %dma_start3A_126 = arith.constant 0 : i32
    %dma_start3A_127 = tpu.memref_slice %arg3[%dma_start3A_125, %dma_start3A_126] : memref<100000x32xf32, #tpu.memory_space<hbm>> -> memref<100000x32xf32, #tpu.memory_space<hbm>>
    tpu.enqueue_indirect_dma source(%dma_start3A_127 : memref<100000x32xf32, #tpu.memory_space<hbm>>) target(%dma_start3A_121 : memref<128x32xf32, #tpu.memory_space<vmem>>) offsets(%dma_start3A_124 : memref<128xi32, #tpu.memory_space<vmem>>) semaphore(%arg8 : memref<!tpu.dma_semaphore, #tpu.memory_space<semaphore_mem>>)
    %dma_start3A_128 = arith.constant 0 : i32
    %dma_start3A_129 = arith.constant 11 : i32
    %dma_start3A_130 = arith.constant 1408 : i32
    %dma_start3A_131 = arith.constant 0 : i32
    %dma_start3A_132 = tpu.memref_slice %arg6[%dma_start3A_130, %dma_start3A_131] : memref<3072x32xf32, #tpu.memory_space<vmem>> -> memref<128x32xf32, #tpu.memory_space<vmem>>
    %dma_start3A_133 = arith.constant 0 : i32
    %dma_start3A_134 = tpu.memref_slice %arg5[%dma_start3A_128, %dma_start3A_129, %dma_start3A_133] : memref<2x12x128xi32, #tpu.memory_space<vmem>> -> memref<1x1x128xi32, #tpu.memory_space<vmem>>
    %dma_start3A_135 = tpu.memref_squeeze %dma_start3A_134 : memref<1x1x128xi32, #tpu.memory_space<vmem>> -> memref<128xi32, #tpu.memory_space<vmem>>
    %dma_start3A_136 = arith.constant 0 : i32
    %dma_start3A_137 = arith.constant 0 : i32
    %dma_start3A_138 = tpu.memref_slice %arg3[%dma_start3A_136, %dma_start3A_137] : memref<100000x32xf32, #tpu.memory_space<hbm>> -> memref<100000x32xf32, #tpu.memory_space<hbm>>
    tpu.enqueue_indirect_dma source(%dma_start3A_138 : memref<100000x32xf32, #tpu.memory_space<hbm>>) target(%dma_start3A_132 : memref<128x32xf32, #tpu.memory_space<vmem>>) offsets(%dma_start3A_135 : memref<128xi32, #tpu.memory_space<vmem>>) semaphore(%arg8 : memref<!tpu.dma_semaphore, #tpu.memory_space<semaphore_mem>>)
    %mul3A_139 = arith.constant 512 : i32
    %mul3A_140 = arith.muli %add3A, %mul3A_139 : i32
    %add3A_141 = arith.constant 128 : i32
    %add3A_142 = arith.addi %mul3A_140, %add3A_141 : i32
    %run_scoped3A_143 = arith.constant 1 : i32
    "tpu.region"() ({
      %run_scoped3A_1220 = tpu.sem_alloc : memref<!tpu.dma_semaphore, #tpu.memory_space<semaphore_mem>>
      %dma_start3A_1221 = arith.constant 0 : i32
      %dma_start3A_1222 = arith.constant 0 : i32
      %dma_start3A_1223 = tpu.memref_slice %arg5[%run_scoped3A_143, %dma_start3A_1221, %dma_start3A_1222] : memref<2x12x128xi32, #tpu.memory_space<vmem>> -> memref<1x12x128xi32, #tpu.memory_space<vmem>>
      %dma_start3A_1224 = tpu.memref_squeeze %dma_start3A_1223 : memref<1x12x128xi32, #tpu.memory_space<vmem>> -> memref<12x128xi32, #tpu.memory_space<vmem>>
      %dma_start3A_1225 = arith.constant 0 : i32
      %dma_start3A_1226 = tpu.memref_slice %arg2[%dma_start3A_1225, %add3A_142] : memref<12x16384xi32, #tpu.memory_space<hbm>> -> memref<12x128xi32, #tpu.memory_space<hbm>>
      %dma_start3A_1227 = arith.constant 0 : i32
      %dma_start3A_1228 = arith.constant 0 : i32
      %dma_start3A_1229 = tpu.memref_slice %arg5[%run_scoped3A_143, %dma_start3A_1227, %dma_start3A_1228] : memref<2x12x128xi32, #tpu.memory_space<vmem>> -> memref<1x12x128xi32, #tpu.memory_space<vmem>>
      %dma_start3A_1230 = tpu.memref_squeeze %dma_start3A_1229 : memref<1x12x128xi32, #tpu.memory_space<vmem>> -> memref<12x128xi32, #tpu.memory_space<vmem>>
      %dma_start3A_1231 = arith.constant 0 : i32
      %dma_start3A_1232 = tpu.memref_slice %arg2[%dma_start3A_1231, %add3A_142] : memref<12x16384xi32, #tpu.memory_space<hbm>> -> memref<12x128xi32, #tpu.memory_space<hbm>>
      tpu.enqueue_dma source(%dma_start3A_1232 : memref<12x128xi32, #tpu.memory_space<hbm>>) target(%dma_start3A_1230 : memref<12x128xi32, #tpu.memory_space<vmem>>) target_semaphore(%run_scoped3A_1220 : memref<!tpu.dma_semaphore, #tpu.memory_space<semaphore_mem>>)
      %dma_wait3A_1233 = arith.constant 0 : i32
      %dma_wait3A_1234 = arith.constant 0 : i32
      %dma_wait3A_1235 = tpu.memref_slice %arg5[%run_scoped3A_143, %dma_wait3A_1233, %dma_wait3A_1234] : memref<2x12x128xi32, #tpu.memory_space<vmem>> -> memref<1x12x128xi32, #tpu.memory_space<vmem>>
      %dma_wait3A_1236 = tpu.memref_squeeze %dma_wait3A_1235 : memref<1x12x128xi32, #tpu.memory_space<vmem>> -> memref<12x128xi32, #tpu.memory_space<vmem>>
      %dma_wait3A_1237 = arith.constant 0 : i32
      %dma_wait3A_1238 = tpu.memref_slice %arg2[%dma_wait3A_1237, %add3A_142] : memref<12x16384xi32, #tpu.memory_space<hbm>> -> memref<12x128xi32, #tpu.memory_space<hbm>>
      %dma_wait3A_1239 = arith.constant 0 : i32
      %dma_wait3A_1240 = arith.constant 0 : i32
      %dma_wait3A_1241 = tpu.memref_slice %arg5[%run_scoped3A_143, %dma_wait3A_1239, %dma_wait3A_1240] : memref<2x12x128xi32, #tpu.memory_space<vmem>> -> memref<1x12x128xi32, #tpu.memory_space<vmem>>
      %dma_wait3A_1242 = tpu.memref_squeeze %dma_wait3A_1241 : memref<1x12x128xi32, #tpu.memory_space<vmem>> -> memref<12x128xi32, #tpu.memory_space<vmem>>
      %dma_wait3A_1243 = arith.constant 0 : i32
      %dma_wait3A_1244 = tpu.memref_slice %arg2[%dma_wait3A_1243, %add3A_142] : memref<12x16384xi32, #tpu.memory_space<hbm>> -> memref<12x128xi32, #tpu.memory_space<hbm>>
      tpu.wait_dma2 semaphore(%run_scoped3A_1220 : memref<!tpu.dma_semaphore, #tpu.memory_space<semaphore_mem>>) src(%dma_wait3A_1244 : memref<12x128xi32, #tpu.memory_space<hbm>>) dst(%dma_wait3A_1242 : memref<12x128xi32, #tpu.memory_space<vmem>>)
      tpu.yield
    }) : () -> ()
    %dma_start3A_144 = arith.constant 1 : i32
    %dma_start3A_145 = arith.constant 0 : i32
    %dma_start3A_146 = arith.constant 1536 : i32
    %dma_start3A_147 = arith.constant 0 : i32
    %dma_start3A_148 = tpu.memref_slice %arg6[%dma_start3A_146, %dma_start3A_147] : memref<3072x32xf32, #tpu.memory_space<vmem>> -> memref<128x32xf32, #tpu.memory_space<vmem>>
    %dma_start3A_149 = arith.constant 0 : i32
    %dma_start3A_150 = tpu.memref_slice %arg5[%dma_start3A_144, %dma_start3A_145, %dma_start3A_149] : memref<2x12x128xi32, #tpu.memory_space<vmem>> -> memref<1x1x128xi32, #tpu.memory_space<vmem>>
    %dma_start3A_151 = tpu.memref_squeeze %dma_start3A_150 : memref<1x1x128xi32, #tpu.memory_space<vmem>> -> memref<128xi32, #tpu.memory_space<vmem>>
    %dma_start3A_152 = arith.constant 0 : i32
    %dma_start3A_153 = arith.constant 0 : i32
    %dma_start3A_154 = tpu.memref_slice %arg3[%dma_start3A_152, %dma_start3A_153] : memref<100000x32xf32, #tpu.memory_space<hbm>> -> memref<100000x32xf32, #tpu.memory_space<hbm>>
    tpu.enqueue_indirect_dma source(%dma_start3A_154 : memref<100000x32xf32, #tpu.memory_space<hbm>>) target(%dma_start3A_148 : memref<128x32xf32, #tpu.memory_space<vmem>>) offsets(%dma_start3A_151 : memref<128xi32, #tpu.memory_space<vmem>>) semaphore(%arg8 : memref<!tpu.dma_semaphore, #tpu.memory_space<semaphore_mem>>)
    %dma_start3A_155 = arith.constant 1 : i32
    %dma_start3A_156 = arith.constant 1 : i32
    %dma_start3A_157 = arith.constant 1664 : i32
    %dma_start3A_158 = arith.constant 0 : i32
    %dma_start3A_159 = tpu.memref_slice %arg6[%dma_start3A_157, %dma_start3A_158] : memref<3072x32xf32, #tpu.memory_space<vmem>> -> memref<128x32xf32, #tpu.memory_space<vmem>>
    %dma_start3A_160 = arith.constant 0 : i32
    %dma_start3A_161 = tpu.memref_slice %arg5[%dma_start3A_155, %dma_start3A_156, %dma_start3A_160] : memref<2x12x128xi32, #tpu.memory_space<vmem>> -> memref<1x1x128xi32, #tpu.memory_space<vmem>>
    %dma_start3A_162 = tpu.memref_squeeze %dma_start3A_161 : memref<1x1x128xi32, #tpu.memory_space<vmem>> -> memref<128xi32, #tpu.memory_space<vmem>>
    %dma_start3A_163 = arith.constant 0 : i32
    %dma_start3A_164 = arith.constant 0 : i32
    %dma_start3A_165 = tpu.memref_slice %arg3[%dma_start3A_163, %dma_start3A_164] : memref<100000x32xf32, #tpu.memory_space<hbm>> -> memref<100000x32xf32, #tpu.memory_space<hbm>>
    tpu.enqueue_indirect_dma source(%dma_start3A_165 : memref<100000x32xf32, #tpu.memory_space<hbm>>) target(%dma_start3A_159 : memref<128x32xf32, #tpu.memory_space<vmem>>) offsets(%dma_start3A_162 : memref<128xi32, #tpu.memory_space<vmem>>) semaphore(%arg8 : memref<!tpu.dma_semaphore, #tpu.memory_space<semaphore_mem>>)
    %dma_start3A_166 = arith.constant 1 : i32
    %dma_start3A_167 = arith.constant 2 : i32
    %dma_start3A_168 = arith.constant 1792 : i32
    %dma_start3A_169 = arith.constant 0 : i32
    %dma_start3A_170 = tpu.memref_slice %arg6[%dma_start3A_168, %dma_start3A_169] : memref<3072x32xf32, #tpu.memory_space<vmem>> -> memref<128x32xf32, #tpu.memory_space<vmem>>
    %dma_start3A_171 = arith.constant 0 : i32
    %dma_start3A_172 = tpu.memref_slice %arg5[%dma_start3A_166, %dma_start3A_167, %dma_start3A_171] : memref<2x12x128xi32, #tpu.memory_space<vmem>> -> memref<1x1x128xi32, #tpu.memory_space<vmem>>
    %dma_start3A_173 = tpu.memref_squeeze %dma_start3A_172 : memref<1x1x128xi32, #tpu.memory_space<vmem>> -> memref<128xi32, #tpu.memory_space<vmem>>
    %dma_start3A_174 = arith.constant 0 : i32
    %dma_start3A_175 = arith.constant 0 : i32
    %dma_start3A_176 = tpu.memref_slice %arg3[%dma_start3A_174, %dma_start3A_175] : memref<100000x32xf32, #tpu.memory_space<hbm>> -> memref<100000x32xf32, #tpu.memory_space<hbm>>
    tpu.enqueue_indirect_dma source(%dma_start3A_176 : memref<100000x32xf32, #tpu.memory_space<hbm>>) target(%dma_start3A_170 : memref<128x32xf32, #tpu.memory_space<vmem>>) offsets(%dma_start3A_173 : memref<128xi32, #tpu.memory_space<vmem>>) semaphore(%arg8 : memref<!tpu.dma_semaphore, #tpu.memory_space<semaphore_mem>>)
    %dma_start3A_177 = arith.constant 1 : i32
    %dma_start3A_178 = arith.constant 3 : i32
    %dma_start3A_179 = arith.constant 1920 : i32
    %dma_start3A_180 = arith.constant 0 : i32
    %dma_start3A_181 = tpu.memref_slice %arg6[%dma_start3A_179, %dma_start3A_180] : memref<3072x32xf32, #tpu.memory_space<vmem>> -> memref<128x32xf32, #tpu.memory_space<vmem>>
    %dma_start3A_182 = arith.constant 0 : i32
    %dma_start3A_183 = tpu.memref_slice %arg5[%dma_start3A_177, %dma_start3A_178, %dma_start3A_182] : memref<2x12x128xi32, #tpu.memory_space<vmem>> -> memref<1x1x128xi32, #tpu.memory_space<vmem>>
    %dma_start3A_184 = tpu.memref_squeeze %dma_start3A_183 : memref<1x1x128xi32, #tpu.memory_space<vmem>> -> memref<128xi32, #tpu.memory_space<vmem>>
    %dma_start3A_185 = arith.constant 0 : i32
    %dma_start3A_186 = arith.constant 0 : i32
    %dma_start3A_187 = tpu.memref_slice %arg3[%dma_start3A_185, %dma_start3A_186] : memref<100000x32xf32, #tpu.memory_space<hbm>> -> memref<100000x32xf32, #tpu.memory_space<hbm>>
    tpu.enqueue_indirect_dma source(%dma_start3A_187 : memref<100000x32xf32, #tpu.memory_space<hbm>>) target(%dma_start3A_181 : memref<128x32xf32, #tpu.memory_space<vmem>>) offsets(%dma_start3A_184 : memref<128xi32, #tpu.memory_space<vmem>>) semaphore(%arg8 : memref<!tpu.dma_semaphore, #tpu.memory_space<semaphore_mem>>)
    %dma_start3A_188 = arith.constant 1 : i32
    %dma_start3A_189 = arith.constant 4 : i32
    %dma_start3A_190 = arith.constant 2048 : i32
    %dma_start3A_191 = arith.constant 0 : i32
    %dma_start3A_192 = tpu.memref_slice %arg6[%dma_start3A_190, %dma_start3A_191] : memref<3072x32xf32, #tpu.memory_space<vmem>> -> memref<128x32xf32, #tpu.memory_space<vmem>>
    %dma_start3A_193 = arith.constant 0 : i32
    %dma_start3A_194 = tpu.memref_slice %arg5[%dma_start3A_188, %dma_start3A_189, %dma_start3A_193] : memref<2x12x128xi32, #tpu.memory_space<vmem>> -> memref<1x1x128xi32, #tpu.memory_space<vmem>>
    %dma_start3A_195 = tpu.memref_squeeze %dma_start3A_194 : memref<1x1x128xi32, #tpu.memory_space<vmem>> -> memref<128xi32, #tpu.memory_space<vmem>>
    %dma_start3A_196 = arith.constant 0 : i32
    %dma_start3A_197 = arith.constant 0 : i32
    %dma_start3A_198 = tpu.memref_slice %arg3[%dma_start3A_196, %dma_start3A_197] : memref<100000x32xf32, #tpu.memory_space<hbm>> -> memref<100000x32xf32, #tpu.memory_space<hbm>>
    tpu.enqueue_indirect_dma source(%dma_start3A_198 : memref<100000x32xf32, #tpu.memory_space<hbm>>) target(%dma_start3A_192 : memref<128x32xf32, #tpu.memory_space<vmem>>) offsets(%dma_start3A_195 : memref<128xi32, #tpu.memory_space<vmem>>) semaphore(%arg8 : memref<!tpu.dma_semaphore, #tpu.memory_space<semaphore_mem>>)
    %dma_start3A_199 = arith.constant 1 : i32
    %dma_start3A_200 = arith.constant 5 : i32
    %dma_start3A_201 = arith.constant 2176 : i32
    %dma_start3A_202 = arith.constant 0 : i32
    %dma_start3A_203 = tpu.memref_slice %arg6[%dma_start3A_201, %dma_start3A_202] : memref<3072x32xf32, #tpu.memory_space<vmem>> -> memref<128x32xf32, #tpu.memory_space<vmem>>
    %dma_start3A_204 = arith.constant 0 : i32
    %dma_start3A_205 = tpu.memref_slice %arg5[%dma_start3A_199, %dma_start3A_200, %dma_start3A_204] : memref<2x12x128xi32, #tpu.memory_space<vmem>> -> memref<1x1x128xi32, #tpu.memory_space<vmem>>
    %dma_start3A_206 = tpu.memref_squeeze %dma_start3A_205 : memref<1x1x128xi32, #tpu.memory_space<vmem>> -> memref<128xi32, #tpu.memory_space<vmem>>
    %dma_start3A_207 = arith.constant 0 : i32
    %dma_start3A_208 = arith.constant 0 : i32
    %dma_start3A_209 = tpu.memref_slice %arg3[%dma_start3A_207, %dma_start3A_208] : memref<100000x32xf32, #tpu.memory_space<hbm>> -> memref<100000x32xf32, #tpu.memory_space<hbm>>
    tpu.enqueue_indirect_dma source(%dma_start3A_209 : memref<100000x32xf32, #tpu.memory_space<hbm>>) target(%dma_start3A_203 : memref<128x32xf32, #tpu.memory_space<vmem>>) offsets(%dma_start3A_206 : memref<128xi32, #tpu.memory_space<vmem>>) semaphore(%arg8 : memref<!tpu.dma_semaphore, #tpu.memory_space<semaphore_mem>>)
    %dma_start3A_210 = arith.constant 1 : i32
    %dma_start3A_211 = arith.constant 6 : i32
    %dma_start3A_212 = arith.constant 2304 : i32
    %dma_start3A_213 = arith.constant 0 : i32
    %dma_start3A_214 = tpu.memref_slice %arg6[%dma_start3A_212, %dma_start3A_213] : memref<3072x32xf32, #tpu.memory_space<vmem>> -> memref<128x32xf32, #tpu.memory_space<vmem>>
    %dma_start3A_215 = arith.constant 0 : i32
    %dma_start3A_216 = tpu.memref_slice %arg5[%dma_start3A_210, %dma_start3A_211, %dma_start3A_215] : memref<2x12x128xi32, #tpu.memory_space<vmem>> -> memref<1x1x128xi32, #tpu.memory_space<vmem>>
    %dma_start3A_217 = tpu.memref_squeeze %dma_start3A_216 : memref<1x1x128xi32, #tpu.memory_space<vmem>> -> memref<128xi32, #tpu.memory_space<vmem>>
    %dma_start3A_218 = arith.constant 0 : i32
    %dma_start3A_219 = arith.constant 0 : i32
    %dma_start3A_220 = tpu.memref_slice %arg3[%dma_start3A_218, %dma_start3A_219] : memref<100000x32xf32, #tpu.memory_space<hbm>> -> memref<100000x32xf32, #tpu.memory_space<hbm>>
    tpu.enqueue_indirect_dma source(%dma_start3A_220 : memref<100000x32xf32, #tpu.memory_space<hbm>>) target(%dma_start3A_214 : memref<128x32xf32, #tpu.memory_space<vmem>>) offsets(%dma_start3A_217 : memref<128xi32, #tpu.memory_space<vmem>>) semaphore(%arg8 : memref<!tpu.dma_semaphore, #tpu.memory_space<semaphore_mem>>)
    %dma_start3A_221 = arith.constant 1 : i32
    %dma_start3A_222 = arith.constant 7 : i32
    %dma_start3A_223 = arith.constant 2432 : i32
    %dma_start3A_224 = arith.constant 0 : i32
    %dma_start3A_225 = tpu.memref_slice %arg6[%dma_start3A_223, %dma_start3A_224] : memref<3072x32xf32, #tpu.memory_space<vmem>> -> memref<128x32xf32, #tpu.memory_space<vmem>>
    %dma_start3A_226 = arith.constant 0 : i32
    %dma_start3A_227 = tpu.memref_slice %arg5[%dma_start3A_221, %dma_start3A_222, %dma_start3A_226] : memref<2x12x128xi32, #tpu.memory_space<vmem>> -> memref<1x1x128xi32, #tpu.memory_space<vmem>>
    %dma_start3A_228 = tpu.memref_squeeze %dma_start3A_227 : memref<1x1x128xi32, #tpu.memory_space<vmem>> -> memref<128xi32, #tpu.memory_space<vmem>>
    %dma_start3A_229 = arith.constant 0 : i32
    %dma_start3A_230 = arith.constant 0 : i32
    %dma_start3A_231 = tpu.memref_slice %arg3[%dma_start3A_229, %dma_start3A_230] : memref<100000x32xf32, #tpu.memory_space<hbm>> -> memref<100000x32xf32, #tpu.memory_space<hbm>>
    tpu.enqueue_indirect_dma source(%dma_start3A_231 : memref<100000x32xf32, #tpu.memory_space<hbm>>) target(%dma_start3A_225 : memref<128x32xf32, #tpu.memory_space<vmem>>) offsets(%dma_start3A_228 : memref<128xi32, #tpu.memory_space<vmem>>) semaphore(%arg8 : memref<!tpu.dma_semaphore, #tpu.memory_space<semaphore_mem>>)
    %dma_start3A_232 = arith.constant 1 : i32
    %dma_start3A_233 = arith.constant 8 : i32
    %dma_start3A_234 = arith.constant 2560 : i32
    %dma_start3A_235 = arith.constant 0 : i32
    %dma_start3A_236 = tpu.memref_slice %arg6[%dma_start3A_234, %dma_start3A_235] : memref<3072x32xf32, #tpu.memory_space<vmem>> -> memref<128x32xf32, #tpu.memory_space<vmem>>
    %dma_start3A_237 = arith.constant 0 : i32
    %dma_start3A_238 = tpu.memref_slice %arg5[%dma_start3A_232, %dma_start3A_233, %dma_start3A_237] : memref<2x12x128xi32, #tpu.memory_space<vmem>> -> memref<1x1x128xi32, #tpu.memory_space<vmem>>
    %dma_start3A_239 = tpu.memref_squeeze %dma_start3A_238 : memref<1x1x128xi32, #tpu.memory_space<vmem>> -> memref<128xi32, #tpu.memory_space<vmem>>
    %dma_start3A_240 = arith.constant 0 : i32
    %dma_start3A_241 = arith.constant 0 : i32
    %dma_start3A_242 = tpu.memref_slice %arg3[%dma_start3A_240, %dma_start3A_241] : memref<100000x32xf32, #tpu.memory_space<hbm>> -> memref<100000x32xf32, #tpu.memory_space<hbm>>
    tpu.enqueue_indirect_dma source(%dma_start3A_242 : memref<100000x32xf32, #tpu.memory_space<hbm>>) target(%dma_start3A_236 : memref<128x32xf32, #tpu.memory_space<vmem>>) offsets(%dma_start3A_239 : memref<128xi32, #tpu.memory_space<vmem>>) semaphore(%arg8 : memref<!tpu.dma_semaphore, #tpu.memory_space<semaphore_mem>>)
    %dma_start3A_243 = arith.constant 1 : i32
    %dma_start3A_244 = arith.constant 9 : i32
    %dma_start3A_245 = arith.constant 2688 : i32
    %dma_start3A_246 = arith.constant 0 : i32
    %dma_start3A_247 = tpu.memref_slice %arg6[%dma_start3A_245, %dma_start3A_246] : memref<3072x32xf32, #tpu.memory_space<vmem>> -> memref<128x32xf32, #tpu.memory_space<vmem>>
    %dma_start3A_248 = arith.constant 0 : i32
    %dma_start3A_249 = tpu.memref_slice %arg5[%dma_start3A_243, %dma_start3A_244, %dma_start3A_248] : memref<2x12x128xi32, #tpu.memory_space<vmem>> -> memref<1x1x128xi32, #tpu.memory_space<vmem>>
    %dma_start3A_250 = tpu.memref_squeeze %dma_start3A_249 : memref<1x1x128xi32, #tpu.memory_space<vmem>> -> memref<128xi32, #tpu.memory_space<vmem>>
    %dma_start3A_251 = arith.constant 0 : i32
    %dma_start3A_252 = arith.constant 0 : i32
    %dma_start3A_253 = tpu.memref_slice %arg3[%dma_start3A_251, %dma_start3A_252] : memref<100000x32xf32, #tpu.memory_space<hbm>> -> memref<100000x32xf32, #tpu.memory_space<hbm>>
    tpu.enqueue_indirect_dma source(%dma_start3A_253 : memref<100000x32xf32, #tpu.memory_space<hbm>>) target(%dma_start3A_247 : memref<128x32xf32, #tpu.memory_space<vmem>>) offsets(%dma_start3A_250 : memref<128xi32, #tpu.memory_space<vmem>>) semaphore(%arg8 : memref<!tpu.dma_semaphore, #tpu.memory_space<semaphore_mem>>)
    %dma_start3A_254 = arith.constant 1 : i32
    %dma_start3A_255 = arith.constant 10 : i32
    %dma_start3A_256 = arith.constant 2816 : i32
    %dma_start3A_257 = arith.constant 0 : i32
    %dma_start3A_258 = tpu.memref_slice %arg6[%dma_start3A_256, %dma_start3A_257] : memref<3072x32xf32, #tpu.memory_space<vmem>> -> memref<128x32xf32, #tpu.memory_space<vmem>>
    %dma_start3A_259 = arith.constant 0 : i32
    %dma_start3A_260 = tpu.memref_slice %arg5[%dma_start3A_254, %dma_start3A_255, %dma_start3A_259] : memref<2x12x128xi32, #tpu.memory_space<vmem>> -> memref<1x1x128xi32, #tpu.memory_space<vmem>>
    %dma_start3A_261 = tpu.memref_squeeze %dma_start3A_260 : memref<1x1x128xi32, #tpu.memory_space<vmem>> -> memref<128xi32, #tpu.memory_space<vmem>>
    %dma_start3A_262 = arith.constant 0 : i32
    %dma_start3A_263 = arith.constant 0 : i32
    %dma_start3A_264 = tpu.memref_slice %arg3[%dma_start3A_262, %dma_start3A_263] : memref<100000x32xf32, #tpu.memory_space<hbm>> -> memref<100000x32xf32, #tpu.memory_space<hbm>>
    tpu.enqueue_indirect_dma source(%dma_start3A_264 : memref<100000x32xf32, #tpu.memory_space<hbm>>) target(%dma_start3A_258 : memref<128x32xf32, #tpu.memory_space<vmem>>) offsets(%dma_start3A_261 : memref<128xi32, #tpu.memory_space<vmem>>) semaphore(%arg8 : memref<!tpu.dma_semaphore, #tpu.memory_space<semaphore_mem>>)
    %dma_start3A_265 = arith.constant 1 : i32
    %dma_start3A_266 = arith.constant 11 : i32
    %dma_start3A_267 = arith.constant 2944 : i32
    %dma_start3A_268 = arith.constant 0 : i32
    %dma_start3A_269 = tpu.memref_slice %arg6[%dma_start3A_267, %dma_start3A_268] : memref<3072x32xf32, #tpu.memory_space<vmem>> -> memref<128x32xf32, #tpu.memory_space<vmem>>
    %dma_start3A_270 = arith.constant 0 : i32
    %dma_start3A_271 = tpu.memref_slice %arg5[%dma_start3A_265, %dma_start3A_266, %dma_start3A_270] : memref<2x12x128xi32, #tpu.memory_space<vmem>> -> memref<1x1x128xi32, #tpu.memory_space<vmem>>
    %dma_start3A_272 = tpu.memref_squeeze %dma_start3A_271 : memref<1x1x128xi32, #tpu.memory_space<vmem>> -> memref<128xi32, #tpu.memory_space<vmem>>
    %dma_start3A_273 = arith.constant 0 : i32
    %dma_start3A_274 = arith.constant 0 : i32
    %dma_start3A_275 = tpu.memref_slice %arg3[%dma_start3A_273, %dma_start3A_274] : memref<100000x32xf32, #tpu.memory_space<hbm>> -> memref<100000x32xf32, #tpu.memory_space<hbm>>
    tpu.enqueue_indirect_dma source(%dma_start3A_275 : memref<100000x32xf32, #tpu.memory_space<hbm>>) target(%dma_start3A_269 : memref<128x32xf32, #tpu.memory_space<vmem>>) offsets(%dma_start3A_272 : memref<128xi32, #tpu.memory_space<vmem>>) semaphore(%arg8 : memref<!tpu.dma_semaphore, #tpu.memory_space<semaphore_mem>>)
    %dma_wait3A = arith.constant 0 : i32
    %dma_wait3A_276 = arith.constant 0 : i32
    %dma_wait3A_277 = arith.constant 0 : i32
    %dma_wait3A_278 = arith.constant 0 : i32
    %dma_wait3A_279 = tpu.memref_slice %arg6[%dma_wait3A_277, %dma_wait3A_278] : memref<3072x32xf32, #tpu.memory_space<vmem>> -> memref<128x32xf32, #tpu.memory_space<vmem>>
    %dma_wait3A_280 = arith.constant 0 : i32
    %dma_wait3A_281 = tpu.memref_slice %arg5[%dma_wait3A, %dma_wait3A_276, %dma_wait3A_280] : memref<2x12x128xi32, #tpu.memory_space<vmem>> -> memref<1x1x128xi32, #tpu.memory_space<vmem>>
    %dma_wait3A_282 = tpu.memref_squeeze %dma_wait3A_281 : memref<1x1x128xi32, #tpu.memory_space<vmem>> -> memref<128xi32, #tpu.memory_space<vmem>>
    %dma_wait3A_283 = arith.constant 0 : i32
    %dma_wait3A_284 = arith.constant 0 : i32
    %dma_wait3A_285 = tpu.memref_slice %arg3[%dma_wait3A_283, %dma_wait3A_284] : memref<100000x32xf32, #tpu.memory_space<hbm>> -> memref<100000x32xf32, #tpu.memory_space<hbm>>
    tpu.wait_indirect_dma semaphore(%arg8 : memref<!tpu.dma_semaphore, #tpu.memory_space<semaphore_mem>>) src(%dma_wait3A_285 : memref<100000x32xf32, #tpu.memory_space<hbm>>) dst(%dma_wait3A_279 : memref<128x32xf32, #tpu.memory_space<vmem>>)
    %dma_wait3A_286 = arith.constant 0 : i32
    %dma_wait3A_287 = arith.constant 1 : i32
    %dma_wait3A_288 = arith.constant 128 : i32
    %dma_wait3A_289 = arith.constant 0 : i32
    %dma_wait3A_290 = tpu.memref_slice %arg6[%dma_wait3A_288, %dma_wait3A_289] : memref<3072x32xf32, #tpu.memory_space<vmem>> -> memref<128x32xf32, #tpu.memory_space<vmem>>
    %dma_wait3A_291 = arith.constant 0 : i32
    %dma_wait3A_292 = tpu.memref_slice %arg5[%dma_wait3A_286, %dma_wait3A_287, %dma_wait3A_291] : memref<2x12x128xi32, #tpu.memory_space<vmem>> -> memref<1x1x128xi32, #tpu.memory_space<vmem>>
    %dma_wait3A_293 = tpu.memref_squeeze %dma_wait3A_292 : memref<1x1x128xi32, #tpu.memory_space<vmem>> -> memref<128xi32, #tpu.memory_space<vmem>>
    %dma_wait3A_294 = arith.constant 0 : i32
    %dma_wait3A_295 = arith.constant 0 : i32
    %dma_wait3A_296 = tpu.memref_slice %arg3[%dma_wait3A_294, %dma_wait3A_295] : memref<100000x32xf32, #tpu.memory_space<hbm>> -> memref<100000x32xf32, #tpu.memory_space<hbm>>
    tpu.wait_indirect_dma semaphore(%arg8 : memref<!tpu.dma_semaphore, #tpu.memory_space<semaphore_mem>>) src(%dma_wait3A_296 : memref<100000x32xf32, #tpu.memory_space<hbm>>) dst(%dma_wait3A_290 : memref<128x32xf32, #tpu.memory_space<vmem>>)
    %dma_wait3A_297 = arith.constant 0 : i32
    %dma_wait3A_298 = arith.constant 2 : i32
    %dma_wait3A_299 = arith.constant 256 : i32
    %dma_wait3A_300 = arith.constant 0 : i32
    %dma_wait3A_301 = tpu.memref_slice %arg6[%dma_wait3A_299, %dma_wait3A_300] : memref<3072x32xf32, #tpu.memory_space<vmem>> -> memref<128x32xf32, #tpu.memory_space<vmem>>
    %dma_wait3A_302 = arith.constant 0 : i32
    %dma_wait3A_303 = tpu.memref_slice %arg5[%dma_wait3A_297, %dma_wait3A_298, %dma_wait3A_302] : memref<2x12x128xi32, #tpu.memory_space<vmem>> -> memref<1x1x128xi32, #tpu.memory_space<vmem>>
    %dma_wait3A_304 = tpu.memref_squeeze %dma_wait3A_303 : memref<1x1x128xi32, #tpu.memory_space<vmem>> -> memref<128xi32, #tpu.memory_space<vmem>>
    %dma_wait3A_305 = arith.constant 0 : i32
    %dma_wait3A_306 = arith.constant 0 : i32
    %dma_wait3A_307 = tpu.memref_slice %arg3[%dma_wait3A_305, %dma_wait3A_306] : memref<100000x32xf32, #tpu.memory_space<hbm>> -> memref<100000x32xf32, #tpu.memory_space<hbm>>
    tpu.wait_indirect_dma semaphore(%arg8 : memref<!tpu.dma_semaphore, #tpu.memory_space<semaphore_mem>>) src(%dma_wait3A_307 : memref<100000x32xf32, #tpu.memory_space<hbm>>) dst(%dma_wait3A_301 : memref<128x32xf32, #tpu.memory_space<vmem>>)
    %dma_wait3A_308 = arith.constant 0 : i32
    %dma_wait3A_309 = arith.constant 3 : i32
    %dma_wait3A_310 = arith.constant 384 : i32
    %dma_wait3A_311 = arith.constant 0 : i32
    %dma_wait3A_312 = tpu.memref_slice %arg6[%dma_wait3A_310, %dma_wait3A_311] : memref<3072x32xf32, #tpu.memory_space<vmem>> -> memref<128x32xf32, #tpu.memory_space<vmem>>
    %dma_wait3A_313 = arith.constant 0 : i32
    %dma_wait3A_314 = tpu.memref_slice %arg5[%dma_wait3A_308, %dma_wait3A_309, %dma_wait3A_313] : memref<2x12x128xi32, #tpu.memory_space<vmem>> -> memref<1x1x128xi32, #tpu.memory_space<vmem>>
    %dma_wait3A_315 = tpu.memref_squeeze %dma_wait3A_314 : memref<1x1x128xi32, #tpu.memory_space<vmem>> -> memref<128xi32, #tpu.memory_space<vmem>>
    %dma_wait3A_316 = arith.constant 0 : i32
    %dma_wait3A_317 = arith.constant 0 : i32
    %dma_wait3A_318 = tpu.memref_slice %arg3[%dma_wait3A_316, %dma_wait3A_317] : memref<100000x32xf32, #tpu.memory_space<hbm>> -> memref<100000x32xf32, #tpu.memory_space<hbm>>
    tpu.wait_indirect_dma semaphore(%arg8 : memref<!tpu.dma_semaphore, #tpu.memory_space<semaphore_mem>>) src(%dma_wait3A_318 : memref<100000x32xf32, #tpu.memory_space<hbm>>) dst(%dma_wait3A_312 : memref<128x32xf32, #tpu.memory_space<vmem>>)
    %dma_wait3A_319 = arith.constant 0 : i32
    %dma_wait3A_320 = arith.constant 4 : i32
    %dma_wait3A_321 = arith.constant 512 : i32
    %dma_wait3A_322 = arith.constant 0 : i32
    %dma_wait3A_323 = tpu.memref_slice %arg6[%dma_wait3A_321, %dma_wait3A_322] : memref<3072x32xf32, #tpu.memory_space<vmem>> -> memref<128x32xf32, #tpu.memory_space<vmem>>
    %dma_wait3A_324 = arith.constant 0 : i32
    %dma_wait3A_325 = tpu.memref_slice %arg5[%dma_wait3A_319, %dma_wait3A_320, %dma_wait3A_324] : memref<2x12x128xi32, #tpu.memory_space<vmem>> -> memref<1x1x128xi32, #tpu.memory_space<vmem>>
    %dma_wait3A_326 = tpu.memref_squeeze %dma_wait3A_325 : memref<1x1x128xi32, #tpu.memory_space<vmem>> -> memref<128xi32, #tpu.memory_space<vmem>>
    %dma_wait3A_327 = arith.constant 0 : i32
    %dma_wait3A_328 = arith.constant 0 : i32
    %dma_wait3A_329 = tpu.memref_slice %arg3[%dma_wait3A_327, %dma_wait3A_328] : memref<100000x32xf32, #tpu.memory_space<hbm>> -> memref<100000x32xf32, #tpu.memory_space<hbm>>
    tpu.wait_indirect_dma semaphore(%arg8 : memref<!tpu.dma_semaphore, #tpu.memory_space<semaphore_mem>>) src(%dma_wait3A_329 : memref<100000x32xf32, #tpu.memory_space<hbm>>) dst(%dma_wait3A_323 : memref<128x32xf32, #tpu.memory_space<vmem>>)
    %dma_wait3A_330 = arith.constant 0 : i32
    %dma_wait3A_331 = arith.constant 5 : i32
    %dma_wait3A_332 = arith.constant 640 : i32
    %dma_wait3A_333 = arith.constant 0 : i32
    %dma_wait3A_334 = tpu.memref_slice %arg6[%dma_wait3A_332, %dma_wait3A_333] : memref<3072x32xf32, #tpu.memory_space<vmem>> -> memref<128x32xf32, #tpu.memory_space<vmem>>
    %dma_wait3A_335 = arith.constant 0 : i32
    %dma_wait3A_336 = tpu.memref_slice %arg5[%dma_wait3A_330, %dma_wait3A_331, %dma_wait3A_335] : memref<2x12x128xi32, #tpu.memory_space<vmem>> -> memref<1x1x128xi32, #tpu.memory_space<vmem>>
    %dma_wait3A_337 = tpu.memref_squeeze %dma_wait3A_336 : memref<1x1x128xi32, #tpu.memory_space<vmem>> -> memref<128xi32, #tpu.memory_space<vmem>>
    %dma_wait3A_338 = arith.constant 0 : i32
    %dma_wait3A_339 = arith.constant 0 : i32
    %dma_wait3A_340 = tpu.memref_slice %arg3[%dma_wait3A_338, %dma_wait3A_339] : memref<100000x32xf32, #tpu.memory_space<hbm>> -> memref<100000x32xf32, #tpu.memory_space<hbm>>
    tpu.wait_indirect_dma semaphore(%arg8 : memref<!tpu.dma_semaphore, #tpu.memory_space<semaphore_mem>>) src(%dma_wait3A_340 : memref<100000x32xf32, #tpu.memory_space<hbm>>) dst(%dma_wait3A_334 : memref<128x32xf32, #tpu.memory_space<vmem>>)
    %dma_wait3A_341 = arith.constant 0 : i32
    %dma_wait3A_342 = arith.constant 6 : i32
    %dma_wait3A_343 = arith.constant 768 : i32
    %dma_wait3A_344 = arith.constant 0 : i32
    %dma_wait3A_345 = tpu.memref_slice %arg6[%dma_wait3A_343, %dma_wait3A_344] : memref<3072x32xf32, #tpu.memory_space<vmem>> -> memref<128x32xf32, #tpu.memory_space<vmem>>
    %dma_wait3A_346 = arith.constant 0 : i32
    %dma_wait3A_347 = tpu.memref_slice %arg5[%dma_wait3A_341, %dma_wait3A_342, %dma_wait3A_346] : memref<2x12x128xi32, #tpu.memory_space<vmem>> -> memref<1x1x128xi32, #tpu.memory_space<vmem>>
    %dma_wait3A_348 = tpu.memref_squeeze %dma_wait3A_347 : memref<1x1x128xi32, #tpu.memory_space<vmem>> -> memref<128xi32, #tpu.memory_space<vmem>>
    %dma_wait3A_349 = arith.constant 0 : i32
    %dma_wait3A_350 = arith.constant 0 : i32
    %dma_wait3A_351 = tpu.memref_slice %arg3[%dma_wait3A_349, %dma_wait3A_350] : memref<100000x32xf32, #tpu.memory_space<hbm>> -> memref<100000x32xf32, #tpu.memory_space<hbm>>
    tpu.wait_indirect_dma semaphore(%arg8 : memref<!tpu.dma_semaphore, #tpu.memory_space<semaphore_mem>>) src(%dma_wait3A_351 : memref<100000x32xf32, #tpu.memory_space<hbm>>) dst(%dma_wait3A_345 : memref<128x32xf32, #tpu.memory_space<vmem>>)
    %dma_wait3A_352 = arith.constant 0 : i32
    %dma_wait3A_353 = arith.constant 7 : i32
    %dma_wait3A_354 = arith.constant 896 : i32
    %dma_wait3A_355 = arith.constant 0 : i32
    %dma_wait3A_356 = tpu.memref_slice %arg6[%dma_wait3A_354, %dma_wait3A_355] : memref<3072x32xf32, #tpu.memory_space<vmem>> -> memref<128x32xf32, #tpu.memory_space<vmem>>
    %dma_wait3A_357 = arith.constant 0 : i32
    %dma_wait3A_358 = tpu.memref_slice %arg5[%dma_wait3A_352, %dma_wait3A_353, %dma_wait3A_357] : memref<2x12x128xi32, #tpu.memory_space<vmem>> -> memref<1x1x128xi32, #tpu.memory_space<vmem>>
    %dma_wait3A_359 = tpu.memref_squeeze %dma_wait3A_358 : memref<1x1x128xi32, #tpu.memory_space<vmem>> -> memref<128xi32, #tpu.memory_space<vmem>>
    %dma_wait3A_360 = arith.constant 0 : i32
    %dma_wait3A_361 = arith.constant 0 : i32
    %dma_wait3A_362 = tpu.memref_slice %arg3[%dma_wait3A_360, %dma_wait3A_361] : memref<100000x32xf32, #tpu.memory_space<hbm>> -> memref<100000x32xf32, #tpu.memory_space<hbm>>
    tpu.wait_indirect_dma semaphore(%arg8 : memref<!tpu.dma_semaphore, #tpu.memory_space<semaphore_mem>>) src(%dma_wait3A_362 : memref<100000x32xf32, #tpu.memory_space<hbm>>) dst(%dma_wait3A_356 : memref<128x32xf32, #tpu.memory_space<vmem>>)
    %dma_wait3A_363 = arith.constant 0 : i32
    %dma_wait3A_364 = arith.constant 8 : i32
    %dma_wait3A_365 = arith.constant 1024 : i32
    %dma_wait3A_366 = arith.constant 0 : i32
    %dma_wait3A_367 = tpu.memref_slice %arg6[%dma_wait3A_365, %dma_wait3A_366] : memref<3072x32xf32, #tpu.memory_space<vmem>> -> memref<128x32xf32, #tpu.memory_space<vmem>>
    %dma_wait3A_368 = arith.constant 0 : i32
    %dma_wait3A_369 = tpu.memref_slice %arg5[%dma_wait3A_363, %dma_wait3A_364, %dma_wait3A_368] : memref<2x12x128xi32, #tpu.memory_space<vmem>> -> memref<1x1x128xi32, #tpu.memory_space<vmem>>
    %dma_wait3A_370 = tpu.memref_squeeze %dma_wait3A_369 : memref<1x1x128xi32, #tpu.memory_space<vmem>> -> memref<128xi32, #tpu.memory_space<vmem>>
    %dma_wait3A_371 = arith.constant 0 : i32
    %dma_wait3A_372 = arith.constant 0 : i32
    %dma_wait3A_373 = tpu.memref_slice %arg3[%dma_wait3A_371, %dma_wait3A_372] : memref<100000x32xf32, #tpu.memory_space<hbm>> -> memref<100000x32xf32, #tpu.memory_space<hbm>>
    tpu.wait_indirect_dma semaphore(%arg8 : memref<!tpu.dma_semaphore, #tpu.memory_space<semaphore_mem>>) src(%dma_wait3A_373 : memref<100000x32xf32, #tpu.memory_space<hbm>>) dst(%dma_wait3A_367 : memref<128x32xf32, #tpu.memory_space<vmem>>)
    %dma_wait3A_374 = arith.constant 0 : i32
    %dma_wait3A_375 = arith.constant 9 : i32
    %dma_wait3A_376 = arith.constant 1152 : i32
    %dma_wait3A_377 = arith.constant 0 : i32
    %dma_wait3A_378 = tpu.memref_slice %arg6[%dma_wait3A_376, %dma_wait3A_377] : memref<3072x32xf32, #tpu.memory_space<vmem>> -> memref<128x32xf32, #tpu.memory_space<vmem>>
    %dma_wait3A_379 = arith.constant 0 : i32
    %dma_wait3A_380 = tpu.memref_slice %arg5[%dma_wait3A_374, %dma_wait3A_375, %dma_wait3A_379] : memref<2x12x128xi32, #tpu.memory_space<vmem>> -> memref<1x1x128xi32, #tpu.memory_space<vmem>>
    %dma_wait3A_381 = tpu.memref_squeeze %dma_wait3A_380 : memref<1x1x128xi32, #tpu.memory_space<vmem>> -> memref<128xi32, #tpu.memory_space<vmem>>
    %dma_wait3A_382 = arith.constant 0 : i32
    %dma_wait3A_383 = arith.constant 0 : i32
    %dma_wait3A_384 = tpu.memref_slice %arg3[%dma_wait3A_382, %dma_wait3A_383] : memref<100000x32xf32, #tpu.memory_space<hbm>> -> memref<100000x32xf32, #tpu.memory_space<hbm>>
    tpu.wait_indirect_dma semaphore(%arg8 : memref<!tpu.dma_semaphore, #tpu.memory_space<semaphore_mem>>) src(%dma_wait3A_384 : memref<100000x32xf32, #tpu.memory_space<hbm>>) dst(%dma_wait3A_378 : memref<128x32xf32, #tpu.memory_space<vmem>>)
    %dma_wait3A_385 = arith.constant 0 : i32
    %dma_wait3A_386 = arith.constant 10 : i32
    %dma_wait3A_387 = arith.constant 1280 : i32
    %dma_wait3A_388 = arith.constant 0 : i32
    %dma_wait3A_389 = tpu.memref_slice %arg6[%dma_wait3A_387, %dma_wait3A_388] : memref<3072x32xf32, #tpu.memory_space<vmem>> -> memref<128x32xf32, #tpu.memory_space<vmem>>
    %dma_wait3A_390 = arith.constant 0 : i32
    %dma_wait3A_391 = tpu.memref_slice %arg5[%dma_wait3A_385, %dma_wait3A_386, %dma_wait3A_390] : memref<2x12x128xi32, #tpu.memory_space<vmem>> -> memref<1x1x128xi32, #tpu.memory_space<vmem>>
    %dma_wait3A_392 = tpu.memref_squeeze %dma_wait3A_391 : memref<1x1x128xi32, #tpu.memory_space<vmem>> -> memref<128xi32, #tpu.memory_space<vmem>>
    %dma_wait3A_393 = arith.constant 0 : i32
    %dma_wait3A_394 = arith.constant 0 : i32
    %dma_wait3A_395 = tpu.memref_slice %arg3[%dma_wait3A_393, %dma_wait3A_394] : memref<100000x32xf32, #tpu.memory_space<hbm>> -> memref<100000x32xf32, #tpu.memory_space<hbm>>
    tpu.wait_indirect_dma semaphore(%arg8 : memref<!tpu.dma_semaphore, #tpu.memory_space<semaphore_mem>>) src(%dma_wait3A_395 : memref<100000x32xf32, #tpu.memory_space<hbm>>) dst(%dma_wait3A_389 : memref<128x32xf32, #tpu.memory_space<vmem>>)
    %dma_wait3A_396 = arith.constant 0 : i32
    %dma_wait3A_397 = arith.constant 11 : i32
    %dma_wait3A_398 = arith.constant 1408 : i32
    %dma_wait3A_399 = arith.constant 0 : i32
    %dma_wait3A_400 = tpu.memref_slice %arg6[%dma_wait3A_398, %dma_wait3A_399] : memref<3072x32xf32, #tpu.memory_space<vmem>> -> memref<128x32xf32, #tpu.memory_space<vmem>>
    %dma_wait3A_401 = arith.constant 0 : i32
    %dma_wait3A_402 = tpu.memref_slice %arg5[%dma_wait3A_396, %dma_wait3A_397, %dma_wait3A_401] : memref<2x12x128xi32, #tpu.memory_space<vmem>> -> memref<1x1x128xi32, #tpu.memory_space<vmem>>
    %dma_wait3A_403 = tpu.memref_squeeze %dma_wait3A_402 : memref<1x1x128xi32, #tpu.memory_space<vmem>> -> memref<128xi32, #tpu.memory_space<vmem>>
    %dma_wait3A_404 = arith.constant 0 : i32
    %dma_wait3A_405 = arith.constant 0 : i32
    %dma_wait3A_406 = tpu.memref_slice %arg3[%dma_wait3A_404, %dma_wait3A_405] : memref<100000x32xf32, #tpu.memory_space<hbm>> -> memref<100000x32xf32, #tpu.memory_space<hbm>>
    tpu.wait_indirect_dma semaphore(%arg8 : memref<!tpu.dma_semaphore, #tpu.memory_space<semaphore_mem>>) src(%dma_wait3A_406 : memref<100000x32xf32, #tpu.memory_space<hbm>>) dst(%dma_wait3A_400 : memref<128x32xf32, #tpu.memory_space<vmem>>)
    %scan3A = arith.constant 0 : i32
    %scan3A_407 = arith.constant 0 : i32
    %scan3A_408 = arith.constant 32 : i32
    %scan3A_409 = arith.addi %scan3A_407, %scan3A_408 : i32
    %scan3A_410 = arith.constant 1 : i32
    scf.for %scan3A_1220 = %scan3A_407 to %scan3A_409 step %scan3A_410  : i32 {
      %mul3A_1221 = arith.constant 4 : i32
      %mul3A_1222 = arith.muli %scan3A_1220, %mul3A_1221 : i32
      %add3A_1223 = arith.constant 0 : i32
      %add3A_1224 = arith.addi %mul3A_1222, %add3A_1223 : i32
      %add3A_1225 = arith.constant 0 : i32
      %add3A_1226 = arith.addi %add3A_1225, %add3A_1224 : i32
      %get3A = arith.index_cast %add3A_1226 : i32 to index
      %get3A_1227 = arith.constant 0 : index
      %get3A_1228 = tpu.vector_load %arg6[%get3A, %get3A_1227] {strides = array<i32>} : memref<3072x32xf32, #tpu.memory_space<vmem>>, vector<16xf32>,
      %get3A_1229 = arith.index_cast %add3A_1226 : i32 to index
      %get3A_1230 = arith.constant 16 : index
      %get3A_1231 = tpu.vector_load %arg6[%get3A_1229, %get3A_1230] {strides = array<i32>} : memref<3072x32xf32, #tpu.memory_space<vmem>>, vector<16xf32>,
      %add3A_1232 = arith.constant 128 : i32
      %add3A_1233 = arith.addi %add3A_1226, %add3A_1232 : i32
      %get3A_1234 = arith.index_cast %add3A_1233 : i32 to index
      %get3A_1235 = arith.constant 0 : index
      %get3A_1236 = tpu.vector_load %arg6[%get3A_1234, %get3A_1235] {strides = array<i32>} : memref<3072x32xf32, #tpu.memory_space<vmem>>, vector<16xf32>,
      %add3A_1237 = arith.addf %get3A_1228, %get3A_1236 : vector<16xf32>
      %add3A_1238 = arith.constant 128 : i32
      %add3A_1239 = arith.addi %add3A_1226, %add3A_1238 : i32
      %get3A_1240 = arith.index_cast %add3A_1239 : i32 to index
      %get3A_1241 = arith.constant 16 : index
      %get3A_1242 = tpu.vector_load %arg6[%get3A_1240, %get3A_1241] {strides = array<i32>} : memref<3072x32xf32, #tpu.memory_space<vmem>>, vector<16xf32>,
      %add3A_1243 = arith.addf %get3A_1231, %get3A_1242 : vector<16xf32>
      %add3A_1244 = arith.constant 256 : i32
      %add3A_1245 = arith.addi %add3A_1226, %add3A_1244 : i32
      %get3A_1246 = arith.index_cast %add3A_1245 : i32 to index
      %get3A_1247 = arith.constant 0 : index
      %get3A_1248 = tpu.vector_load %arg6[%get3A_1246, %get3A_1247] {strides = array<i32>} : memref<3072x32xf32, #tpu.memory_space<vmem>>, vector<16xf32>,
      %add3A_1249 = arith.addf %add3A_1237, %get3A_1248 : vector<16xf32>
      %add3A_1250 = arith.constant 256 : i32
      %add3A_1251 = arith.addi %add3A_1226, %add3A_1250 : i32
      %get3A_1252 = arith.index_cast %add3A_1251 : i32 to index
      %get3A_1253 = arith.constant 16 : index
      %get3A_1254 = tpu.vector_load %arg6[%get3A_1252, %get3A_1253] {strides = array<i32>} : memref<3072x32xf32, #tpu.memory_space<vmem>>, vector<16xf32>,
      %add3A_1255 = arith.addf %add3A_1243, %get3A_1254 : vector<16xf32>
      %add3A_1256 = arith.constant 384 : i32
      %add3A_1257 = arith.addi %add3A_1226, %add3A_1256 : i32
      %get3A_1258 = arith.index_cast %add3A_1257 : i32 to index
      %get3A_1259 = arith.constant 0 : index
      %get3A_1260 = tpu.vector_load %arg6[%get3A_1258, %get3A_1259] {strides = array<i32>} : memref<3072x32xf32, #tpu.memory_space<vmem>>, vector<16xf32>,
      %add3A_1261 = arith.addf %add3A_1249, %get3A_1260 : vector<16xf32>
      %add3A_1262 = arith.constant 384 : i32
      %add3A_1263 = arith.addi %add3A_1226, %add3A_1262 : i32
      %get3A_1264 = arith.index_cast %add3A_1263 : i32 to index
      %get3A_1265 = arith.constant 16 : index
      %get3A_1266 = tpu.vector_load %arg6[%get3A_1264, %get3A_1265] {strides = array<i32>} : memref<3072x32xf32, #tpu.memory_space<vmem>>, vector<16xf32>,
      %add3A_1267 = arith.addf %add3A_1255, %get3A_1266 : vector<16xf32>
      %add3A_1268 = arith.constant 512 : i32
      %add3A_1269 = arith.addi %add3A_1226, %add3A_1268 : i32
      %get3A_1270 = arith.index_cast %add3A_1269 : i32 to index
      %get3A_1271 = arith.constant 0 : index
      %get3A_1272 = tpu.vector_load %arg6[%get3A_1270, %get3A_1271] {strides = array<i32>} : memref<3072x32xf32, #tpu.memory_space<vmem>>, vector<16xf32>,
      %add3A_1273 = arith.addf %add3A_1261, %get3A_1272 : vector<16xf32>
      %add3A_1274 = arith.constant 512 : i32
      %add3A_1275 = arith.addi %add3A_1226, %add3A_1274 : i32
      %get3A_1276 = arith.index_cast %add3A_1275 : i32 to index
      %get3A_1277 = arith.constant 16 : index
      %get3A_1278 = tpu.vector_load %arg6[%get3A_1276, %get3A_1277] {strides = array<i32>} : memref<3072x32xf32, #tpu.memory_space<vmem>>, vector<16xf32>,
      %add3A_1279 = arith.addf %add3A_1267, %get3A_1278 : vector<16xf32>
      %add3A_1280 = arith.constant 640 : i32
      %add3A_1281 = arith.addi %add3A_1226, %add3A_1280 : i32
      %get3A_1282 = arith.index_cast %add3A_1281 : i32 to index
      %get3A_1283 = arith.constant 0 : index
      %get3A_1284 = tpu.vector_load %arg6[%get3A_1282, %get3A_1283] {strides = array<i32>} : memref<3072x32xf32, #tpu.memory_space<vmem>>, vector<16xf32>,
      %add3A_1285 = arith.addf %add3A_1273, %get3A_1284 : vector<16xf32>
      %add3A_1286 = arith.constant 640 : i32
      %add3A_1287 = arith.addi %add3A_1226, %add3A_1286 : i32
      %get3A_1288 = arith.index_cast %add3A_1287 : i32 to index
      %get3A_1289 = arith.constant 16 : index
      %get3A_1290 = tpu.vector_load %arg6[%get3A_1288, %get3A_1289] {strides = array<i32>} : memref<3072x32xf32, #tpu.memory_space<vmem>>, vector<16xf32>,
      %add3A_1291 = arith.addf %add3A_1279, %get3A_1290 : vector<16xf32>
      %add3A_1292 = arith.constant 768 : i32
      %add3A_1293 = arith.addi %add3A_1226, %add3A_1292 : i32
      %get3A_1294 = arith.index_cast %add3A_1293 : i32 to index
      %get3A_1295 = arith.constant 0 : index
      %get3A_1296 = tpu.vector_load %arg6[%get3A_1294, %get3A_1295] {strides = array<i32>} : memref<3072x32xf32, #tpu.memory_space<vmem>>, vector<16xf32>,
      %add3A_1297 = arith.addf %add3A_1285, %get3A_1296 : vector<16xf32>
      %add3A_1298 = arith.constant 768 : i32
      %add3A_1299 = arith.addi %add3A_1226, %add3A_1298 : i32
      %get3A_1300 = arith.index_cast %add3A_1299 : i32 to index
      %get3A_1301 = arith.constant 16 : index
      %get3A_1302 = tpu.vector_load %arg6[%get3A_1300, %get3A_1301] {strides = array<i32>} : memref<3072x32xf32, #tpu.memory_space<vmem>>, vector<16xf32>,
      %add3A_1303 = arith.addf %add3A_1291, %get3A_1302 : vector<16xf32>
      %add3A_1304 = arith.constant 896 : i32
      %add3A_1305 = arith.addi %add3A_1226, %add3A_1304 : i32
      %get3A_1306 = arith.index_cast %add3A_1305 : i32 to index
      %get3A_1307 = arith.constant 0 : index
      %get3A_1308 = tpu.vector_load %arg6[%get3A_1306, %get3A_1307] {strides = array<i32>} : memref<3072x32xf32, #tpu.memory_space<vmem>>, vector<16xf32>,
      %add3A_1309 = arith.addf %add3A_1297, %get3A_1308 : vector<16xf32>
      %add3A_1310 = arith.constant 896 : i32
      %add3A_1311 = arith.addi %add3A_1226, %add3A_1310 : i32
      %get3A_1312 = arith.index_cast %add3A_1311 : i32 to index
      %get3A_1313 = arith.constant 16 : index
      %get3A_1314 = tpu.vector_load %arg6[%get3A_1312, %get3A_1313] {strides = array<i32>} : memref<3072x32xf32, #tpu.memory_space<vmem>>, vector<16xf32>,
      %add3A_1315 = arith.addf %add3A_1303, %get3A_1314 : vector<16xf32>
      %add3A_1316 = arith.constant 1024 : i32
      %add3A_1317 = arith.addi %add3A_1226, %add3A_1316 : i32
      %get3A_1318 = arith.index_cast %add3A_1317 : i32 to index
      %get3A_1319 = arith.constant 0 : index
      %get3A_1320 = tpu.vector_load %arg6[%get3A_1318, %get3A_1319] {strides = array<i32>} : memref<3072x32xf32, #tpu.memory_space<vmem>>, vector<16xf32>,
      %add3A_1321 = arith.addf %add3A_1309, %get3A_1320 : vector<16xf32>
      %add3A_1322 = arith.constant 1024 : i32
      %add3A_1323 = arith.addi %add3A_1226, %add3A_1322 : i32
      %get3A_1324 = arith.index_cast %add3A_1323 : i32 to index
      %get3A_1325 = arith.constant 16 : index
      %get3A_1326 = tpu.vector_load %arg6[%get3A_1324, %get3A_1325] {strides = array<i32>} : memref<3072x32xf32, #tpu.memory_space<vmem>>, vector<16xf32>,
      %add3A_1327 = arith.addf %add3A_1315, %get3A_1326 : vector<16xf32>
      %add3A_1328 = arith.constant 1152 : i32
      %add3A_1329 = arith.addi %add3A_1226, %add3A_1328 : i32
      %get3A_1330 = arith.index_cast %add3A_1329 : i32 to index
      %get3A_1331 = arith.constant 0 : index
      %get3A_1332 = tpu.vector_load %arg6[%get3A_1330, %get3A_1331] {strides = array<i32>} : memref<3072x32xf32, #tpu.memory_space<vmem>>, vector<16xf32>,
      %add3A_1333 = arith.addf %add3A_1321, %get3A_1332 : vector<16xf32>
      %add3A_1334 = arith.constant 1152 : i32
      %add3A_1335 = arith.addi %add3A_1226, %add3A_1334 : i32
      %get3A_1336 = arith.index_cast %add3A_1335 : i32 to index
      %get3A_1337 = arith.constant 16 : index
      %get3A_1338 = tpu.vector_load %arg6[%get3A_1336, %get3A_1337] {strides = array<i32>} : memref<3072x32xf32, #tpu.memory_space<vmem>>, vector<16xf32>,
      %add3A_1339 = arith.addf %add3A_1327, %get3A_1338 : vector<16xf32>
      %add3A_1340 = arith.constant 1280 : i32
      %add3A_1341 = arith.addi %add3A_1226, %add3A_1340 : i32
      %get3A_1342 = arith.index_cast %add3A_1341 : i32 to index
      %get3A_1343 = arith.constant 0 : index
      %get3A_1344 = tpu.vector_load %arg6[%get3A_1342, %get3A_1343] {strides = array<i32>} : memref<3072x32xf32, #tpu.memory_space<vmem>>, vector<16xf32>,
      %add3A_1345 = arith.addf %add3A_1333, %get3A_1344 : vector<16xf32>
      %add3A_1346 = arith.constant 1280 : i32
      %add3A_1347 = arith.addi %add3A_1226, %add3A_1346 : i32
      %get3A_1348 = arith.index_cast %add3A_1347 : i32 to index
      %get3A_1349 = arith.constant 16 : index
      %get3A_1350 = tpu.vector_load %arg6[%get3A_1348, %get3A_1349] {strides = array<i32>} : memref<3072x32xf32, #tpu.memory_space<vmem>>, vector<16xf32>,
      %add3A_1351 = arith.addf %add3A_1339, %get3A_1350 : vector<16xf32>
      %add3A_1352 = arith.constant 1408 : i32
      %add3A_1353 = arith.addi %add3A_1226, %add3A_1352 : i32
      %get3A_1354 = arith.index_cast %add3A_1353 : i32 to index
      %get3A_1355 = arith.constant 0 : index
      %get3A_1356 = tpu.vector_load %arg6[%get3A_1354, %get3A_1355] {strides = array<i32>} : memref<3072x32xf32, #tpu.memory_space<vmem>>, vector<16xf32>,
      %add3A_1357 = arith.addf %add3A_1345, %get3A_1356 : vector<16xf32>
      %add3A_1358 = arith.constant 1408 : i32
      %add3A_1359 = arith.addi %add3A_1226, %add3A_1358 : i32
      %get3A_1360 = arith.index_cast %add3A_1359 : i32 to index
      %get3A_1361 = arith.constant 16 : index
      %get3A_1362 = tpu.vector_load %arg6[%get3A_1360, %get3A_1361] {strides = array<i32>} : memref<3072x32xf32, #tpu.memory_space<vmem>>, vector<16xf32>,
      %add3A_1363 = arith.addf %add3A_1351, %get3A_1362 : vector<16xf32>
      %mul3A_1364 = arith.constant 0 : i32
      %mul3A_1365 = vector.broadcast %mul3A_1364 : i32 to vector<16xi32>
      %mul3A_1366 = arith.muli %iota3A, %mul3A_1365 : vector<16xi32>
      %add3A_1367 = vector.broadcast %add3A_1224 : i32 to vector<16xi32>
      %add3A_1368 = arith.addi %mul3A_1366, %add3A_1367 : vector<16xi32>
      %mul3A_1369 = arith.constant 0.0833333358 : f32
      %mul3A_1370 = vector.broadcast %mul3A_1369 : f32 to vector<16xf32>
      %mul3A_1371 = arith.mulf %add3A_1357, %mul3A_1370 : vector<16xf32>
      %scatter3A = arith.constant 0 : i32
      %scatter3A_1372 = arith.constant 0 : i32
      %scatter3A_1373 = arith.constant 0 : i32
      %scatter3A_1374 = tpu.memref_slice %arg7[%scatter3A, %scatter3A_1372, %scatter3A_1373] : memref<2x32x128xf32, #tpu.memory_space<vmem>> -> memref<1x32x128xf32, #tpu.memory_space<vmem>>
      %scatter3A_1375 = tpu.memref_squeeze %scatter3A_1374 : memref<1x32x128xf32, #tpu.memory_space<vmem>> -> memref<32x128xf32, #tpu.memory_space<vmem>>
      tpu.vector_store_idx %scatter3A_1375[%iota3A, %add3A_1368], %mul3A_1371 : memref<32x128xf32, #tpu.memory_space<vmem>>[vector<16xi32>, vector<16xi32>], vector<16xf32>,
      %mul3A_1376 = arith.constant 0.0833333358 : f32
      %mul3A_1377 = vector.broadcast %mul3A_1376 : f32 to vector<16xf32>
      %mul3A_1378 = arith.mulf %add3A_1363, %mul3A_1377 : vector<16xf32>
      %scatter3A_1379 = arith.constant 0 : i32
      %scatter3A_1380 = arith.constant 0 : i32
      %scatter3A_1381 = arith.constant 0 : i32
      %scatter3A_1382 = tpu.memref_slice %arg7[%scatter3A_1379, %scatter3A_1380, %scatter3A_1381] : memref<2x32x128xf32, #tpu.memory_space<vmem>> -> memref<1x32x128xf32, #tpu.memory_space<vmem>>
      %scatter3A_1383 = tpu.memref_squeeze %scatter3A_1382 : memref<1x32x128xf32, #tpu.memory_space<vmem>> -> memref<32x128xf32, #tpu.memory_space<vmem>>
      tpu.vector_store_idx %scatter3A_1383[%add3A_3, %add3A_1368], %mul3A_1378 : memref<32x128xf32, #tpu.memory_space<vmem>>[vector<16xi32>, vector<16xi32>], vector<16xf32>,
      %mul3A_1384 = arith.constant 4 : i32
      %mul3A_1385 = arith.muli %scan3A_1220, %mul3A_1384 : i32
      %add3A_1386 = arith.constant 1 : i32
      %add3A_1387 = arith.addi %mul3A_1385, %add3A_1386 : i32
      %add3A_1388 = arith.constant 0 : i32
      %add3A_1389 = arith.addi %add3A_1388, %add3A_1387 : i32
      %get3A_1390 = arith.index_cast %add3A_1389 : i32 to index
      %get3A_1391 = arith.constant 0 : index
      %get3A_1392 = tpu.vector_load %arg6[%get3A_1390, %get3A_1391] {strides = array<i32>} : memref<3072x32xf32, #tpu.memory_space<vmem>>, vector<16xf32>,
      %get3A_1393 = arith.index_cast %add3A_1389 : i32 to index
      %get3A_1394 = arith.constant 16 : index
      %get3A_1395 = tpu.vector_load %arg6[%get3A_1393, %get3A_1394] {strides = array<i32>} : memref<3072x32xf32, #tpu.memory_space<vmem>>, vector<16xf32>,
      %add3A_1396 = arith.constant 128 : i32
      %add3A_1397 = arith.addi %add3A_1389, %add3A_1396 : i32
      %get3A_1398 = arith.index_cast %add3A_1397 : i32 to index
      %get3A_1399 = arith.constant 0 : index
      %get3A_1400 = tpu.vector_load %arg6[%get3A_1398, %get3A_1399] {strides = array<i32>} : memref<3072x32xf32, #tpu.memory_space<vmem>>, vector<16xf32>,
      %add3A_1401 = arith.addf %get3A_1392, %get3A_1400 : vector<16xf32>
      %add3A_1402 = arith.constant 128 : i32
      %add3A_1403 = arith.addi %add3A_1389, %add3A_1402 : i32
      %get3A_1404 = arith.index_cast %add3A_1403 : i32 to index
      %get3A_1405 = arith.constant 16 : index
      %get3A_1406 = tpu.vector_load %arg6[%get3A_1404, %get3A_1405] {strides = array<i32>} : memref<3072x32xf32, #tpu.memory_space<vmem>>, vector<16xf32>,
      %add3A_1407 = arith.addf %get3A_1395, %get3A_1406 : vector<16xf32>
      %add3A_1408 = arith.constant 256 : i32
      %add3A_1409 = arith.addi %add3A_1389, %add3A_1408 : i32
      %get3A_1410 = arith.index_cast %add3A_1409 : i32 to index
      %get3A_1411 = arith.constant 0 : index
      %get3A_1412 = tpu.vector_load %arg6[%get3A_1410, %get3A_1411] {strides = array<i32>} : memref<3072x32xf32, #tpu.memory_space<vmem>>, vector<16xf32>,
      %add3A_1413 = arith.addf %add3A_1401, %get3A_1412 : vector<16xf32>
      %add3A_1414 = arith.constant 256 : i32
      %add3A_1415 = arith.addi %add3A_1389, %add3A_1414 : i32
      %get3A_1416 = arith.index_cast %add3A_1415 : i32 to index
      %get3A_1417 = arith.constant 16 : index
      %get3A_1418 = tpu.vector_load %arg6[%get3A_1416, %get3A_1417] {strides = array<i32>} : memref<3072x32xf32, #tpu.memory_space<vmem>>, vector<16xf32>,
      %add3A_1419 = arith.addf %add3A_1407, %get3A_1418 : vector<16xf32>
      %add3A_1420 = arith.constant 384 : i32
      %add3A_1421 = arith.addi %add3A_1389, %add3A_1420 : i32
      %get3A_1422 = arith.index_cast %add3A_1421 : i32 to index
      %get3A_1423 = arith.constant 0 : index
      %get3A_1424 = tpu.vector_load %arg6[%get3A_1422, %get3A_1423] {strides = array<i32>} : memref<3072x32xf32, #tpu.memory_space<vmem>>, vector<16xf32>,
      %add3A_1425 = arith.addf %add3A_1413, %get3A_1424 : vector<16xf32>
      %add3A_1426 = arith.constant 384 : i32
      %add3A_1427 = arith.addi %add3A_1389, %add3A_1426 : i32
      %get3A_1428 = arith.index_cast %add3A_1427 : i32 to index
      %get3A_1429 = arith.constant 16 : index
      %get3A_1430 = tpu.vector_load %arg6[%get3A_1428, %get3A_1429] {strides = array<i32>} : memref<3072x32xf32, #tpu.memory_space<vmem>>, vector<16xf32>,
      %add3A_1431 = arith.addf %add3A_1419, %get3A_1430 : vector<16xf32>
      %add3A_1432 = arith.constant 512 : i32
      %add3A_1433 = arith.addi %add3A_1389, %add3A_1432 : i32
      %get3A_1434 = arith.index_cast %add3A_1433 : i32 to index
      %get3A_1435 = arith.constant 0 : index
      %get3A_1436 = tpu.vector_load %arg6[%get3A_1434, %get3A_1435] {strides = array<i32>} : memref<3072x32xf32, #tpu.memory_space<vmem>>, vector<16xf32>,
      %add3A_1437 = arith.addf %add3A_1425, %get3A_1436 : vector<16xf32>
      %add3A_1438 = arith.constant 512 : i32
      %add3A_1439 = arith.addi %add3A_1389, %add3A_1438 : i32
      %get3A_1440 = arith.index_cast %add3A_1439 : i32 to index
      %get3A_1441 = arith.constant 16 : index
      %get3A_1442 = tpu.vector_load %arg6[%get3A_1440, %get3A_1441] {strides = array<i32>} : memref<3072x32xf32, #tpu.memory_space<vmem>>, vector<16xf32>,
      %add3A_1443 = arith.addf %add3A_1431, %get3A_1442 : vector<16xf32>
      %add3A_1444 = arith.constant 640 : i32
      %add3A_1445 = arith.addi %add3A_1389, %add3A_1444 : i32
      %get3A_1446 = arith.index_cast %add3A_1445 : i32 to index
      %get3A_1447 = arith.constant 0 : index
      %get3A_1448 = tpu.vector_load %arg6[%get3A_1446, %get3A_1447] {strides = array<i32>} : memref<3072x32xf32, #tpu.memory_space<vmem>>, vector<16xf32>,
      %add3A_1449 = arith.addf %add3A_1437, %get3A_1448 : vector<16xf32>
      %add3A_1450 = arith.constant 640 : i32
      %add3A_1451 = arith.addi %add3A_1389, %add3A_1450 : i32
      %get3A_1452 = arith.index_cast %add3A_1451 : i32 to index
      %get3A_1453 = arith.constant 16 : index
      %get3A_1454 = tpu.vector_load %arg6[%get3A_1452, %get3A_1453] {strides = array<i32>} : memref<3072x32xf32, #tpu.memory_space<vmem>>, vector<16xf32>,
      %add3A_1455 = arith.addf %add3A_1443, %get3A_1454 : vector<16xf32>
      %add3A_1456 = arith.constant 768 : i32
      %add3A_1457 = arith.addi %add3A_1389, %add3A_1456 : i32
      %get3A_1458 = arith.index_cast %add3A_1457 : i32 to index
      %get3A_1459 = arith.constant 0 : index
      %get3A_1460 = tpu.vector_load %arg6[%get3A_1458, %get3A_1459] {strides = array<i32>} : memref<3072x32xf32, #tpu.memory_space<vmem>>, vector<16xf32>,
      %add3A_1461 = arith.addf %add3A_1449, %get3A_1460 : vector<16xf32>
      %add3A_1462 = arith.constant 768 : i32
      %add3A_1463 = arith.addi %add3A_1389, %add3A_1462 : i32
      %get3A_1464 = arith.index_cast %add3A_1463 : i32 to index
      %get3A_1465 = arith.constant 16 : index
      %get3A_1466 = tpu.vector_load %arg6[%get3A_1464, %get3A_1465] {strides = array<i32>} : memref<3072x32xf32, #tpu.memory_space<vmem>>, vector<16xf32>,
      %add3A_1467 = arith.addf %add3A_1455, %get3A_1466 : vector<16xf32>
      %add3A_1468 = arith.constant 896 : i32
      %add3A_1469 = arith.addi %add3A_1389, %add3A_1468 : i32
      %get3A_1470 = arith.index_cast %add3A_1469 : i32 to index
      %get3A_1471 = arith.constant 0 : index
      %get3A_1472 = tpu.vector_load %arg6[%get3A_1470, %get3A_1471] {strides = array<i32>} : memref<3072x32xf32, #tpu.memory_space<vmem>>, vector<16xf32>,
      %add3A_1473 = arith.addf %add3A_1461, %get3A_1472 : vector<16xf32>
      %add3A_1474 = arith.constant 896 : i32
      %add3A_1475 = arith.addi %add3A_1389, %add3A_1474 : i32
      %get3A_1476 = arith.index_cast %add3A_1475 : i32 to index
      %get3A_1477 = arith.constant 16 : index
      %get3A_1478 = tpu.vector_load %arg6[%get3A_1476, %get3A_1477] {strides = array<i32>} : memref<3072x32xf32, #tpu.memory_space<vmem>>, vector<16xf32>,
      %add3A_1479 = arith.addf %add3A_1467, %get3A_1478 : vector<16xf32>
      %add3A_1480 = arith.constant 1024 : i32
      %add3A_1481 = arith.addi %add3A_1389, %add3A_1480 : i32
      %get3A_1482 = arith.index_cast %add3A_1481 : i32 to index
      %get3A_1483 = arith.constant 0 : index
      %get3A_1484 = tpu.vector_load %arg6[%get3A_1482, %get3A_1483] {strides = array<i32>} : memref<3072x32xf32, #tpu.memory_space<vmem>>, vector<16xf32>,
      %add3A_1485 = arith.addf %add3A_1473, %get3A_1484 : vector<16xf32>
      %add3A_1486 = arith.constant 1024 : i32
      %add3A_1487 = arith.addi %add3A_1389, %add3A_1486 : i32
      %get3A_1488 = arith.index_cast %add3A_1487 : i32 to index
      %get3A_1489 = arith.constant 16 : index
      %get3A_1490 = tpu.vector_load %arg6[%get3A_1488, %get3A_1489] {strides = array<i32>} : memref<3072x32xf32, #tpu.memory_space<vmem>>, vector<16xf32>,
      %add3A_1491 = arith.addf %add3A_1479, %get3A_1490 : vector<16xf32>
      %add3A_1492 = arith.constant 1152 : i32
      %add3A_1493 = arith.addi %add3A_1389, %add3A_1492 : i32
      %get3A_1494 = arith.index_cast %add3A_1493 : i32 to index
      %get3A_1495 = arith.constant 0 : index
      %get3A_1496 = tpu.vector_load %arg6[%get3A_1494, %get3A_1495] {strides = array<i32>} : memref<3072x32xf32, #tpu.memory_space<vmem>>, vector<16xf32>,
      %add3A_1497 = arith.addf %add3A_1485, %get3A_1496 : vector<16xf32>
      %add3A_1498 = arith.constant 1152 : i32
      %add3A_1499 = arith.addi %add3A_1389, %add3A_1498 : i32
      %get3A_1500 = arith.index_cast %add3A_1499 : i32 to index
      %get3A_1501 = arith.constant 16 : index
      %get3A_1502 = tpu.vector_load %arg6[%get3A_1500, %get3A_1501] {strides = array<i32>} : memref<3072x32xf32, #tpu.memory_space<vmem>>, vector<16xf32>,
      %add3A_1503 = arith.addf %add3A_1491, %get3A_1502 : vector<16xf32>
      %add3A_1504 = arith.constant 1280 : i32
      %add3A_1505 = arith.addi %add3A_1389, %add3A_1504 : i32
      %get3A_1506 = arith.index_cast %add3A_1505 : i32 to index
      %get3A_1507 = arith.constant 0 : index
      %get3A_1508 = tpu.vector_load %arg6[%get3A_1506, %get3A_1507] {strides = array<i32>} : memref<3072x32xf32, #tpu.memory_space<vmem>>, vector<16xf32>,
      %add3A_1509 = arith.addf %add3A_1497, %get3A_1508 : vector<16xf32>
      %add3A_1510 = arith.constant 1280 : i32
      %add3A_1511 = arith.addi %add3A_1389, %add3A_1510 : i32
      %get3A_1512 = arith.index_cast %add3A_1511 : i32 to index
      %get3A_1513 = arith.constant 16 : index
      %get3A_1514 = tpu.vector_load %arg6[%get3A_1512, %get3A_1513] {strides = array<i32>} : memref<3072x32xf32, #tpu.memory_space<vmem>>, vector<16xf32>,
      %add3A_1515 = arith.addf %add3A_1503, %get3A_1514 : vector<16xf32>
      %add3A_1516 = arith.constant 1408 : i32
      %add3A_1517 = arith.addi %add3A_1389, %add3A_1516 : i32
      %get3A_1518 = arith.index_cast %add3A_1517 : i32 to index
      %get3A_1519 = arith.constant 0 : index
      %get3A_1520 = tpu.vector_load %arg6[%get3A_1518, %get3A_1519] {strides = array<i32>} : memref<3072x32xf32, #tpu.memory_space<vmem>>, vector<16xf32>,
      %add3A_1521 = arith.addf %add3A_1509, %get3A_1520 : vector<16xf32>
      %add3A_1522 = arith.constant 1408 : i32
      %add3A_1523 = arith.addi %add3A_1389, %add3A_1522 : i32
      %get3A_1524 = arith.index_cast %add3A_1523 : i32 to index
      %get3A_1525 = arith.constant 16 : index
      %get3A_1526 = tpu.vector_load %arg6[%get3A_1524, %get3A_1525] {strides = array<i32>} : memref<3072x32xf32, #tpu.memory_space<vmem>>, vector<16xf32>,
      %add3A_1527 = arith.addf %add3A_1515, %get3A_1526 : vector<16xf32>
      %mul3A_1528 = arith.constant 0 : i32
      %mul3A_1529 = vector.broadcast %mul3A_1528 : i32 to vector<16xi32>
      %mul3A_1530 = arith.muli %iota3A, %mul3A_1529 : vector<16xi32>
      %add3A_1531 = vector.broadcast %add3A_1387 : i32 to vector<16xi32>
      %add3A_1532 = arith.addi %mul3A_1530, %add3A_1531 : vector<16xi32>
      %mul3A_1533 = arith.constant 0.0833333358 : f32
      %mul3A_1534 = vector.broadcast %mul3A_1533 : f32 to vector<16xf32>
      %mul3A_1535 = arith.mulf %add3A_1521, %mul3A_1534 : vector<16xf32>
      %scatter3A_1536 = arith.constant 0 : i32
      %scatter3A_1537 = arith.constant 0 : i32
      %scatter3A_1538 = arith.constant 0 : i32
      %scatter3A_1539 = tpu.memref_slice %arg7[%scatter3A_1536, %scatter3A_1537, %scatter3A_1538] : memref<2x32x128xf32, #tpu.memory_space<vmem>> -> memref<1x32x128xf32, #tpu.memory_space<vmem>>
      %scatter3A_1540 = tpu.memref_squeeze %scatter3A_1539 : memref<1x32x128xf32, #tpu.memory_space<vmem>> -> memref<32x128xf32, #tpu.memory_space<vmem>>
      tpu.vector_store_idx %scatter3A_1540[%iota3A, %add3A_1532], %mul3A_1535 : memref<32x128xf32, #tpu.memory_space<vmem>>[vector<16xi32>, vector<16xi32>], vector<16xf32>,
      %mul3A_1541 = arith.constant 0.0833333358 : f32
      %mul3A_1542 = vector.broadcast %mul3A_1541 : f32 to vector<16xf32>
      %mul3A_1543 = arith.mulf %add3A_1527, %mul3A_1542 : vector<16xf32>
      %scatter3A_1544 = arith.constant 0 : i32
      %scatter3A_1545 = arith.constant 0 : i32
      %scatter3A_1546 = arith.constant 0 : i32
      %scatter3A_1547 = tpu.memref_slice %arg7[%scatter3A_1544, %scatter3A_1545, %scatter3A_1546] : memref<2x32x128xf32, #tpu.memory_space<vmem>> -> memref<1x32x128xf32, #tpu.memory_space<vmem>>
      %scatter3A_1548 = tpu.memref_squeeze %scatter3A_1547 : memref<1x32x128xf32, #tpu.memory_space<vmem>> -> memref<32x128xf32, #tpu.memory_space<vmem>>
      tpu.vector_store_idx %scatter3A_1548[%add3A_3, %add3A_1532], %mul3A_1543 : memref<32x128xf32, #tpu.memory_space<vmem>>[vector<16xi32>, vector<16xi32>], vector<16xf32>,
      %mul3A_1549 = arith.constant 4 : i32
      %mul3A_1550 = arith.muli %scan3A_1220, %mul3A_1549 : i32
      %add3A_1551 = arith.constant 2 : i32
      %add3A_1552 = arith.addi %mul3A_1550, %add3A_1551 : i32
      %add3A_1553 = arith.constant 0 : i32
      %add3A_1554 = arith.addi %add3A_1553, %add3A_1552 : i32
      %get3A_1555 = arith.index_cast %add3A_1554 : i32 to index
      %get3A_1556 = arith.constant 0 : index
      %get3A_1557 = tpu.vector_load %arg6[%get3A_1555, %get3A_1556] {strides = array<i32>} : memref<3072x32xf32, #tpu.memory_space<vmem>>, vector<16xf32>,
      %get3A_1558 = arith.index_cast %add3A_1554 : i32 to index
      %get3A_1559 = arith.constant 16 : index
      %get3A_1560 = tpu.vector_load %arg6[%get3A_1558, %get3A_1559] {strides = array<i32>} : memref<3072x32xf32, #tpu.memory_space<vmem>>, vector<16xf32>,
      %add3A_1561 = arith.constant 128 : i32
      %add3A_1562 = arith.addi %add3A_1554, %add3A_1561 : i32
      %get3A_1563 = arith.index_cast %add3A_1562 : i32 to index
      %get3A_1564 = arith.constant 0 : index
      %get3A_1565 = tpu.vector_load %arg6[%get3A_1563, %get3A_1564] {strides = array<i32>} : memref<3072x32xf32, #tpu.memory_space<vmem>>, vector<16xf32>,
      %add3A_1566 = arith.addf %get3A_1557, %get3A_1565 : vector<16xf32>
      %add3A_1567 = arith.constant 128 : i32
      %add3A_1568 = arith.addi %add3A_1554, %add3A_1567 : i32
      %get3A_1569 = arith.index_cast %add3A_1568 : i32 to index
      %get3A_1570 = arith.constant 16 : index
      %get3A_1571 = tpu.vector_load %arg6[%get3A_1569, %get3A_1570] {strides = array<i32>} : memref<3072x32xf32, #tpu.memory_space<vmem>>, vector<16xf32>,
      %add3A_1572 = arith.addf %get3A_1560, %get3A_1571 : vector<16xf32>
      %add3A_1573 = arith.constant 256 : i32
      %add3A_1574 = arith.addi %add3A_1554, %add3A_1573 : i32
      %get3A_1575 = arith.index_cast %add3A_1574 : i32 to index
      %get3A_1576 = arith.constant 0 : index
      %get3A_1577 = tpu.vector_load %arg6[%get3A_1575, %get3A_1576] {strides = array<i32>} : memref<3072x32xf32, #tpu.memory_space<vmem>>, vector<16xf32>,
      %add3A_1578 = arith.addf %add3A_1566, %get3A_1577 : vector<16xf32>
      %add3A_1579 = arith.constant 256 : i32
      %add3A_1580 = arith.addi %add3A_1554, %add3A_1579 : i32
      %get3A_1581 = arith.index_cast %add3A_1580 : i32 to index
      %get3A_1582 = arith.constant 16 : index
      %get3A_1583 = tpu.vector_load %arg6[%get3A_1581, %get3A_1582] {strides = array<i32>} : memref<3072x32xf32, #tpu.memory_space<vmem>>, vector<16xf32>,
      %add3A_1584 = arith.addf %add3A_1572, %get3A_1583 : vector<16xf32>
      %add3A_1585 = arith.constant 384 : i32
      %add3A_1586 = arith.addi %add3A_1554, %add3A_1585 : i32
      %get3A_1587 = arith.index_cast %add3A_1586 : i32 to index
      %get3A_1588 = arith.constant 0 : index
      %get3A_1589 = tpu.vector_load %arg6[%get3A_1587, %get3A_1588] {strides = array<i32>} : memref<3072x32xf32, #tpu.memory_space<vmem>>, vector<16xf32>,
      %add3A_1590 = arith.addf %add3A_1578, %get3A_1589 : vector<16xf32>
      %add3A_1591 = arith.constant 384 : i32
      %add3A_1592 = arith.addi %add3A_1554, %add3A_1591 : i32
      %get3A_1593 = arith.index_cast %add3A_1592 : i32 to index
      %get3A_1594 = arith.constant 16 : index
      %get3A_1595 = tpu.vector_load %arg6[%get3A_1593, %get3A_1594] {strides = array<i32>} : memref<3072x32xf32, #tpu.memory_space<vmem>>, vector<16xf32>,
      %add3A_1596 = arith.addf %add3A_1584, %get3A_1595 : vector<16xf32>
      %add3A_1597 = arith.constant 512 : i32
      %add3A_1598 = arith.addi %add3A_1554, %add3A_1597 : i32
      %get3A_1599 = arith.index_cast %add3A_1598 : i32 to index
      %get3A_1600 = arith.constant 0 : index
      %get3A_1601 = tpu.vector_load %arg6[%get3A_1599, %get3A_1600] {strides = array<i32>} : memref<3072x32xf32, #tpu.memory_space<vmem>>, vector<16xf32>,
      %add3A_1602 = arith.addf %add3A_1590, %get3A_1601 : vector<16xf32>
      %add3A_1603 = arith.constant 512 : i32
      %add3A_1604 = arith.addi %add3A_1554, %add3A_1603 : i32
      %get3A_1605 = arith.index_cast %add3A_1604 : i32 to index
      %get3A_1606 = arith.constant 16 : index
      %get3A_1607 = tpu.vector_load %arg6[%get3A_1605, %get3A_1606] {strides = array<i32>} : memref<3072x32xf32, #tpu.memory_space<vmem>>, vector<16xf32>,
      %add3A_1608 = arith.addf %add3A_1596, %get3A_1607 : vector<16xf32>
      %add3A_1609 = arith.constant 640 : i32
      %add3A_1610 = arith.addi %add3A_1554, %add3A_1609 : i32
      %get3A_1611 = arith.index_cast %add3A_1610 : i32 to index
      %get3A_1612 = arith.constant 0 : index
      %get3A_1613 = tpu.vector_load %arg6[%get3A_1611, %get3A_1612] {strides = array<i32>} : memref<3072x32xf32, #tpu.memory_space<vmem>>, vector<16xf32>,
      %add3A_1614 = arith.addf %add3A_1602, %get3A_1613 : vector<16xf32>
      %add3A_1615 = arith.constant 640 : i32
      %add3A_1616 = arith.addi %add3A_1554, %add3A_1615 : i32
      %get3A_1617 = arith.index_cast %add3A_1616 : i32 to index
      %get3A_1618 = arith.constant 16 : index
      %get3A_1619 = tpu.vector_load %arg6[%get3A_1617, %get3A_1618] {strides = array<i32>} : memref<3072x32xf32, #tpu.memory_space<vmem>>, vector<16xf32>,
      %add3A_1620 = arith.addf %add3A_1608, %get3A_1619 : vector<16xf32>
      %add3A_1621 = arith.constant 768 : i32
      %add3A_1622 = arith.addi %add3A_1554, %add3A_1621 : i32
      %get3A_1623 = arith.index_cast %add3A_1622 : i32 to index
      %get3A_1624 = arith.constant 0 : index
      %get3A_1625 = tpu.vector_load %arg6[%get3A_1623, %get3A_1624] {strides = array<i32>} : memref<3072x32xf32, #tpu.memory_space<vmem>>, vector<16xf32>,
      %add3A_1626 = arith.addf %add3A_1614, %get3A_1625 : vector<16xf32>
      %add3A_1627 = arith.constant 768 : i32
      %add3A_1628 = arith.addi %add3A_1554, %add3A_1627 : i32
      %get3A_1629 = arith.index_cast %add3A_1628 : i32 to index
      %get3A_1630 = arith.constant 16 : index
      %get3A_1631 = tpu.vector_load %arg6[%get3A_1629, %get3A_1630] {strides = array<i32>} : memref<3072x32xf32, #tpu.memory_space<vmem>>, vector<16xf32>,
      %add3A_1632 = arith.addf %add3A_1620, %get3A_1631 : vector<16xf32>
      %add3A_1633 = arith.constant 896 : i32
      %add3A_1634 = arith.addi %add3A_1554, %add3A_1633 : i32
      %get3A_1635 = arith.index_cast %add3A_1634 : i32 to index
      %get3A_1636 = arith.constant 0 : index
      %get3A_1637 = tpu.vector_load %arg6[%get3A_1635, %get3A_1636] {strides = array<i32>} : memref<3072x32xf32, #tpu.memory_space<vmem>>, vector<16xf32>,
      %add3A_1638 = arith.addf %add3A_1626, %get3A_1637 : vector<16xf32>
      %add3A_1639 = arith.constant 896 : i32
      %add3A_1640 = arith.addi %add3A_1554, %add3A_1639 : i32
      %get3A_1641 = arith.index_cast %add3A_1640 : i32 to index
      %get3A_1642 = arith.constant 16 : index
      %get3A_1643 = tpu.vector_load %arg6[%get3A_1641, %get3A_1642] {strides = array<i32>} : memref<3072x32xf32, #tpu.memory_space<vmem>>, vector<16xf32>,
      %add3A_1644 = arith.addf %add3A_1632, %get3A_1643 : vector<16xf32>
      %add3A_1645 = arith.constant 1024 : i32
      %add3A_1646 = arith.addi %add3A_1554, %add3A_1645 : i32
      %get3A_1647 = arith.index_cast %add3A_1646 : i32 to index
      %get3A_1648 = arith.constant 0 : index
      %get3A_1649 = tpu.vector_load %arg6[%get3A_1647, %get3A_1648] {strides = array<i32>} : memref<3072x32xf32, #tpu.memory_space<vmem>>, vector<16xf32>,
      %add3A_1650 = arith.addf %add3A_1638, %get3A_1649 : vector<16xf32>
      %add3A_1651 = arith.constant 1024 : i32
      %add3A_1652 = arith.addi %add3A_1554, %add3A_1651 : i32
      %get3A_1653 = arith.index_cast %add3A_1652 : i32 to index
      %get3A_1654 = arith.constant 16 : index
      %get3A_1655 = tpu.vector_load %arg6[%get3A_1653, %get3A_1654] {strides = array<i32>} : memref<3072x32xf32, #tpu.memory_space<vmem>>, vector<16xf32>,
      %add3A_1656 = arith.addf %add3A_1644, %get3A_1655 : vector<16xf32>
      %add3A_1657 = arith.constant 1152 : i32
      %add3A_1658 = arith.addi %add3A_1554, %add3A_1657 : i32
      %get3A_1659 = arith.index_cast %add3A_1658 : i32 to index
      %get3A_1660 = arith.constant 0 : index
      %get3A_1661 = tpu.vector_load %arg6[%get3A_1659, %get3A_1660] {strides = array<i32>} : memref<3072x32xf32, #tpu.memory_space<vmem>>, vector<16xf32>,
      %add3A_1662 = arith.addf %add3A_1650, %get3A_1661 : vector<16xf32>
      %add3A_1663 = arith.constant 1152 : i32
      %add3A_1664 = arith.addi %add3A_1554, %add3A_1663 : i32
      %get3A_1665 = arith.index_cast %add3A_1664 : i32 to index
      %get3A_1666 = arith.constant 16 : index
      %get3A_1667 = tpu.vector_load %arg6[%get3A_1665, %get3A_1666] {strides = array<i32>} : memref<3072x32xf32, #tpu.memory_space<vmem>>, vector<16xf32>,
      %add3A_1668 = arith.addf %add3A_1656, %get3A_1667 : vector<16xf32>
      %add3A_1669 = arith.constant 1280 : i32
      %add3A_1670 = arith.addi %add3A_1554, %add3A_1669 : i32
      %get3A_1671 = arith.index_cast %add3A_1670 : i32 to index
      %get3A_1672 = arith.constant 0 : index
      %get3A_1673 = tpu.vector_load %arg6[%get3A_1671, %get3A_1672] {strides = array<i32>} : memref<3072x32xf32, #tpu.memory_space<vmem>>, vector<16xf32>,
      %add3A_1674 = arith.addf %add3A_1662, %get3A_1673 : vector<16xf32>
      %add3A_1675 = arith.constant 1280 : i32
      %add3A_1676 = arith.addi %add3A_1554, %add3A_1675 : i32
      %get3A_1677 = arith.index_cast %add3A_1676 : i32 to index
      %get3A_1678 = arith.constant 16 : index
      %get3A_1679 = tpu.vector_load %arg6[%get3A_1677, %get3A_1678] {strides = array<i32>} : memref<3072x32xf32, #tpu.memory_space<vmem>>, vector<16xf32>,
      %add3A_1680 = arith.addf %add3A_1668, %get3A_1679 : vector<16xf32>
      %add3A_1681 = arith.constant 1408 : i32
      %add3A_1682 = arith.addi %add3A_1554, %add3A_1681 : i32
      %get3A_1683 = arith.index_cast %add3A_1682 : i32 to index
      %get3A_1684 = arith.constant 0 : index
      %get3A_1685 = tpu.vector_load %arg6[%get3A_1683, %get3A_1684] {strides = array<i32>} : memref<3072x32xf32, #tpu.memory_space<vmem>>, vector<16xf32>,
      %add3A_1686 = arith.addf %add3A_1674, %get3A_1685 : vector<16xf32>
      %add3A_1687 = arith.constant 1408 : i32
      %add3A_1688 = arith.addi %add3A_1554, %add3A_1687 : i32
      %get3A_1689 = arith.index_cast %add3A_1688 : i32 to index
      %get3A_1690 = arith.constant 16 : index
      %get3A_1691 = tpu.vector_load %arg6[%get3A_1689, %get3A_1690] {strides = array<i32>} : memref<3072x32xf32, #tpu.memory_space<vmem>>, vector<16xf32>,
      %add3A_1692 = arith.addf %add3A_1680, %get3A_1691 : vector<16xf32>
      %mul3A_1693 = arith.constant 0 : i32
      %mul3A_1694 = vector.broadcast %mul3A_1693 : i32 to vector<16xi32>
      %mul3A_1695 = arith.muli %iota3A, %mul3A_1694 : vector<16xi32>
      %add3A_1696 = vector.broadcast %add3A_1552 : i32 to vector<16xi32>
      %add3A_1697 = arith.addi %mul3A_1695, %add3A_1696 : vector<16xi32>
      %mul3A_1698 = arith.constant 0.0833333358 : f32
      %mul3A_1699 = vector.broadcast %mul3A_1698 : f32 to vector<16xf32>
      %mul3A_1700 = arith.mulf %add3A_1686, %mul3A_1699 : vector<16xf32>
      %scatter3A_1701 = arith.constant 0 : i32
      %scatter3A_1702 = arith.constant 0 : i32
      %scatter3A_1703 = arith.constant 0 : i32
      %scatter3A_1704 = tpu.memref_slice %arg7[%scatter3A_1701, %scatter3A_1702, %scatter3A_1703] : memref<2x32x128xf32, #tpu.memory_space<vmem>> -> memref<1x32x128xf32, #tpu.memory_space<vmem>>
      %scatter3A_1705 = tpu.memref_squeeze %scatter3A_1704 : memref<1x32x128xf32, #tpu.memory_space<vmem>> -> memref<32x128xf32, #tpu.memory_space<vmem>>
      tpu.vector_store_idx %scatter3A_1705[%iota3A, %add3A_1697], %mul3A_1700 : memref<32x128xf32, #tpu.memory_space<vmem>>[vector<16xi32>, vector<16xi32>], vector<16xf32>,
      %mul3A_1706 = arith.constant 0.0833333358 : f32
      %mul3A_1707 = vector.broadcast %mul3A_1706 : f32 to vector<16xf32>
      %mul3A_1708 = arith.mulf %add3A_1692, %mul3A_1707 : vector<16xf32>
      %scatter3A_1709 = arith.constant 0 : i32
      %scatter3A_1710 = arith.constant 0 : i32
      %scatter3A_1711 = arith.constant 0 : i32
      %scatter3A_1712 = tpu.memref_slice %arg7[%scatter3A_1709, %scatter3A_1710, %scatter3A_1711] : memref<2x32x128xf32, #tpu.memory_space<vmem>> -> memref<1x32x128xf32, #tpu.memory_space<vmem>>
      %scatter3A_1713 = tpu.memref_squeeze %scatter3A_1712 : memref<1x32x128xf32, #tpu.memory_space<vmem>> -> memref<32x128xf32, #tpu.memory_space<vmem>>
      tpu.vector_store_idx %scatter3A_1713[%add3A_3, %add3A_1697], %mul3A_1708 : memref<32x128xf32, #tpu.memory_space<vmem>>[vector<16xi32>, vector<16xi32>], vector<16xf32>,
      %mul3A_1714 = arith.constant 4 : i32
      %mul3A_1715 = arith.muli %scan3A_1220, %mul3A_1714 : i32
      %add3A_1716 = arith.constant 3 : i32
      %add3A_1717 = arith.addi %mul3A_1715, %add3A_1716 : i32
      %add3A_1718 = arith.constant 0 : i32
      %add3A_1719 = arith.addi %add3A_1718, %add3A_1717 : i32
      %get3A_1720 = arith.index_cast %add3A_1719 : i32 to index
      %get3A_1721 = arith.constant 0 : index
      %get3A_1722 = tpu.vector_load %arg6[%get3A_1720, %get3A_1721] {strides = array<i32>} : memref<3072x32xf32, #tpu.memory_space<vmem>>, vector<16xf32>,
      %get3A_1723 = arith.index_cast %add3A_1719 : i32 to index
      %get3A_1724 = arith.constant 16 : index
      %get3A_1725 = tpu.vector_load %arg6[%get3A_1723, %get3A_1724] {strides = array<i32>} : memref<3072x32xf32, #tpu.memory_space<vmem>>, vector<16xf32>,
      %add3A_1726 = arith.constant 128 : i32
      %add3A_1727 = arith.addi %add3A_1719, %add3A_1726 : i32
      %get3A_1728 = arith.index_cast %add3A_1727 : i32 to index
      %get3A_1729 = arith.constant 0 : index
      %get3A_1730 = tpu.vector_load %arg6[%get3A_1728, %get3A_1729] {strides = array<i32>} : memref<3072x32xf32, #tpu.memory_space<vmem>>, vector<16xf32>,
      %add3A_1731 = arith.addf %get3A_1722, %get3A_1730 : vector<16xf32>
      %add3A_1732 = arith.constant 128 : i32
      %add3A_1733 = arith.addi %add3A_1719, %add3A_1732 : i32
      %get3A_1734 = arith.index_cast %add3A_1733 : i32 to index
      %get3A_1735 = arith.constant 16 : index
      %get3A_1736 = tpu.vector_load %arg6[%get3A_1734, %get3A_1735] {strides = array<i32>} : memref<3072x32xf32, #tpu.memory_space<vmem>>, vector<16xf32>,
      %add3A_1737 = arith.addf %get3A_1725, %get3A_1736 : vector<16xf32>
      %add3A_1738 = arith.constant 256 : i32
      %add3A_1739 = arith.addi %add3A_1719, %add3A_1738 : i32
      %get3A_1740 = arith.index_cast %add3A_1739 : i32 to index
      %get3A_1741 = arith.constant 0 : index
      %get3A_1742 = tpu.vector_load %arg6[%get3A_1740, %get3A_1741] {strides = array<i32>} : memref<3072x32xf32, #tpu.memory_space<vmem>>, vector<16xf32>,
      %add3A_1743 = arith.addf %add3A_1731, %get3A_1742 : vector<16xf32>
      %add3A_1744 = arith.constant 256 : i32
      %add3A_1745 = arith.addi %add3A_1719, %add3A_1744 : i32
      %get3A_1746 = arith.index_cast %add3A_1745 : i32 to index
      %get3A_1747 = arith.constant 16 : index
      %get3A_1748 = tpu.vector_load %arg6[%get3A_1746, %get3A_1747] {strides = array<i32>} : memref<3072x32xf32, #tpu.memory_space<vmem>>, vector<16xf32>,
      %add3A_1749 = arith.addf %add3A_1737, %get3A_1748 : vector<16xf32>
      %add3A_1750 = arith.constant 384 : i32
      %add3A_1751 = arith.addi %add3A_1719, %add3A_1750 : i32
      %get3A_1752 = arith.index_cast %add3A_1751 : i32 to index
      %get3A_1753 = arith.constant 0 : index
      %get3A_1754 = tpu.vector_load %arg6[%get3A_1752, %get3A_1753] {strides = array<i32>} : memref<3072x32xf32, #tpu.memory_space<vmem>>, vector<16xf32>,
      %add3A_1755 = arith.addf %add3A_1743, %get3A_1754 : vector<16xf32>
      %add3A_1756 = arith.constant 384 : i32
      %add3A_1757 = arith.addi %add3A_1719, %add3A_1756 : i32
      %get3A_1758 = arith.index_cast %add3A_1757 : i32 to index
      %get3A_1759 = arith.constant 16 : index
      %get3A_1760 = tpu.vector_load %arg6[%get3A_1758, %get3A_1759] {strides = array<i32>} : memref<3072x32xf32, #tpu.memory_space<vmem>>, vector<16xf32>,
      %add3A_1761 = arith.addf %add3A_1749, %get3A_1760 : vector<16xf32>
      %add3A_1762 = arith.constant 512 : i32
      %add3A_1763 = arith.addi %add3A_1719, %add3A_1762 : i32
      %get3A_1764 = arith.index_cast %add3A_1763 : i32 to index
      %get3A_1765 = arith.constant 0 : index
      %get3A_1766 = tpu.vector_load %arg6[%get3A_1764, %get3A_1765] {strides = array<i32>} : memref<3072x32xf32, #tpu.memory_space<vmem>>, vector<16xf32>,
      %add3A_1767 = arith.addf %add3A_1755, %get3A_1766 : vector<16xf32>
      %add3A_1768 = arith.constant 512 : i32
      %add3A_1769 = arith.addi %add3A_1719, %add3A_1768 : i32
      %get3A_1770 = arith.index_cast %add3A_1769 : i32 to index
      %get3A_1771 = arith.constant 16 : index
      %get3A_1772 = tpu.vector_load %arg6[%get3A_1770, %get3A_1771] {strides = array<i32>} : memref<3072x32xf32, #tpu.memory_space<vmem>>, vector<16xf32>,
      %add3A_1773 = arith.addf %add3A_1761, %get3A_1772 : vector<16xf32>
      %add3A_1774 = arith.constant 640 : i32
      %add3A_1775 = arith.addi %add3A_1719, %add3A_1774 : i32
      %get3A_1776 = arith.index_cast %add3A_1775 : i32 to index
      %get3A_1777 = arith.constant 0 : index
      %get3A_1778 = tpu.vector_load %arg6[%get3A_1776, %get3A_1777] {strides = array<i32>} : memref<3072x32xf32, #tpu.memory_space<vmem>>, vector<16xf32>,
      %add3A_1779 = arith.addf %add3A_1767, %get3A_1778 : vector<16xf32>
      %add3A_1780 = arith.constant 640 : i32
      %add3A_1781 = arith.addi %add3A_1719, %add3A_1780 : i32
      %get3A_1782 = arith.index_cast %add3A_1781 : i32 to index
      %get3A_1783 = arith.constant 16 : index
      %get3A_1784 = tpu.vector_load %arg6[%get3A_1782, %get3A_1783] {strides = array<i32>} : memref<3072x32xf32, #tpu.memory_space<vmem>>, vector<16xf32>,
      %add3A_1785 = arith.addf %add3A_1773, %get3A_1784 : vector<16xf32>
      %add3A_1786 = arith.constant 768 : i32
      %add3A_1787 = arith.addi %add3A_1719, %add3A_1786 : i32
      %get3A_1788 = arith.index_cast %add3A_1787 : i32 to index
      %get3A_1789 = arith.constant 0 : index
      %get3A_1790 = tpu.vector_load %arg6[%get3A_1788, %get3A_1789] {strides = array<i32>} : memref<3072x32xf32, #tpu.memory_space<vmem>>, vector<16xf32>,
      %add3A_1791 = arith.addf %add3A_1779, %get3A_1790 : vector<16xf32>
      %add3A_1792 = arith.constant 768 : i32
      %add3A_1793 = arith.addi %add3A_1719, %add3A_1792 : i32
      %get3A_1794 = arith.index_cast %add3A_1793 : i32 to index
      %get3A_1795 = arith.constant 16 : index
      %get3A_1796 = tpu.vector_load %arg6[%get3A_1794, %get3A_1795] {strides = array<i32>} : memref<3072x32xf32, #tpu.memory_space<vmem>>, vector<16xf32>,
      %add3A_1797 = arith.addf %add3A_1785, %get3A_1796 : vector<16xf32>
      %add3A_1798 = arith.constant 896 : i32
      %add3A_1799 = arith.addi %add3A_1719, %add3A_1798 : i32
      %get3A_1800 = arith.index_cast %add3A_1799 : i32 to index
      %get3A_1801 = arith.constant 0 : index
      %get3A_1802 = tpu.vector_load %arg6[%get3A_1800, %get3A_1801] {strides = array<i32>} : memref<3072x32xf32, #tpu.memory_space<vmem>>, vector<16xf32>,
      %add3A_1803 = arith.addf %add3A_1791, %get3A_1802 : vector<16xf32>
      %add3A_1804 = arith.constant 896 : i32
      %add3A_1805 = arith.addi %add3A_1719, %add3A_1804 : i32
      %get3A_1806 = arith.index_cast %add3A_1805 : i32 to index
      %get3A_1807 = arith.constant 16 : index
      %get3A_1808 = tpu.vector_load %arg6[%get3A_1806, %get3A_1807] {strides = array<i32>} : memref<3072x32xf32, #tpu.memory_space<vmem>>, vector<16xf32>,
      %add3A_1809 = arith.addf %add3A_1797, %get3A_1808 : vector<16xf32>
      %add3A_1810 = arith.constant 1024 : i32
      %add3A_1811 = arith.addi %add3A_1719, %add3A_1810 : i32
      %get3A_1812 = arith.index_cast %add3A_1811 : i32 to index
      %get3A_1813 = arith.constant 0 : index
      %get3A_1814 = tpu.vector_load %arg6[%get3A_1812, %get3A_1813] {strides = array<i32>} : memref<3072x32xf32, #tpu.memory_space<vmem>>, vector<16xf32>,
      %add3A_1815 = arith.addf %add3A_1803, %get3A_1814 : vector<16xf32>
      %add3A_1816 = arith.constant 1024 : i32
      %add3A_1817 = arith.addi %add3A_1719, %add3A_1816 : i32
      %get3A_1818 = arith.index_cast %add3A_1817 : i32 to index
      %get3A_1819 = arith.constant 16 : index
      %get3A_1820 = tpu.vector_load %arg6[%get3A_1818, %get3A_1819] {strides = array<i32>} : memref<3072x32xf32, #tpu.memory_space<vmem>>, vector<16xf32>,
      %add3A_1821 = arith.addf %add3A_1809, %get3A_1820 : vector<16xf32>
      %add3A_1822 = arith.constant 1152 : i32
      %add3A_1823 = arith.addi %add3A_1719, %add3A_1822 : i32
      %get3A_1824 = arith.index_cast %add3A_1823 : i32 to index
      %get3A_1825 = arith.constant 0 : index
      %get3A_1826 = tpu.vector_load %arg6[%get3A_1824, %get3A_1825] {strides = array<i32>} : memref<3072x32xf32, #tpu.memory_space<vmem>>, vector<16xf32>,
      %add3A_1827 = arith.addf %add3A_1815, %get3A_1826 : vector<16xf32>
      %add3A_1828 = arith.constant 1152 : i32
      %add3A_1829 = arith.addi %add3A_1719, %add3A_1828 : i32
      %get3A_1830 = arith.index_cast %add3A_1829 : i32 to index
      %get3A_1831 = arith.constant 16 : index
      %get3A_1832 = tpu.vector_load %arg6[%get3A_1830, %get3A_1831] {strides = array<i32>} : memref<3072x32xf32, #tpu.memory_space<vmem>>, vector<16xf32>,
      %add3A_1833 = arith.addf %add3A_1821, %get3A_1832 : vector<16xf32>
      %add3A_1834 = arith.constant 1280 : i32
      %add3A_1835 = arith.addi %add3A_1719, %add3A_1834 : i32
      %get3A_1836 = arith.index_cast %add3A_1835 : i32 to index
      %get3A_1837 = arith.constant 0 : index
      %get3A_1838 = tpu.vector_load %arg6[%get3A_1836, %get3A_1837] {strides = array<i32>} : memref<3072x32xf32, #tpu.memory_space<vmem>>, vector<16xf32>,
      %add3A_1839 = arith.addf %add3A_1827, %get3A_1838 : vector<16xf32>
      %add3A_1840 = arith.constant 1280 : i32
      %add3A_1841 = arith.addi %add3A_1719, %add3A_1840 : i32
      %get3A_1842 = arith.index_cast %add3A_1841 : i32 to index
      %get3A_1843 = arith.constant 16 : index
      %get3A_1844 = tpu.vector_load %arg6[%get3A_1842, %get3A_1843] {strides = array<i32>} : memref<3072x32xf32, #tpu.memory_space<vmem>>, vector<16xf32>,
      %add3A_1845 = arith.addf %add3A_1833, %get3A_1844 : vector<16xf32>
      %add3A_1846 = arith.constant 1408 : i32
      %add3A_1847 = arith.addi %add3A_1719, %add3A_1846 : i32
      %get3A_1848 = arith.index_cast %add3A_1847 : i32 to index
      %get3A_1849 = arith.constant 0 : index
      %get3A_1850 = tpu.vector_load %arg6[%get3A_1848, %get3A_1849] {strides = array<i32>} : memref<3072x32xf32, #tpu.memory_space<vmem>>, vector<16xf32>,
      %add3A_1851 = arith.addf %add3A_1839, %get3A_1850 : vector<16xf32>
      %add3A_1852 = arith.constant 1408 : i32
      %add3A_1853 = arith.addi %add3A_1719, %add3A_1852 : i32
      %get3A_1854 = arith.index_cast %add3A_1853 : i32 to index
      %get3A_1855 = arith.constant 16 : index
      %get3A_1856 = tpu.vector_load %arg6[%get3A_1854, %get3A_1855] {strides = array<i32>} : memref<3072x32xf32, #tpu.memory_space<vmem>>, vector<16xf32>,
      %add3A_1857 = arith.addf %add3A_1845, %get3A_1856 : vector<16xf32>
      %mul3A_1858 = arith.constant 0 : i32
      %mul3A_1859 = vector.broadcast %mul3A_1858 : i32 to vector<16xi32>
      %mul3A_1860 = arith.muli %iota3A, %mul3A_1859 : vector<16xi32>
      %add3A_1861 = vector.broadcast %add3A_1717 : i32 to vector<16xi32>
      %add3A_1862 = arith.addi %mul3A_1860, %add3A_1861 : vector<16xi32>
      %mul3A_1863 = arith.constant 0.0833333358 : f32
      %mul3A_1864 = vector.broadcast %mul3A_1863 : f32 to vector<16xf32>
      %mul3A_1865 = arith.mulf %add3A_1851, %mul3A_1864 : vector<16xf32>
      %scatter3A_1866 = arith.constant 0 : i32
      %scatter3A_1867 = arith.constant 0 : i32
      %scatter3A_1868 = arith.constant 0 : i32
      %scatter3A_1869 = tpu.memref_slice %arg7[%scatter3A_1866, %scatter3A_1867, %scatter3A_1868] : memref<2x32x128xf32, #tpu.memory_space<vmem>> -> memref<1x32x128xf32, #tpu.memory_space<vmem>>
      %scatter3A_1870 = tpu.memref_squeeze %scatter3A_1869 : memref<1x32x128xf32, #tpu.memory_space<vmem>> -> memref<32x128xf32, #tpu.memory_space<vmem>>
      tpu.vector_store_idx %scatter3A_1870[%iota3A, %add3A_1862], %mul3A_1865 : memref<32x128xf32, #tpu.memory_space<vmem>>[vector<16xi32>, vector<16xi32>], vector<16xf32>,
      %mul3A_1871 = arith.constant 0.0833333358 : f32
      %mul3A_1872 = vector.broadcast %mul3A_1871 : f32 to vector<16xf32>
      %mul3A_1873 = arith.mulf %add3A_1857, %mul3A_1872 : vector<16xf32>
      %scatter3A_1874 = arith.constant 0 : i32
      %scatter3A_1875 = arith.constant 0 : i32
      %scatter3A_1876 = arith.constant 0 : i32
      %scatter3A_1877 = tpu.memref_slice %arg7[%scatter3A_1874, %scatter3A_1875, %scatter3A_1876] : memref<2x32x128xf32, #tpu.memory_space<vmem>> -> memref<1x32x128xf32, #tpu.memory_space<vmem>>
      %scatter3A_1878 = tpu.memref_squeeze %scatter3A_1877 : memref<1x32x128xf32, #tpu.memory_space<vmem>> -> memref<32x128xf32, #tpu.memory_space<vmem>>
      tpu.vector_store_idx %scatter3A_1878[%add3A_3, %add3A_1862], %mul3A_1873 : memref<32x128xf32, #tpu.memory_space<vmem>>[vector<16xi32>, vector<16xi32>], vector<16xf32>,
    }
    %scan3A_411 = arith.constant 32 : i32
    %mul3A_412 = arith.constant 512 : i32
    %mul3A_413 = arith.muli %add3A, %mul3A_412 : i32
    %add3A_414 = arith.constant 0 : i32
    %add3A_415 = arith.addi %mul3A_413, %add3A_414 : i32
    %dma_start3A_416 = arith.constant 0 : i32
    %dma_start3A_417 = arith.constant 0 : i32
    %dma_start3A_418 = arith.constant 0 : i32
    %dma_start3A_419 = tpu.memref_slice %arg7[%dma_start3A_416, %dma_start3A_417, %dma_start3A_418] : memref<2x32x128xf32, #tpu.memory_space<vmem>> -> memref<1x32x128xf32, #tpu.memory_space<vmem>>
    %dma_start3A_420 = tpu.memref_squeeze %dma_start3A_419 : memref<1x32x128xf32, #tpu.memory_space<vmem>> -> memref<32x128xf32, #tpu.memory_space<vmem>>
    %dma_start3A_421 = arith.constant 0 : i32
    %dma_start3A_422 = tpu.memref_slice %arg4[%dma_start3A_421, %add3A_415] : memref<32x16384xf32, #tpu.memory_space<hbm>> -> memref<32x128xf32, #tpu.memory_space<hbm>>
    %dma_start3A_423 = arith.constant 0 : i32
    %dma_start3A_424 = tpu.memref_slice %arg4[%dma_start3A_423, %add3A_415] : memref<32x16384xf32, #tpu.memory_space<hbm>> -> memref<32x128xf32, #tpu.memory_space<hbm>>
    %dma_start3A_425 = arith.constant 0 : i32
    %dma_start3A_426 = arith.constant 0 : i32
    %dma_start3A_427 = tpu.memref_slice %arg7[%dma_start3A_416, %dma_start3A_425, %dma_start3A_426] : memref<2x32x128xf32, #tpu.memory_space<vmem>> -> memref<1x32x128xf32, #tpu.memory_space<vmem>>
    %dma_start3A_428 = tpu.memref_squeeze %dma_start3A_427 : memref<1x32x128xf32, #tpu.memory_space<vmem>> -> memref<32x128xf32, #tpu.memory_space<vmem>>
    tpu.enqueue_dma source(%dma_start3A_428 : memref<32x128xf32, #tpu.memory_space<vmem>>) target(%dma_start3A_424 : memref<32x128xf32, #tpu.memory_space<hbm>>) target_semaphore(%arg9 : memref<!tpu.dma_semaphore, #tpu.memory_space<semaphore_mem>>)
    %mul3A_429 = arith.constant 512 : i32
    %mul3A_430 = arith.muli %add3A, %mul3A_429 : i32
    %add3A_431 = arith.constant 256 : i32
    %add3A_432 = arith.addi %mul3A_430, %add3A_431 : i32
    %run_scoped3A_433 = arith.constant 0 : i32
    "tpu.region"() ({
      %run_scoped3A_1220 = tpu.sem_alloc : memref<!tpu.dma_semaphore, #tpu.memory_space<semaphore_mem>>
      %dma_start3A_1221 = arith.constant 0 : i32
      %dma_start3A_1222 = arith.constant 0 : i32
      %dma_start3A_1223 = tpu.memref_slice %arg5[%run_scoped3A_433, %dma_start3A_1221, %dma_start3A_1222] : memref<2x12x128xi32, #tpu.memory_space<vmem>> -> memref<1x12x128xi32, #tpu.memory_space<vmem>>
      %dma_start3A_1224 = tpu.memref_squeeze %dma_start3A_1223 : memref<1x12x128xi32, #tpu.memory_space<vmem>> -> memref<12x128xi32, #tpu.memory_space<vmem>>
      %dma_start3A_1225 = arith.constant 0 : i32
      %dma_start3A_1226 = tpu.memref_slice %arg2[%dma_start3A_1225, %add3A_432] : memref<12x16384xi32, #tpu.memory_space<hbm>> -> memref<12x128xi32, #tpu.memory_space<hbm>>
      %dma_start3A_1227 = arith.constant 0 : i32
      %dma_start3A_1228 = arith.constant 0 : i32
      %dma_start3A_1229 = tpu.memref_slice %arg5[%run_scoped3A_433, %dma_start3A_1227, %dma_start3A_1228] : memref<2x12x128xi32, #tpu.memory_space<vmem>> -> memref<1x12x128xi32, #tpu.memory_space<vmem>>
      %dma_start3A_1230 = tpu.memref_squeeze %dma_start3A_1229 : memref<1x12x128xi32, #tpu.memory_space<vmem>> -> memref<12x128xi32, #tpu.memory_space<vmem>>
      %dma_start3A_1231 = arith.constant 0 : i32
      %dma_start3A_1232 = tpu.memref_slice %arg2[%dma_start3A_1231, %add3A_432] : memref<12x16384xi32, #tpu.memory_space<hbm>> -> memref<12x128xi32, #tpu.memory_space<hbm>>
      tpu.enqueue_dma source(%dma_start3A_1232 : memref<12x128xi32, #tpu.memory_space<hbm>>) target(%dma_start3A_1230 : memref<12x128xi32, #tpu.memory_space<vmem>>) target_semaphore(%run_scoped3A_1220 : memref<!tpu.dma_semaphore, #tpu.memory_space<semaphore_mem>>)
      %dma_wait3A_1233 = arith.constant 0 : i32
      %dma_wait3A_1234 = arith.constant 0 : i32
      %dma_wait3A_1235 = tpu.memref_slice %arg5[%run_scoped3A_433, %dma_wait3A_1233, %dma_wait3A_1234] : memref<2x12x128xi32, #tpu.memory_space<vmem>> -> memref<1x12x128xi32, #tpu.memory_space<vmem>>
      %dma_wait3A_1236 = tpu.memref_squeeze %dma_wait3A_1235 : memref<1x12x128xi32, #tpu.memory_space<vmem>> -> memref<12x128xi32, #tpu.memory_space<vmem>>
      %dma_wait3A_1237 = arith.constant 0 : i32
      %dma_wait3A_1238 = tpu.memref_slice %arg2[%dma_wait3A_1237, %add3A_432] : memref<12x16384xi32, #tpu.memory_space<hbm>> -> memref<12x128xi32, #tpu.memory_space<hbm>>
      %dma_wait3A_1239 = arith.constant 0 : i32
      %dma_wait3A_1240 = arith.constant 0 : i32
      %dma_wait3A_1241 = tpu.memref_slice %arg5[%run_scoped3A_433, %dma_wait3A_1239, %dma_wait3A_1240] : memref<2x12x128xi32, #tpu.memory_space<vmem>> -> memref<1x12x128xi32, #tpu.memory_space<vmem>>
      %dma_wait3A_1242 = tpu.memref_squeeze %dma_wait3A_1241 : memref<1x12x128xi32, #tpu.memory_space<vmem>> -> memref<12x128xi32, #tpu.memory_space<vmem>>
      %dma_wait3A_1243 = arith.constant 0 : i32
      %dma_wait3A_1244 = tpu.memref_slice %arg2[%dma_wait3A_1243, %add3A_432] : memref<12x16384xi32, #tpu.memory_space<hbm>> -> memref<12x128xi32, #tpu.memory_space<hbm>>
      tpu.wait_dma2 semaphore(%run_scoped3A_1220 : memref<!tpu.dma_semaphore, #tpu.memory_space<semaphore_mem>>) src(%dma_wait3A_1244 : memref<12x128xi32, #tpu.memory_space<hbm>>) dst(%dma_wait3A_1242 : memref<12x128xi32, #tpu.memory_space<vmem>>)
      tpu.yield
    }) : () -> ()
    %dma_start3A_434 = arith.constant 0 : i32
    %dma_start3A_435 = arith.constant 0 : i32
    %dma_start3A_436 = arith.constant 0 : i32
    %dma_start3A_437 = arith.constant 0 : i32
    %dma_start3A_438 = tpu.memref_slice %arg6[%dma_start3A_436, %dma_start3A_437] : memref<3072x32xf32, #tpu.memory_space<vmem>> -> memref<128x32xf32, #tpu.memory_space<vmem>>
    %dma_start3A_439 = arith.constant 0 : i32
    %dma_start3A_440 = tpu.memref_slice %arg5[%dma_start3A_434, %dma_start3A_435, %dma_start3A_439] : memref<2x12x128xi32, #tpu.memory_space<vmem>> -> memref<1x1x128xi32, #tpu.memory_space<vmem>>
    %dma_start3A_441 = tpu.memref_squeeze %dma_start3A_440 : memref<1x1x128xi32, #tpu.memory_space<vmem>> -> memref<128xi32, #tpu.memory_space<vmem>>
    %dma_start3A_442 = arith.constant 0 : i32
    %dma_start3A_443 = arith.constant 0 : i32
    %dma_start3A_444 = tpu.memref_slice %arg3[%dma_start3A_442, %dma_start3A_443] : memref<100000x32xf32, #tpu.memory_space<hbm>> -> memref<100000x32xf32, #tpu.memory_space<hbm>>
    tpu.enqueue_indirect_dma source(%dma_start3A_444 : memref<100000x32xf32, #tpu.memory_space<hbm>>) target(%dma_start3A_438 : memref<128x32xf32, #tpu.memory_space<vmem>>) offsets(%dma_start3A_441 : memref<128xi32, #tpu.memory_space<vmem>>) semaphore(%arg8 : memref<!tpu.dma_semaphore, #tpu.memory_space<semaphore_mem>>)
    %dma_start3A_445 = arith.constant 0 : i32
    %dma_start3A_446 = arith.constant 1 : i32
    %dma_start3A_447 = arith.constant 128 : i32
    %dma_start3A_448 = arith.constant 0 : i32
    %dma_start3A_449 = tpu.memref_slice %arg6[%dma_start3A_447, %dma_start3A_448] : memref<3072x32xf32, #tpu.memory_space<vmem>> -> memref<128x32xf32, #tpu.memory_space<vmem>>
    %dma_start3A_450 = arith.constant 0 : i32
    %dma_start3A_451 = tpu.memref_slice %arg5[%dma_start3A_445, %dma_start3A_446, %dma_start3A_450] : memref<2x12x128xi32, #tpu.memory_space<vmem>> -> memref<1x1x128xi32, #tpu.memory_space<vmem>>
    %dma_start3A_452 = tpu.memref_squeeze %dma_start3A_451 : memref<1x1x128xi32, #tpu.memory_space<vmem>> -> memref<128xi32, #tpu.memory_space<vmem>>
    %dma_start3A_453 = arith.constant 0 : i32
    %dma_start3A_454 = arith.constant 0 : i32
    %dma_start3A_455 = tpu.memref_slice %arg3[%dma_start3A_453, %dma_start3A_454] : memref<100000x32xf32, #tpu.memory_space<hbm>> -> memref<100000x32xf32, #tpu.memory_space<hbm>>
    tpu.enqueue_indirect_dma source(%dma_start3A_455 : memref<100000x32xf32, #tpu.memory_space<hbm>>) target(%dma_start3A_449 : memref<128x32xf32, #tpu.memory_space<vmem>>) offsets(%dma_start3A_452 : memref<128xi32, #tpu.memory_space<vmem>>) semaphore(%arg8 : memref<!tpu.dma_semaphore, #tpu.memory_space<semaphore_mem>>)
    %dma_start3A_456 = arith.constant 0 : i32
    %dma_start3A_457 = arith.constant 2 : i32
    %dma_start3A_458 = arith.constant 256 : i32
    %dma_start3A_459 = arith.constant 0 : i32
    %dma_start3A_460 = tpu.memref_slice %arg6[%dma_start3A_458, %dma_start3A_459] : memref<3072x32xf32, #tpu.memory_space<vmem>> -> memref<128x32xf32, #tpu.memory_space<vmem>>
    %dma_start3A_461 = arith.constant 0 : i32
    %dma_start3A_462 = tpu.memref_slice %arg5[%dma_start3A_456, %dma_start3A_457, %dma_start3A_461] : memref<2x12x128xi32, #tpu.memory_space<vmem>> -> memref<1x1x128xi32, #tpu.memory_space<vmem>>
    %dma_start3A_463 = tpu.memref_squeeze %dma_start3A_462 : memref<1x1x128xi32, #tpu.memory_space<vmem>> -> memref<128xi32, #tpu.memory_space<vmem>>
    %dma_start3A_464 = arith.constant 0 : i32
    %dma_start3A_465 = arith.constant 0 : i32
    %dma_start3A_466 = tpu.memref_slice %arg3[%dma_start3A_464, %dma_start3A_465] : memref<100000x32xf32, #tpu.memory_space<hbm>> -> memref<100000x32xf32, #tpu.memory_space<hbm>>
    tpu.enqueue_indirect_dma source(%dma_start3A_466 : memref<100000x32xf32, #tpu.memory_space<hbm>>) target(%dma_start3A_460 : memref<128x32xf32, #tpu.memory_space<vmem>>) offsets(%dma_start3A_463 : memref<128xi32, #tpu.memory_space<vmem>>) semaphore(%arg8 : memref<!tpu.dma_semaphore, #tpu.memory_space<semaphore_mem>>)
    %dma_start3A_467 = arith.constant 0 : i32
    %dma_start3A_468 = arith.constant 3 : i32
    %dma_start3A_469 = arith.constant 384 : i32
    %dma_start3A_470 = arith.constant 0 : i32
    %dma_start3A_471 = tpu.memref_slice %arg6[%dma_start3A_469, %dma_start3A_470] : memref<3072x32xf32, #tpu.memory_space<vmem>> -> memref<128x32xf32, #tpu.memory_space<vmem>>
    %dma_start3A_472 = arith.constant 0 : i32
    %dma_start3A_473 = tpu.memref_slice %arg5[%dma_start3A_467, %dma_start3A_468, %dma_start3A_472] : memref<2x12x128xi32, #tpu.memory_space<vmem>> -> memref<1x1x128xi32, #tpu.memory_space<vmem>>
    %dma_start3A_474 = tpu.memref_squeeze %dma_start3A_473 : memref<1x1x128xi32, #tpu.memory_space<vmem>> -> memref<128xi32, #tpu.memory_space<vmem>>
    %dma_start3A_475 = arith.constant 0 : i32
    %dma_start3A_476 = arith.constant 0 : i32
    %dma_start3A_477 = tpu.memref_slice %arg3[%dma_start3A_475, %dma_start3A_476] : memref<100000x32xf32, #tpu.memory_space<hbm>> -> memref<100000x32xf32, #tpu.memory_space<hbm>>
    tpu.enqueue_indirect_dma source(%dma_start3A_477 : memref<100000x32xf32, #tpu.memory_space<hbm>>) target(%dma_start3A_471 : memref<128x32xf32, #tpu.memory_space<vmem>>) offsets(%dma_start3A_474 : memref<128xi32, #tpu.memory_space<vmem>>) semaphore(%arg8 : memref<!tpu.dma_semaphore, #tpu.memory_space<semaphore_mem>>)
    %dma_start3A_478 = arith.constant 0 : i32
    %dma_start3A_479 = arith.constant 4 : i32
    %dma_start3A_480 = arith.constant 512 : i32
    %dma_start3A_481 = arith.constant 0 : i32
    %dma_start3A_482 = tpu.memref_slice %arg6[%dma_start3A_480, %dma_start3A_481] : memref<3072x32xf32, #tpu.memory_space<vmem>> -> memref<128x32xf32, #tpu.memory_space<vmem>>
    %dma_start3A_483 = arith.constant 0 : i32
    %dma_start3A_484 = tpu.memref_slice %arg5[%dma_start3A_478, %dma_start3A_479, %dma_start3A_483] : memref<2x12x128xi32, #tpu.memory_space<vmem>> -> memref<1x1x128xi32, #tpu.memory_space<vmem>>
    %dma_start3A_485 = tpu.memref_squeeze %dma_start3A_484 : memref<1x1x128xi32, #tpu.memory_space<vmem>> -> memref<128xi32, #tpu.memory_space<vmem>>
    %dma_start3A_486 = arith.constant 0 : i32
    %dma_start3A_487 = arith.constant 0 : i32
    %dma_start3A_488 = tpu.memref_slice %arg3[%dma_start3A_486, %dma_start3A_487] : memref<100000x32xf32, #tpu.memory_space<hbm>> -> memref<100000x32xf32, #tpu.memory_space<hbm>>
    tpu.enqueue_indirect_dma source(%dma_start3A_488 : memref<100000x32xf32, #tpu.memory_space<hbm>>) target(%dma_start3A_482 : memref<128x32xf32, #tpu.memory_space<vmem>>) offsets(%dma_start3A_485 : memref<128xi32, #tpu.memory_space<vmem>>) semaphore(%arg8 : memref<!tpu.dma_semaphore, #tpu.memory_space<semaphore_mem>>)
    %dma_start3A_489 = arith.constant 0 : i32
    %dma_start3A_490 = arith.constant 5 : i32
    %dma_start3A_491 = arith.constant 640 : i32
    %dma_start3A_492 = arith.constant 0 : i32
    %dma_start3A_493 = tpu.memref_slice %arg6[%dma_start3A_491, %dma_start3A_492] : memref<3072x32xf32, #tpu.memory_space<vmem>> -> memref<128x32xf32, #tpu.memory_space<vmem>>
    %dma_start3A_494 = arith.constant 0 : i32
    %dma_start3A_495 = tpu.memref_slice %arg5[%dma_start3A_489, %dma_start3A_490, %dma_start3A_494] : memref<2x12x128xi32, #tpu.memory_space<vmem>> -> memref<1x1x128xi32, #tpu.memory_space<vmem>>
    %dma_start3A_496 = tpu.memref_squeeze %dma_start3A_495 : memref<1x1x128xi32, #tpu.memory_space<vmem>> -> memref<128xi32, #tpu.memory_space<vmem>>
    %dma_start3A_497 = arith.constant 0 : i32
    %dma_start3A_498 = arith.constant 0 : i32
    %dma_start3A_499 = tpu.memref_slice %arg3[%dma_start3A_497, %dma_start3A_498] : memref<100000x32xf32, #tpu.memory_space<hbm>> -> memref<100000x32xf32, #tpu.memory_space<hbm>>
    tpu.enqueue_indirect_dma source(%dma_start3A_499 : memref<100000x32xf32, #tpu.memory_space<hbm>>) target(%dma_start3A_493 : memref<128x32xf32, #tpu.memory_space<vmem>>) offsets(%dma_start3A_496 : memref<128xi32, #tpu.memory_space<vmem>>) semaphore(%arg8 : memref<!tpu.dma_semaphore, #tpu.memory_space<semaphore_mem>>)
    %dma_start3A_500 = arith.constant 0 : i32
    %dma_start3A_501 = arith.constant 6 : i32
    %dma_start3A_502 = arith.constant 768 : i32
    %dma_start3A_503 = arith.constant 0 : i32
    %dma_start3A_504 = tpu.memref_slice %arg6[%dma_start3A_502, %dma_start3A_503] : memref<3072x32xf32, #tpu.memory_space<vmem>> -> memref<128x32xf32, #tpu.memory_space<vmem>>
    %dma_start3A_505 = arith.constant 0 : i32
    %dma_start3A_506 = tpu.memref_slice %arg5[%dma_start3A_500, %dma_start3A_501, %dma_start3A_505] : memref<2x12x128xi32, #tpu.memory_space<vmem>> -> memref<1x1x128xi32, #tpu.memory_space<vmem>>
    %dma_start3A_507 = tpu.memref_squeeze %dma_start3A_506 : memref<1x1x128xi32, #tpu.memory_space<vmem>> -> memref<128xi32, #tpu.memory_space<vmem>>
    %dma_start3A_508 = arith.constant 0 : i32
    %dma_start3A_509 = arith.constant 0 : i32
    %dma_start3A_510 = tpu.memref_slice %arg3[%dma_start3A_508, %dma_start3A_509] : memref<100000x32xf32, #tpu.memory_space<hbm>> -> memref<100000x32xf32, #tpu.memory_space<hbm>>
    tpu.enqueue_indirect_dma source(%dma_start3A_510 : memref<100000x32xf32, #tpu.memory_space<hbm>>) target(%dma_start3A_504 : memref<128x32xf32, #tpu.memory_space<vmem>>) offsets(%dma_start3A_507 : memref<128xi32, #tpu.memory_space<vmem>>) semaphore(%arg8 : memref<!tpu.dma_semaphore, #tpu.memory_space<semaphore_mem>>)
    %dma_start3A_511 = arith.constant 0 : i32
    %dma_start3A_512 = arith.constant 7 : i32
    %dma_start3A_513 = arith.constant 896 : i32
    %dma_start3A_514 = arith.constant 0 : i32
    %dma_start3A_515 = tpu.memref_slice %arg6[%dma_start3A_513, %dma_start3A_514] : memref<3072x32xf32, #tpu.memory_space<vmem>> -> memref<128x32xf32, #tpu.memory_space<vmem>>
    %dma_start3A_516 = arith.constant 0 : i32
    %dma_start3A_517 = tpu.memref_slice %arg5[%dma_start3A_511, %dma_start3A_512, %dma_start3A_516] : memref<2x12x128xi32, #tpu.memory_space<vmem>> -> memref<1x1x128xi32, #tpu.memory_space<vmem>>
    %dma_start3A_518 = tpu.memref_squeeze %dma_start3A_517 : memref<1x1x128xi32, #tpu.memory_space<vmem>> -> memref<128xi32, #tpu.memory_space<vmem>>
    %dma_start3A_519 = arith.constant 0 : i32
    %dma_start3A_520 = arith.constant 0 : i32
    %dma_start3A_521 = tpu.memref_slice %arg3[%dma_start3A_519, %dma_start3A_520] : memref<100000x32xf32, #tpu.memory_space<hbm>> -> memref<100000x32xf32, #tpu.memory_space<hbm>>
    tpu.enqueue_indirect_dma source(%dma_start3A_521 : memref<100000x32xf32, #tpu.memory_space<hbm>>) target(%dma_start3A_515 : memref<128x32xf32, #tpu.memory_space<vmem>>) offsets(%dma_start3A_518 : memref<128xi32, #tpu.memory_space<vmem>>) semaphore(%arg8 : memref<!tpu.dma_semaphore, #tpu.memory_space<semaphore_mem>>)
    %dma_start3A_522 = arith.constant 0 : i32
    %dma_start3A_523 = arith.constant 8 : i32
    %dma_start3A_524 = arith.constant 1024 : i32
    %dma_start3A_525 = arith.constant 0 : i32
    %dma_start3A_526 = tpu.memref_slice %arg6[%dma_start3A_524, %dma_start3A_525] : memref<3072x32xf32, #tpu.memory_space<vmem>> -> memref<128x32xf32, #tpu.memory_space<vmem>>
    %dma_start3A_527 = arith.constant 0 : i32
    %dma_start3A_528 = tpu.memref_slice %arg5[%dma_start3A_522, %dma_start3A_523, %dma_start3A_527] : memref<2x12x128xi32, #tpu.memory_space<vmem>> -> memref<1x1x128xi32, #tpu.memory_space<vmem>>
    %dma_start3A_529 = tpu.memref_squeeze %dma_start3A_528 : memref<1x1x128xi32, #tpu.memory_space<vmem>> -> memref<128xi32, #tpu.memory_space<vmem>>
    %dma_start3A_530 = arith.constant 0 : i32
    %dma_start3A_531 = arith.constant 0 : i32
    %dma_start3A_532 = tpu.memref_slice %arg3[%dma_start3A_530, %dma_start3A_531] : memref<100000x32xf32, #tpu.memory_space<hbm>> -> memref<100000x32xf32, #tpu.memory_space<hbm>>
    tpu.enqueue_indirect_dma source(%dma_start3A_532 : memref<100000x32xf32, #tpu.memory_space<hbm>>) target(%dma_start3A_526 : memref<128x32xf32, #tpu.memory_space<vmem>>) offsets(%dma_start3A_529 : memref<128xi32, #tpu.memory_space<vmem>>) semaphore(%arg8 : memref<!tpu.dma_semaphore, #tpu.memory_space<semaphore_mem>>)
    %dma_start3A_533 = arith.constant 0 : i32
    %dma_start3A_534 = arith.constant 9 : i32
    %dma_start3A_535 = arith.constant 1152 : i32
    %dma_start3A_536 = arith.constant 0 : i32
    %dma_start3A_537 = tpu.memref_slice %arg6[%dma_start3A_535, %dma_start3A_536] : memref<3072x32xf32, #tpu.memory_space<vmem>> -> memref<128x32xf32, #tpu.memory_space<vmem>>
    %dma_start3A_538 = arith.constant 0 : i32
    %dma_start3A_539 = tpu.memref_slice %arg5[%dma_start3A_533, %dma_start3A_534, %dma_start3A_538] : memref<2x12x128xi32, #tpu.memory_space<vmem>> -> memref<1x1x128xi32, #tpu.memory_space<vmem>>
    %dma_start3A_540 = tpu.memref_squeeze %dma_start3A_539 : memref<1x1x128xi32, #tpu.memory_space<vmem>> -> memref<128xi32, #tpu.memory_space<vmem>>
    %dma_start3A_541 = arith.constant 0 : i32
    %dma_start3A_542 = arith.constant 0 : i32
    %dma_start3A_543 = tpu.memref_slice %arg3[%dma_start3A_541, %dma_start3A_542] : memref<100000x32xf32, #tpu.memory_space<hbm>> -> memref<100000x32xf32, #tpu.memory_space<hbm>>
    tpu.enqueue_indirect_dma source(%dma_start3A_543 : memref<100000x32xf32, #tpu.memory_space<hbm>>) target(%dma_start3A_537 : memref<128x32xf32, #tpu.memory_space<vmem>>) offsets(%dma_start3A_540 : memref<128xi32, #tpu.memory_space<vmem>>) semaphore(%arg8 : memref<!tpu.dma_semaphore, #tpu.memory_space<semaphore_mem>>)
    %dma_start3A_544 = arith.constant 0 : i32
    %dma_start3A_545 = arith.constant 10 : i32
    %dma_start3A_546 = arith.constant 1280 : i32
    %dma_start3A_547 = arith.constant 0 : i32
    %dma_start3A_548 = tpu.memref_slice %arg6[%dma_start3A_546, %dma_start3A_547] : memref<3072x32xf32, #tpu.memory_space<vmem>> -> memref<128x32xf32, #tpu.memory_space<vmem>>
    %dma_start3A_549 = arith.constant 0 : i32
    %dma_start3A_550 = tpu.memref_slice %arg5[%dma_start3A_544, %dma_start3A_545, %dma_start3A_549] : memref<2x12x128xi32, #tpu.memory_space<vmem>> -> memref<1x1x128xi32, #tpu.memory_space<vmem>>
    %dma_start3A_551 = tpu.memref_squeeze %dma_start3A_550 : memref<1x1x128xi32, #tpu.memory_space<vmem>> -> memref<128xi32, #tpu.memory_space<vmem>>
    %dma_start3A_552 = arith.constant 0 : i32
    %dma_start3A_553 = arith.constant 0 : i32
    %dma_start3A_554 = tpu.memref_slice %arg3[%dma_start3A_552, %dma_start3A_553] : memref<100000x32xf32, #tpu.memory_space<hbm>> -> memref<100000x32xf32, #tpu.memory_space<hbm>>
    tpu.enqueue_indirect_dma source(%dma_start3A_554 : memref<100000x32xf32, #tpu.memory_space<hbm>>) target(%dma_start3A_548 : memref<128x32xf32, #tpu.memory_space<vmem>>) offsets(%dma_start3A_551 : memref<128xi32, #tpu.memory_space<vmem>>) semaphore(%arg8 : memref<!tpu.dma_semaphore, #tpu.memory_space<semaphore_mem>>)
    %dma_start3A_555 = arith.constant 0 : i32
    %dma_start3A_556 = arith.constant 11 : i32
    %dma_start3A_557 = arith.constant 1408 : i32
    %dma_start3A_558 = arith.constant 0 : i32
    %dma_start3A_559 = tpu.memref_slice %arg6[%dma_start3A_557, %dma_start3A_558] : memref<3072x32xf32, #tpu.memory_space<vmem>> -> memref<128x32xf32, #tpu.memory_space<vmem>>
    %dma_start3A_560 = arith.constant 0 : i32
    %dma_start3A_561 = tpu.memref_slice %arg5[%dma_start3A_555, %dma_start3A_556, %dma_start3A_560] : memref<2x12x128xi32, #tpu.memory_space<vmem>> -> memref<1x1x128xi32, #tpu.memory_space<vmem>>
    %dma_start3A_562 = tpu.memref_squeeze %dma_start3A_561 : memref<1x1x128xi32, #tpu.memory_space<vmem>> -> memref<128xi32, #tpu.memory_space<vmem>>
    %dma_start3A_563 = arith.constant 0 : i32
    %dma_start3A_564 = arith.constant 0 : i32
    %dma_start3A_565 = tpu.memref_slice %arg3[%dma_start3A_563, %dma_start3A_564] : memref<100000x32xf32, #tpu.memory_space<hbm>> -> memref<100000x32xf32, #tpu.memory_space<hbm>>
    tpu.enqueue_indirect_dma source(%dma_start3A_565 : memref<100000x32xf32, #tpu.memory_space<hbm>>) target(%dma_start3A_559 : memref<128x32xf32, #tpu.memory_space<vmem>>) offsets(%dma_start3A_562 : memref<128xi32, #tpu.memory_space<vmem>>) semaphore(%arg8 : memref<!tpu.dma_semaphore, #tpu.memory_space<semaphore_mem>>)
    %dma_wait3A_566 = arith.constant 1 : i32
    %dma_wait3A_567 = arith.constant 0 : i32
    %dma_wait3A_568 = arith.constant 1536 : i32
    %dma_wait3A_569 = arith.constant 0 : i32
    %dma_wait3A_570 = tpu.memref_slice %arg6[%dma_wait3A_568, %dma_wait3A_569] : memref<3072x32xf32, #tpu.memory_space<vmem>> -> memref<128x32xf32, #tpu.memory_space<vmem>>
    %dma_wait3A_571 = arith.constant 0 : i32
    %dma_wait3A_572 = tpu.memref_slice %arg5[%dma_wait3A_566, %dma_wait3A_567, %dma_wait3A_571] : memref<2x12x128xi32, #tpu.memory_space<vmem>> -> memref<1x1x128xi32, #tpu.memory_space<vmem>>
    %dma_wait3A_573 = tpu.memref_squeeze %dma_wait3A_572 : memref<1x1x128xi32, #tpu.memory_space<vmem>> -> memref<128xi32, #tpu.memory_space<vmem>>
    %dma_wait3A_574 = arith.constant 0 : i32
    %dma_wait3A_575 = arith.constant 0 : i32
    %dma_wait3A_576 = tpu.memref_slice %arg3[%dma_wait3A_574, %dma_wait3A_575] : memref<100000x32xf32, #tpu.memory_space<hbm>> -> memref<100000x32xf32, #tpu.memory_space<hbm>>
    tpu.wait_indirect_dma semaphore(%arg8 : memref<!tpu.dma_semaphore, #tpu.memory_space<semaphore_mem>>) src(%dma_wait3A_576 : memref<100000x32xf32, #tpu.memory_space<hbm>>) dst(%dma_wait3A_570 : memref<128x32xf32, #tpu.memory_space<vmem>>)
    %dma_wait3A_577 = arith.constant 1 : i32
    %dma_wait3A_578 = arith.constant 1 : i32
    %dma_wait3A_579 = arith.constant 1664 : i32
    %dma_wait3A_580 = arith.constant 0 : i32
    %dma_wait3A_581 = tpu.memref_slice %arg6[%dma_wait3A_579, %dma_wait3A_580] : memref<3072x32xf32, #tpu.memory_space<vmem>> -> memref<128x32xf32, #tpu.memory_space<vmem>>
    %dma_wait3A_582 = arith.constant 0 : i32
    %dma_wait3A_583 = tpu.memref_slice %arg5[%dma_wait3A_577, %dma_wait3A_578, %dma_wait3A_582] : memref<2x12x128xi32, #tpu.memory_space<vmem>> -> memref<1x1x128xi32, #tpu.memory_space<vmem>>
    %dma_wait3A_584 = tpu.memref_squeeze %dma_wait3A_583 : memref<1x1x128xi32, #tpu.memory_space<vmem>> -> memref<128xi32, #tpu.memory_space<vmem>>
    %dma_wait3A_585 = arith.constant 0 : i32
    %dma_wait3A_586 = arith.constant 0 : i32
    %dma_wait3A_587 = tpu.memref_slice %arg3[%dma_wait3A_585, %dma_wait3A_586] : memref<100000x32xf32, #tpu.memory_space<hbm>> -> memref<100000x32xf32, #tpu.memory_space<hbm>>
    tpu.wait_indirect_dma semaphore(%arg8 : memref<!tpu.dma_semaphore, #tpu.memory_space<semaphore_mem>>) src(%dma_wait3A_587 : memref<100000x32xf32, #tpu.memory_space<hbm>>) dst(%dma_wait3A_581 : memref<128x32xf32, #tpu.memory_space<vmem>>)
    %dma_wait3A_588 = arith.constant 1 : i32
    %dma_wait3A_589 = arith.constant 2 : i32
    %dma_wait3A_590 = arith.constant 1792 : i32
    %dma_wait3A_591 = arith.constant 0 : i32
    %dma_wait3A_592 = tpu.memref_slice %arg6[%dma_wait3A_590, %dma_wait3A_591] : memref<3072x32xf32, #tpu.memory_space<vmem>> -> memref<128x32xf32, #tpu.memory_space<vmem>>
    %dma_wait3A_593 = arith.constant 0 : i32
    %dma_wait3A_594 = tpu.memref_slice %arg5[%dma_wait3A_588, %dma_wait3A_589, %dma_wait3A_593] : memref<2x12x128xi32, #tpu.memory_space<vmem>> -> memref<1x1x128xi32, #tpu.memory_space<vmem>>
    %dma_wait3A_595 = tpu.memref_squeeze %dma_wait3A_594 : memref<1x1x128xi32, #tpu.memory_space<vmem>> -> memref<128xi32, #tpu.memory_space<vmem>>
    %dma_wait3A_596 = arith.constant 0 : i32
    %dma_wait3A_597 = arith.constant 0 : i32
    %dma_wait3A_598 = tpu.memref_slice %arg3[%dma_wait3A_596, %dma_wait3A_597] : memref<100000x32xf32, #tpu.memory_space<hbm>> -> memref<100000x32xf32, #tpu.memory_space<hbm>>
    tpu.wait_indirect_dma semaphore(%arg8 : memref<!tpu.dma_semaphore, #tpu.memory_space<semaphore_mem>>) src(%dma_wait3A_598 : memref<100000x32xf32, #tpu.memory_space<hbm>>) dst(%dma_wait3A_592 : memref<128x32xf32, #tpu.memory_space<vmem>>)
    %dma_wait3A_599 = arith.constant 1 : i32
    %dma_wait3A_600 = arith.constant 3 : i32
    %dma_wait3A_601 = arith.constant 1920 : i32
    %dma_wait3A_602 = arith.constant 0 : i32
    %dma_wait3A_603 = tpu.memref_slice %arg6[%dma_wait3A_601, %dma_wait3A_602] : memref<3072x32xf32, #tpu.memory_space<vmem>> -> memref<128x32xf32, #tpu.memory_space<vmem>>
    %dma_wait3A_604 = arith.constant 0 : i32
    %dma_wait3A_605 = tpu.memref_slice %arg5[%dma_wait3A_599, %dma_wait3A_600, %dma_wait3A_604] : memref<2x12x128xi32, #tpu.memory_space<vmem>> -> memref<1x1x128xi32, #tpu.memory_space<vmem>>
    %dma_wait3A_606 = tpu.memref_squeeze %dma_wait3A_605 : memref<1x1x128xi32, #tpu.memory_space<vmem>> -> memref<128xi32, #tpu.memory_space<vmem>>
    %dma_wait3A_607 = arith.constant 0 : i32
    %dma_wait3A_608 = arith.constant 0 : i32
    %dma_wait3A_609 = tpu.memref_slice %arg3[%dma_wait3A_607, %dma_wait3A_608] : memref<100000x32xf32, #tpu.memory_space<hbm>> -> memref<100000x32xf32, #tpu.memory_space<hbm>>
    tpu.wait_indirect_dma semaphore(%arg8 : memref<!tpu.dma_semaphore, #tpu.memory_space<semaphore_mem>>) src(%dma_wait3A_609 : memref<100000x32xf32, #tpu.memory_space<hbm>>) dst(%dma_wait3A_603 : memref<128x32xf32, #tpu.memory_space<vmem>>)
    %dma_wait3A_610 = arith.constant 1 : i32
    %dma_wait3A_611 = arith.constant 4 : i32
    %dma_wait3A_612 = arith.constant 2048 : i32
    %dma_wait3A_613 = arith.constant 0 : i32
    %dma_wait3A_614 = tpu.memref_slice %arg6[%dma_wait3A_612, %dma_wait3A_613] : memref<3072x32xf32, #tpu.memory_space<vmem>> -> memref<128x32xf32, #tpu.memory_space<vmem>>
    %dma_wait3A_615 = arith.constant 0 : i32
    %dma_wait3A_616 = tpu.memref_slice %arg5[%dma_wait3A_610, %dma_wait3A_611, %dma_wait3A_615] : memref<2x12x128xi32, #tpu.memory_space<vmem>> -> memref<1x1x128xi32, #tpu.memory_space<vmem>>
    %dma_wait3A_617 = tpu.memref_squeeze %dma_wait3A_616 : memref<1x1x128xi32, #tpu.memory_space<vmem>> -> memref<128xi32, #tpu.memory_space<vmem>>
    %dma_wait3A_618 = arith.constant 0 : i32
    %dma_wait3A_619 = arith.constant 0 : i32
    %dma_wait3A_620 = tpu.memref_slice %arg3[%dma_wait3A_618, %dma_wait3A_619] : memref<100000x32xf32, #tpu.memory_space<hbm>> -> memref<100000x32xf32, #tpu.memory_space<hbm>>
    tpu.wait_indirect_dma semaphore(%arg8 : memref<!tpu.dma_semaphore, #tpu.memory_space<semaphore_mem>>) src(%dma_wait3A_620 : memref<100000x32xf32, #tpu.memory_space<hbm>>) dst(%dma_wait3A_614 : memref<128x32xf32, #tpu.memory_space<vmem>>)
    %dma_wait3A_621 = arith.constant 1 : i32
    %dma_wait3A_622 = arith.constant 5 : i32
    %dma_wait3A_623 = arith.constant 2176 : i32
    %dma_wait3A_624 = arith.constant 0 : i32
    %dma_wait3A_625 = tpu.memref_slice %arg6[%dma_wait3A_623, %dma_wait3A_624] : memref<3072x32xf32, #tpu.memory_space<vmem>> -> memref<128x32xf32, #tpu.memory_space<vmem>>
    %dma_wait3A_626 = arith.constant 0 : i32
    %dma_wait3A_627 = tpu.memref_slice %arg5[%dma_wait3A_621, %dma_wait3A_622, %dma_wait3A_626] : memref<2x12x128xi32, #tpu.memory_space<vmem>> -> memref<1x1x128xi32, #tpu.memory_space<vmem>>
    %dma_wait3A_628 = tpu.memref_squeeze %dma_wait3A_627 : memref<1x1x128xi32, #tpu.memory_space<vmem>> -> memref<128xi32, #tpu.memory_space<vmem>>
    %dma_wait3A_629 = arith.constant 0 : i32
    %dma_wait3A_630 = arith.constant 0 : i32
    %dma_wait3A_631 = tpu.memref_slice %arg3[%dma_wait3A_629, %dma_wait3A_630] : memref<100000x32xf32, #tpu.memory_space<hbm>> -> memref<100000x32xf32, #tpu.memory_space<hbm>>
    tpu.wait_indirect_dma semaphore(%arg8 : memref<!tpu.dma_semaphore, #tpu.memory_space<semaphore_mem>>) src(%dma_wait3A_631 : memref<100000x32xf32, #tpu.memory_space<hbm>>) dst(%dma_wait3A_625 : memref<128x32xf32, #tpu.memory_space<vmem>>)
    %dma_wait3A_632 = arith.constant 1 : i32
    %dma_wait3A_633 = arith.constant 6 : i32
    %dma_wait3A_634 = arith.constant 2304 : i32
    %dma_wait3A_635 = arith.constant 0 : i32
    %dma_wait3A_636 = tpu.memref_slice %arg6[%dma_wait3A_634, %dma_wait3A_635] : memref<3072x32xf32, #tpu.memory_space<vmem>> -> memref<128x32xf32, #tpu.memory_space<vmem>>
    %dma_wait3A_637 = arith.constant 0 : i32
    %dma_wait3A_638 = tpu.memref_slice %arg5[%dma_wait3A_632, %dma_wait3A_633, %dma_wait3A_637] : memref<2x12x128xi32, #tpu.memory_space<vmem>> -> memref<1x1x128xi32, #tpu.memory_space<vmem>>
    %dma_wait3A_639 = tpu.memref_squeeze %dma_wait3A_638 : memref<1x1x128xi32, #tpu.memory_space<vmem>> -> memref<128xi32, #tpu.memory_space<vmem>>
    %dma_wait3A_640 = arith.constant 0 : i32
    %dma_wait3A_641 = arith.constant 0 : i32
    %dma_wait3A_642 = tpu.memref_slice %arg3[%dma_wait3A_640, %dma_wait3A_641] : memref<100000x32xf32, #tpu.memory_space<hbm>> -> memref<100000x32xf32, #tpu.memory_space<hbm>>
    tpu.wait_indirect_dma semaphore(%arg8 : memref<!tpu.dma_semaphore, #tpu.memory_space<semaphore_mem>>) src(%dma_wait3A_642 : memref<100000x32xf32, #tpu.memory_space<hbm>>) dst(%dma_wait3A_636 : memref<128x32xf32, #tpu.memory_space<vmem>>)
    %dma_wait3A_643 = arith.constant 1 : i32
    %dma_wait3A_644 = arith.constant 7 : i32
    %dma_wait3A_645 = arith.constant 2432 : i32
    %dma_wait3A_646 = arith.constant 0 : i32
    %dma_wait3A_647 = tpu.memref_slice %arg6[%dma_wait3A_645, %dma_wait3A_646] : memref<3072x32xf32, #tpu.memory_space<vmem>> -> memref<128x32xf32, #tpu.memory_space<vmem>>
    %dma_wait3A_648 = arith.constant 0 : i32
    %dma_wait3A_649 = tpu.memref_slice %arg5[%dma_wait3A_643, %dma_wait3A_644, %dma_wait3A_648] : memref<2x12x128xi32, #tpu.memory_space<vmem>> -> memref<1x1x128xi32, #tpu.memory_space<vmem>>
    %dma_wait3A_650 = tpu.memref_squeeze %dma_wait3A_649 : memref<1x1x128xi32, #tpu.memory_space<vmem>> -> memref<128xi32, #tpu.memory_space<vmem>>
    %dma_wait3A_651 = arith.constant 0 : i32
    %dma_wait3A_652 = arith.constant 0 : i32
    %dma_wait3A_653 = tpu.memref_slice %arg3[%dma_wait3A_651, %dma_wait3A_652] : memref<100000x32xf32, #tpu.memory_space<hbm>> -> memref<100000x32xf32, #tpu.memory_space<hbm>>
    tpu.wait_indirect_dma semaphore(%arg8 : memref<!tpu.dma_semaphore, #tpu.memory_space<semaphore_mem>>) src(%dma_wait3A_653 : memref<100000x32xf32, #tpu.memory_space<hbm>>) dst(%dma_wait3A_647 : memref<128x32xf32, #tpu.memory_space<vmem>>)
    %dma_wait3A_654 = arith.constant 1 : i32
    %dma_wait3A_655 = arith.constant 8 : i32
    %dma_wait3A_656 = arith.constant 2560 : i32
    %dma_wait3A_657 = arith.constant 0 : i32
    %dma_wait3A_658 = tpu.memref_slice %arg6[%dma_wait3A_656, %dma_wait3A_657] : memref<3072x32xf32, #tpu.memory_space<vmem>> -> memref<128x32xf32, #tpu.memory_space<vmem>>
    %dma_wait3A_659 = arith.constant 0 : i32
    %dma_wait3A_660 = tpu.memref_slice %arg5[%dma_wait3A_654, %dma_wait3A_655, %dma_wait3A_659] : memref<2x12x128xi32, #tpu.memory_space<vmem>> -> memref<1x1x128xi32, #tpu.memory_space<vmem>>
    %dma_wait3A_661 = tpu.memref_squeeze %dma_wait3A_660 : memref<1x1x128xi32, #tpu.memory_space<vmem>> -> memref<128xi32, #tpu.memory_space<vmem>>
    %dma_wait3A_662 = arith.constant 0 : i32
    %dma_wait3A_663 = arith.constant 0 : i32
    %dma_wait3A_664 = tpu.memref_slice %arg3[%dma_wait3A_662, %dma_wait3A_663] : memref<100000x32xf32, #tpu.memory_space<hbm>> -> memref<100000x32xf32, #tpu.memory_space<hbm>>
    tpu.wait_indirect_dma semaphore(%arg8 : memref<!tpu.dma_semaphore, #tpu.memory_space<semaphore_mem>>) src(%dma_wait3A_664 : memref<100000x32xf32, #tpu.memory_space<hbm>>) dst(%dma_wait3A_658 : memref<128x32xf32, #tpu.memory_space<vmem>>)
    %dma_wait3A_665 = arith.constant 1 : i32
    %dma_wait3A_666 = arith.constant 9 : i32
    %dma_wait3A_667 = arith.constant 2688 : i32
    %dma_wait3A_668 = arith.constant 0 : i32
    %dma_wait3A_669 = tpu.memref_slice %arg6[%dma_wait3A_667, %dma_wait3A_668] : memref<3072x32xf32, #tpu.memory_space<vmem>> -> memref<128x32xf32, #tpu.memory_space<vmem>>
    %dma_wait3A_670 = arith.constant 0 : i32
    %dma_wait3A_671 = tpu.memref_slice %arg5[%dma_wait3A_665, %dma_wait3A_666, %dma_wait3A_670] : memref<2x12x128xi32, #tpu.memory_space<vmem>> -> memref<1x1x128xi32, #tpu.memory_space<vmem>>
    %dma_wait3A_672 = tpu.memref_squeeze %dma_wait3A_671 : memref<1x1x128xi32, #tpu.memory_space<vmem>> -> memref<128xi32, #tpu.memory_space<vmem>>
    %dma_wait3A_673 = arith.constant 0 : i32
    %dma_wait3A_674 = arith.constant 0 : i32
    %dma_wait3A_675 = tpu.memref_slice %arg3[%dma_wait3A_673, %dma_wait3A_674] : memref<100000x32xf32, #tpu.memory_space<hbm>> -> memref<100000x32xf32, #tpu.memory_space<hbm>>
    tpu.wait_indirect_dma semaphore(%arg8 : memref<!tpu.dma_semaphore, #tpu.memory_space<semaphore_mem>>) src(%dma_wait3A_675 : memref<100000x32xf32, #tpu.memory_space<hbm>>) dst(%dma_wait3A_669 : memref<128x32xf32, #tpu.memory_space<vmem>>)
    %dma_wait3A_676 = arith.constant 1 : i32
    %dma_wait3A_677 = arith.constant 10 : i32
    %dma_wait3A_678 = arith.constant 2816 : i32
    %dma_wait3A_679 = arith.constant 0 : i32
    %dma_wait3A_680 = tpu.memref_slice %arg6[%dma_wait3A_678, %dma_wait3A_679] : memref<3072x32xf32, #tpu.memory_space<vmem>> -> memref<128x32xf32, #tpu.memory_space<vmem>>
    %dma_wait3A_681 = arith.constant 0 : i32
    %dma_wait3A_682 = tpu.memref_slice %arg5[%dma_wait3A_676, %dma_wait3A_677, %dma_wait3A_681] : memref<2x12x128xi32, #tpu.memory_space<vmem>> -> memref<1x1x128xi32, #tpu.memory_space<vmem>>
    %dma_wait3A_683 = tpu.memref_squeeze %dma_wait3A_682 : memref<1x1x128xi32, #tpu.memory_space<vmem>> -> memref<128xi32, #tpu.memory_space<vmem>>
    %dma_wait3A_684 = arith.constant 0 : i32
    %dma_wait3A_685 = arith.constant 0 : i32
    %dma_wait3A_686 = tpu.memref_slice %arg3[%dma_wait3A_684, %dma_wait3A_685] : memref<100000x32xf32, #tpu.memory_space<hbm>> -> memref<100000x32xf32, #tpu.memory_space<hbm>>
    tpu.wait_indirect_dma semaphore(%arg8 : memref<!tpu.dma_semaphore, #tpu.memory_space<semaphore_mem>>) src(%dma_wait3A_686 : memref<100000x32xf32, #tpu.memory_space<hbm>>) dst(%dma_wait3A_680 : memref<128x32xf32, #tpu.memory_space<vmem>>)
    %dma_wait3A_687 = arith.constant 1 : i32
    %dma_wait3A_688 = arith.constant 11 : i32
    %dma_wait3A_689 = arith.constant 2944 : i32
    %dma_wait3A_690 = arith.constant 0 : i32
    %dma_wait3A_691 = tpu.memref_slice %arg6[%dma_wait3A_689, %dma_wait3A_690] : memref<3072x32xf32, #tpu.memory_space<vmem>> -> memref<128x32xf32, #tpu.memory_space<vmem>>
    %dma_wait3A_692 = arith.constant 0 : i32
    %dma_wait3A_693 = tpu.memref_slice %arg5[%dma_wait3A_687, %dma_wait3A_688, %dma_wait3A_692] : memref<2x12x128xi32, #tpu.memory_space<vmem>> -> memref<1x1x128xi32, #tpu.memory_space<vmem>>
    %dma_wait3A_694 = tpu.memref_squeeze %dma_wait3A_693 : memref<1x1x128xi32, #tpu.memory_space<vmem>> -> memref<128xi32, #tpu.memory_space<vmem>>
    %dma_wait3A_695 = arith.constant 0 : i32
    %dma_wait3A_696 = arith.constant 0 : i32
    %dma_wait3A_697 = tpu.memref_slice %arg3[%dma_wait3A_695, %dma_wait3A_696] : memref<100000x32xf32, #tpu.memory_space<hbm>> -> memref<100000x32xf32, #tpu.memory_space<hbm>>
    tpu.wait_indirect_dma semaphore(%arg8 : memref<!tpu.dma_semaphore, #tpu.memory_space<semaphore_mem>>) src(%dma_wait3A_697 : memref<100000x32xf32, #tpu.memory_space<hbm>>) dst(%dma_wait3A_691 : memref<128x32xf32, #tpu.memory_space<vmem>>)
    %scan3A_698 = arith.constant 0 : i32
    %scan3A_699 = arith.constant 0 : i32
    %scan3A_700 = arith.constant 32 : i32
    %scan3A_701 = arith.addi %scan3A_699, %scan3A_700 : i32
    %scan3A_702 = arith.constant 1 : i32
    scf.for %scan3A_1220 = %scan3A_699 to %scan3A_701 step %scan3A_702  : i32 {
      %mul3A_1221 = arith.constant 4 : i32
      %mul3A_1222 = arith.muli %scan3A_1220, %mul3A_1221 : i32
      %add3A_1223 = arith.constant 0 : i32
      %add3A_1224 = arith.addi %mul3A_1222, %add3A_1223 : i32
      %add3A_1225 = arith.constant 1536 : i32
      %add3A_1226 = arith.addi %add3A_1225, %add3A_1224 : i32
      %get3A = arith.index_cast %add3A_1226 : i32 to index
      %get3A_1227 = arith.constant 0 : index
      %get3A_1228 = tpu.vector_load %arg6[%get3A, %get3A_1227] {strides = array<i32>} : memref<3072x32xf32, #tpu.memory_space<vmem>>, vector<16xf32>,
      %get3A_1229 = arith.index_cast %add3A_1226 : i32 to index
      %get3A_1230 = arith.constant 16 : index
      %get3A_1231 = tpu.vector_load %arg6[%get3A_1229, %get3A_1230] {strides = array<i32>} : memref<3072x32xf32, #tpu.memory_space<vmem>>, vector<16xf32>,
      %add3A_1232 = arith.constant 128 : i32
      %add3A_1233 = arith.addi %add3A_1226, %add3A_1232 : i32
      %get3A_1234 = arith.index_cast %add3A_1233 : i32 to index
      %get3A_1235 = arith.constant 0 : index
      %get3A_1236 = tpu.vector_load %arg6[%get3A_1234, %get3A_1235] {strides = array<i32>} : memref<3072x32xf32, #tpu.memory_space<vmem>>, vector<16xf32>,
      %add3A_1237 = arith.addf %get3A_1228, %get3A_1236 : vector<16xf32>
      %add3A_1238 = arith.constant 128 : i32
      %add3A_1239 = arith.addi %add3A_1226, %add3A_1238 : i32
      %get3A_1240 = arith.index_cast %add3A_1239 : i32 to index
      %get3A_1241 = arith.constant 16 : index
      %get3A_1242 = tpu.vector_load %arg6[%get3A_1240, %get3A_1241] {strides = array<i32>} : memref<3072x32xf32, #tpu.memory_space<vmem>>, vector<16xf32>,
      %add3A_1243 = arith.addf %get3A_1231, %get3A_1242 : vector<16xf32>
      %add3A_1244 = arith.constant 256 : i32
      %add3A_1245 = arith.addi %add3A_1226, %add3A_1244 : i32
      %get3A_1246 = arith.index_cast %add3A_1245 : i32 to index
      %get3A_1247 = arith.constant 0 : index
      %get3A_1248 = tpu.vector_load %arg6[%get3A_1246, %get3A_1247] {strides = array<i32>} : memref<3072x32xf32, #tpu.memory_space<vmem>>, vector<16xf32>,
      %add3A_1249 = arith.addf %add3A_1237, %get3A_1248 : vector<16xf32>
      %add3A_1250 = arith.constant 256 : i32
      %add3A_1251 = arith.addi %add3A_1226, %add3A_1250 : i32
      %get3A_1252 = arith.index_cast %add3A_1251 : i32 to index
      %get3A_1253 = arith.constant 16 : index
      %get3A_1254 = tpu.vector_load %arg6[%get3A_1252, %get3A_1253] {strides = array<i32>} : memref<3072x32xf32, #tpu.memory_space<vmem>>, vector<16xf32>,
      %add3A_1255 = arith.addf %add3A_1243, %get3A_1254 : vector<16xf32>
      %add3A_1256 = arith.constant 384 : i32
      %add3A_1257 = arith.addi %add3A_1226, %add3A_1256 : i32
      %get3A_1258 = arith.index_cast %add3A_1257 : i32 to index
      %get3A_1259 = arith.constant 0 : index
      %get3A_1260 = tpu.vector_load %arg6[%get3A_1258, %get3A_1259] {strides = array<i32>} : memref<3072x32xf32, #tpu.memory_space<vmem>>, vector<16xf32>,
      %add3A_1261 = arith.addf %add3A_1249, %get3A_1260 : vector<16xf32>
      %add3A_1262 = arith.constant 384 : i32
      %add3A_1263 = arith.addi %add3A_1226, %add3A_1262 : i32
      %get3A_1264 = arith.index_cast %add3A_1263 : i32 to index
      %get3A_1265 = arith.constant 16 : index
      %get3A_1266 = tpu.vector_load %arg6[%get3A_1264, %get3A_1265] {strides = array<i32>} : memref<3072x32xf32, #tpu.memory_space<vmem>>, vector<16xf32>,
      %add3A_1267 = arith.addf %add3A_1255, %get3A_1266 : vector<16xf32>
      %add3A_1268 = arith.constant 512 : i32
      %add3A_1269 = arith.addi %add3A_1226, %add3A_1268 : i32
      %get3A_1270 = arith.index_cast %add3A_1269 : i32 to index
      %get3A_1271 = arith.constant 0 : index
      %get3A_1272 = tpu.vector_load %arg6[%get3A_1270, %get3A_1271] {strides = array<i32>} : memref<3072x32xf32, #tpu.memory_space<vmem>>, vector<16xf32>,
      %add3A_1273 = arith.addf %add3A_1261, %get3A_1272 : vector<16xf32>
      %add3A_1274 = arith.constant 512 : i32
      %add3A_1275 = arith.addi %add3A_1226, %add3A_1274 : i32
      %get3A_1276 = arith.index_cast %add3A_1275 : i32 to index
      %get3A_1277 = arith.constant 16 : index
      %get3A_1278 = tpu.vector_load %arg6[%get3A_1276, %get3A_1277] {strides = array<i32>} : memref<3072x32xf32, #tpu.memory_space<vmem>>, vector<16xf32>,
      %add3A_1279 = arith.addf %add3A_1267, %get3A_1278 : vector<16xf32>
      %add3A_1280 = arith.constant 640 : i32
      %add3A_1281 = arith.addi %add3A_1226, %add3A_1280 : i32
      %get3A_1282 = arith.index_cast %add3A_1281 : i32 to index
      %get3A_1283 = arith.constant 0 : index
      %get3A_1284 = tpu.vector_load %arg6[%get3A_1282, %get3A_1283] {strides = array<i32>} : memref<3072x32xf32, #tpu.memory_space<vmem>>, vector<16xf32>,
      %add3A_1285 = arith.addf %add3A_1273, %get3A_1284 : vector<16xf32>
      %add3A_1286 = arith.constant 640 : i32
      %add3A_1287 = arith.addi %add3A_1226, %add3A_1286 : i32
      %get3A_1288 = arith.index_cast %add3A_1287 : i32 to index
      %get3A_1289 = arith.constant 16 : index
      %get3A_1290 = tpu.vector_load %arg6[%get3A_1288, %get3A_1289] {strides = array<i32>} : memref<3072x32xf32, #tpu.memory_space<vmem>>, vector<16xf32>,
      %add3A_1291 = arith.addf %add3A_1279, %get3A_1290 : vector<16xf32>
      %add3A_1292 = arith.constant 768 : i32
      %add3A_1293 = arith.addi %add3A_1226, %add3A_1292 : i32
      %get3A_1294 = arith.index_cast %add3A_1293 : i32 to index
      %get3A_1295 = arith.constant 0 : index
      %get3A_1296 = tpu.vector_load %arg6[%get3A_1294, %get3A_1295] {strides = array<i32>} : memref<3072x32xf32, #tpu.memory_space<vmem>>, vector<16xf32>,
      %add3A_1297 = arith.addf %add3A_1285, %get3A_1296 : vector<16xf32>
      %add3A_1298 = arith.constant 768 : i32
      %add3A_1299 = arith.addi %add3A_1226, %add3A_1298 : i32
      %get3A_1300 = arith.index_cast %add3A_1299 : i32 to index
      %get3A_1301 = arith.constant 16 : index
      %get3A_1302 = tpu.vector_load %arg6[%get3A_1300, %get3A_1301] {strides = array<i32>} : memref<3072x32xf32, #tpu.memory_space<vmem>>, vector<16xf32>,
      %add3A_1303 = arith.addf %add3A_1291, %get3A_1302 : vector<16xf32>
      %add3A_1304 = arith.constant 896 : i32
      %add3A_1305 = arith.addi %add3A_1226, %add3A_1304 : i32
      %get3A_1306 = arith.index_cast %add3A_1305 : i32 to index
      %get3A_1307 = arith.constant 0 : index
      %get3A_1308 = tpu.vector_load %arg6[%get3A_1306, %get3A_1307] {strides = array<i32>} : memref<3072x32xf32, #tpu.memory_space<vmem>>, vector<16xf32>,
      %add3A_1309 = arith.addf %add3A_1297, %get3A_1308 : vector<16xf32>
      %add3A_1310 = arith.constant 896 : i32
      %add3A_1311 = arith.addi %add3A_1226, %add3A_1310 : i32
      %get3A_1312 = arith.index_cast %add3A_1311 : i32 to index
      %get3A_1313 = arith.constant 16 : index
      %get3A_1314 = tpu.vector_load %arg6[%get3A_1312, %get3A_1313] {strides = array<i32>} : memref<3072x32xf32, #tpu.memory_space<vmem>>, vector<16xf32>,
      %add3A_1315 = arith.addf %add3A_1303, %get3A_1314 : vector<16xf32>
      %add3A_1316 = arith.constant 1024 : i32
      %add3A_1317 = arith.addi %add3A_1226, %add3A_1316 : i32
      %get3A_1318 = arith.index_cast %add3A_1317 : i32 to index
      %get3A_1319 = arith.constant 0 : index
      %get3A_1320 = tpu.vector_load %arg6[%get3A_1318, %get3A_1319] {strides = array<i32>} : memref<3072x32xf32, #tpu.memory_space<vmem>>, vector<16xf32>,
      %add3A_1321 = arith.addf %add3A_1309, %get3A_1320 : vector<16xf32>
      %add3A_1322 = arith.constant 1024 : i32
      %add3A_1323 = arith.addi %add3A_1226, %add3A_1322 : i32
      %get3A_1324 = arith.index_cast %add3A_1323 : i32 to index
      %get3A_1325 = arith.constant 16 : index
      %get3A_1326 = tpu.vector_load %arg6[%get3A_1324, %get3A_1325] {strides = array<i32>} : memref<3072x32xf32, #tpu.memory_space<vmem>>, vector<16xf32>,
      %add3A_1327 = arith.addf %add3A_1315, %get3A_1326 : vector<16xf32>
      %add3A_1328 = arith.constant 1152 : i32
      %add3A_1329 = arith.addi %add3A_1226, %add3A_1328 : i32
      %get3A_1330 = arith.index_cast %add3A_1329 : i32 to index
      %get3A_1331 = arith.constant 0 : index
      %get3A_1332 = tpu.vector_load %arg6[%get3A_1330, %get3A_1331] {strides = array<i32>} : memref<3072x32xf32, #tpu.memory_space<vmem>>, vector<16xf32>,
      %add3A_1333 = arith.addf %add3A_1321, %get3A_1332 : vector<16xf32>
      %add3A_1334 = arith.constant 1152 : i32
      %add3A_1335 = arith.addi %add3A_1226, %add3A_1334 : i32
      %get3A_1336 = arith.index_cast %add3A_1335 : i32 to index
      %get3A_1337 = arith.constant 16 : index
      %get3A_1338 = tpu.vector_load %arg6[%get3A_1336, %get3A_1337] {strides = array<i32>} : memref<3072x32xf32, #tpu.memory_space<vmem>>, vector<16xf32>,
      %add3A_1339 = arith.addf %add3A_1327, %get3A_1338 : vector<16xf32>
      %add3A_1340 = arith.constant 1280 : i32
      %add3A_1341 = arith.addi %add3A_1226, %add3A_1340 : i32
      %get3A_1342 = arith.index_cast %add3A_1341 : i32 to index
      %get3A_1343 = arith.constant 0 : index
      %get3A_1344 = tpu.vector_load %arg6[%get3A_1342, %get3A_1343] {strides = array<i32>} : memref<3072x32xf32, #tpu.memory_space<vmem>>, vector<16xf32>,
      %add3A_1345 = arith.addf %add3A_1333, %get3A_1344 : vector<16xf32>
      %add3A_1346 = arith.constant 1280 : i32
      %add3A_1347 = arith.addi %add3A_1226, %add3A_1346 : i32
      %get3A_1348 = arith.index_cast %add3A_1347 : i32 to index
      %get3A_1349 = arith.constant 16 : index
      %get3A_1350 = tpu.vector_load %arg6[%get3A_1348, %get3A_1349] {strides = array<i32>} : memref<3072x32xf32, #tpu.memory_space<vmem>>, vector<16xf32>,
      %add3A_1351 = arith.addf %add3A_1339, %get3A_1350 : vector<16xf32>
      %add3A_1352 = arith.constant 1408 : i32
      %add3A_1353 = arith.addi %add3A_1226, %add3A_1352 : i32
      %get3A_1354 = arith.index_cast %add3A_1353 : i32 to index
      %get3A_1355 = arith.constant 0 : index
      %get3A_1356 = tpu.vector_load %arg6[%get3A_1354, %get3A_1355] {strides = array<i32>} : memref<3072x32xf32, #tpu.memory_space<vmem>>, vector<16xf32>,
      %add3A_1357 = arith.addf %add3A_1345, %get3A_1356 : vector<16xf32>
      %add3A_1358 = arith.constant 1408 : i32
      %add3A_1359 = arith.addi %add3A_1226, %add3A_1358 : i32
      %get3A_1360 = arith.index_cast %add3A_1359 : i32 to index
      %get3A_1361 = arith.constant 16 : index
      %get3A_1362 = tpu.vector_load %arg6[%get3A_1360, %get3A_1361] {strides = array<i32>} : memref<3072x32xf32, #tpu.memory_space<vmem>>, vector<16xf32>,
      %add3A_1363 = arith.addf %add3A_1351, %get3A_1362 : vector<16xf32>
      %mul3A_1364 = arith.constant 0 : i32
      %mul3A_1365 = vector.broadcast %mul3A_1364 : i32 to vector<16xi32>
      %mul3A_1366 = arith.muli %iota3A, %mul3A_1365 : vector<16xi32>
      %add3A_1367 = vector.broadcast %add3A_1224 : i32 to vector<16xi32>
      %add3A_1368 = arith.addi %mul3A_1366, %add3A_1367 : vector<16xi32>
      %mul3A_1369 = arith.constant 0.0833333358 : f32
      %mul3A_1370 = vector.broadcast %mul3A_1369 : f32 to vector<16xf32>
      %mul3A_1371 = arith.mulf %add3A_1357, %mul3A_1370 : vector<16xf32>
      %scatter3A = arith.constant 1 : i32
      %scatter3A_1372 = arith.constant 0 : i32
      %scatter3A_1373 = arith.constant 0 : i32
      %scatter3A_1374 = tpu.memref_slice %arg7[%scatter3A, %scatter3A_1372, %scatter3A_1373] : memref<2x32x128xf32, #tpu.memory_space<vmem>> -> memref<1x32x128xf32, #tpu.memory_space<vmem>>
      %scatter3A_1375 = tpu.memref_squeeze %scatter3A_1374 : memref<1x32x128xf32, #tpu.memory_space<vmem>> -> memref<32x128xf32, #tpu.memory_space<vmem>>
      tpu.vector_store_idx %scatter3A_1375[%iota3A, %add3A_1368], %mul3A_1371 : memref<32x128xf32, #tpu.memory_space<vmem>>[vector<16xi32>, vector<16xi32>], vector<16xf32>,
      %mul3A_1376 = arith.constant 0.0833333358 : f32
      %mul3A_1377 = vector.broadcast %mul3A_1376 : f32 to vector<16xf32>
      %mul3A_1378 = arith.mulf %add3A_1363, %mul3A_1377 : vector<16xf32>
      %scatter3A_1379 = arith.constant 1 : i32
      %scatter3A_1380 = arith.constant 0 : i32
      %scatter3A_1381 = arith.constant 0 : i32
      %scatter3A_1382 = tpu.memref_slice %arg7[%scatter3A_1379, %scatter3A_1380, %scatter3A_1381] : memref<2x32x128xf32, #tpu.memory_space<vmem>> -> memref<1x32x128xf32, #tpu.memory_space<vmem>>
      %scatter3A_1383 = tpu.memref_squeeze %scatter3A_1382 : memref<1x32x128xf32, #tpu.memory_space<vmem>> -> memref<32x128xf32, #tpu.memory_space<vmem>>
      tpu.vector_store_idx %scatter3A_1383[%add3A_3, %add3A_1368], %mul3A_1378 : memref<32x128xf32, #tpu.memory_space<vmem>>[vector<16xi32>, vector<16xi32>], vector<16xf32>,
      %mul3A_1384 = arith.constant 4 : i32
      %mul3A_1385 = arith.muli %scan3A_1220, %mul3A_1384 : i32
      %add3A_1386 = arith.constant 1 : i32
      %add3A_1387 = arith.addi %mul3A_1385, %add3A_1386 : i32
      %add3A_1388 = arith.constant 1536 : i32
      %add3A_1389 = arith.addi %add3A_1388, %add3A_1387 : i32
      %get3A_1390 = arith.index_cast %add3A_1389 : i32 to index
      %get3A_1391 = arith.constant 0 : index
      %get3A_1392 = tpu.vector_load %arg6[%get3A_1390, %get3A_1391] {strides = array<i32>} : memref<3072x32xf32, #tpu.memory_space<vmem>>, vector<16xf32>,
      %get3A_1393 = arith.index_cast %add3A_1389 : i32 to index
      %get3A_1394 = arith.constant 16 : index
      %get3A_1395 = tpu.vector_load %arg6[%get3A_1393, %get3A_1394] {strides = array<i32>} : memref<3072x32xf32, #tpu.memory_space<vmem>>, vector<16xf32>,
      %add3A_1396 = arith.constant 128 : i32
      %add3A_1397 = arith.addi %add3A_1389, %add3A_1396 : i32
      %get3A_1398 = arith.index_cast %add3A_1397 : i32 to index
      %get3A_1399 = arith.constant 0 : index
      %get3A_1400 = tpu.vector_load %arg6[%get3A_1398, %get3A_1399] {strides = array<i32>} : memref<3072x32xf32, #tpu.memory_space<vmem>>, vector<16xf32>,
      %add3A_1401 = arith.addf %get3A_1392, %get3A_1400 : vector<16xf32>
      %add3A_1402 = arith.constant 128 : i32
      %add3A_1403 = arith.addi %add3A_1389, %add3A_1402 : i32
      %get3A_1404 = arith.index_cast %add3A_1403 : i32 to index
      %get3A_1405 = arith.constant 16 : index
      %get3A_1406 = tpu.vector_load %arg6[%get3A_1404, %get3A_1405] {strides = array<i32>} : memref<3072x32xf32, #tpu.memory_space<vmem>>, vector<16xf32>,
      %add3A_1407 = arith.addf %get3A_1395, %get3A_1406 : vector<16xf32>
      %add3A_1408 = arith.constant 256 : i32
      %add3A_1409 = arith.addi %add3A_1389, %add3A_1408 : i32
      %get3A_1410 = arith.index_cast %add3A_1409 : i32 to index
      %get3A_1411 = arith.constant 0 : index
      %get3A_1412 = tpu.vector_load %arg6[%get3A_1410, %get3A_1411] {strides = array<i32>} : memref<3072x32xf32, #tpu.memory_space<vmem>>, vector<16xf32>,
      %add3A_1413 = arith.addf %add3A_1401, %get3A_1412 : vector<16xf32>
      %add3A_1414 = arith.constant 256 : i32
      %add3A_1415 = arith.addi %add3A_1389, %add3A_1414 : i32
      %get3A_1416 = arith.index_cast %add3A_1415 : i32 to index
      %get3A_1417 = arith.constant 16 : index
      %get3A_1418 = tpu.vector_load %arg6[%get3A_1416, %get3A_1417] {strides = array<i32>} : memref<3072x32xf32, #tpu.memory_space<vmem>>, vector<16xf32>,
      %add3A_1419 = arith.addf %add3A_1407, %get3A_1418 : vector<16xf32>
      %add3A_1420 = arith.constant 384 : i32
      %add3A_1421 = arith.addi %add3A_1389, %add3A_1420 : i32
      %get3A_1422 = arith.index_cast %add3A_1421 : i32 to index
      %get3A_1423 = arith.constant 0 : index
      %get3A_1424 = tpu.vector_load %arg6[%get3A_1422, %get3A_1423] {strides = array<i32>} : memref<3072x32xf32, #tpu.memory_space<vmem>>, vector<16xf32>,
      %add3A_1425 = arith.addf %add3A_1413, %get3A_1424 : vector<16xf32>
      %add3A_1426 = arith.constant 384 : i32
      %add3A_1427 = arith.addi %add3A_1389, %add3A_1426 : i32
      %get3A_1428 = arith.index_cast %add3A_1427 : i32 to index
      %get3A_1429 = arith.constant 16 : index
      %get3A_1430 = tpu.vector_load %arg6[%get3A_1428, %get3A_1429] {strides = array<i32>} : memref<3072x32xf32, #tpu.memory_space<vmem>>, vector<16xf32>,
      %add3A_1431 = arith.addf %add3A_1419, %get3A_1430 : vector<16xf32>
      %add3A_1432 = arith.constant 512 : i32
      %add3A_1433 = arith.addi %add3A_1389, %add3A_1432 : i32
      %get3A_1434 = arith.index_cast %add3A_1433 : i32 to index
      %get3A_1435 = arith.constant 0 : index
      %get3A_1436 = tpu.vector_load %arg6[%get3A_1434, %get3A_1435] {strides = array<i32>} : memref<3072x32xf32, #tpu.memory_space<vmem>>, vector<16xf32>,
      %add3A_1437 = arith.addf %add3A_1425, %get3A_1436 : vector<16xf32>
      %add3A_1438 = arith.constant 512 : i32
      %add3A_1439 = arith.addi %add3A_1389, %add3A_1438 : i32
      %get3A_1440 = arith.index_cast %add3A_1439 : i32 to index
      %get3A_1441 = arith.constant 16 : index
      %get3A_1442 = tpu.vector_load %arg6[%get3A_1440, %get3A_1441] {strides = array<i32>} : memref<3072x32xf32, #tpu.memory_space<vmem>>, vector<16xf32>,
      %add3A_1443 = arith.addf %add3A_1431, %get3A_1442 : vector<16xf32>
      %add3A_1444 = arith.constant 640 : i32
      %add3A_1445 = arith.addi %add3A_1389, %add3A_1444 : i32
      %get3A_1446 = arith.index_cast %add3A_1445 : i32 to index
      %get3A_1447 = arith.constant 0 : index
      %get3A_1448 = tpu.vector_load %arg6[%get3A_1446, %get3A_1447] {strides = array<i32>} : memref<3072x32xf32, #tpu.memory_space<vmem>>, vector<16xf32>,
      %add3A_1449 = arith.addf %add3A_1437, %get3A_1448 : vector<16xf32>
      %add3A_1450 = arith.constant 640 : i32
      %add3A_1451 = arith.addi %add3A_1389, %add3A_1450 : i32
      %get3A_1452 = arith.index_cast %add3A_1451 : i32 to index
      %get3A_1453 = arith.constant 16 : index
      %get3A_1454 = tpu.vector_load %arg6[%get3A_1452, %get3A_1453] {strides = array<i32>} : memref<3072x32xf32, #tpu.memory_space<vmem>>, vector<16xf32>,
      %add3A_1455 = arith.addf %add3A_1443, %get3A_1454 : vector<16xf32>
      %add3A_1456 = arith.constant 768 : i32
      %add3A_1457 = arith.addi %add3A_1389, %add3A_1456 : i32
      %get3A_1458 = arith.index_cast %add3A_1457 : i32 to index
      %get3A_1459 = arith.constant 0 : index
      %get3A_1460 = tpu.vector_load %arg6[%get3A_1458, %get3A_1459] {strides = array<i32>} : memref<3072x32xf32, #tpu.memory_space<vmem>>, vector<16xf32>,
      %add3A_1461 = arith.addf %add3A_1449, %get3A_1460 : vector<16xf32>
      %add3A_1462 = arith.constant 768 : i32
      %add3A_1463 = arith.addi %add3A_1389, %add3A_1462 : i32
      %get3A_1464 = arith.index_cast %add3A_1463 : i32 to index
      %get3A_1465 = arith.constant 16 : index
      %get3A_1466 = tpu.vector_load %arg6[%get3A_1464, %get3A_1465] {strides = array<i32>} : memref<3072x32xf32, #tpu.memory_space<vmem>>, vector<16xf32>,
      %add3A_1467 = arith.addf %add3A_1455, %get3A_1466 : vector<16xf32>
      %add3A_1468 = arith.constant 896 : i32
      %add3A_1469 = arith.addi %add3A_1389, %add3A_1468 : i32
      %get3A_1470 = arith.index_cast %add3A_1469 : i32 to index
      %get3A_1471 = arith.constant 0 : index
      %get3A_1472 = tpu.vector_load %arg6[%get3A_1470, %get3A_1471] {strides = array<i32>} : memref<3072x32xf32, #tpu.memory_space<vmem>>, vector<16xf32>,
      %add3A_1473 = arith.addf %add3A_1461, %get3A_1472 : vector<16xf32>
      %add3A_1474 = arith.constant 896 : i32
      %add3A_1475 = arith.addi %add3A_1389, %add3A_1474 : i32
      %get3A_1476 = arith.index_cast %add3A_1475 : i32 to index
      %get3A_1477 = arith.constant 16 : index
      %get3A_1478 = tpu.vector_load %arg6[%get3A_1476, %get3A_1477] {strides = array<i32>} : memref<3072x32xf32, #tpu.memory_space<vmem>>, vector<16xf32>,
      %add3A_1479 = arith.addf %add3A_1467, %get3A_1478 : vector<16xf32>
      %add3A_1480 = arith.constant 1024 : i32
      %add3A_1481 = arith.addi %add3A_1389, %add3A_1480 : i32
      %get3A_1482 = arith.index_cast %add3A_1481 : i32 to index
      %get3A_1483 = arith.constant 0 : index
      %get3A_1484 = tpu.vector_load %arg6[%get3A_1482, %get3A_1483] {strides = array<i32>} : memref<3072x32xf32, #tpu.memory_space<vmem>>, vector<16xf32>,
      %add3A_1485 = arith.addf %add3A_1473, %get3A_1484 : vector<16xf32>
      %add3A_1486 = arith.constant 1024 : i32
      %add3A_1487 = arith.addi %add3A_1389, %add3A_1486 : i32
      %get3A_1488 = arith.index_cast %add3A_1487 : i32 to index
      %get3A_1489 = arith.constant 16 : index
      %get3A_1490 = tpu.vector_load %arg6[%get3A_1488, %get3A_1489] {strides = array<i32>} : memref<3072x32xf32, #tpu.memory_space<vmem>>, vector<16xf32>,
      %add3A_1491 = arith.addf %add3A_1479, %get3A_1490 : vector<16xf32>
      %add3A_1492 = arith.constant 1152 : i32
      %add3A_1493 = arith.addi %add3A_1389, %add3A_1492 : i32
      %get3A_1494 = arith.index_cast %add3A_1493 : i32 to index
      %get3A_1495 = arith.constant 0 : index
      %get3A_1496 = tpu.vector_load %arg6[%get3A_1494, %get3A_1495] {strides = array<i32>} : memref<3072x32xf32, #tpu.memory_space<vmem>>, vector<16xf32>,
      %add3A_1497 = arith.addf %add3A_1485, %get3A_1496 : vector<16xf32>
      %add3A_1498 = arith.constant 1152 : i32
      %add3A_1499 = arith.addi %add3A_1389, %add3A_1498 : i32
      %get3A_1500 = arith.index_cast %add3A_1499 : i32 to index
      %get3A_1501 = arith.constant 16 : index
      %get3A_1502 = tpu.vector_load %arg6[%get3A_1500, %get3A_1501] {strides = array<i32>} : memref<3072x32xf32, #tpu.memory_space<vmem>>, vector<16xf32>,
      %add3A_1503 = arith.addf %add3A_1491, %get3A_1502 : vector<16xf32>
      %add3A_1504 = arith.constant 1280 : i32
      %add3A_1505 = arith.addi %add3A_1389, %add3A_1504 : i32
      %get3A_1506 = arith.index_cast %add3A_1505 : i32 to index
      %get3A_1507 = arith.constant 0 : index
      %get3A_1508 = tpu.vector_load %arg6[%get3A_1506, %get3A_1507] {strides = array<i32>} : memref<3072x32xf32, #tpu.memory_space<vmem>>, vector<16xf32>,
      %add3A_1509 = arith.addf %add3A_1497, %get3A_1508 : vector<16xf32>
      %add3A_1510 = arith.constant 1280 : i32
      %add3A_1511 = arith.addi %add3A_1389, %add3A_1510 : i32
      %get3A_1512 = arith.index_cast %add3A_1511 : i32 to index
      %get3A_1513 = arith.constant 16 : index
      %get3A_1514 = tpu.vector_load %arg6[%get3A_1512, %get3A_1513] {strides = array<i32>} : memref<3072x32xf32, #tpu.memory_space<vmem>>, vector<16xf32>,
      %add3A_1515 = arith.addf %add3A_1503, %get3A_1514 : vector<16xf32>
      %add3A_1516 = arith.constant 1408 : i32
      %add3A_1517 = arith.addi %add3A_1389, %add3A_1516 : i32
      %get3A_1518 = arith.index_cast %add3A_1517 : i32 to index
      %get3A_1519 = arith.constant 0 : index
      %get3A_1520 = tpu.vector_load %arg6[%get3A_1518, %get3A_1519] {strides = array<i32>} : memref<3072x32xf32, #tpu.memory_space<vmem>>, vector<16xf32>,
      %add3A_1521 = arith.addf %add3A_1509, %get3A_1520 : vector<16xf32>
      %add3A_1522 = arith.constant 1408 : i32
      %add3A_1523 = arith.addi %add3A_1389, %add3A_1522 : i32
      %get3A_1524 = arith.index_cast %add3A_1523 : i32 to index
      %get3A_1525 = arith.constant 16 : index
      %get3A_1526 = tpu.vector_load %arg6[%get3A_1524, %get3A_1525] {strides = array<i32>} : memref<3072x32xf32, #tpu.memory_space<vmem>>, vector<16xf32>,
      %add3A_1527 = arith.addf %add3A_1515, %get3A_1526 : vector<16xf32>
      %mul3A_1528 = arith.constant 0 : i32
      %mul3A_1529 = vector.broadcast %mul3A_1528 : i32 to vector<16xi32>
      %mul3A_1530 = arith.muli %iota3A, %mul3A_1529 : vector<16xi32>
      %add3A_1531 = vector.broadcast %add3A_1387 : i32 to vector<16xi32>
      %add3A_1532 = arith.addi %mul3A_1530, %add3A_1531 : vector<16xi32>
      %mul3A_1533 = arith.constant 0.0833333358 : f32
      %mul3A_1534 = vector.broadcast %mul3A_1533 : f32 to vector<16xf32>
      %mul3A_1535 = arith.mulf %add3A_1521, %mul3A_1534 : vector<16xf32>
      %scatter3A_1536 = arith.constant 1 : i32
      %scatter3A_1537 = arith.constant 0 : i32
      %scatter3A_1538 = arith.constant 0 : i32
      %scatter3A_1539 = tpu.memref_slice %arg7[%scatter3A_1536, %scatter3A_1537, %scatter3A_1538] : memref<2x32x128xf32, #tpu.memory_space<vmem>> -> memref<1x32x128xf32, #tpu.memory_space<vmem>>
      %scatter3A_1540 = tpu.memref_squeeze %scatter3A_1539 : memref<1x32x128xf32, #tpu.memory_space<vmem>> -> memref<32x128xf32, #tpu.memory_space<vmem>>
      tpu.vector_store_idx %scatter3A_1540[%iota3A, %add3A_1532], %mul3A_1535 : memref<32x128xf32, #tpu.memory_space<vmem>>[vector<16xi32>, vector<16xi32>], vector<16xf32>,
      %mul3A_1541 = arith.constant 0.0833333358 : f32
      %mul3A_1542 = vector.broadcast %mul3A_1541 : f32 to vector<16xf32>
      %mul3A_1543 = arith.mulf %add3A_1527, %mul3A_1542 : vector<16xf32>
      %scatter3A_1544 = arith.constant 1 : i32
      %scatter3A_1545 = arith.constant 0 : i32
      %scatter3A_1546 = arith.constant 0 : i32
      %scatter3A_1547 = tpu.memref_slice %arg7[%scatter3A_1544, %scatter3A_1545, %scatter3A_1546] : memref<2x32x128xf32, #tpu.memory_space<vmem>> -> memref<1x32x128xf32, #tpu.memory_space<vmem>>
      %scatter3A_1548 = tpu.memref_squeeze %scatter3A_1547 : memref<1x32x128xf32, #tpu.memory_space<vmem>> -> memref<32x128xf32, #tpu.memory_space<vmem>>
      tpu.vector_store_idx %scatter3A_1548[%add3A_3, %add3A_1532], %mul3A_1543 : memref<32x128xf32, #tpu.memory_space<vmem>>[vector<16xi32>, vector<16xi32>], vector<16xf32>,
      %mul3A_1549 = arith.constant 4 : i32
      %mul3A_1550 = arith.muli %scan3A_1220, %mul3A_1549 : i32
      %add3A_1551 = arith.constant 2 : i32
      %add3A_1552 = arith.addi %mul3A_1550, %add3A_1551 : i32
      %add3A_1553 = arith.constant 1536 : i32
      %add3A_1554 = arith.addi %add3A_1553, %add3A_1552 : i32
      %get3A_1555 = arith.index_cast %add3A_1554 : i32 to index
      %get3A_1556 = arith.constant 0 : index
      %get3A_1557 = tpu.vector_load %arg6[%get3A_1555, %get3A_1556] {strides = array<i32>} : memref<3072x32xf32, #tpu.memory_space<vmem>>, vector<16xf32>,
      %get3A_1558 = arith.index_cast %add3A_1554 : i32 to index
      %get3A_1559 = arith.constant 16 : index
      %get3A_1560 = tpu.vector_load %arg6[%get3A_1558, %get3A_1559] {strides = array<i32>} : memref<3072x32xf32, #tpu.memory_space<vmem>>, vector<16xf32>,
      %add3A_1561 = arith.constant 128 : i32
      %add3A_1562 = arith.addi %add3A_1554, %add3A_1561 : i32
      %get3A_1563 = arith.index_cast %add3A_1562 : i32 to index
      %get3A_1564 = arith.constant 0 : index
      %get3A_1565 = tpu.vector_load %arg6[%get3A_1563, %get3A_1564] {strides = array<i32>} : memref<3072x32xf32, #tpu.memory_space<vmem>>, vector<16xf32>,
      %add3A_1566 = arith.addf %get3A_1557, %get3A_1565 : vector<16xf32>
      %add3A_1567 = arith.constant 128 : i32
      %add3A_1568 = arith.addi %add3A_1554, %add3A_1567 : i32
      %get3A_1569 = arith.index_cast %add3A_1568 : i32 to index
      %get3A_1570 = arith.constant 16 : index
      %get3A_1571 = tpu.vector_load %arg6[%get3A_1569, %get3A_1570] {strides = array<i32>} : memref<3072x32xf32, #tpu.memory_space<vmem>>, vector<16xf32>,
      %add3A_1572 = arith.addf %get3A_1560, %get3A_1571 : vector<16xf32>
      %add3A_1573 = arith.constant 256 : i32
      %add3A_1574 = arith.addi %add3A_1554, %add3A_1573 : i32
      %get3A_1575 = arith.index_cast %add3A_1574 : i32 to index
      %get3A_1576 = arith.constant 0 : index
      %get3A_1577 = tpu.vector_load %arg6[%get3A_1575, %get3A_1576] {strides = array<i32>} : memref<3072x32xf32, #tpu.memory_space<vmem>>, vector<16xf32>,
      %add3A_1578 = arith.addf %add3A_1566, %get3A_1577 : vector<16xf32>
      %add3A_1579 = arith.constant 256 : i32
      %add3A_1580 = arith.addi %add3A_1554, %add3A_1579 : i32
      %get3A_1581 = arith.index_cast %add3A_1580 : i32 to index
      %get3A_1582 = arith.constant 16 : index
      %get3A_1583 = tpu.vector_load %arg6[%get3A_1581, %get3A_1582] {strides = array<i32>} : memref<3072x32xf32, #tpu.memory_space<vmem>>, vector<16xf32>,
      %add3A_1584 = arith.addf %add3A_1572, %get3A_1583 : vector<16xf32>
      %add3A_1585 = arith.constant 384 : i32
      %add3A_1586 = arith.addi %add3A_1554, %add3A_1585 : i32
      %get3A_1587 = arith.index_cast %add3A_1586 : i32 to index
      %get3A_1588 = arith.constant 0 : index
      %get3A_1589 = tpu.vector_load %arg6[%get3A_1587, %get3A_1588] {strides = array<i32>} : memref<3072x32xf32, #tpu.memory_space<vmem>>, vector<16xf32>,
      %add3A_1590 = arith.addf %add3A_1578, %get3A_1589 : vector<16xf32>
      %add3A_1591 = arith.constant 384 : i32
      %add3A_1592 = arith.addi %add3A_1554, %add3A_1591 : i32
      %get3A_1593 = arith.index_cast %add3A_1592 : i32 to index
      %get3A_1594 = arith.constant 16 : index
      %get3A_1595 = tpu.vector_load %arg6[%get3A_1593, %get3A_1594] {strides = array<i32>} : memref<3072x32xf32, #tpu.memory_space<vmem>>, vector<16xf32>,
      %add3A_1596 = arith.addf %add3A_1584, %get3A_1595 : vector<16xf32>
      %add3A_1597 = arith.constant 512 : i32
      %add3A_1598 = arith.addi %add3A_1554, %add3A_1597 : i32
      %get3A_1599 = arith.index_cast %add3A_1598 : i32 to index
      %get3A_1600 = arith.constant 0 : index
      %get3A_1601 = tpu.vector_load %arg6[%get3A_1599, %get3A_1600] {strides = array<i32>} : memref<3072x32xf32, #tpu.memory_space<vmem>>, vector<16xf32>,
      %add3A_1602 = arith.addf %add3A_1590, %get3A_1601 : vector<16xf32>
      %add3A_1603 = arith.constant 512 : i32
      %add3A_1604 = arith.addi %add3A_1554, %add3A_1603 : i32
      %get3A_1605 = arith.index_cast %add3A_1604 : i32 to index
      %get3A_1606 = arith.constant 16 : index
      %get3A_1607 = tpu.vector_load %arg6[%get3A_1605, %get3A_1606] {strides = array<i32>} : memref<3072x32xf32, #tpu.memory_space<vmem>>, vector<16xf32>,
      %add3A_1608 = arith.addf %add3A_1596, %get3A_1607 : vector<16xf32>
      %add3A_1609 = arith.constant 640 : i32
      %add3A_1610 = arith.addi %add3A_1554, %add3A_1609 : i32
      %get3A_1611 = arith.index_cast %add3A_1610 : i32 to index
      %get3A_1612 = arith.constant 0 : index
      %get3A_1613 = tpu.vector_load %arg6[%get3A_1611, %get3A_1612] {strides = array<i32>} : memref<3072x32xf32, #tpu.memory_space<vmem>>, vector<16xf32>,
      %add3A_1614 = arith.addf %add3A_1602, %get3A_1613 : vector<16xf32>
      %add3A_1615 = arith.constant 640 : i32
      %add3A_1616 = arith.addi %add3A_1554, %add3A_1615 : i32
      %get3A_1617 = arith.index_cast %add3A_1616 : i32 to index
      %get3A_1618 = arith.constant 16 : index
      %get3A_1619 = tpu.vector_load %arg6[%get3A_1617, %get3A_1618] {strides = array<i32>} : memref<3072x32xf32, #tpu.memory_space<vmem>>, vector<16xf32>,
      %add3A_1620 = arith.addf %add3A_1608, %get3A_1619 : vector<16xf32>
      %add3A_1621 = arith.constant 768 : i32
      %add3A_1622 = arith.addi %add3A_1554, %add3A_1621 : i32
      %get3A_1623 = arith.index_cast %add3A_1622 : i32 to index
      %get3A_1624 = arith.constant 0 : index
      %get3A_1625 = tpu.vector_load %arg6[%get3A_1623, %get3A_1624] {strides = array<i32>} : memref<3072x32xf32, #tpu.memory_space<vmem>>, vector<16xf32>,
      %add3A_1626 = arith.addf %add3A_1614, %get3A_1625 : vector<16xf32>
      %add3A_1627 = arith.constant 768 : i32
      %add3A_1628 = arith.addi %add3A_1554, %add3A_1627 : i32
      %get3A_1629 = arith.index_cast %add3A_1628 : i32 to index
      %get3A_1630 = arith.constant 16 : index
      %get3A_1631 = tpu.vector_load %arg6[%get3A_1629, %get3A_1630] {strides = array<i32>} : memref<3072x32xf32, #tpu.memory_space<vmem>>, vector<16xf32>,
      %add3A_1632 = arith.addf %add3A_1620, %get3A_1631 : vector<16xf32>
      %add3A_1633 = arith.constant 896 : i32
      %add3A_1634 = arith.addi %add3A_1554, %add3A_1633 : i32
      %get3A_1635 = arith.index_cast %add3A_1634 : i32 to index
      %get3A_1636 = arith.constant 0 : index
      %get3A_1637 = tpu.vector_load %arg6[%get3A_1635, %get3A_1636] {strides = array<i32>} : memref<3072x32xf32, #tpu.memory_space<vmem>>, vector<16xf32>,
      %add3A_1638 = arith.addf %add3A_1626, %get3A_1637 : vector<16xf32>
      %add3A_1639 = arith.constant 896 : i32
      %add3A_1640 = arith.addi %add3A_1554, %add3A_1639 : i32
      %get3A_1641 = arith.index_cast %add3A_1640 : i32 to index
      %get3A_1642 = arith.constant 16 : index
      %get3A_1643 = tpu.vector_load %arg6[%get3A_1641, %get3A_1642] {strides = array<i32>} : memref<3072x32xf32, #tpu.memory_space<vmem>>, vector<16xf32>,
      %add3A_1644 = arith.addf %add3A_1632, %get3A_1643 : vector<16xf32>
      %add3A_1645 = arith.constant 1024 : i32
      %add3A_1646 = arith.addi %add3A_1554, %add3A_1645 : i32
      %get3A_1647 = arith.index_cast %add3A_1646 : i32 to index
      %get3A_1648 = arith.constant 0 : index
      %get3A_1649 = tpu.vector_load %arg6[%get3A_1647, %get3A_1648] {strides = array<i32>} : memref<3072x32xf32, #tpu.memory_space<vmem>>, vector<16xf32>,
      %add3A_1650 = arith.addf %add3A_1638, %get3A_1649 : vector<16xf32>
      %add3A_1651 = arith.constant 1024 : i32
      %add3A_1652 = arith.addi %add3A_1554, %add3A_1651 : i32
      %get3A_1653 = arith.index_cast %add3A_1652 : i32 to index
      %get3A_1654 = arith.constant 16 : index
      %get3A_1655 = tpu.vector_load %arg6[%get3A_1653, %get3A_1654] {strides = array<i32>} : memref<3072x32xf32, #tpu.memory_space<vmem>>, vector<16xf32>,
      %add3A_1656 = arith.addf %add3A_1644, %get3A_1655 : vector<16xf32>
      %add3A_1657 = arith.constant 1152 : i32
      %add3A_1658 = arith.addi %add3A_1554, %add3A_1657 : i32
      %get3A_1659 = arith.index_cast %add3A_1658 : i32 to index
      %get3A_1660 = arith.constant 0 : index
      %get3A_1661 = tpu.vector_load %arg6[%get3A_1659, %get3A_1660] {strides = array<i32>} : memref<3072x32xf32, #tpu.memory_space<vmem>>, vector<16xf32>,
      %add3A_1662 = arith.addf %add3A_1650, %get3A_1661 : vector<16xf32>
      %add3A_1663 = arith.constant 1152 : i32
      %add3A_1664 = arith.addi %add3A_1554, %add3A_1663 : i32
      %get3A_1665 = arith.index_cast %add3A_1664 : i32 to index
      %get3A_1666 = arith.constant 16 : index
      %get3A_1667 = tpu.vector_load %arg6[%get3A_1665, %get3A_1666] {strides = array<i32>} : memref<3072x32xf32, #tpu.memory_space<vmem>>, vector<16xf32>,
      %add3A_1668 = arith.addf %add3A_1656, %get3A_1667 : vector<16xf32>
      %add3A_1669 = arith.constant 1280 : i32
      %add3A_1670 = arith.addi %add3A_1554, %add3A_1669 : i32
      %get3A_1671 = arith.index_cast %add3A_1670 : i32 to index
      %get3A_1672 = arith.constant 0 : index
      %get3A_1673 = tpu.vector_load %arg6[%get3A_1671, %get3A_1672] {strides = array<i32>} : memref<3072x32xf32, #tpu.memory_space<vmem>>, vector<16xf32>,
      %add3A_1674 = arith.addf %add3A_1662, %get3A_1673 : vector<16xf32>
      %add3A_1675 = arith.constant 1280 : i32
      %add3A_1676 = arith.addi %add3A_1554, %add3A_1675 : i32
      %get3A_1677 = arith.index_cast %add3A_1676 : i32 to index
      %get3A_1678 = arith.constant 16 : index
      %get3A_1679 = tpu.vector_load %arg6[%get3A_1677, %get3A_1678] {strides = array<i32>} : memref<3072x32xf32, #tpu.memory_space<vmem>>, vector<16xf32>,
      %add3A_1680 = arith.addf %add3A_1668, %get3A_1679 : vector<16xf32>
      %add3A_1681 = arith.constant 1408 : i32
      %add3A_1682 = arith.addi %add3A_1554, %add3A_1681 : i32
      %get3A_1683 = arith.index_cast %add3A_1682 : i32 to index
      %get3A_1684 = arith.constant 0 : index
      %get3A_1685 = tpu.vector_load %arg6[%get3A_1683, %get3A_1684] {strides = array<i32>} : memref<3072x32xf32, #tpu.memory_space<vmem>>, vector<16xf32>,
      %add3A_1686 = arith.addf %add3A_1674, %get3A_1685 : vector<16xf32>
      %add3A_1687 = arith.constant 1408 : i32
      %add3A_1688 = arith.addi %add3A_1554, %add3A_1687 : i32
      %get3A_1689 = arith.index_cast %add3A_1688 : i32 to index
      %get3A_1690 = arith.constant 16 : index
      %get3A_1691 = tpu.vector_load %arg6[%get3A_1689, %get3A_1690] {strides = array<i32>} : memref<3072x32xf32, #tpu.memory_space<vmem>>, vector<16xf32>,
      %add3A_1692 = arith.addf %add3A_1680, %get3A_1691 : vector<16xf32>
      %mul3A_1693 = arith.constant 0 : i32
      %mul3A_1694 = vector.broadcast %mul3A_1693 : i32 to vector<16xi32>
      %mul3A_1695 = arith.muli %iota3A, %mul3A_1694 : vector<16xi32>
      %add3A_1696 = vector.broadcast %add3A_1552 : i32 to vector<16xi32>
      %add3A_1697 = arith.addi %mul3A_1695, %add3A_1696 : vector<16xi32>
      %mul3A_1698 = arith.constant 0.0833333358 : f32
      %mul3A_1699 = vector.broadcast %mul3A_1698 : f32 to vector<16xf32>
      %mul3A_1700 = arith.mulf %add3A_1686, %mul3A_1699 : vector<16xf32>
      %scatter3A_1701 = arith.constant 1 : i32
      %scatter3A_1702 = arith.constant 0 : i32
      %scatter3A_1703 = arith.constant 0 : i32
      %scatter3A_1704 = tpu.memref_slice %arg7[%scatter3A_1701, %scatter3A_1702, %scatter3A_1703] : memref<2x32x128xf32, #tpu.memory_space<vmem>> -> memref<1x32x128xf32, #tpu.memory_space<vmem>>
      %scatter3A_1705 = tpu.memref_squeeze %scatter3A_1704 : memref<1x32x128xf32, #tpu.memory_space<vmem>> -> memref<32x128xf32, #tpu.memory_space<vmem>>
      tpu.vector_store_idx %scatter3A_1705[%iota3A, %add3A_1697], %mul3A_1700 : memref<32x128xf32, #tpu.memory_space<vmem>>[vector<16xi32>, vector<16xi32>], vector<16xf32>,
      %mul3A_1706 = arith.constant 0.0833333358 : f32
      %mul3A_1707 = vector.broadcast %mul3A_1706 : f32 to vector<16xf32>
      %mul3A_1708 = arith.mulf %add3A_1692, %mul3A_1707 : vector<16xf32>
      %scatter3A_1709 = arith.constant 1 : i32
      %scatter3A_1710 = arith.constant 0 : i32
      %scatter3A_1711 = arith.constant 0 : i32
      %scatter3A_1712 = tpu.memref_slice %arg7[%scatter3A_1709, %scatter3A_1710, %scatter3A_1711] : memref<2x32x128xf32, #tpu.memory_space<vmem>> -> memref<1x32x128xf32, #tpu.memory_space<vmem>>
      %scatter3A_1713 = tpu.memref_squeeze %scatter3A_1712 : memref<1x32x128xf32, #tpu.memory_space<vmem>> -> memref<32x128xf32, #tpu.memory_space<vmem>>
      tpu.vector_store_idx %scatter3A_1713[%add3A_3, %add3A_1697], %mul3A_1708 : memref<32x128xf32, #tpu.memory_space<vmem>>[vector<16xi32>, vector<16xi32>], vector<16xf32>,
      %mul3A_1714 = arith.constant 4 : i32
      %mul3A_1715 = arith.muli %scan3A_1220, %mul3A_1714 : i32
      %add3A_1716 = arith.constant 3 : i32
      %add3A_1717 = arith.addi %mul3A_1715, %add3A_1716 : i32
      %add3A_1718 = arith.constant 1536 : i32
      %add3A_1719 = arith.addi %add3A_1718, %add3A_1717 : i32
      %get3A_1720 = arith.index_cast %add3A_1719 : i32 to index
      %get3A_1721 = arith.constant 0 : index
      %get3A_1722 = tpu.vector_load %arg6[%get3A_1720, %get3A_1721] {strides = array<i32>} : memref<3072x32xf32, #tpu.memory_space<vmem>>, vector<16xf32>,
      %get3A_1723 = arith.index_cast %add3A_1719 : i32 to index
      %get3A_1724 = arith.constant 16 : index
      %get3A_1725 = tpu.vector_load %arg6[%get3A_1723, %get3A_1724] {strides = array<i32>} : memref<3072x32xf32, #tpu.memory_space<vmem>>, vector<16xf32>,
      %add3A_1726 = arith.constant 128 : i32
      %add3A_1727 = arith.addi %add3A_1719, %add3A_1726 : i32
      %get3A_1728 = arith.index_cast %add3A_1727 : i32 to index
      %get3A_1729 = arith.constant 0 : index
      %get3A_1730 = tpu.vector_load %arg6[%get3A_1728, %get3A_1729] {strides = array<i32>} : memref<3072x32xf32, #tpu.memory_space<vmem>>, vector<16xf32>,
      %add3A_1731 = arith.addf %get3A_1722, %get3A_1730 : vector<16xf32>
      %add3A_1732 = arith.constant 128 : i32
      %add3A_1733 = arith.addi %add3A_1719, %add3A_1732 : i32
      %get3A_1734 = arith.index_cast %add3A_1733 : i32 to index
      %get3A_1735 = arith.constant 16 : index
      %get3A_1736 = tpu.vector_load %arg6[%get3A_1734, %get3A_1735] {strides = array<i32>} : memref<3072x32xf32, #tpu.memory_space<vmem>>, vector<16xf32>,
      %add3A_1737 = arith.addf %get3A_1725, %get3A_1736 : vector<16xf32>
      %add3A_1738 = arith.constant 256 : i32
      %add3A_1739 = arith.addi %add3A_1719, %add3A_1738 : i32
      %get3A_1740 = arith.index_cast %add3A_1739 : i32 to index
      %get3A_1741 = arith.constant 0 : index
      %get3A_1742 = tpu.vector_load %arg6[%get3A_1740, %get3A_1741] {strides = array<i32>} : memref<3072x32xf32, #tpu.memory_space<vmem>>, vector<16xf32>,
      %add3A_1743 = arith.addf %add3A_1731, %get3A_1742 : vector<16xf32>
      %add3A_1744 = arith.constant 256 : i32
      %add3A_1745 = arith.addi %add3A_1719, %add3A_1744 : i32
      %get3A_1746 = arith.index_cast %add3A_1745 : i32 to index
      %get3A_1747 = arith.constant 16 : index
      %get3A_1748 = tpu.vector_load %arg6[%get3A_1746, %get3A_1747] {strides = array<i32>} : memref<3072x32xf32, #tpu.memory_space<vmem>>, vector<16xf32>,
      %add3A_1749 = arith.addf %add3A_1737, %get3A_1748 : vector<16xf32>
      %add3A_1750 = arith.constant 384 : i32
      %add3A_1751 = arith.addi %add3A_1719, %add3A_1750 : i32
      %get3A_1752 = arith.index_cast %add3A_1751 : i32 to index
      %get3A_1753 = arith.constant 0 : index
      %get3A_1754 = tpu.vector_load %arg6[%get3A_1752, %get3A_1753] {strides = array<i32>} : memref<3072x32xf32, #tpu.memory_space<vmem>>, vector<16xf32>,
      %add3A_1755 = arith.addf %add3A_1743, %get3A_1754 : vector<16xf32>
      %add3A_1756 = arith.constant 384 : i32
      %add3A_1757 = arith.addi %add3A_1719, %add3A_1756 : i32
      %get3A_1758 = arith.index_cast %add3A_1757 : i32 to index
      %get3A_1759 = arith.constant 16 : index
      %get3A_1760 = tpu.vector_load %arg6[%get3A_1758, %get3A_1759] {strides = array<i32>} : memref<3072x32xf32, #tpu.memory_space<vmem>>, vector<16xf32>,
      %add3A_1761 = arith.addf %add3A_1749, %get3A_1760 : vector<16xf32>
      %add3A_1762 = arith.constant 512 : i32
      %add3A_1763 = arith.addi %add3A_1719, %add3A_1762 : i32
      %get3A_1764 = arith.index_cast %add3A_1763 : i32 to index
      %get3A_1765 = arith.constant 0 : index
      %get3A_1766 = tpu.vector_load %arg6[%get3A_1764, %get3A_1765] {strides = array<i32>} : memref<3072x32xf32, #tpu.memory_space<vmem>>, vector<16xf32>,
      %add3A_1767 = arith.addf %add3A_1755, %get3A_1766 : vector<16xf32>
      %add3A_1768 = arith.constant 512 : i32
      %add3A_1769 = arith.addi %add3A_1719, %add3A_1768 : i32
      %get3A_1770 = arith.index_cast %add3A_1769 : i32 to index
      %get3A_1771 = arith.constant 16 : index
      %get3A_1772 = tpu.vector_load %arg6[%get3A_1770, %get3A_1771] {strides = array<i32>} : memref<3072x32xf32, #tpu.memory_space<vmem>>, vector<16xf32>,
      %add3A_1773 = arith.addf %add3A_1761, %get3A_1772 : vector<16xf32>
      %add3A_1774 = arith.constant 640 : i32
      %add3A_1775 = arith.addi %add3A_1719, %add3A_1774 : i32
      %get3A_1776 = arith.index_cast %add3A_1775 : i32 to index
      %get3A_1777 = arith.constant 0 : index
      %get3A_1778 = tpu.vector_load %arg6[%get3A_1776, %get3A_1777] {strides = array<i32>} : memref<3072x32xf32, #tpu.memory_space<vmem>>, vector<16xf32>,
      %add3A_1779 = arith.addf %add3A_1767, %get3A_1778 : vector<16xf32>
      %add3A_1780 = arith.constant 640 : i32
      %add3A_1781 = arith.addi %add3A_1719, %add3A_1780 : i32
      %get3A_1782 = arith.index_cast %add3A_1781 : i32 to index
      %get3A_1783 = arith.constant 16 : index
      %get3A_1784 = tpu.vector_load %arg6[%get3A_1782, %get3A_1783] {strides = array<i32>} : memref<3072x32xf32, #tpu.memory_space<vmem>>, vector<16xf32>,
      %add3A_1785 = arith.addf %add3A_1773, %get3A_1784 : vector<16xf32>
      %add3A_1786 = arith.constant 768 : i32
      %add3A_1787 = arith.addi %add3A_1719, %add3A_1786 : i32
      %get3A_1788 = arith.index_cast %add3A_1787 : i32 to index
      %get3A_1789 = arith.constant 0 : index
      %get3A_1790 = tpu.vector_load %arg6[%get3A_1788, %get3A_1789] {strides = array<i32>} : memref<3072x32xf32, #tpu.memory_space<vmem>>, vector<16xf32>,
      %add3A_1791 = arith.addf %add3A_1779, %get3A_1790 : vector<16xf32>
      %add3A_1792 = arith.constant 768 : i32
      %add3A_1793 = arith.addi %add3A_1719, %add3A_1792 : i32
      %get3A_1794 = arith.index_cast %add3A_1793 : i32 to index
      %get3A_1795 = arith.constant 16 : index
      %get3A_1796 = tpu.vector_load %arg6[%get3A_1794, %get3A_1795] {strides = array<i32>} : memref<3072x32xf32, #tpu.memory_space<vmem>>, vector<16xf32>,
      %add3A_1797 = arith.addf %add3A_1785, %get3A_1796 : vector<16xf32>
      %add3A_1798 = arith.constant 896 : i32
      %add3A_1799 = arith.addi %add3A_1719, %add3A_1798 : i32
      %get3A_1800 = arith.index_cast %add3A_1799 : i32 to index
      %get3A_1801 = arith.constant 0 : index
      %get3A_1802 = tpu.vector_load %arg6[%get3A_1800, %get3A_1801] {strides = array<i32>} : memref<3072x32xf32, #tpu.memory_space<vmem>>, vector<16xf32>,
      %add3A_1803 = arith.addf %add3A_1791, %get3A_1802 : vector<16xf32>
      %add3A_1804 = arith.constant 896 : i32
      %add3A_1805 = arith.addi %add3A_1719, %add3A_1804 : i32
      %get3A_1806 = arith.index_cast %add3A_1805 : i32 to index
      %get3A_1807 = arith.constant 16 : index
      %get3A_1808 = tpu.vector_load %arg6[%get3A_1806, %get3A_1807] {strides = array<i32>} : memref<3072x32xf32, #tpu.memory_space<vmem>>, vector<16xf32>,
      %add3A_1809 = arith.addf %add3A_1797, %get3A_1808 : vector<16xf32>
      %add3A_1810 = arith.constant 1024 : i32
      %add3A_1811 = arith.addi %add3A_1719, %add3A_1810 : i32
      %get3A_1812 = arith.index_cast %add3A_1811 : i32 to index
      %get3A_1813 = arith.constant 0 : index
      %get3A_1814 = tpu.vector_load %arg6[%get3A_1812, %get3A_1813] {strides = array<i32>} : memref<3072x32xf32, #tpu.memory_space<vmem>>, vector<16xf32>,
      %add3A_1815 = arith.addf %add3A_1803, %get3A_1814 : vector<16xf32>
      %add3A_1816 = arith.constant 1024 : i32
      %add3A_1817 = arith.addi %add3A_1719, %add3A_1816 : i32
      %get3A_1818 = arith.index_cast %add3A_1817 : i32 to index
      %get3A_1819 = arith.constant 16 : index
      %get3A_1820 = tpu.vector_load %arg6[%get3A_1818, %get3A_1819] {strides = array<i32>} : memref<3072x32xf32, #tpu.memory_space<vmem>>, vector<16xf32>,
      %add3A_1821 = arith.addf %add3A_1809, %get3A_1820 : vector<16xf32>
      %add3A_1822 = arith.constant 1152 : i32
      %add3A_1823 = arith.addi %add3A_1719, %add3A_1822 : i32
      %get3A_1824 = arith.index_cast %add3A_1823 : i32 to index
      %get3A_1825 = arith.constant 0 : index
      %get3A_1826 = tpu.vector_load %arg6[%get3A_1824, %get3A_1825] {strides = array<i32>} : memref<3072x32xf32, #tpu.memory_space<vmem>>, vector<16xf32>,
      %add3A_1827 = arith.addf %add3A_1815, %get3A_1826 : vector<16xf32>
      %add3A_1828 = arith.constant 1152 : i32
      %add3A_1829 = arith.addi %add3A_1719, %add3A_1828 : i32
      %get3A_1830 = arith.index_cast %add3A_1829 : i32 to index
      %get3A_1831 = arith.constant 16 : index
      %get3A_1832 = tpu.vector_load %arg6[%get3A_1830, %get3A_1831] {strides = array<i32>} : memref<3072x32xf32, #tpu.memory_space<vmem>>, vector<16xf32>,
      %add3A_1833 = arith.addf %add3A_1821, %get3A_1832 : vector<16xf32>
      %add3A_1834 = arith.constant 1280 : i32
      %add3A_1835 = arith.addi %add3A_1719, %add3A_1834 : i32
      %get3A_1836 = arith.index_cast %add3A_1835 : i32 to index
      %get3A_1837 = arith.constant 0 : index
      %get3A_1838 = tpu.vector_load %arg6[%get3A_1836, %get3A_1837] {strides = array<i32>} : memref<3072x32xf32, #tpu.memory_space<vmem>>, vector<16xf32>,
      %add3A_1839 = arith.addf %add3A_1827, %get3A_1838 : vector<16xf32>
      %add3A_1840 = arith.constant 1280 : i32
      %add3A_1841 = arith.addi %add3A_1719, %add3A_1840 : i32
      %get3A_1842 = arith.index_cast %add3A_1841 : i32 to index
      %get3A_1843 = arith.constant 16 : index
      %get3A_1844 = tpu.vector_load %arg6[%get3A_1842, %get3A_1843] {strides = array<i32>} : memref<3072x32xf32, #tpu.memory_space<vmem>>, vector<16xf32>,
      %add3A_1845 = arith.addf %add3A_1833, %get3A_1844 : vector<16xf32>
      %add3A_1846 = arith.constant 1408 : i32
      %add3A_1847 = arith.addi %add3A_1719, %add3A_1846 : i32
      %get3A_1848 = arith.index_cast %add3A_1847 : i32 to index
      %get3A_1849 = arith.constant 0 : index
      %get3A_1850 = tpu.vector_load %arg6[%get3A_1848, %get3A_1849] {strides = array<i32>} : memref<3072x32xf32, #tpu.memory_space<vmem>>, vector<16xf32>,
      %add3A_1851 = arith.addf %add3A_1839, %get3A_1850 : vector<16xf32>
      %add3A_1852 = arith.constant 1408 : i32
      %add3A_1853 = arith.addi %add3A_1719, %add3A_1852 : i32
      %get3A_1854 = arith.index_cast %add3A_1853 : i32 to index
      %get3A_1855 = arith.constant 16 : index
      %get3A_1856 = tpu.vector_load %arg6[%get3A_1854, %get3A_1855] {strides = array<i32>} : memref<3072x32xf32, #tpu.memory_space<vmem>>, vector<16xf32>,
      %add3A_1857 = arith.addf %add3A_1845, %get3A_1856 : vector<16xf32>
      %mul3A_1858 = arith.constant 0 : i32
      %mul3A_1859 = vector.broadcast %mul3A_1858 : i32 to vector<16xi32>
      %mul3A_1860 = arith.muli %iota3A, %mul3A_1859 : vector<16xi32>
      %add3A_1861 = vector.broadcast %add3A_1717 : i32 to vector<16xi32>
      %add3A_1862 = arith.addi %mul3A_1860, %add3A_1861 : vector<16xi32>
      %mul3A_1863 = arith.constant 0.0833333358 : f32
      %mul3A_1864 = vector.broadcast %mul3A_1863 : f32 to vector<16xf32>
      %mul3A_1865 = arith.mulf %add3A_1851, %mul3A_1864 : vector<16xf32>
      %scatter3A_1866 = arith.constant 1 : i32
      %scatter3A_1867 = arith.constant 0 : i32
      %scatter3A_1868 = arith.constant 0 : i32
      %scatter3A_1869 = tpu.memref_slice %arg7[%scatter3A_1866, %scatter3A_1867, %scatter3A_1868] : memref<2x32x128xf32, #tpu.memory_space<vmem>> -> memref<1x32x128xf32, #tpu.memory_space<vmem>>
      %scatter3A_1870 = tpu.memref_squeeze %scatter3A_1869 : memref<1x32x128xf32, #tpu.memory_space<vmem>> -> memref<32x128xf32, #tpu.memory_space<vmem>>
      tpu.vector_store_idx %scatter3A_1870[%iota3A, %add3A_1862], %mul3A_1865 : memref<32x128xf32, #tpu.memory_space<vmem>>[vector<16xi32>, vector<16xi32>], vector<16xf32>,
      %mul3A_1871 = arith.constant 0.0833333358 : f32
      %mul3A_1872 = vector.broadcast %mul3A_1871 : f32 to vector<16xf32>
      %mul3A_1873 = arith.mulf %add3A_1857, %mul3A_1872 : vector<16xf32>
      %scatter3A_1874 = arith.constant 1 : i32
      %scatter3A_1875 = arith.constant 0 : i32
      %scatter3A_1876 = arith.constant 0 : i32
      %scatter3A_1877 = tpu.memref_slice %arg7[%scatter3A_1874, %scatter3A_1875, %scatter3A_1876] : memref<2x32x128xf32, #tpu.memory_space<vmem>> -> memref<1x32x128xf32, #tpu.memory_space<vmem>>
      %scatter3A_1878 = tpu.memref_squeeze %scatter3A_1877 : memref<1x32x128xf32, #tpu.memory_space<vmem>> -> memref<32x128xf32, #tpu.memory_space<vmem>>
      tpu.vector_store_idx %scatter3A_1878[%add3A_3, %add3A_1862], %mul3A_1873 : memref<32x128xf32, #tpu.memory_space<vmem>>[vector<16xi32>, vector<16xi32>], vector<16xf32>,
    }
    %scan3A_703 = arith.constant 32 : i32
    %mul3A_704 = arith.constant 512 : i32
    %mul3A_705 = arith.muli %add3A, %mul3A_704 : i32
    %add3A_706 = arith.constant 128 : i32
    %add3A_707 = arith.addi %mul3A_705, %add3A_706 : i32
    %dma_start3A_708 = arith.constant 1 : i32
    %dma_start3A_709 = arith.constant 0 : i32
    %dma_start3A_710 = arith.constant 0 : i32
    %dma_start3A_711 = tpu.memref_slice %arg7[%dma_start3A_708, %dma_start3A_709, %dma_start3A_710] : memref<2x32x128xf32, #tpu.memory_space<vmem>> -> memref<1x32x128xf32, #tpu.memory_space<vmem>>
    %dma_start3A_712 = tpu.memref_squeeze %dma_start3A_711 : memref<1x32x128xf32, #tpu.memory_space<vmem>> -> memref<32x128xf32, #tpu.memory_space<vmem>>
    %dma_start3A_713 = arith.constant 0 : i32
    %dma_start3A_714 = tpu.memref_slice %arg4[%dma_start3A_713, %add3A_707] : memref<32x16384xf32, #tpu.memory_space<hbm>> -> memref<32x128xf32, #tpu.memory_space<hbm>>
    %dma_start3A_715 = arith.constant 0 : i32
    %dma_start3A_716 = tpu.memref_slice %arg4[%dma_start3A_715, %add3A_707] : memref<32x16384xf32, #tpu.memory_space<hbm>> -> memref<32x128xf32, #tpu.memory_space<hbm>>
    %dma_start3A_717 = arith.constant 0 : i32
    %dma_start3A_718 = arith.constant 0 : i32
    %dma_start3A_719 = tpu.memref_slice %arg7[%dma_start3A_708, %dma_start3A_717, %dma_start3A_718] : memref<2x32x128xf32, #tpu.memory_space<vmem>> -> memref<1x32x128xf32, #tpu.memory_space<vmem>>
    %dma_start3A_720 = tpu.memref_squeeze %dma_start3A_719 : memref<1x32x128xf32, #tpu.memory_space<vmem>> -> memref<32x128xf32, #tpu.memory_space<vmem>>
    tpu.enqueue_dma source(%dma_start3A_720 : memref<32x128xf32, #tpu.memory_space<vmem>>) target(%dma_start3A_716 : memref<32x128xf32, #tpu.memory_space<hbm>>) target_semaphore(%arg9 : memref<!tpu.dma_semaphore, #tpu.memory_space<semaphore_mem>>)
    %mul3A_721 = arith.constant 512 : i32
    %mul3A_722 = arith.muli %add3A, %mul3A_721 : i32
    %add3A_723 = arith.constant 384 : i32
    %add3A_724 = arith.addi %mul3A_722, %add3A_723 : i32
    %run_scoped3A_725 = arith.constant 1 : i32
    "tpu.region"() ({
      %run_scoped3A_1220 = tpu.sem_alloc : memref<!tpu.dma_semaphore, #tpu.memory_space<semaphore_mem>>
      %dma_start3A_1221 = arith.constant 0 : i32
      %dma_start3A_1222 = arith.constant 0 : i32
      %dma_start3A_1223 = tpu.memref_slice %arg5[%run_scoped3A_725, %dma_start3A_1221, %dma_start3A_1222] : memref<2x12x128xi32, #tpu.memory_space<vmem>> -> memref<1x12x128xi32, #tpu.memory_space<vmem>>
      %dma_start3A_1224 = tpu.memref_squeeze %dma_start3A_1223 : memref<1x12x128xi32, #tpu.memory_space<vmem>> -> memref<12x128xi32, #tpu.memory_space<vmem>>
      %dma_start3A_1225 = arith.constant 0 : i32
      %dma_start3A_1226 = tpu.memref_slice %arg2[%dma_start3A_1225, %add3A_724] : memref<12x16384xi32, #tpu.memory_space<hbm>> -> memref<12x128xi32, #tpu.memory_space<hbm>>
      %dma_start3A_1227 = arith.constant 0 : i32
      %dma_start3A_1228 = arith.constant 0 : i32
      %dma_start3A_1229 = tpu.memref_slice %arg5[%run_scoped3A_725, %dma_start3A_1227, %dma_start3A_1228] : memref<2x12x128xi32, #tpu.memory_space<vmem>> -> memref<1x12x128xi32, #tpu.memory_space<vmem>>
      %dma_start3A_1230 = tpu.memref_squeeze %dma_start3A_1229 : memref<1x12x128xi32, #tpu.memory_space<vmem>> -> memref<12x128xi32, #tpu.memory_space<vmem>>
      %dma_start3A_1231 = arith.constant 0 : i32
      %dma_start3A_1232 = tpu.memref_slice %arg2[%dma_start3A_1231, %add3A_724] : memref<12x16384xi32, #tpu.memory_space<hbm>> -> memref<12x128xi32, #tpu.memory_space<hbm>>
      tpu.enqueue_dma source(%dma_start3A_1232 : memref<12x128xi32, #tpu.memory_space<hbm>>) target(%dma_start3A_1230 : memref<12x128xi32, #tpu.memory_space<vmem>>) target_semaphore(%run_scoped3A_1220 : memref<!tpu.dma_semaphore, #tpu.memory_space<semaphore_mem>>)
      %dma_wait3A_1233 = arith.constant 0 : i32
      %dma_wait3A_1234 = arith.constant 0 : i32
      %dma_wait3A_1235 = tpu.memref_slice %arg5[%run_scoped3A_725, %dma_wait3A_1233, %dma_wait3A_1234] : memref<2x12x128xi32, #tpu.memory_space<vmem>> -> memref<1x12x128xi32, #tpu.memory_space<vmem>>
      %dma_wait3A_1236 = tpu.memref_squeeze %dma_wait3A_1235 : memref<1x12x128xi32, #tpu.memory_space<vmem>> -> memref<12x128xi32, #tpu.memory_space<vmem>>
      %dma_wait3A_1237 = arith.constant 0 : i32
      %dma_wait3A_1238 = tpu.memref_slice %arg2[%dma_wait3A_1237, %add3A_724] : memref<12x16384xi32, #tpu.memory_space<hbm>> -> memref<12x128xi32, #tpu.memory_space<hbm>>
      %dma_wait3A_1239 = arith.constant 0 : i32
      %dma_wait3A_1240 = arith.constant 0 : i32
      %dma_wait3A_1241 = tpu.memref_slice %arg5[%run_scoped3A_725, %dma_wait3A_1239, %dma_wait3A_1240] : memref<2x12x128xi32, #tpu.memory_space<vmem>> -> memref<1x12x128xi32, #tpu.memory_space<vmem>>
      %dma_wait3A_1242 = tpu.memref_squeeze %dma_wait3A_1241 : memref<1x12x128xi32, #tpu.memory_space<vmem>> -> memref<12x128xi32, #tpu.memory_space<vmem>>
      %dma_wait3A_1243 = arith.constant 0 : i32
      %dma_wait3A_1244 = tpu.memref_slice %arg2[%dma_wait3A_1243, %add3A_724] : memref<12x16384xi32, #tpu.memory_space<hbm>> -> memref<12x128xi32, #tpu.memory_space<hbm>>
      tpu.wait_dma2 semaphore(%run_scoped3A_1220 : memref<!tpu.dma_semaphore, #tpu.memory_space<semaphore_mem>>) src(%dma_wait3A_1244 : memref<12x128xi32, #tpu.memory_space<hbm>>) dst(%dma_wait3A_1242 : memref<12x128xi32, #tpu.memory_space<vmem>>)
      tpu.yield
    }) : () -> ()
    %dma_start3A_726 = arith.constant 1 : i32
    %dma_start3A_727 = arith.constant 0 : i32
    %dma_start3A_728 = arith.constant 1536 : i32
    %dma_start3A_729 = arith.constant 0 : i32
    %dma_start3A_730 = tpu.memref_slice %arg6[%dma_start3A_728, %dma_start3A_729] : memref<3072x32xf32, #tpu.memory_space<vmem>> -> memref<128x32xf32, #tpu.memory_space<vmem>>
    %dma_start3A_731 = arith.constant 0 : i32
    %dma_start3A_732 = tpu.memref_slice %arg5[%dma_start3A_726, %dma_start3A_727, %dma_start3A_731] : memref<2x12x128xi32, #tpu.memory_space<vmem>> -> memref<1x1x128xi32, #tpu.memory_space<vmem>>
    %dma_start3A_733 = tpu.memref_squeeze %dma_start3A_732 : memref<1x1x128xi32, #tpu.memory_space<vmem>> -> memref<128xi32, #tpu.memory_space<vmem>>
    %dma_start3A_734 = arith.constant 0 : i32
    %dma_start3A_735 = arith.constant 0 : i32
    %dma_start3A_736 = tpu.memref_slice %arg3[%dma_start3A_734, %dma_start3A_735] : memref<100000x32xf32, #tpu.memory_space<hbm>> -> memref<100000x32xf32, #tpu.memory_space<hbm>>
    tpu.enqueue_indirect_dma source(%dma_start3A_736 : memref<100000x32xf32, #tpu.memory_space<hbm>>) target(%dma_start3A_730 : memref<128x32xf32, #tpu.memory_space<vmem>>) offsets(%dma_start3A_733 : memref<128xi32, #tpu.memory_space<vmem>>) semaphore(%arg8 : memref<!tpu.dma_semaphore, #tpu.memory_space<semaphore_mem>>)
    %dma_start3A_737 = arith.constant 1 : i32
    %dma_start3A_738 = arith.constant 1 : i32
    %dma_start3A_739 = arith.constant 1664 : i32
    %dma_start3A_740 = arith.constant 0 : i32
    %dma_start3A_741 = tpu.memref_slice %arg6[%dma_start3A_739, %dma_start3A_740] : memref<3072x32xf32, #tpu.memory_space<vmem>> -> memref<128x32xf32, #tpu.memory_space<vmem>>
    %dma_start3A_742 = arith.constant 0 : i32
    %dma_start3A_743 = tpu.memref_slice %arg5[%dma_start3A_737, %dma_start3A_738, %dma_start3A_742] : memref<2x12x128xi32, #tpu.memory_space<vmem>> -> memref<1x1x128xi32, #tpu.memory_space<vmem>>
    %dma_start3A_744 = tpu.memref_squeeze %dma_start3A_743 : memref<1x1x128xi32, #tpu.memory_space<vmem>> -> memref<128xi32, #tpu.memory_space<vmem>>
    %dma_start3A_745 = arith.constant 0 : i32
    %dma_start3A_746 = arith.constant 0 : i32
    %dma_start3A_747 = tpu.memref_slice %arg3[%dma_start3A_745, %dma_start3A_746] : memref<100000x32xf32, #tpu.memory_space<hbm>> -> memref<100000x32xf32, #tpu.memory_space<hbm>>
    tpu.enqueue_indirect_dma source(%dma_start3A_747 : memref<100000x32xf32, #tpu.memory_space<hbm>>) target(%dma_start3A_741 : memref<128x32xf32, #tpu.memory_space<vmem>>) offsets(%dma_start3A_744 : memref<128xi32, #tpu.memory_space<vmem>>) semaphore(%arg8 : memref<!tpu.dma_semaphore, #tpu.memory_space<semaphore_mem>>)
    %dma_start3A_748 = arith.constant 1 : i32
    %dma_start3A_749 = arith.constant 2 : i32
    %dma_start3A_750 = arith.constant 1792 : i32
    %dma_start3A_751 = arith.constant 0 : i32
    %dma_start3A_752 = tpu.memref_slice %arg6[%dma_start3A_750, %dma_start3A_751] : memref<3072x32xf32, #tpu.memory_space<vmem>> -> memref<128x32xf32, #tpu.memory_space<vmem>>
    %dma_start3A_753 = arith.constant 0 : i32
    %dma_start3A_754 = tpu.memref_slice %arg5[%dma_start3A_748, %dma_start3A_749, %dma_start3A_753] : memref<2x12x128xi32, #tpu.memory_space<vmem>> -> memref<1x1x128xi32, #tpu.memory_space<vmem>>
    %dma_start3A_755 = tpu.memref_squeeze %dma_start3A_754 : memref<1x1x128xi32, #tpu.memory_space<vmem>> -> memref<128xi32, #tpu.memory_space<vmem>>
    %dma_start3A_756 = arith.constant 0 : i32
    %dma_start3A_757 = arith.constant 0 : i32
    %dma_start3A_758 = tpu.memref_slice %arg3[%dma_start3A_756, %dma_start3A_757] : memref<100000x32xf32, #tpu.memory_space<hbm>> -> memref<100000x32xf32, #tpu.memory_space<hbm>>
    tpu.enqueue_indirect_dma source(%dma_start3A_758 : memref<100000x32xf32, #tpu.memory_space<hbm>>) target(%dma_start3A_752 : memref<128x32xf32, #tpu.memory_space<vmem>>) offsets(%dma_start3A_755 : memref<128xi32, #tpu.memory_space<vmem>>) semaphore(%arg8 : memref<!tpu.dma_semaphore, #tpu.memory_space<semaphore_mem>>)
    %dma_start3A_759 = arith.constant 1 : i32
    %dma_start3A_760 = arith.constant 3 : i32
    %dma_start3A_761 = arith.constant 1920 : i32
    %dma_start3A_762 = arith.constant 0 : i32
    %dma_start3A_763 = tpu.memref_slice %arg6[%dma_start3A_761, %dma_start3A_762] : memref<3072x32xf32, #tpu.memory_space<vmem>> -> memref<128x32xf32, #tpu.memory_space<vmem>>
    %dma_start3A_764 = arith.constant 0 : i32
    %dma_start3A_765 = tpu.memref_slice %arg5[%dma_start3A_759, %dma_start3A_760, %dma_start3A_764] : memref<2x12x128xi32, #tpu.memory_space<vmem>> -> memref<1x1x128xi32, #tpu.memory_space<vmem>>
    %dma_start3A_766 = tpu.memref_squeeze %dma_start3A_765 : memref<1x1x128xi32, #tpu.memory_space<vmem>> -> memref<128xi32, #tpu.memory_space<vmem>>
    %dma_start3A_767 = arith.constant 0 : i32
    %dma_start3A_768 = arith.constant 0 : i32
    %dma_start3A_769 = tpu.memref_slice %arg3[%dma_start3A_767, %dma_start3A_768] : memref<100000x32xf32, #tpu.memory_space<hbm>> -> memref<100000x32xf32, #tpu.memory_space<hbm>>
    tpu.enqueue_indirect_dma source(%dma_start3A_769 : memref<100000x32xf32, #tpu.memory_space<hbm>>) target(%dma_start3A_763 : memref<128x32xf32, #tpu.memory_space<vmem>>) offsets(%dma_start3A_766 : memref<128xi32, #tpu.memory_space<vmem>>) semaphore(%arg8 : memref<!tpu.dma_semaphore, #tpu.memory_space<semaphore_mem>>)
    %dma_start3A_770 = arith.constant 1 : i32
    %dma_start3A_771 = arith.constant 4 : i32
    %dma_start3A_772 = arith.constant 2048 : i32
    %dma_start3A_773 = arith.constant 0 : i32
    %dma_start3A_774 = tpu.memref_slice %arg6[%dma_start3A_772, %dma_start3A_773] : memref<3072x32xf32, #tpu.memory_space<vmem>> -> memref<128x32xf32, #tpu.memory_space<vmem>>
    %dma_start3A_775 = arith.constant 0 : i32
    %dma_start3A_776 = tpu.memref_slice %arg5[%dma_start3A_770, %dma_start3A_771, %dma_start3A_775] : memref<2x12x128xi32, #tpu.memory_space<vmem>> -> memref<1x1x128xi32, #tpu.memory_space<vmem>>
    %dma_start3A_777 = tpu.memref_squeeze %dma_start3A_776 : memref<1x1x128xi32, #tpu.memory_space<vmem>> -> memref<128xi32, #tpu.memory_space<vmem>>
    %dma_start3A_778 = arith.constant 0 : i32
    %dma_start3A_779 = arith.constant 0 : i32
    %dma_start3A_780 = tpu.memref_slice %arg3[%dma_start3A_778, %dma_start3A_779] : memref<100000x32xf32, #tpu.memory_space<hbm>> -> memref<100000x32xf32, #tpu.memory_space<hbm>>
    tpu.enqueue_indirect_dma source(%dma_start3A_780 : memref<100000x32xf32, #tpu.memory_space<hbm>>) target(%dma_start3A_774 : memref<128x32xf32, #tpu.memory_space<vmem>>) offsets(%dma_start3A_777 : memref<128xi32, #tpu.memory_space<vmem>>) semaphore(%arg8 : memref<!tpu.dma_semaphore, #tpu.memory_space<semaphore_mem>>)
    %dma_start3A_781 = arith.constant 1 : i32
    %dma_start3A_782 = arith.constant 5 : i32
    %dma_start3A_783 = arith.constant 2176 : i32
    %dma_start3A_784 = arith.constant 0 : i32
    %dma_start3A_785 = tpu.memref_slice %arg6[%dma_start3A_783, %dma_start3A_784] : memref<3072x32xf32, #tpu.memory_space<vmem>> -> memref<128x32xf32, #tpu.memory_space<vmem>>
    %dma_start3A_786 = arith.constant 0 : i32
    %dma_start3A_787 = tpu.memref_slice %arg5[%dma_start3A_781, %dma_start3A_782, %dma_start3A_786] : memref<2x12x128xi32, #tpu.memory_space<vmem>> -> memref<1x1x128xi32, #tpu.memory_space<vmem>>
    %dma_start3A_788 = tpu.memref_squeeze %dma_start3A_787 : memref<1x1x128xi32, #tpu.memory_space<vmem>> -> memref<128xi32, #tpu.memory_space<vmem>>
    %dma_start3A_789 = arith.constant 0 : i32
    %dma_start3A_790 = arith.constant 0 : i32
    %dma_start3A_791 = tpu.memref_slice %arg3[%dma_start3A_789, %dma_start3A_790] : memref<100000x32xf32, #tpu.memory_space<hbm>> -> memref<100000x32xf32, #tpu.memory_space<hbm>>
    tpu.enqueue_indirect_dma source(%dma_start3A_791 : memref<100000x32xf32, #tpu.memory_space<hbm>>) target(%dma_start3A_785 : memref<128x32xf32, #tpu.memory_space<vmem>>) offsets(%dma_start3A_788 : memref<128xi32, #tpu.memory_space<vmem>>) semaphore(%arg8 : memref<!tpu.dma_semaphore, #tpu.memory_space<semaphore_mem>>)
    %dma_start3A_792 = arith.constant 1 : i32
    %dma_start3A_793 = arith.constant 6 : i32
    %dma_start3A_794 = arith.constant 2304 : i32
    %dma_start3A_795 = arith.constant 0 : i32
    %dma_start3A_796 = tpu.memref_slice %arg6[%dma_start3A_794, %dma_start3A_795] : memref<3072x32xf32, #tpu.memory_space<vmem>> -> memref<128x32xf32, #tpu.memory_space<vmem>>
    %dma_start3A_797 = arith.constant 0 : i32
    %dma_start3A_798 = tpu.memref_slice %arg5[%dma_start3A_792, %dma_start3A_793, %dma_start3A_797] : memref<2x12x128xi32, #tpu.memory_space<vmem>> -> memref<1x1x128xi32, #tpu.memory_space<vmem>>
    %dma_start3A_799 = tpu.memref_squeeze %dma_start3A_798 : memref<1x1x128xi32, #tpu.memory_space<vmem>> -> memref<128xi32, #tpu.memory_space<vmem>>
    %dma_start3A_800 = arith.constant 0 : i32
    %dma_start3A_801 = arith.constant 0 : i32
    %dma_start3A_802 = tpu.memref_slice %arg3[%dma_start3A_800, %dma_start3A_801] : memref<100000x32xf32, #tpu.memory_space<hbm>> -> memref<100000x32xf32, #tpu.memory_space<hbm>>
    tpu.enqueue_indirect_dma source(%dma_start3A_802 : memref<100000x32xf32, #tpu.memory_space<hbm>>) target(%dma_start3A_796 : memref<128x32xf32, #tpu.memory_space<vmem>>) offsets(%dma_start3A_799 : memref<128xi32, #tpu.memory_space<vmem>>) semaphore(%arg8 : memref<!tpu.dma_semaphore, #tpu.memory_space<semaphore_mem>>)
    %dma_start3A_803 = arith.constant 1 : i32
    %dma_start3A_804 = arith.constant 7 : i32
    %dma_start3A_805 = arith.constant 2432 : i32
    %dma_start3A_806 = arith.constant 0 : i32
    %dma_start3A_807 = tpu.memref_slice %arg6[%dma_start3A_805, %dma_start3A_806] : memref<3072x32xf32, #tpu.memory_space<vmem>> -> memref<128x32xf32, #tpu.memory_space<vmem>>
    %dma_start3A_808 = arith.constant 0 : i32
    %dma_start3A_809 = tpu.memref_slice %arg5[%dma_start3A_803, %dma_start3A_804, %dma_start3A_808] : memref<2x12x128xi32, #tpu.memory_space<vmem>> -> memref<1x1x128xi32, #tpu.memory_space<vmem>>
    %dma_start3A_810 = tpu.memref_squeeze %dma_start3A_809 : memref<1x1x128xi32, #tpu.memory_space<vmem>> -> memref<128xi32, #tpu.memory_space<vmem>>
    %dma_start3A_811 = arith.constant 0 : i32
    %dma_start3A_812 = arith.constant 0 : i32
    %dma_start3A_813 = tpu.memref_slice %arg3[%dma_start3A_811, %dma_start3A_812] : memref<100000x32xf32, #tpu.memory_space<hbm>> -> memref<100000x32xf32, #tpu.memory_space<hbm>>
    tpu.enqueue_indirect_dma source(%dma_start3A_813 : memref<100000x32xf32, #tpu.memory_space<hbm>>) target(%dma_start3A_807 : memref<128x32xf32, #tpu.memory_space<vmem>>) offsets(%dma_start3A_810 : memref<128xi32, #tpu.memory_space<vmem>>) semaphore(%arg8 : memref<!tpu.dma_semaphore, #tpu.memory_space<semaphore_mem>>)
    %dma_start3A_814 = arith.constant 1 : i32
    %dma_start3A_815 = arith.constant 8 : i32
    %dma_start3A_816 = arith.constant 2560 : i32
    %dma_start3A_817 = arith.constant 0 : i32
    %dma_start3A_818 = tpu.memref_slice %arg6[%dma_start3A_816, %dma_start3A_817] : memref<3072x32xf32, #tpu.memory_space<vmem>> -> memref<128x32xf32, #tpu.memory_space<vmem>>
    %dma_start3A_819 = arith.constant 0 : i32
    %dma_start3A_820 = tpu.memref_slice %arg5[%dma_start3A_814, %dma_start3A_815, %dma_start3A_819] : memref<2x12x128xi32, #tpu.memory_space<vmem>> -> memref<1x1x128xi32, #tpu.memory_space<vmem>>
    %dma_start3A_821 = tpu.memref_squeeze %dma_start3A_820 : memref<1x1x128xi32, #tpu.memory_space<vmem>> -> memref<128xi32, #tpu.memory_space<vmem>>
    %dma_start3A_822 = arith.constant 0 : i32
    %dma_start3A_823 = arith.constant 0 : i32
    %dma_start3A_824 = tpu.memref_slice %arg3[%dma_start3A_822, %dma_start3A_823] : memref<100000x32xf32, #tpu.memory_space<hbm>> -> memref<100000x32xf32, #tpu.memory_space<hbm>>
    tpu.enqueue_indirect_dma source(%dma_start3A_824 : memref<100000x32xf32, #tpu.memory_space<hbm>>) target(%dma_start3A_818 : memref<128x32xf32, #tpu.memory_space<vmem>>) offsets(%dma_start3A_821 : memref<128xi32, #tpu.memory_space<vmem>>) semaphore(%arg8 : memref<!tpu.dma_semaphore, #tpu.memory_space<semaphore_mem>>)
    %dma_start3A_825 = arith.constant 1 : i32
    %dma_start3A_826 = arith.constant 9 : i32
    %dma_start3A_827 = arith.constant 2688 : i32
    %dma_start3A_828 = arith.constant 0 : i32
    %dma_start3A_829 = tpu.memref_slice %arg6[%dma_start3A_827, %dma_start3A_828] : memref<3072x32xf32, #tpu.memory_space<vmem>> -> memref<128x32xf32, #tpu.memory_space<vmem>>
    %dma_start3A_830 = arith.constant 0 : i32
    %dma_start3A_831 = tpu.memref_slice %arg5[%dma_start3A_825, %dma_start3A_826, %dma_start3A_830] : memref<2x12x128xi32, #tpu.memory_space<vmem>> -> memref<1x1x128xi32, #tpu.memory_space<vmem>>
    %dma_start3A_832 = tpu.memref_squeeze %dma_start3A_831 : memref<1x1x128xi32, #tpu.memory_space<vmem>> -> memref<128xi32, #tpu.memory_space<vmem>>
    %dma_start3A_833 = arith.constant 0 : i32
    %dma_start3A_834 = arith.constant 0 : i32
    %dma_start3A_835 = tpu.memref_slice %arg3[%dma_start3A_833, %dma_start3A_834] : memref<100000x32xf32, #tpu.memory_space<hbm>> -> memref<100000x32xf32, #tpu.memory_space<hbm>>
    tpu.enqueue_indirect_dma source(%dma_start3A_835 : memref<100000x32xf32, #tpu.memory_space<hbm>>) target(%dma_start3A_829 : memref<128x32xf32, #tpu.memory_space<vmem>>) offsets(%dma_start3A_832 : memref<128xi32, #tpu.memory_space<vmem>>) semaphore(%arg8 : memref<!tpu.dma_semaphore, #tpu.memory_space<semaphore_mem>>)
    %dma_start3A_836 = arith.constant 1 : i32
    %dma_start3A_837 = arith.constant 10 : i32
    %dma_start3A_838 = arith.constant 2816 : i32
    %dma_start3A_839 = arith.constant 0 : i32
    %dma_start3A_840 = tpu.memref_slice %arg6[%dma_start3A_838, %dma_start3A_839] : memref<3072x32xf32, #tpu.memory_space<vmem>> -> memref<128x32xf32, #tpu.memory_space<vmem>>
    %dma_start3A_841 = arith.constant 0 : i32
    %dma_start3A_842 = tpu.memref_slice %arg5[%dma_start3A_836, %dma_start3A_837, %dma_start3A_841] : memref<2x12x128xi32, #tpu.memory_space<vmem>> -> memref<1x1x128xi32, #tpu.memory_space<vmem>>
    %dma_start3A_843 = tpu.memref_squeeze %dma_start3A_842 : memref<1x1x128xi32, #tpu.memory_space<vmem>> -> memref<128xi32, #tpu.memory_space<vmem>>
    %dma_start3A_844 = arith.constant 0 : i32
    %dma_start3A_845 = arith.constant 0 : i32
    %dma_start3A_846 = tpu.memref_slice %arg3[%dma_start3A_844, %dma_start3A_845] : memref<100000x32xf32, #tpu.memory_space<hbm>> -> memref<100000x32xf32, #tpu.memory_space<hbm>>
    tpu.enqueue_indirect_dma source(%dma_start3A_846 : memref<100000x32xf32, #tpu.memory_space<hbm>>) target(%dma_start3A_840 : memref<128x32xf32, #tpu.memory_space<vmem>>) offsets(%dma_start3A_843 : memref<128xi32, #tpu.memory_space<vmem>>) semaphore(%arg8 : memref<!tpu.dma_semaphore, #tpu.memory_space<semaphore_mem>>)
    %dma_start3A_847 = arith.constant 1 : i32
    %dma_start3A_848 = arith.constant 11 : i32
    %dma_start3A_849 = arith.constant 2944 : i32
    %dma_start3A_850 = arith.constant 0 : i32
    %dma_start3A_851 = tpu.memref_slice %arg6[%dma_start3A_849, %dma_start3A_850] : memref<3072x32xf32, #tpu.memory_space<vmem>> -> memref<128x32xf32, #tpu.memory_space<vmem>>
    %dma_start3A_852 = arith.constant 0 : i32
    %dma_start3A_853 = tpu.memref_slice %arg5[%dma_start3A_847, %dma_start3A_848, %dma_start3A_852] : memref<2x12x128xi32, #tpu.memory_space<vmem>> -> memref<1x1x128xi32, #tpu.memory_space<vmem>>
    %dma_start3A_854 = tpu.memref_squeeze %dma_start3A_853 : memref<1x1x128xi32, #tpu.memory_space<vmem>> -> memref<128xi32, #tpu.memory_space<vmem>>
    %dma_start3A_855 = arith.constant 0 : i32
    %dma_start3A_856 = arith.constant 0 : i32
    %dma_start3A_857 = tpu.memref_slice %arg3[%dma_start3A_855, %dma_start3A_856] : memref<100000x32xf32, #tpu.memory_space<hbm>> -> memref<100000x32xf32, #tpu.memory_space<hbm>>
    tpu.enqueue_indirect_dma source(%dma_start3A_857 : memref<100000x32xf32, #tpu.memory_space<hbm>>) target(%dma_start3A_851 : memref<128x32xf32, #tpu.memory_space<vmem>>) offsets(%dma_start3A_854 : memref<128xi32, #tpu.memory_space<vmem>>) semaphore(%arg8 : memref<!tpu.dma_semaphore, #tpu.memory_space<semaphore_mem>>)
    %dma_wait3A_858 = arith.constant 0 : i32
    %dma_wait3A_859 = arith.constant 0 : i32
    %dma_wait3A_860 = arith.constant 0 : i32
    %dma_wait3A_861 = arith.constant 0 : i32
    %dma_wait3A_862 = tpu.memref_slice %arg6[%dma_wait3A_860, %dma_wait3A_861] : memref<3072x32xf32, #tpu.memory_space<vmem>> -> memref<128x32xf32, #tpu.memory_space<vmem>>
    %dma_wait3A_863 = arith.constant 0 : i32
    %dma_wait3A_864 = tpu.memref_slice %arg5[%dma_wait3A_858, %dma_wait3A_859, %dma_wait3A_863] : memref<2x12x128xi32, #tpu.memory_space<vmem>> -> memref<1x1x128xi32, #tpu.memory_space<vmem>>
    %dma_wait3A_865 = tpu.memref_squeeze %dma_wait3A_864 : memref<1x1x128xi32, #tpu.memory_space<vmem>> -> memref<128xi32, #tpu.memory_space<vmem>>
    %dma_wait3A_866 = arith.constant 0 : i32
    %dma_wait3A_867 = arith.constant 0 : i32
    %dma_wait3A_868 = tpu.memref_slice %arg3[%dma_wait3A_866, %dma_wait3A_867] : memref<100000x32xf32, #tpu.memory_space<hbm>> -> memref<100000x32xf32, #tpu.memory_space<hbm>>
    tpu.wait_indirect_dma semaphore(%arg8 : memref<!tpu.dma_semaphore, #tpu.memory_space<semaphore_mem>>) src(%dma_wait3A_868 : memref<100000x32xf32, #tpu.memory_space<hbm>>) dst(%dma_wait3A_862 : memref<128x32xf32, #tpu.memory_space<vmem>>)
    %dma_wait3A_869 = arith.constant 0 : i32
    %dma_wait3A_870 = arith.constant 1 : i32
    %dma_wait3A_871 = arith.constant 128 : i32
    %dma_wait3A_872 = arith.constant 0 : i32
    %dma_wait3A_873 = tpu.memref_slice %arg6[%dma_wait3A_871, %dma_wait3A_872] : memref<3072x32xf32, #tpu.memory_space<vmem>> -> memref<128x32xf32, #tpu.memory_space<vmem>>
    %dma_wait3A_874 = arith.constant 0 : i32
    %dma_wait3A_875 = tpu.memref_slice %arg5[%dma_wait3A_869, %dma_wait3A_870, %dma_wait3A_874] : memref<2x12x128xi32, #tpu.memory_space<vmem>> -> memref<1x1x128xi32, #tpu.memory_space<vmem>>
    %dma_wait3A_876 = tpu.memref_squeeze %dma_wait3A_875 : memref<1x1x128xi32, #tpu.memory_space<vmem>> -> memref<128xi32, #tpu.memory_space<vmem>>
    %dma_wait3A_877 = arith.constant 0 : i32
    %dma_wait3A_878 = arith.constant 0 : i32
    %dma_wait3A_879 = tpu.memref_slice %arg3[%dma_wait3A_877, %dma_wait3A_878] : memref<100000x32xf32, #tpu.memory_space<hbm>> -> memref<100000x32xf32, #tpu.memory_space<hbm>>
    tpu.wait_indirect_dma semaphore(%arg8 : memref<!tpu.dma_semaphore, #tpu.memory_space<semaphore_mem>>) src(%dma_wait3A_879 : memref<100000x32xf32, #tpu.memory_space<hbm>>) dst(%dma_wait3A_873 : memref<128x32xf32, #tpu.memory_space<vmem>>)
    %dma_wait3A_880 = arith.constant 0 : i32
    %dma_wait3A_881 = arith.constant 2 : i32
    %dma_wait3A_882 = arith.constant 256 : i32
    %dma_wait3A_883 = arith.constant 0 : i32
    %dma_wait3A_884 = tpu.memref_slice %arg6[%dma_wait3A_882, %dma_wait3A_883] : memref<3072x32xf32, #tpu.memory_space<vmem>> -> memref<128x32xf32, #tpu.memory_space<vmem>>
    %dma_wait3A_885 = arith.constant 0 : i32
    %dma_wait3A_886 = tpu.memref_slice %arg5[%dma_wait3A_880, %dma_wait3A_881, %dma_wait3A_885] : memref<2x12x128xi32, #tpu.memory_space<vmem>> -> memref<1x1x128xi32, #tpu.memory_space<vmem>>
    %dma_wait3A_887 = tpu.memref_squeeze %dma_wait3A_886 : memref<1x1x128xi32, #tpu.memory_space<vmem>> -> memref<128xi32, #tpu.memory_space<vmem>>
    %dma_wait3A_888 = arith.constant 0 : i32
    %dma_wait3A_889 = arith.constant 0 : i32
    %dma_wait3A_890 = tpu.memref_slice %arg3[%dma_wait3A_888, %dma_wait3A_889] : memref<100000x32xf32, #tpu.memory_space<hbm>> -> memref<100000x32xf32, #tpu.memory_space<hbm>>
    tpu.wait_indirect_dma semaphore(%arg8 : memref<!tpu.dma_semaphore, #tpu.memory_space<semaphore_mem>>) src(%dma_wait3A_890 : memref<100000x32xf32, #tpu.memory_space<hbm>>) dst(%dma_wait3A_884 : memref<128x32xf32, #tpu.memory_space<vmem>>)
    %dma_wait3A_891 = arith.constant 0 : i32
    %dma_wait3A_892 = arith.constant 3 : i32
    %dma_wait3A_893 = arith.constant 384 : i32
    %dma_wait3A_894 = arith.constant 0 : i32
    %dma_wait3A_895 = tpu.memref_slice %arg6[%dma_wait3A_893, %dma_wait3A_894] : memref<3072x32xf32, #tpu.memory_space<vmem>> -> memref<128x32xf32, #tpu.memory_space<vmem>>
    %dma_wait3A_896 = arith.constant 0 : i32
    %dma_wait3A_897 = tpu.memref_slice %arg5[%dma_wait3A_891, %dma_wait3A_892, %dma_wait3A_896] : memref<2x12x128xi32, #tpu.memory_space<vmem>> -> memref<1x1x128xi32, #tpu.memory_space<vmem>>
    %dma_wait3A_898 = tpu.memref_squeeze %dma_wait3A_897 : memref<1x1x128xi32, #tpu.memory_space<vmem>> -> memref<128xi32, #tpu.memory_space<vmem>>
    %dma_wait3A_899 = arith.constant 0 : i32
    %dma_wait3A_900 = arith.constant 0 : i32
    %dma_wait3A_901 = tpu.memref_slice %arg3[%dma_wait3A_899, %dma_wait3A_900] : memref<100000x32xf32, #tpu.memory_space<hbm>> -> memref<100000x32xf32, #tpu.memory_space<hbm>>
    tpu.wait_indirect_dma semaphore(%arg8 : memref<!tpu.dma_semaphore, #tpu.memory_space<semaphore_mem>>) src(%dma_wait3A_901 : memref<100000x32xf32, #tpu.memory_space<hbm>>) dst(%dma_wait3A_895 : memref<128x32xf32, #tpu.memory_space<vmem>>)
    %dma_wait3A_902 = arith.constant 0 : i32
    %dma_wait3A_903 = arith.constant 4 : i32
    %dma_wait3A_904 = arith.constant 512 : i32
    %dma_wait3A_905 = arith.constant 0 : i32
    %dma_wait3A_906 = tpu.memref_slice %arg6[%dma_wait3A_904, %dma_wait3A_905] : memref<3072x32xf32, #tpu.memory_space<vmem>> -> memref<128x32xf32, #tpu.memory_space<vmem>>
    %dma_wait3A_907 = arith.constant 0 : i32
    %dma_wait3A_908 = tpu.memref_slice %arg5[%dma_wait3A_902, %dma_wait3A_903, %dma_wait3A_907] : memref<2x12x128xi32, #tpu.memory_space<vmem>> -> memref<1x1x128xi32, #tpu.memory_space<vmem>>
    %dma_wait3A_909 = tpu.memref_squeeze %dma_wait3A_908 : memref<1x1x128xi32, #tpu.memory_space<vmem>> -> memref<128xi32, #tpu.memory_space<vmem>>
    %dma_wait3A_910 = arith.constant 0 : i32
    %dma_wait3A_911 = arith.constant 0 : i32
    %dma_wait3A_912 = tpu.memref_slice %arg3[%dma_wait3A_910, %dma_wait3A_911] : memref<100000x32xf32, #tpu.memory_space<hbm>> -> memref<100000x32xf32, #tpu.memory_space<hbm>>
    tpu.wait_indirect_dma semaphore(%arg8 : memref<!tpu.dma_semaphore, #tpu.memory_space<semaphore_mem>>) src(%dma_wait3A_912 : memref<100000x32xf32, #tpu.memory_space<hbm>>) dst(%dma_wait3A_906 : memref<128x32xf32, #tpu.memory_space<vmem>>)
    %dma_wait3A_913 = arith.constant 0 : i32
    %dma_wait3A_914 = arith.constant 5 : i32
    %dma_wait3A_915 = arith.constant 640 : i32
    %dma_wait3A_916 = arith.constant 0 : i32
    %dma_wait3A_917 = tpu.memref_slice %arg6[%dma_wait3A_915, %dma_wait3A_916] : memref<3072x32xf32, #tpu.memory_space<vmem>> -> memref<128x32xf32, #tpu.memory_space<vmem>>
    %dma_wait3A_918 = arith.constant 0 : i32
    %dma_wait3A_919 = tpu.memref_slice %arg5[%dma_wait3A_913, %dma_wait3A_914, %dma_wait3A_918] : memref<2x12x128xi32, #tpu.memory_space<vmem>> -> memref<1x1x128xi32, #tpu.memory_space<vmem>>
    %dma_wait3A_920 = tpu.memref_squeeze %dma_wait3A_919 : memref<1x1x128xi32, #tpu.memory_space<vmem>> -> memref<128xi32, #tpu.memory_space<vmem>>
    %dma_wait3A_921 = arith.constant 0 : i32
    %dma_wait3A_922 = arith.constant 0 : i32
    %dma_wait3A_923 = tpu.memref_slice %arg3[%dma_wait3A_921, %dma_wait3A_922] : memref<100000x32xf32, #tpu.memory_space<hbm>> -> memref<100000x32xf32, #tpu.memory_space<hbm>>
    tpu.wait_indirect_dma semaphore(%arg8 : memref<!tpu.dma_semaphore, #tpu.memory_space<semaphore_mem>>) src(%dma_wait3A_923 : memref<100000x32xf32, #tpu.memory_space<hbm>>) dst(%dma_wait3A_917 : memref<128x32xf32, #tpu.memory_space<vmem>>)
    %dma_wait3A_924 = arith.constant 0 : i32
    %dma_wait3A_925 = arith.constant 6 : i32
    %dma_wait3A_926 = arith.constant 768 : i32
    %dma_wait3A_927 = arith.constant 0 : i32
    %dma_wait3A_928 = tpu.memref_slice %arg6[%dma_wait3A_926, %dma_wait3A_927] : memref<3072x32xf32, #tpu.memory_space<vmem>> -> memref<128x32xf32, #tpu.memory_space<vmem>>
    %dma_wait3A_929 = arith.constant 0 : i32
    %dma_wait3A_930 = tpu.memref_slice %arg5[%dma_wait3A_924, %dma_wait3A_925, %dma_wait3A_929] : memref<2x12x128xi32, #tpu.memory_space<vmem>> -> memref<1x1x128xi32, #tpu.memory_space<vmem>>
    %dma_wait3A_931 = tpu.memref_squeeze %dma_wait3A_930 : memref<1x1x128xi32, #tpu.memory_space<vmem>> -> memref<128xi32, #tpu.memory_space<vmem>>
    %dma_wait3A_932 = arith.constant 0 : i32
    %dma_wait3A_933 = arith.constant 0 : i32
    %dma_wait3A_934 = tpu.memref_slice %arg3[%dma_wait3A_932, %dma_wait3A_933] : memref<100000x32xf32, #tpu.memory_space<hbm>> -> memref<100000x32xf32, #tpu.memory_space<hbm>>
    tpu.wait_indirect_dma semaphore(%arg8 : memref<!tpu.dma_semaphore, #tpu.memory_space<semaphore_mem>>) src(%dma_wait3A_934 : memref<100000x32xf32, #tpu.memory_space<hbm>>) dst(%dma_wait3A_928 : memref<128x32xf32, #tpu.memory_space<vmem>>)
    %dma_wait3A_935 = arith.constant 0 : i32
    %dma_wait3A_936 = arith.constant 7 : i32
    %dma_wait3A_937 = arith.constant 896 : i32
    %dma_wait3A_938 = arith.constant 0 : i32
    %dma_wait3A_939 = tpu.memref_slice %arg6[%dma_wait3A_937, %dma_wait3A_938] : memref<3072x32xf32, #tpu.memory_space<vmem>> -> memref<128x32xf32, #tpu.memory_space<vmem>>
    %dma_wait3A_940 = arith.constant 0 : i32
    %dma_wait3A_941 = tpu.memref_slice %arg5[%dma_wait3A_935, %dma_wait3A_936, %dma_wait3A_940] : memref<2x12x128xi32, #tpu.memory_space<vmem>> -> memref<1x1x128xi32, #tpu.memory_space<vmem>>
    %dma_wait3A_942 = tpu.memref_squeeze %dma_wait3A_941 : memref<1x1x128xi32, #tpu.memory_space<vmem>> -> memref<128xi32, #tpu.memory_space<vmem>>
    %dma_wait3A_943 = arith.constant 0 : i32
    %dma_wait3A_944 = arith.constant 0 : i32
    %dma_wait3A_945 = tpu.memref_slice %arg3[%dma_wait3A_943, %dma_wait3A_944] : memref<100000x32xf32, #tpu.memory_space<hbm>> -> memref<100000x32xf32, #tpu.memory_space<hbm>>
    tpu.wait_indirect_dma semaphore(%arg8 : memref<!tpu.dma_semaphore, #tpu.memory_space<semaphore_mem>>) src(%dma_wait3A_945 : memref<100000x32xf32, #tpu.memory_space<hbm>>) dst(%dma_wait3A_939 : memref<128x32xf32, #tpu.memory_space<vmem>>)
    %dma_wait3A_946 = arith.constant 0 : i32
    %dma_wait3A_947 = arith.constant 8 : i32
    %dma_wait3A_948 = arith.constant 1024 : i32
    %dma_wait3A_949 = arith.constant 0 : i32
    %dma_wait3A_950 = tpu.memref_slice %arg6[%dma_wait3A_948, %dma_wait3A_949] : memref<3072x32xf32, #tpu.memory_space<vmem>> -> memref<128x32xf32, #tpu.memory_space<vmem>>
    %dma_wait3A_951 = arith.constant 0 : i32
    %dma_wait3A_952 = tpu.memref_slice %arg5[%dma_wait3A_946, %dma_wait3A_947, %dma_wait3A_951] : memref<2x12x128xi32, #tpu.memory_space<vmem>> -> memref<1x1x128xi32, #tpu.memory_space<vmem>>
    %dma_wait3A_953 = tpu.memref_squeeze %dma_wait3A_952 : memref<1x1x128xi32, #tpu.memory_space<vmem>> -> memref<128xi32, #tpu.memory_space<vmem>>
    %dma_wait3A_954 = arith.constant 0 : i32
    %dma_wait3A_955 = arith.constant 0 : i32
    %dma_wait3A_956 = tpu.memref_slice %arg3[%dma_wait3A_954, %dma_wait3A_955] : memref<100000x32xf32, #tpu.memory_space<hbm>> -> memref<100000x32xf32, #tpu.memory_space<hbm>>
    tpu.wait_indirect_dma semaphore(%arg8 : memref<!tpu.dma_semaphore, #tpu.memory_space<semaphore_mem>>) src(%dma_wait3A_956 : memref<100000x32xf32, #tpu.memory_space<hbm>>) dst(%dma_wait3A_950 : memref<128x32xf32, #tpu.memory_space<vmem>>)
    %dma_wait3A_957 = arith.constant 0 : i32
    %dma_wait3A_958 = arith.constant 9 : i32
    %dma_wait3A_959 = arith.constant 1152 : i32
    %dma_wait3A_960 = arith.constant 0 : i32
    %dma_wait3A_961 = tpu.memref_slice %arg6[%dma_wait3A_959, %dma_wait3A_960] : memref<3072x32xf32, #tpu.memory_space<vmem>> -> memref<128x32xf32, #tpu.memory_space<vmem>>
    %dma_wait3A_962 = arith.constant 0 : i32
    %dma_wait3A_963 = tpu.memref_slice %arg5[%dma_wait3A_957, %dma_wait3A_958, %dma_wait3A_962] : memref<2x12x128xi32, #tpu.memory_space<vmem>> -> memref<1x1x128xi32, #tpu.memory_space<vmem>>
    %dma_wait3A_964 = tpu.memref_squeeze %dma_wait3A_963 : memref<1x1x128xi32, #tpu.memory_space<vmem>> -> memref<128xi32, #tpu.memory_space<vmem>>
    %dma_wait3A_965 = arith.constant 0 : i32
    %dma_wait3A_966 = arith.constant 0 : i32
    %dma_wait3A_967 = tpu.memref_slice %arg3[%dma_wait3A_965, %dma_wait3A_966] : memref<100000x32xf32, #tpu.memory_space<hbm>> -> memref<100000x32xf32, #tpu.memory_space<hbm>>
    tpu.wait_indirect_dma semaphore(%arg8 : memref<!tpu.dma_semaphore, #tpu.memory_space<semaphore_mem>>) src(%dma_wait3A_967 : memref<100000x32xf32, #tpu.memory_space<hbm>>) dst(%dma_wait3A_961 : memref<128x32xf32, #tpu.memory_space<vmem>>)
    %dma_wait3A_968 = arith.constant 0 : i32
    %dma_wait3A_969 = arith.constant 10 : i32
    %dma_wait3A_970 = arith.constant 1280 : i32
    %dma_wait3A_971 = arith.constant 0 : i32
    %dma_wait3A_972 = tpu.memref_slice %arg6[%dma_wait3A_970, %dma_wait3A_971] : memref<3072x32xf32, #tpu.memory_space<vmem>> -> memref<128x32xf32, #tpu.memory_space<vmem>>
    %dma_wait3A_973 = arith.constant 0 : i32
    %dma_wait3A_974 = tpu.memref_slice %arg5[%dma_wait3A_968, %dma_wait3A_969, %dma_wait3A_973] : memref<2x12x128xi32, #tpu.memory_space<vmem>> -> memref<1x1x128xi32, #tpu.memory_space<vmem>>
    %dma_wait3A_975 = tpu.memref_squeeze %dma_wait3A_974 : memref<1x1x128xi32, #tpu.memory_space<vmem>> -> memref<128xi32, #tpu.memory_space<vmem>>
    %dma_wait3A_976 = arith.constant 0 : i32
    %dma_wait3A_977 = arith.constant 0 : i32
    %dma_wait3A_978 = tpu.memref_slice %arg3[%dma_wait3A_976, %dma_wait3A_977] : memref<100000x32xf32, #tpu.memory_space<hbm>> -> memref<100000x32xf32, #tpu.memory_space<hbm>>
    tpu.wait_indirect_dma semaphore(%arg8 : memref<!tpu.dma_semaphore, #tpu.memory_space<semaphore_mem>>) src(%dma_wait3A_978 : memref<100000x32xf32, #tpu.memory_space<hbm>>) dst(%dma_wait3A_972 : memref<128x32xf32, #tpu.memory_space<vmem>>)
    %dma_wait3A_979 = arith.constant 0 : i32
    %dma_wait3A_980 = arith.constant 11 : i32
    %dma_wait3A_981 = arith.constant 1408 : i32
    %dma_wait3A_982 = arith.constant 0 : i32
    %dma_wait3A_983 = tpu.memref_slice %arg6[%dma_wait3A_981, %dma_wait3A_982] : memref<3072x32xf32, #tpu.memory_space<vmem>> -> memref<128x32xf32, #tpu.memory_space<vmem>>
    %dma_wait3A_984 = arith.constant 0 : i32
    %dma_wait3A_985 = tpu.memref_slice %arg5[%dma_wait3A_979, %dma_wait3A_980, %dma_wait3A_984] : memref<2x12x128xi32, #tpu.memory_space<vmem>> -> memref<1x1x128xi32, #tpu.memory_space<vmem>>
    %dma_wait3A_986 = tpu.memref_squeeze %dma_wait3A_985 : memref<1x1x128xi32, #tpu.memory_space<vmem>> -> memref<128xi32, #tpu.memory_space<vmem>>
    %dma_wait3A_987 = arith.constant 0 : i32
    %dma_wait3A_988 = arith.constant 0 : i32
    %dma_wait3A_989 = tpu.memref_slice %arg3[%dma_wait3A_987, %dma_wait3A_988] : memref<100000x32xf32, #tpu.memory_space<hbm>> -> memref<100000x32xf32, #tpu.memory_space<hbm>>
    tpu.wait_indirect_dma semaphore(%arg8 : memref<!tpu.dma_semaphore, #tpu.memory_space<semaphore_mem>>) src(%dma_wait3A_989 : memref<100000x32xf32, #tpu.memory_space<hbm>>) dst(%dma_wait3A_983 : memref<128x32xf32, #tpu.memory_space<vmem>>)
    %dma_wait3A_990 = arith.constant 0 : i32
    %dma_wait3A_991 = arith.constant 0 : i32
    %dma_wait3A_992 = arith.constant 0 : i32
    %dma_wait3A_993 = tpu.memref_slice %arg7[%dma_wait3A_990, %dma_wait3A_991, %dma_wait3A_992] : memref<2x32x128xf32, #tpu.memory_space<vmem>> -> memref<1x32x128xf32, #tpu.memory_space<vmem>>
    %dma_wait3A_994 = tpu.memref_squeeze %dma_wait3A_993 : memref<1x32x128xf32, #tpu.memory_space<vmem>> -> memref<32x128xf32, #tpu.memory_space<vmem>>
    %dma_wait3A_995 = arith.constant 0 : i32
    %dma_wait3A_996 = tpu.memref_slice %arg4[%dma_wait3A_995, %add3A_415] : memref<32x16384xf32, #tpu.memory_space<hbm>> -> memref<32x128xf32, #tpu.memory_space<hbm>>
    %dma_wait3A_997 = arith.constant 0 : i32
    %dma_wait3A_998 = tpu.memref_slice %arg4[%dma_wait3A_997, %add3A_415] : memref<32x16384xf32, #tpu.memory_space<hbm>> -> memref<32x128xf32, #tpu.memory_space<hbm>>
    %dma_wait3A_999 = arith.constant 0 : i32
    %dma_wait3A_1000 = arith.constant 0 : i32
    %dma_wait3A_1001 = tpu.memref_slice %arg7[%dma_wait3A_990, %dma_wait3A_999, %dma_wait3A_1000] : memref<2x32x128xf32, #tpu.memory_space<vmem>> -> memref<1x32x128xf32, #tpu.memory_space<vmem>>
    %dma_wait3A_1002 = tpu.memref_squeeze %dma_wait3A_1001 : memref<1x32x128xf32, #tpu.memory_space<vmem>> -> memref<32x128xf32, #tpu.memory_space<vmem>>
    tpu.wait_dma2 semaphore(%arg9 : memref<!tpu.dma_semaphore, #tpu.memory_space<semaphore_mem>>) src(%dma_wait3A_1002 : memref<32x128xf32, #tpu.memory_space<vmem>>) dst(%dma_wait3A_998 : memref<32x128xf32, #tpu.memory_space<hbm>>)
    %scan3A_1003 = arith.constant 0 : i32
    %scan3A_1004 = arith.constant 0 : i32
    %scan3A_1005 = arith.constant 32 : i32
    %scan3A_1006 = arith.addi %scan3A_1004, %scan3A_1005 : i32
    %scan3A_1007 = arith.constant 1 : i32
    scf.for %scan3A_1220 = %scan3A_1004 to %scan3A_1006 step %scan3A_1007  : i32 {
      %mul3A_1221 = arith.constant 4 : i32
      %mul3A_1222 = arith.muli %scan3A_1220, %mul3A_1221 : i32
      %add3A_1223 = arith.constant 0 : i32
      %add3A_1224 = arith.addi %mul3A_1222, %add3A_1223 : i32
      %add3A_1225 = arith.constant 0 : i32
      %add3A_1226 = arith.addi %add3A_1225, %add3A_1224 : i32
      %get3A = arith.index_cast %add3A_1226 : i32 to index
      %get3A_1227 = arith.constant 0 : index
      %get3A_1228 = tpu.vector_load %arg6[%get3A, %get3A_1227] {strides = array<i32>} : memref<3072x32xf32, #tpu.memory_space<vmem>>, vector<16xf32>,
      %get3A_1229 = arith.index_cast %add3A_1226 : i32 to index
      %get3A_1230 = arith.constant 16 : index
      %get3A_1231 = tpu.vector_load %arg6[%get3A_1229, %get3A_1230] {strides = array<i32>} : memref<3072x32xf32, #tpu.memory_space<vmem>>, vector<16xf32>,
      %add3A_1232 = arith.constant 128 : i32
      %add3A_1233 = arith.addi %add3A_1226, %add3A_1232 : i32
      %get3A_1234 = arith.index_cast %add3A_1233 : i32 to index
      %get3A_1235 = arith.constant 0 : index
      %get3A_1236 = tpu.vector_load %arg6[%get3A_1234, %get3A_1235] {strides = array<i32>} : memref<3072x32xf32, #tpu.memory_space<vmem>>, vector<16xf32>,
      %add3A_1237 = arith.addf %get3A_1228, %get3A_1236 : vector<16xf32>
      %add3A_1238 = arith.constant 128 : i32
      %add3A_1239 = arith.addi %add3A_1226, %add3A_1238 : i32
      %get3A_1240 = arith.index_cast %add3A_1239 : i32 to index
      %get3A_1241 = arith.constant 16 : index
      %get3A_1242 = tpu.vector_load %arg6[%get3A_1240, %get3A_1241] {strides = array<i32>} : memref<3072x32xf32, #tpu.memory_space<vmem>>, vector<16xf32>,
      %add3A_1243 = arith.addf %get3A_1231, %get3A_1242 : vector<16xf32>
      %add3A_1244 = arith.constant 256 : i32
      %add3A_1245 = arith.addi %add3A_1226, %add3A_1244 : i32
      %get3A_1246 = arith.index_cast %add3A_1245 : i32 to index
      %get3A_1247 = arith.constant 0 : index
      %get3A_1248 = tpu.vector_load %arg6[%get3A_1246, %get3A_1247] {strides = array<i32>} : memref<3072x32xf32, #tpu.memory_space<vmem>>, vector<16xf32>,
      %add3A_1249 = arith.addf %add3A_1237, %get3A_1248 : vector<16xf32>
      %add3A_1250 = arith.constant 256 : i32
      %add3A_1251 = arith.addi %add3A_1226, %add3A_1250 : i32
      %get3A_1252 = arith.index_cast %add3A_1251 : i32 to index
      %get3A_1253 = arith.constant 16 : index
      %get3A_1254 = tpu.vector_load %arg6[%get3A_1252, %get3A_1253] {strides = array<i32>} : memref<3072x32xf32, #tpu.memory_space<vmem>>, vector<16xf32>,
      %add3A_1255 = arith.addf %add3A_1243, %get3A_1254 : vector<16xf32>
      %add3A_1256 = arith.constant 384 : i32
      %add3A_1257 = arith.addi %add3A_1226, %add3A_1256 : i32
      %get3A_1258 = arith.index_cast %add3A_1257 : i32 to index
      %get3A_1259 = arith.constant 0 : index
      %get3A_1260 = tpu.vector_load %arg6[%get3A_1258, %get3A_1259] {strides = array<i32>} : memref<3072x32xf32, #tpu.memory_space<vmem>>, vector<16xf32>,
      %add3A_1261 = arith.addf %add3A_1249, %get3A_1260 : vector<16xf32>
      %add3A_1262 = arith.constant 384 : i32
      %add3A_1263 = arith.addi %add3A_1226, %add3A_1262 : i32
      %get3A_1264 = arith.index_cast %add3A_1263 : i32 to index
      %get3A_1265 = arith.constant 16 : index
      %get3A_1266 = tpu.vector_load %arg6[%get3A_1264, %get3A_1265] {strides = array<i32>} : memref<3072x32xf32, #tpu.memory_space<vmem>>, vector<16xf32>,
      %add3A_1267 = arith.addf %add3A_1255, %get3A_1266 : vector<16xf32>
      %add3A_1268 = arith.constant 512 : i32
      %add3A_1269 = arith.addi %add3A_1226, %add3A_1268 : i32
      %get3A_1270 = arith.index_cast %add3A_1269 : i32 to index
      %get3A_1271 = arith.constant 0 : index
      %get3A_1272 = tpu.vector_load %arg6[%get3A_1270, %get3A_1271] {strides = array<i32>} : memref<3072x32xf32, #tpu.memory_space<vmem>>, vector<16xf32>,
      %add3A_1273 = arith.addf %add3A_1261, %get3A_1272 : vector<16xf32>
      %add3A_1274 = arith.constant 512 : i32
      %add3A_1275 = arith.addi %add3A_1226, %add3A_1274 : i32
      %get3A_1276 = arith.index_cast %add3A_1275 : i32 to index
      %get3A_1277 = arith.constant 16 : index
      %get3A_1278 = tpu.vector_load %arg6[%get3A_1276, %get3A_1277] {strides = array<i32>} : memref<3072x32xf32, #tpu.memory_space<vmem>>, vector<16xf32>,
      %add3A_1279 = arith.addf %add3A_1267, %get3A_1278 : vector<16xf32>
      %add3A_1280 = arith.constant 640 : i32
      %add3A_1281 = arith.addi %add3A_1226, %add3A_1280 : i32
      %get3A_1282 = arith.index_cast %add3A_1281 : i32 to index
      %get3A_1283 = arith.constant 0 : index
      %get3A_1284 = tpu.vector_load %arg6[%get3A_1282, %get3A_1283] {strides = array<i32>} : memref<3072x32xf32, #tpu.memory_space<vmem>>, vector<16xf32>,
      %add3A_1285 = arith.addf %add3A_1273, %get3A_1284 : vector<16xf32>
      %add3A_1286 = arith.constant 640 : i32
      %add3A_1287 = arith.addi %add3A_1226, %add3A_1286 : i32
      %get3A_1288 = arith.index_cast %add3A_1287 : i32 to index
      %get3A_1289 = arith.constant 16 : index
      %get3A_1290 = tpu.vector_load %arg6[%get3A_1288, %get3A_1289] {strides = array<i32>} : memref<3072x32xf32, #tpu.memory_space<vmem>>, vector<16xf32>,
      %add3A_1291 = arith.addf %add3A_1279, %get3A_1290 : vector<16xf32>
      %add3A_1292 = arith.constant 768 : i32
      %add3A_1293 = arith.addi %add3A_1226, %add3A_1292 : i32
      %get3A_1294 = arith.index_cast %add3A_1293 : i32 to index
      %get3A_1295 = arith.constant 0 : index
      %get3A_1296 = tpu.vector_load %arg6[%get3A_1294, %get3A_1295] {strides = array<i32>} : memref<3072x32xf32, #tpu.memory_space<vmem>>, vector<16xf32>,
      %add3A_1297 = arith.addf %add3A_1285, %get3A_1296 : vector<16xf32>
      %add3A_1298 = arith.constant 768 : i32
      %add3A_1299 = arith.addi %add3A_1226, %add3A_1298 : i32
      %get3A_1300 = arith.index_cast %add3A_1299 : i32 to index
      %get3A_1301 = arith.constant 16 : index
      %get3A_1302 = tpu.vector_load %arg6[%get3A_1300, %get3A_1301] {strides = array<i32>} : memref<3072x32xf32, #tpu.memory_space<vmem>>, vector<16xf32>,
      %add3A_1303 = arith.addf %add3A_1291, %get3A_1302 : vector<16xf32>
      %add3A_1304 = arith.constant 896 : i32
      %add3A_1305 = arith.addi %add3A_1226, %add3A_1304 : i32
      %get3A_1306 = arith.index_cast %add3A_1305 : i32 to index
      %get3A_1307 = arith.constant 0 : index
      %get3A_1308 = tpu.vector_load %arg6[%get3A_1306, %get3A_1307] {strides = array<i32>} : memref<3072x32xf32, #tpu.memory_space<vmem>>, vector<16xf32>,
      %add3A_1309 = arith.addf %add3A_1297, %get3A_1308 : vector<16xf32>
      %add3A_1310 = arith.constant 896 : i32
      %add3A_1311 = arith.addi %add3A_1226, %add3A_1310 : i32
      %get3A_1312 = arith.index_cast %add3A_1311 : i32 to index
      %get3A_1313 = arith.constant 16 : index
      %get3A_1314 = tpu.vector_load %arg6[%get3A_1312, %get3A_1313] {strides = array<i32>} : memref<3072x32xf32, #tpu.memory_space<vmem>>, vector<16xf32>,
      %add3A_1315 = arith.addf %add3A_1303, %get3A_1314 : vector<16xf32>
      %add3A_1316 = arith.constant 1024 : i32
      %add3A_1317 = arith.addi %add3A_1226, %add3A_1316 : i32
      %get3A_1318 = arith.index_cast %add3A_1317 : i32 to index
      %get3A_1319 = arith.constant 0 : index
      %get3A_1320 = tpu.vector_load %arg6[%get3A_1318, %get3A_1319] {strides = array<i32>} : memref<3072x32xf32, #tpu.memory_space<vmem>>, vector<16xf32>,
      %add3A_1321 = arith.addf %add3A_1309, %get3A_1320 : vector<16xf32>
      %add3A_1322 = arith.constant 1024 : i32
      %add3A_1323 = arith.addi %add3A_1226, %add3A_1322 : i32
      %get3A_1324 = arith.index_cast %add3A_1323 : i32 to index
      %get3A_1325 = arith.constant 16 : index
      %get3A_1326 = tpu.vector_load %arg6[%get3A_1324, %get3A_1325] {strides = array<i32>} : memref<3072x32xf32, #tpu.memory_space<vmem>>, vector<16xf32>,
      %add3A_1327 = arith.addf %add3A_1315, %get3A_1326 : vector<16xf32>
      %add3A_1328 = arith.constant 1152 : i32
      %add3A_1329 = arith.addi %add3A_1226, %add3A_1328 : i32
      %get3A_1330 = arith.index_cast %add3A_1329 : i32 to index
      %get3A_1331 = arith.constant 0 : index
      %get3A_1332 = tpu.vector_load %arg6[%get3A_1330, %get3A_1331] {strides = array<i32>} : memref<3072x32xf32, #tpu.memory_space<vmem>>, vector<16xf32>,
      %add3A_1333 = arith.addf %add3A_1321, %get3A_1332 : vector<16xf32>
      %add3A_1334 = arith.constant 1152 : i32
      %add3A_1335 = arith.addi %add3A_1226, %add3A_1334 : i32
      %get3A_1336 = arith.index_cast %add3A_1335 : i32 to index
      %get3A_1337 = arith.constant 16 : index
      %get3A_1338 = tpu.vector_load %arg6[%get3A_1336, %get3A_1337] {strides = array<i32>} : memref<3072x32xf32, #tpu.memory_space<vmem>>, vector<16xf32>,
      %add3A_1339 = arith.addf %add3A_1327, %get3A_1338 : vector<16xf32>
      %add3A_1340 = arith.constant 1280 : i32
      %add3A_1341 = arith.addi %add3A_1226, %add3A_1340 : i32
      %get3A_1342 = arith.index_cast %add3A_1341 : i32 to index
      %get3A_1343 = arith.constant 0 : index
      %get3A_1344 = tpu.vector_load %arg6[%get3A_1342, %get3A_1343] {strides = array<i32>} : memref<3072x32xf32, #tpu.memory_space<vmem>>, vector<16xf32>,
      %add3A_1345 = arith.addf %add3A_1333, %get3A_1344 : vector<16xf32>
      %add3A_1346 = arith.constant 1280 : i32
      %add3A_1347 = arith.addi %add3A_1226, %add3A_1346 : i32
      %get3A_1348 = arith.index_cast %add3A_1347 : i32 to index
      %get3A_1349 = arith.constant 16 : index
      %get3A_1350 = tpu.vector_load %arg6[%get3A_1348, %get3A_1349] {strides = array<i32>} : memref<3072x32xf32, #tpu.memory_space<vmem>>, vector<16xf32>,
      %add3A_1351 = arith.addf %add3A_1339, %get3A_1350 : vector<16xf32>
      %add3A_1352 = arith.constant 1408 : i32
      %add3A_1353 = arith.addi %add3A_1226, %add3A_1352 : i32
      %get3A_1354 = arith.index_cast %add3A_1353 : i32 to index
      %get3A_1355 = arith.constant 0 : index
      %get3A_1356 = tpu.vector_load %arg6[%get3A_1354, %get3A_1355] {strides = array<i32>} : memref<3072x32xf32, #tpu.memory_space<vmem>>, vector<16xf32>,
      %add3A_1357 = arith.addf %add3A_1345, %get3A_1356 : vector<16xf32>
      %add3A_1358 = arith.constant 1408 : i32
      %add3A_1359 = arith.addi %add3A_1226, %add3A_1358 : i32
      %get3A_1360 = arith.index_cast %add3A_1359 : i32 to index
      %get3A_1361 = arith.constant 16 : index
      %get3A_1362 = tpu.vector_load %arg6[%get3A_1360, %get3A_1361] {strides = array<i32>} : memref<3072x32xf32, #tpu.memory_space<vmem>>, vector<16xf32>,
      %add3A_1363 = arith.addf %add3A_1351, %get3A_1362 : vector<16xf32>
      %mul3A_1364 = arith.constant 0 : i32
      %mul3A_1365 = vector.broadcast %mul3A_1364 : i32 to vector<16xi32>
      %mul3A_1366 = arith.muli %iota3A, %mul3A_1365 : vector<16xi32>
      %add3A_1367 = vector.broadcast %add3A_1224 : i32 to vector<16xi32>
      %add3A_1368 = arith.addi %mul3A_1366, %add3A_1367 : vector<16xi32>
      %mul3A_1369 = arith.constant 0.0833333358 : f32
      %mul3A_1370 = vector.broadcast %mul3A_1369 : f32 to vector<16xf32>
      %mul3A_1371 = arith.mulf %add3A_1357, %mul3A_1370 : vector<16xf32>
      %scatter3A = arith.constant 0 : i32
      %scatter3A_1372 = arith.constant 0 : i32
      %scatter3A_1373 = arith.constant 0 : i32
      %scatter3A_1374 = tpu.memref_slice %arg7[%scatter3A, %scatter3A_1372, %scatter3A_1373] : memref<2x32x128xf32, #tpu.memory_space<vmem>> -> memref<1x32x128xf32, #tpu.memory_space<vmem>>
      %scatter3A_1375 = tpu.memref_squeeze %scatter3A_1374 : memref<1x32x128xf32, #tpu.memory_space<vmem>> -> memref<32x128xf32, #tpu.memory_space<vmem>>
      tpu.vector_store_idx %scatter3A_1375[%iota3A, %add3A_1368], %mul3A_1371 : memref<32x128xf32, #tpu.memory_space<vmem>>[vector<16xi32>, vector<16xi32>], vector<16xf32>,
      %mul3A_1376 = arith.constant 0.0833333358 : f32
      %mul3A_1377 = vector.broadcast %mul3A_1376 : f32 to vector<16xf32>
      %mul3A_1378 = arith.mulf %add3A_1363, %mul3A_1377 : vector<16xf32>
      %scatter3A_1379 = arith.constant 0 : i32
      %scatter3A_1380 = arith.constant 0 : i32
      %scatter3A_1381 = arith.constant 0 : i32
      %scatter3A_1382 = tpu.memref_slice %arg7[%scatter3A_1379, %scatter3A_1380, %scatter3A_1381] : memref<2x32x128xf32, #tpu.memory_space<vmem>> -> memref<1x32x128xf32, #tpu.memory_space<vmem>>
      %scatter3A_1383 = tpu.memref_squeeze %scatter3A_1382 : memref<1x32x128xf32, #tpu.memory_space<vmem>> -> memref<32x128xf32, #tpu.memory_space<vmem>>
      tpu.vector_store_idx %scatter3A_1383[%add3A_3, %add3A_1368], %mul3A_1378 : memref<32x128xf32, #tpu.memory_space<vmem>>[vector<16xi32>, vector<16xi32>], vector<16xf32>,
      %mul3A_1384 = arith.constant 4 : i32
      %mul3A_1385 = arith.muli %scan3A_1220, %mul3A_1384 : i32
      %add3A_1386 = arith.constant 1 : i32
      %add3A_1387 = arith.addi %mul3A_1385, %add3A_1386 : i32
      %add3A_1388 = arith.constant 0 : i32
      %add3A_1389 = arith.addi %add3A_1388, %add3A_1387 : i32
      %get3A_1390 = arith.index_cast %add3A_1389 : i32 to index
      %get3A_1391 = arith.constant 0 : index
      %get3A_1392 = tpu.vector_load %arg6[%get3A_1390, %get3A_1391] {strides = array<i32>} : memref<3072x32xf32, #tpu.memory_space<vmem>>, vector<16xf32>,
      %get3A_1393 = arith.index_cast %add3A_1389 : i32 to index
      %get3A_1394 = arith.constant 16 : index
      %get3A_1395 = tpu.vector_load %arg6[%get3A_1393, %get3A_1394] {strides = array<i32>} : memref<3072x32xf32, #tpu.memory_space<vmem>>, vector<16xf32>,
      %add3A_1396 = arith.constant 128 : i32
      %add3A_1397 = arith.addi %add3A_1389, %add3A_1396 : i32
      %get3A_1398 = arith.index_cast %add3A_1397 : i32 to index
      %get3A_1399 = arith.constant 0 : index
      %get3A_1400 = tpu.vector_load %arg6[%get3A_1398, %get3A_1399] {strides = array<i32>} : memref<3072x32xf32, #tpu.memory_space<vmem>>, vector<16xf32>,
      %add3A_1401 = arith.addf %get3A_1392, %get3A_1400 : vector<16xf32>
      %add3A_1402 = arith.constant 128 : i32
      %add3A_1403 = arith.addi %add3A_1389, %add3A_1402 : i32
      %get3A_1404 = arith.index_cast %add3A_1403 : i32 to index
      %get3A_1405 = arith.constant 16 : index
      %get3A_1406 = tpu.vector_load %arg6[%get3A_1404, %get3A_1405] {strides = array<i32>} : memref<3072x32xf32, #tpu.memory_space<vmem>>, vector<16xf32>,
      %add3A_1407 = arith.addf %get3A_1395, %get3A_1406 : vector<16xf32>
      %add3A_1408 = arith.constant 256 : i32
      %add3A_1409 = arith.addi %add3A_1389, %add3A_1408 : i32
      %get3A_1410 = arith.index_cast %add3A_1409 : i32 to index
      %get3A_1411 = arith.constant 0 : index
      %get3A_1412 = tpu.vector_load %arg6[%get3A_1410, %get3A_1411] {strides = array<i32>} : memref<3072x32xf32, #tpu.memory_space<vmem>>, vector<16xf32>,
      %add3A_1413 = arith.addf %add3A_1401, %get3A_1412 : vector<16xf32>
      %add3A_1414 = arith.constant 256 : i32
      %add3A_1415 = arith.addi %add3A_1389, %add3A_1414 : i32
      %get3A_1416 = arith.index_cast %add3A_1415 : i32 to index
      %get3A_1417 = arith.constant 16 : index
      %get3A_1418 = tpu.vector_load %arg6[%get3A_1416, %get3A_1417] {strides = array<i32>} : memref<3072x32xf32, #tpu.memory_space<vmem>>, vector<16xf32>,
      %add3A_1419 = arith.addf %add3A_1407, %get3A_1418 : vector<16xf32>
      %add3A_1420 = arith.constant 384 : i32
      %add3A_1421 = arith.addi %add3A_1389, %add3A_1420 : i32
      %get3A_1422 = arith.index_cast %add3A_1421 : i32 to index
      %get3A_1423 = arith.constant 0 : index
      %get3A_1424 = tpu.vector_load %arg6[%get3A_1422, %get3A_1423] {strides = array<i32>} : memref<3072x32xf32, #tpu.memory_space<vmem>>, vector<16xf32>,
      %add3A_1425 = arith.addf %add3A_1413, %get3A_1424 : vector<16xf32>
      %add3A_1426 = arith.constant 384 : i32
      %add3A_1427 = arith.addi %add3A_1389, %add3A_1426 : i32
      %get3A_1428 = arith.index_cast %add3A_1427 : i32 to index
      %get3A_1429 = arith.constant 16 : index
      %get3A_1430 = tpu.vector_load %arg6[%get3A_1428, %get3A_1429] {strides = array<i32>} : memref<3072x32xf32, #tpu.memory_space<vmem>>, vector<16xf32>,
      %add3A_1431 = arith.addf %add3A_1419, %get3A_1430 : vector<16xf32>
      %add3A_1432 = arith.constant 512 : i32
      %add3A_1433 = arith.addi %add3A_1389, %add3A_1432 : i32
      %get3A_1434 = arith.index_cast %add3A_1433 : i32 to index
      %get3A_1435 = arith.constant 0 : index
      %get3A_1436 = tpu.vector_load %arg6[%get3A_1434, %get3A_1435] {strides = array<i32>} : memref<3072x32xf32, #tpu.memory_space<vmem>>, vector<16xf32>,
      %add3A_1437 = arith.addf %add3A_1425, %get3A_1436 : vector<16xf32>
      %add3A_1438 = arith.constant 512 : i32
      %add3A_1439 = arith.addi %add3A_1389, %add3A_1438 : i32
      %get3A_1440 = arith.index_cast %add3A_1439 : i32 to index
      %get3A_1441 = arith.constant 16 : index
      %get3A_1442 = tpu.vector_load %arg6[%get3A_1440, %get3A_1441] {strides = array<i32>} : memref<3072x32xf32, #tpu.memory_space<vmem>>, vector<16xf32>,
      %add3A_1443 = arith.addf %add3A_1431, %get3A_1442 : vector<16xf32>
      %add3A_1444 = arith.constant 640 : i32
      %add3A_1445 = arith.addi %add3A_1389, %add3A_1444 : i32
      %get3A_1446 = arith.index_cast %add3A_1445 : i32 to index
      %get3A_1447 = arith.constant 0 : index
      %get3A_1448 = tpu.vector_load %arg6[%get3A_1446, %get3A_1447] {strides = array<i32>} : memref<3072x32xf32, #tpu.memory_space<vmem>>, vector<16xf32>,
      %add3A_1449 = arith.addf %add3A_1437, %get3A_1448 : vector<16xf32>
      %add3A_1450 = arith.constant 640 : i32
      %add3A_1451 = arith.addi %add3A_1389, %add3A_1450 : i32
      %get3A_1452 = arith.index_cast %add3A_1451 : i32 to index
      %get3A_1453 = arith.constant 16 : index
      %get3A_1454 = tpu.vector_load %arg6[%get3A_1452, %get3A_1453] {strides = array<i32>} : memref<3072x32xf32, #tpu.memory_space<vmem>>, vector<16xf32>,
      %add3A_1455 = arith.addf %add3A_1443, %get3A_1454 : vector<16xf32>
      %add3A_1456 = arith.constant 768 : i32
      %add3A_1457 = arith.addi %add3A_1389, %add3A_1456 : i32
      %get3A_1458 = arith.index_cast %add3A_1457 : i32 to index
      %get3A_1459 = arith.constant 0 : index
      %get3A_1460 = tpu.vector_load %arg6[%get3A_1458, %get3A_1459] {strides = array<i32>} : memref<3072x32xf32, #tpu.memory_space<vmem>>, vector<16xf32>,
      %add3A_1461 = arith.addf %add3A_1449, %get3A_1460 : vector<16xf32>
      %add3A_1462 = arith.constant 768 : i32
      %add3A_1463 = arith.addi %add3A_1389, %add3A_1462 : i32
      %get3A_1464 = arith.index_cast %add3A_1463 : i32 to index
      %get3A_1465 = arith.constant 16 : index
      %get3A_1466 = tpu.vector_load %arg6[%get3A_1464, %get3A_1465] {strides = array<i32>} : memref<3072x32xf32, #tpu.memory_space<vmem>>, vector<16xf32>,
      %add3A_1467 = arith.addf %add3A_1455, %get3A_1466 : vector<16xf32>
      %add3A_1468 = arith.constant 896 : i32
      %add3A_1469 = arith.addi %add3A_1389, %add3A_1468 : i32
      %get3A_1470 = arith.index_cast %add3A_1469 : i32 to index
      %get3A_1471 = arith.constant 0 : index
      %get3A_1472 = tpu.vector_load %arg6[%get3A_1470, %get3A_1471] {strides = array<i32>} : memref<3072x32xf32, #tpu.memory_space<vmem>>, vector<16xf32>,
      %add3A_1473 = arith.addf %add3A_1461, %get3A_1472 : vector<16xf32>
      %add3A_1474 = arith.constant 896 : i32
      %add3A_1475 = arith.addi %add3A_1389, %add3A_1474 : i32
      %get3A_1476 = arith.index_cast %add3A_1475 : i32 to index
      %get3A_1477 = arith.constant 16 : index
      %get3A_1478 = tpu.vector_load %arg6[%get3A_1476, %get3A_1477] {strides = array<i32>} : memref<3072x32xf32, #tpu.memory_space<vmem>>, vector<16xf32>,
      %add3A_1479 = arith.addf %add3A_1467, %get3A_1478 : vector<16xf32>
      %add3A_1480 = arith.constant 1024 : i32
      %add3A_1481 = arith.addi %add3A_1389, %add3A_1480 : i32
      %get3A_1482 = arith.index_cast %add3A_1481 : i32 to index
      %get3A_1483 = arith.constant 0 : index
      %get3A_1484 = tpu.vector_load %arg6[%get3A_1482, %get3A_1483] {strides = array<i32>} : memref<3072x32xf32, #tpu.memory_space<vmem>>, vector<16xf32>,
      %add3A_1485 = arith.addf %add3A_1473, %get3A_1484 : vector<16xf32>
      %add3A_1486 = arith.constant 1024 : i32
      %add3A_1487 = arith.addi %add3A_1389, %add3A_1486 : i32
      %get3A_1488 = arith.index_cast %add3A_1487 : i32 to index
      %get3A_1489 = arith.constant 16 : index
      %get3A_1490 = tpu.vector_load %arg6[%get3A_1488, %get3A_1489] {strides = array<i32>} : memref<3072x32xf32, #tpu.memory_space<vmem>>, vector<16xf32>,
      %add3A_1491 = arith.addf %add3A_1479, %get3A_1490 : vector<16xf32>
      %add3A_1492 = arith.constant 1152 : i32
      %add3A_1493 = arith.addi %add3A_1389, %add3A_1492 : i32
      %get3A_1494 = arith.index_cast %add3A_1493 : i32 to index
      %get3A_1495 = arith.constant 0 : index
      %get3A_1496 = tpu.vector_load %arg6[%get3A_1494, %get3A_1495] {strides = array<i32>} : memref<3072x32xf32, #tpu.memory_space<vmem>>, vector<16xf32>,
      %add3A_1497 = arith.addf %add3A_1485, %get3A_1496 : vector<16xf32>
      %add3A_1498 = arith.constant 1152 : i32
      %add3A_1499 = arith.addi %add3A_1389, %add3A_1498 : i32
      %get3A_1500 = arith.index_cast %add3A_1499 : i32 to index
      %get3A_1501 = arith.constant 16 : index
      %get3A_1502 = tpu.vector_load %arg6[%get3A_1500, %get3A_1501] {strides = array<i32>} : memref<3072x32xf32, #tpu.memory_space<vmem>>, vector<16xf32>,
      %add3A_1503 = arith.addf %add3A_1491, %get3A_1502 : vector<16xf32>
      %add3A_1504 = arith.constant 1280 : i32
      %add3A_1505 = arith.addi %add3A_1389, %add3A_1504 : i32
      %get3A_1506 = arith.index_cast %add3A_1505 : i32 to index
      %get3A_1507 = arith.constant 0 : index
      %get3A_1508 = tpu.vector_load %arg6[%get3A_1506, %get3A_1507] {strides = array<i32>} : memref<3072x32xf32, #tpu.memory_space<vmem>>, vector<16xf32>,
      %add3A_1509 = arith.addf %add3A_1497, %get3A_1508 : vector<16xf32>
      %add3A_1510 = arith.constant 1280 : i32
      %add3A_1511 = arith.addi %add3A_1389, %add3A_1510 : i32
      %get3A_1512 = arith.index_cast %add3A_1511 : i32 to index
      %get3A_1513 = arith.constant 16 : index
      %get3A_1514 = tpu.vector_load %arg6[%get3A_1512, %get3A_1513] {strides = array<i32>} : memref<3072x32xf32, #tpu.memory_space<vmem>>, vector<16xf32>,
      %add3A_1515 = arith.addf %add3A_1503, %get3A_1514 : vector<16xf32>
      %add3A_1516 = arith.constant 1408 : i32
      %add3A_1517 = arith.addi %add3A_1389, %add3A_1516 : i32
      %get3A_1518 = arith.index_cast %add3A_1517 : i32 to index
      %get3A_1519 = arith.constant 0 : index
      %get3A_1520 = tpu.vector_load %arg6[%get3A_1518, %get3A_1519] {strides = array<i32>} : memref<3072x32xf32, #tpu.memory_space<vmem>>, vector<16xf32>,
      %add3A_1521 = arith.addf %add3A_1509, %get3A_1520 : vector<16xf32>
      %add3A_1522 = arith.constant 1408 : i32
      %add3A_1523 = arith.addi %add3A_1389, %add3A_1522 : i32
      %get3A_1524 = arith.index_cast %add3A_1523 : i32 to index
      %get3A_1525 = arith.constant 16 : index
      %get3A_1526 = tpu.vector_load %arg6[%get3A_1524, %get3A_1525] {strides = array<i32>} : memref<3072x32xf32, #tpu.memory_space<vmem>>, vector<16xf32>,
      %add3A_1527 = arith.addf %add3A_1515, %get3A_1526 : vector<16xf32>
      %mul3A_1528 = arith.constant 0 : i32
      %mul3A_1529 = vector.broadcast %mul3A_1528 : i32 to vector<16xi32>
      %mul3A_1530 = arith.muli %iota3A, %mul3A_1529 : vector<16xi32>
      %add3A_1531 = vector.broadcast %add3A_1387 : i32 to vector<16xi32>
      %add3A_1532 = arith.addi %mul3A_1530, %add3A_1531 : vector<16xi32>
      %mul3A_1533 = arith.constant 0.0833333358 : f32
      %mul3A_1534 = vector.broadcast %mul3A_1533 : f32 to vector<16xf32>
      %mul3A_1535 = arith.mulf %add3A_1521, %mul3A_1534 : vector<16xf32>
      %scatter3A_1536 = arith.constant 0 : i32
      %scatter3A_1537 = arith.constant 0 : i32
      %scatter3A_1538 = arith.constant 0 : i32
      %scatter3A_1539 = tpu.memref_slice %arg7[%scatter3A_1536, %scatter3A_1537, %scatter3A_1538] : memref<2x32x128xf32, #tpu.memory_space<vmem>> -> memref<1x32x128xf32, #tpu.memory_space<vmem>>
      %scatter3A_1540 = tpu.memref_squeeze %scatter3A_1539 : memref<1x32x128xf32, #tpu.memory_space<vmem>> -> memref<32x128xf32, #tpu.memory_space<vmem>>
      tpu.vector_store_idx %scatter3A_1540[%iota3A, %add3A_1532], %mul3A_1535 : memref<32x128xf32, #tpu.memory_space<vmem>>[vector<16xi32>, vector<16xi32>], vector<16xf32>,
      %mul3A_1541 = arith.constant 0.0833333358 : f32
      %mul3A_1542 = vector.broadcast %mul3A_1541 : f32 to vector<16xf32>
      %mul3A_1543 = arith.mulf %add3A_1527, %mul3A_1542 : vector<16xf32>
      %scatter3A_1544 = arith.constant 0 : i32
      %scatter3A_1545 = arith.constant 0 : i32
      %scatter3A_1546 = arith.constant 0 : i32
      %scatter3A_1547 = tpu.memref_slice %arg7[%scatter3A_1544, %scatter3A_1545, %scatter3A_1546] : memref<2x32x128xf32, #tpu.memory_space<vmem>> -> memref<1x32x128xf32, #tpu.memory_space<vmem>>
      %scatter3A_1548 = tpu.memref_squeeze %scatter3A_1547 : memref<1x32x128xf32, #tpu.memory_space<vmem>> -> memref<32x128xf32, #tpu.memory_space<vmem>>
      tpu.vector_store_idx %scatter3A_1548[%add3A_3, %add3A_1532], %mul3A_1543 : memref<32x128xf32, #tpu.memory_space<vmem>>[vector<16xi32>, vector<16xi32>], vector<16xf32>,
      %mul3A_1549 = arith.constant 4 : i32
      %mul3A_1550 = arith.muli %scan3A_1220, %mul3A_1549 : i32
      %add3A_1551 = arith.constant 2 : i32
      %add3A_1552 = arith.addi %mul3A_1550, %add3A_1551 : i32
      %add3A_1553 = arith.constant 0 : i32
      %add3A_1554 = arith.addi %add3A_1553, %add3A_1552 : i32
      %get3A_1555 = arith.index_cast %add3A_1554 : i32 to index
      %get3A_1556 = arith.constant 0 : index
      %get3A_1557 = tpu.vector_load %arg6[%get3A_1555, %get3A_1556] {strides = array<i32>} : memref<3072x32xf32, #tpu.memory_space<vmem>>, vector<16xf32>,
      %get3A_1558 = arith.index_cast %add3A_1554 : i32 to index
      %get3A_1559 = arith.constant 16 : index
      %get3A_1560 = tpu.vector_load %arg6[%get3A_1558, %get3A_1559] {strides = array<i32>} : memref<3072x32xf32, #tpu.memory_space<vmem>>, vector<16xf32>,
      %add3A_1561 = arith.constant 128 : i32
      %add3A_1562 = arith.addi %add3A_1554, %add3A_1561 : i32
      %get3A_1563 = arith.index_cast %add3A_1562 : i32 to index
      %get3A_1564 = arith.constant 0 : index
      %get3A_1565 = tpu.vector_load %arg6[%get3A_1563, %get3A_1564] {strides = array<i32>} : memref<3072x32xf32, #tpu.memory_space<vmem>>, vector<16xf32>,
      %add3A_1566 = arith.addf %get3A_1557, %get3A_1565 : vector<16xf32>
      %add3A_1567 = arith.constant 128 : i32
      %add3A_1568 = arith.addi %add3A_1554, %add3A_1567 : i32
      %get3A_1569 = arith.index_cast %add3A_1568 : i32 to index
      %get3A_1570 = arith.constant 16 : index
      %get3A_1571 = tpu.vector_load %arg6[%get3A_1569, %get3A_1570] {strides = array<i32>} : memref<3072x32xf32, #tpu.memory_space<vmem>>, vector<16xf32>,
      %add3A_1572 = arith.addf %get3A_1560, %get3A_1571 : vector<16xf32>
      %add3A_1573 = arith.constant 256 : i32
      %add3A_1574 = arith.addi %add3A_1554, %add3A_1573 : i32
      %get3A_1575 = arith.index_cast %add3A_1574 : i32 to index
      %get3A_1576 = arith.constant 0 : index
      %get3A_1577 = tpu.vector_load %arg6[%get3A_1575, %get3A_1576] {strides = array<i32>} : memref<3072x32xf32, #tpu.memory_space<vmem>>, vector<16xf32>,
      %add3A_1578 = arith.addf %add3A_1566, %get3A_1577 : vector<16xf32>
      %add3A_1579 = arith.constant 256 : i32
      %add3A_1580 = arith.addi %add3A_1554, %add3A_1579 : i32
      %get3A_1581 = arith.index_cast %add3A_1580 : i32 to index
      %get3A_1582 = arith.constant 16 : index
      %get3A_1583 = tpu.vector_load %arg6[%get3A_1581, %get3A_1582] {strides = array<i32>} : memref<3072x32xf32, #tpu.memory_space<vmem>>, vector<16xf32>,
      %add3A_1584 = arith.addf %add3A_1572, %get3A_1583 : vector<16xf32>
      %add3A_1585 = arith.constant 384 : i32
      %add3A_1586 = arith.addi %add3A_1554, %add3A_1585 : i32
      %get3A_1587 = arith.index_cast %add3A_1586 : i32 to index
      %get3A_1588 = arith.constant 0 : index
      %get3A_1589 = tpu.vector_load %arg6[%get3A_1587, %get3A_1588] {strides = array<i32>} : memref<3072x32xf32, #tpu.memory_space<vmem>>, vector<16xf32>,
      %add3A_1590 = arith.addf %add3A_1578, %get3A_1589 : vector<16xf32>
      %add3A_1591 = arith.constant 384 : i32
      %add3A_1592 = arith.addi %add3A_1554, %add3A_1591 : i32
      %get3A_1593 = arith.index_cast %add3A_1592 : i32 to index
      %get3A_1594 = arith.constant 16 : index
      %get3A_1595 = tpu.vector_load %arg6[%get3A_1593, %get3A_1594] {strides = array<i32>} : memref<3072x32xf32, #tpu.memory_space<vmem>>, vector<16xf32>,
      %add3A_1596 = arith.addf %add3A_1584, %get3A_1595 : vector<16xf32>
      %add3A_1597 = arith.constant 512 : i32
      %add3A_1598 = arith.addi %add3A_1554, %add3A_1597 : i32
      %get3A_1599 = arith.index_cast %add3A_1598 : i32 to index
      %get3A_1600 = arith.constant 0 : index
      %get3A_1601 = tpu.vector_load %arg6[%get3A_1599, %get3A_1600] {strides = array<i32>} : memref<3072x32xf32, #tpu.memory_space<vmem>>, vector<16xf32>,
      %add3A_1602 = arith.addf %add3A_1590, %get3A_1601 : vector<16xf32>
      %add3A_1603 = arith.constant 512 : i32
      %add3A_1604 = arith.addi %add3A_1554, %add3A_1603 : i32
      %get3A_1605 = arith.index_cast %add3A_1604 : i32 to index
      %get3A_1606 = arith.constant 16 : index
      %get3A_1607 = tpu.vector_load %arg6[%get3A_1605, %get3A_1606] {strides = array<i32>} : memref<3072x32xf32, #tpu.memory_space<vmem>>, vector<16xf32>,
      %add3A_1608 = arith.addf %add3A_1596, %get3A_1607 : vector<16xf32>
      %add3A_1609 = arith.constant 640 : i32
      %add3A_1610 = arith.addi %add3A_1554, %add3A_1609 : i32
      %get3A_1611 = arith.index_cast %add3A_1610 : i32 to index
      %get3A_1612 = arith.constant 0 : index
      %get3A_1613 = tpu.vector_load %arg6[%get3A_1611, %get3A_1612] {strides = array<i32>} : memref<3072x32xf32, #tpu.memory_space<vmem>>, vector<16xf32>,
      %add3A_1614 = arith.addf %add3A_1602, %get3A_1613 : vector<16xf32>
      %add3A_1615 = arith.constant 640 : i32
      %add3A_1616 = arith.addi %add3A_1554, %add3A_1615 : i32
      %get3A_1617 = arith.index_cast %add3A_1616 : i32 to index
      %get3A_1618 = arith.constant 16 : index
      %get3A_1619 = tpu.vector_load %arg6[%get3A_1617, %get3A_1618] {strides = array<i32>} : memref<3072x32xf32, #tpu.memory_space<vmem>>, vector<16xf32>,
      %add3A_1620 = arith.addf %add3A_1608, %get3A_1619 : vector<16xf32>
      %add3A_1621 = arith.constant 768 : i32
      %add3A_1622 = arith.addi %add3A_1554, %add3A_1621 : i32
      %get3A_1623 = arith.index_cast %add3A_1622 : i32 to index
      %get3A_1624 = arith.constant 0 : index
      %get3A_1625 = tpu.vector_load %arg6[%get3A_1623, %get3A_1624] {strides = array<i32>} : memref<3072x32xf32, #tpu.memory_space<vmem>>, vector<16xf32>,
      %add3A_1626 = arith.addf %add3A_1614, %get3A_1625 : vector<16xf32>
      %add3A_1627 = arith.constant 768 : i32
      %add3A_1628 = arith.addi %add3A_1554, %add3A_1627 : i32
      %get3A_1629 = arith.index_cast %add3A_1628 : i32 to index
      %get3A_1630 = arith.constant 16 : index
      %get3A_1631 = tpu.vector_load %arg6[%get3A_1629, %get3A_1630] {strides = array<i32>} : memref<3072x32xf32, #tpu.memory_space<vmem>>, vector<16xf32>,
      %add3A_1632 = arith.addf %add3A_1620, %get3A_1631 : vector<16xf32>
      %add3A_1633 = arith.constant 896 : i32
      %add3A_1634 = arith.addi %add3A_1554, %add3A_1633 : i32
      %get3A_1635 = arith.index_cast %add3A_1634 : i32 to index
      %get3A_1636 = arith.constant 0 : index
      %get3A_1637 = tpu.vector_load %arg6[%get3A_1635, %get3A_1636] {strides = array<i32>} : memref<3072x32xf32, #tpu.memory_space<vmem>>, vector<16xf32>,
      %add3A_1638 = arith.addf %add3A_1626, %get3A_1637 : vector<16xf32>
      %add3A_1639 = arith.constant 896 : i32
      %add3A_1640 = arith.addi %add3A_1554, %add3A_1639 : i32
      %get3A_1641 = arith.index_cast %add3A_1640 : i32 to index
      %get3A_1642 = arith.constant 16 : index
      %get3A_1643 = tpu.vector_load %arg6[%get3A_1641, %get3A_1642] {strides = array<i32>} : memref<3072x32xf32, #tpu.memory_space<vmem>>, vector<16xf32>,
      %add3A_1644 = arith.addf %add3A_1632, %get3A_1643 : vector<16xf32>
      %add3A_1645 = arith.constant 1024 : i32
      %add3A_1646 = arith.addi %add3A_1554, %add3A_1645 : i32
      %get3A_1647 = arith.index_cast %add3A_1646 : i32 to index
      %get3A_1648 = arith.constant 0 : index
      %get3A_1649 = tpu.vector_load %arg6[%get3A_1647, %get3A_1648] {strides = array<i32>} : memref<3072x32xf32, #tpu.memory_space<vmem>>, vector<16xf32>,
      %add3A_1650 = arith.addf %add3A_1638, %get3A_1649 : vector<16xf32>
      %add3A_1651 = arith.constant 1024 : i32
      %add3A_1652 = arith.addi %add3A_1554, %add3A_1651 : i32
      %get3A_1653 = arith.index_cast %add3A_1652 : i32 to index
      %get3A_1654 = arith.constant 16 : index
      %get3A_1655 = tpu.vector_load %arg6[%get3A_1653, %get3A_1654] {strides = array<i32>} : memref<3072x32xf32, #tpu.memory_space<vmem>>, vector<16xf32>,
      %add3A_1656 = arith.addf %add3A_1644, %get3A_1655 : vector<16xf32>
      %add3A_1657 = arith.constant 1152 : i32
      %add3A_1658 = arith.addi %add3A_1554, %add3A_1657 : i32
      %get3A_1659 = arith.index_cast %add3A_1658 : i32 to index
      %get3A_1660 = arith.constant 0 : index
      %get3A_1661 = tpu.vector_load %arg6[%get3A_1659, %get3A_1660] {strides = array<i32>} : memref<3072x32xf32, #tpu.memory_space<vmem>>, vector<16xf32>,
      %add3A_1662 = arith.addf %add3A_1650, %get3A_1661 : vector<16xf32>
      %add3A_1663 = arith.constant 1152 : i32
      %add3A_1664 = arith.addi %add3A_1554, %add3A_1663 : i32
      %get3A_1665 = arith.index_cast %add3A_1664 : i32 to index
      %get3A_1666 = arith.constant 16 : index
      %get3A_1667 = tpu.vector_load %arg6[%get3A_1665, %get3A_1666] {strides = array<i32>} : memref<3072x32xf32, #tpu.memory_space<vmem>>, vector<16xf32>,
      %add3A_1668 = arith.addf %add3A_1656, %get3A_1667 : vector<16xf32>
      %add3A_1669 = arith.constant 1280 : i32
      %add3A_1670 = arith.addi %add3A_1554, %add3A_1669 : i32
      %get3A_1671 = arith.index_cast %add3A_1670 : i32 to index
      %get3A_1672 = arith.constant 0 : index
      %get3A_1673 = tpu.vector_load %arg6[%get3A_1671, %get3A_1672] {strides = array<i32>} : memref<3072x32xf32, #tpu.memory_space<vmem>>, vector<16xf32>,
      %add3A_1674 = arith.addf %add3A_1662, %get3A_1673 : vector<16xf32>
      %add3A_1675 = arith.constant 1280 : i32
      %add3A_1676 = arith.addi %add3A_1554, %add3A_1675 : i32
      %get3A_1677 = arith.index_cast %add3A_1676 : i32 to index
      %get3A_1678 = arith.constant 16 : index
      %get3A_1679 = tpu.vector_load %arg6[%get3A_1677, %get3A_1678] {strides = array<i32>} : memref<3072x32xf32, #tpu.memory_space<vmem>>, vector<16xf32>,
      %add3A_1680 = arith.addf %add3A_1668, %get3A_1679 : vector<16xf32>
      %add3A_1681 = arith.constant 1408 : i32
      %add3A_1682 = arith.addi %add3A_1554, %add3A_1681 : i32
      %get3A_1683 = arith.index_cast %add3A_1682 : i32 to index
      %get3A_1684 = arith.constant 0 : index
      %get3A_1685 = tpu.vector_load %arg6[%get3A_1683, %get3A_1684] {strides = array<i32>} : memref<3072x32xf32, #tpu.memory_space<vmem>>, vector<16xf32>,
      %add3A_1686 = arith.addf %add3A_1674, %get3A_1685 : vector<16xf32>
      %add3A_1687 = arith.constant 1408 : i32
      %add3A_1688 = arith.addi %add3A_1554, %add3A_1687 : i32
      %get3A_1689 = arith.index_cast %add3A_1688 : i32 to index
      %get3A_1690 = arith.constant 16 : index
      %get3A_1691 = tpu.vector_load %arg6[%get3A_1689, %get3A_1690] {strides = array<i32>} : memref<3072x32xf32, #tpu.memory_space<vmem>>, vector<16xf32>,
      %add3A_1692 = arith.addf %add3A_1680, %get3A_1691 : vector<16xf32>
      %mul3A_1693 = arith.constant 0 : i32
      %mul3A_1694 = vector.broadcast %mul3A_1693 : i32 to vector<16xi32>
      %mul3A_1695 = arith.muli %iota3A, %mul3A_1694 : vector<16xi32>
      %add3A_1696 = vector.broadcast %add3A_1552 : i32 to vector<16xi32>
      %add3A_1697 = arith.addi %mul3A_1695, %add3A_1696 : vector<16xi32>
      %mul3A_1698 = arith.constant 0.0833333358 : f32
      %mul3A_1699 = vector.broadcast %mul3A_1698 : f32 to vector<16xf32>
      %mul3A_1700 = arith.mulf %add3A_1686, %mul3A_1699 : vector<16xf32>
      %scatter3A_1701 = arith.constant 0 : i32
      %scatter3A_1702 = arith.constant 0 : i32
      %scatter3A_1703 = arith.constant 0 : i32
      %scatter3A_1704 = tpu.memref_slice %arg7[%scatter3A_1701, %scatter3A_1702, %scatter3A_1703] : memref<2x32x128xf32, #tpu.memory_space<vmem>> -> memref<1x32x128xf32, #tpu.memory_space<vmem>>
      %scatter3A_1705 = tpu.memref_squeeze %scatter3A_1704 : memref<1x32x128xf32, #tpu.memory_space<vmem>> -> memref<32x128xf32, #tpu.memory_space<vmem>>
      tpu.vector_store_idx %scatter3A_1705[%iota3A, %add3A_1697], %mul3A_1700 : memref<32x128xf32, #tpu.memory_space<vmem>>[vector<16xi32>, vector<16xi32>], vector<16xf32>,
      %mul3A_1706 = arith.constant 0.0833333358 : f32
      %mul3A_1707 = vector.broadcast %mul3A_1706 : f32 to vector<16xf32>
      %mul3A_1708 = arith.mulf %add3A_1692, %mul3A_1707 : vector<16xf32>
      %scatter3A_1709 = arith.constant 0 : i32
      %scatter3A_1710 = arith.constant 0 : i32
      %scatter3A_1711 = arith.constant 0 : i32
      %scatter3A_1712 = tpu.memref_slice %arg7[%scatter3A_1709, %scatter3A_1710, %scatter3A_1711] : memref<2x32x128xf32, #tpu.memory_space<vmem>> -> memref<1x32x128xf32, #tpu.memory_space<vmem>>
      %scatter3A_1713 = tpu.memref_squeeze %scatter3A_1712 : memref<1x32x128xf32, #tpu.memory_space<vmem>> -> memref<32x128xf32, #tpu.memory_space<vmem>>
      tpu.vector_store_idx %scatter3A_1713[%add3A_3, %add3A_1697], %mul3A_1708 : memref<32x128xf32, #tpu.memory_space<vmem>>[vector<16xi32>, vector<16xi32>], vector<16xf32>,
      %mul3A_1714 = arith.constant 4 : i32
      %mul3A_1715 = arith.muli %scan3A_1220, %mul3A_1714 : i32
      %add3A_1716 = arith.constant 3 : i32
      %add3A_1717 = arith.addi %mul3A_1715, %add3A_1716 : i32
      %add3A_1718 = arith.constant 0 : i32
      %add3A_1719 = arith.addi %add3A_1718, %add3A_1717 : i32
      %get3A_1720 = arith.index_cast %add3A_1719 : i32 to index
      %get3A_1721 = arith.constant 0 : index
      %get3A_1722 = tpu.vector_load %arg6[%get3A_1720, %get3A_1721] {strides = array<i32>} : memref<3072x32xf32, #tpu.memory_space<vmem>>, vector<16xf32>,
      %get3A_1723 = arith.index_cast %add3A_1719 : i32 to index
      %get3A_1724 = arith.constant 16 : index
      %get3A_1725 = tpu.vector_load %arg6[%get3A_1723, %get3A_1724] {strides = array<i32>} : memref<3072x32xf32, #tpu.memory_space<vmem>>, vector<16xf32>,
      %add3A_1726 = arith.constant 128 : i32
      %add3A_1727 = arith.addi %add3A_1719, %add3A_1726 : i32
      %get3A_1728 = arith.index_cast %add3A_1727 : i32 to index
      %get3A_1729 = arith.constant 0 : index
      %get3A_1730 = tpu.vector_load %arg6[%get3A_1728, %get3A_1729] {strides = array<i32>} : memref<3072x32xf32, #tpu.memory_space<vmem>>, vector<16xf32>,
      %add3A_1731 = arith.addf %get3A_1722, %get3A_1730 : vector<16xf32>
      %add3A_1732 = arith.constant 128 : i32
      %add3A_1733 = arith.addi %add3A_1719, %add3A_1732 : i32
      %get3A_1734 = arith.index_cast %add3A_1733 : i32 to index
      %get3A_1735 = arith.constant 16 : index
      %get3A_1736 = tpu.vector_load %arg6[%get3A_1734, %get3A_1735] {strides = array<i32>} : memref<3072x32xf32, #tpu.memory_space<vmem>>, vector<16xf32>,
      %add3A_1737 = arith.addf %get3A_1725, %get3A_1736 : vector<16xf32>
      %add3A_1738 = arith.constant 256 : i32
      %add3A_1739 = arith.addi %add3A_1719, %add3A_1738 : i32
      %get3A_1740 = arith.index_cast %add3A_1739 : i32 to index
      %get3A_1741 = arith.constant 0 : index
      %get3A_1742 = tpu.vector_load %arg6[%get3A_1740, %get3A_1741] {strides = array<i32>} : memref<3072x32xf32, #tpu.memory_space<vmem>>, vector<16xf32>,
      %add3A_1743 = arith.addf %add3A_1731, %get3A_1742 : vector<16xf32>
      %add3A_1744 = arith.constant 256 : i32
      %add3A_1745 = arith.addi %add3A_1719, %add3A_1744 : i32
      %get3A_1746 = arith.index_cast %add3A_1745 : i32 to index
      %get3A_1747 = arith.constant 16 : index
      %get3A_1748 = tpu.vector_load %arg6[%get3A_1746, %get3A_1747] {strides = array<i32>} : memref<3072x32xf32, #tpu.memory_space<vmem>>, vector<16xf32>,
      %add3A_1749 = arith.addf %add3A_1737, %get3A_1748 : vector<16xf32>
      %add3A_1750 = arith.constant 384 : i32
      %add3A_1751 = arith.addi %add3A_1719, %add3A_1750 : i32
      %get3A_1752 = arith.index_cast %add3A_1751 : i32 to index
      %get3A_1753 = arith.constant 0 : index
      %get3A_1754 = tpu.vector_load %arg6[%get3A_1752, %get3A_1753] {strides = array<i32>} : memref<3072x32xf32, #tpu.memory_space<vmem>>, vector<16xf32>,
      %add3A_1755 = arith.addf %add3A_1743, %get3A_1754 : vector<16xf32>
      %add3A_1756 = arith.constant 384 : i32
      %add3A_1757 = arith.addi %add3A_1719, %add3A_1756 : i32
      %get3A_1758 = arith.index_cast %add3A_1757 : i32 to index
      %get3A_1759 = arith.constant 16 : index
      %get3A_1760 = tpu.vector_load %arg6[%get3A_1758, %get3A_1759] {strides = array<i32>} : memref<3072x32xf32, #tpu.memory_space<vmem>>, vector<16xf32>,
      %add3A_1761 = arith.addf %add3A_1749, %get3A_1760 : vector<16xf32>
      %add3A_1762 = arith.constant 512 : i32
      %add3A_1763 = arith.addi %add3A_1719, %add3A_1762 : i32
      %get3A_1764 = arith.index_cast %add3A_1763 : i32 to index
      %get3A_1765 = arith.constant 0 : index
      %get3A_1766 = tpu.vector_load %arg6[%get3A_1764, %get3A_1765] {strides = array<i32>} : memref<3072x32xf32, #tpu.memory_space<vmem>>, vector<16xf32>,
      %add3A_1767 = arith.addf %add3A_1755, %get3A_1766 : vector<16xf32>
      %add3A_1768 = arith.constant 512 : i32
      %add3A_1769 = arith.addi %add3A_1719, %add3A_1768 : i32
      %get3A_1770 = arith.index_cast %add3A_1769 : i32 to index
      %get3A_1771 = arith.constant 16 : index
      %get3A_1772 = tpu.vector_load %arg6[%get3A_1770, %get3A_1771] {strides = array<i32>} : memref<3072x32xf32, #tpu.memory_space<vmem>>, vector<16xf32>,
      %add3A_1773 = arith.addf %add3A_1761, %get3A_1772 : vector<16xf32>
      %add3A_1774 = arith.constant 640 : i32
      %add3A_1775 = arith.addi %add3A_1719, %add3A_1774 : i32
      %get3A_1776 = arith.index_cast %add3A_1775 : i32 to index
      %get3A_1777 = arith.constant 0 : index
      %get3A_1778 = tpu.vector_load %arg6[%get3A_1776, %get3A_1777] {strides = array<i32>} : memref<3072x32xf32, #tpu.memory_space<vmem>>, vector<16xf32>,
      %add3A_1779 = arith.addf %add3A_1767, %get3A_1778 : vector<16xf32>
      %add3A_1780 = arith.constant 640 : i32
      %add3A_1781 = arith.addi %add3A_1719, %add3A_1780 : i32
      %get3A_1782 = arith.index_cast %add3A_1781 : i32 to index
      %get3A_1783 = arith.constant 16 : index
      %get3A_1784 = tpu.vector_load %arg6[%get3A_1782, %get3A_1783] {strides = array<i32>} : memref<3072x32xf32, #tpu.memory_space<vmem>>, vector<16xf32>,
      %add3A_1785 = arith.addf %add3A_1773, %get3A_1784 : vector<16xf32>
      %add3A_1786 = arith.constant 768 : i32
      %add3A_1787 = arith.addi %add3A_1719, %add3A_1786 : i32
      %get3A_1788 = arith.index_cast %add3A_1787 : i32 to index
      %get3A_1789 = arith.constant 0 : index
      %get3A_1790 = tpu.vector_load %arg6[%get3A_1788, %get3A_1789] {strides = array<i32>} : memref<3072x32xf32, #tpu.memory_space<vmem>>, vector<16xf32>,
      %add3A_1791 = arith.addf %add3A_1779, %get3A_1790 : vector<16xf32>
      %add3A_1792 = arith.constant 768 : i32
      %add3A_1793 = arith.addi %add3A_1719, %add3A_1792 : i32
      %get3A_1794 = arith.index_cast %add3A_1793 : i32 to index
      %get3A_1795 = arith.constant 16 : index
      %get3A_1796 = tpu.vector_load %arg6[%get3A_1794, %get3A_1795] {strides = array<i32>} : memref<3072x32xf32, #tpu.memory_space<vmem>>, vector<16xf32>,
      %add3A_1797 = arith.addf %add3A_1785, %get3A_1796 : vector<16xf32>
      %add3A_1798 = arith.constant 896 : i32
      %add3A_1799 = arith.addi %add3A_1719, %add3A_1798 : i32
      %get3A_1800 = arith.index_cast %add3A_1799 : i32 to index
      %get3A_1801 = arith.constant 0 : index
      %get3A_1802 = tpu.vector_load %arg6[%get3A_1800, %get3A_1801] {strides = array<i32>} : memref<3072x32xf32, #tpu.memory_space<vmem>>, vector<16xf32>,
      %add3A_1803 = arith.addf %add3A_1791, %get3A_1802 : vector<16xf32>
      %add3A_1804 = arith.constant 896 : i32
      %add3A_1805 = arith.addi %add3A_1719, %add3A_1804 : i32
      %get3A_1806 = arith.index_cast %add3A_1805 : i32 to index
      %get3A_1807 = arith.constant 16 : index
      %get3A_1808 = tpu.vector_load %arg6[%get3A_1806, %get3A_1807] {strides = array<i32>} : memref<3072x32xf32, #tpu.memory_space<vmem>>, vector<16xf32>,
      %add3A_1809 = arith.addf %add3A_1797, %get3A_1808 : vector<16xf32>
      %add3A_1810 = arith.constant 1024 : i32
      %add3A_1811 = arith.addi %add3A_1719, %add3A_1810 : i32
      %get3A_1812 = arith.index_cast %add3A_1811 : i32 to index
      %get3A_1813 = arith.constant 0 : index
      %get3A_1814 = tpu.vector_load %arg6[%get3A_1812, %get3A_1813] {strides = array<i32>} : memref<3072x32xf32, #tpu.memory_space<vmem>>, vector<16xf32>,
      %add3A_1815 = arith.addf %add3A_1803, %get3A_1814 : vector<16xf32>
      %add3A_1816 = arith.constant 1024 : i32
      %add3A_1817 = arith.addi %add3A_1719, %add3A_1816 : i32
      %get3A_1818 = arith.index_cast %add3A_1817 : i32 to index
      %get3A_1819 = arith.constant 16 : index
      %get3A_1820 = tpu.vector_load %arg6[%get3A_1818, %get3A_1819] {strides = array<i32>} : memref<3072x32xf32, #tpu.memory_space<vmem>>, vector<16xf32>,
      %add3A_1821 = arith.addf %add3A_1809, %get3A_1820 : vector<16xf32>
      %add3A_1822 = arith.constant 1152 : i32
      %add3A_1823 = arith.addi %add3A_1719, %add3A_1822 : i32
      %get3A_1824 = arith.index_cast %add3A_1823 : i32 to index
      %get3A_1825 = arith.constant 0 : index
      %get3A_1826 = tpu.vector_load %arg6[%get3A_1824, %get3A_1825] {strides = array<i32>} : memref<3072x32xf32, #tpu.memory_space<vmem>>, vector<16xf32>,
      %add3A_1827 = arith.addf %add3A_1815, %get3A_1826 : vector<16xf32>
      %add3A_1828 = arith.constant 1152 : i32
      %add3A_1829 = arith.addi %add3A_1719, %add3A_1828 : i32
      %get3A_1830 = arith.index_cast %add3A_1829 : i32 to index
      %get3A_1831 = arith.constant 16 : index
      %get3A_1832 = tpu.vector_load %arg6[%get3A_1830, %get3A_1831] {strides = array<i32>} : memref<3072x32xf32, #tpu.memory_space<vmem>>, vector<16xf32>,
      %add3A_1833 = arith.addf %add3A_1821, %get3A_1832 : vector<16xf32>
      %add3A_1834 = arith.constant 1280 : i32
      %add3A_1835 = arith.addi %add3A_1719, %add3A_1834 : i32
      %get3A_1836 = arith.index_cast %add3A_1835 : i32 to index
      %get3A_1837 = arith.constant 0 : index
      %get3A_1838 = tpu.vector_load %arg6[%get3A_1836, %get3A_1837] {strides = array<i32>} : memref<3072x32xf32, #tpu.memory_space<vmem>>, vector<16xf32>,
      %add3A_1839 = arith.addf %add3A_1827, %get3A_1838 : vector<16xf32>
      %add3A_1840 = arith.constant 1280 : i32
      %add3A_1841 = arith.addi %add3A_1719, %add3A_1840 : i32
      %get3A_1842 = arith.index_cast %add3A_1841 : i32 to index
      %get3A_1843 = arith.constant 16 : index
      %get3A_1844 = tpu.vector_load %arg6[%get3A_1842, %get3A_1843] {strides = array<i32>} : memref<3072x32xf32, #tpu.memory_space<vmem>>, vector<16xf32>,
      %add3A_1845 = arith.addf %add3A_1833, %get3A_1844 : vector<16xf32>
      %add3A_1846 = arith.constant 1408 : i32
      %add3A_1847 = arith.addi %add3A_1719, %add3A_1846 : i32
      %get3A_1848 = arith.index_cast %add3A_1847 : i32 to index
      %get3A_1849 = arith.constant 0 : index
      %get3A_1850 = tpu.vector_load %arg6[%get3A_1848, %get3A_1849] {strides = array<i32>} : memref<3072x32xf32, #tpu.memory_space<vmem>>, vector<16xf32>,
      %add3A_1851 = arith.addf %add3A_1839, %get3A_1850 : vector<16xf32>
      %add3A_1852 = arith.constant 1408 : i32
      %add3A_1853 = arith.addi %add3A_1719, %add3A_1852 : i32
      %get3A_1854 = arith.index_cast %add3A_1853 : i32 to index
      %get3A_1855 = arith.constant 16 : index
      %get3A_1856 = tpu.vector_load %arg6[%get3A_1854, %get3A_1855] {strides = array<i32>} : memref<3072x32xf32, #tpu.memory_space<vmem>>, vector<16xf32>,
      %add3A_1857 = arith.addf %add3A_1845, %get3A_1856 : vector<16xf32>
      %mul3A_1858 = arith.constant 0 : i32
      %mul3A_1859 = vector.broadcast %mul3A_1858 : i32 to vector<16xi32>
      %mul3A_1860 = arith.muli %iota3A, %mul3A_1859 : vector<16xi32>
      %add3A_1861 = vector.broadcast %add3A_1717 : i32 to vector<16xi32>
      %add3A_1862 = arith.addi %mul3A_1860, %add3A_1861 : vector<16xi32>
      %mul3A_1863 = arith.constant 0.0833333358 : f32
      %mul3A_1864 = vector.broadcast %mul3A_1863 : f32 to vector<16xf32>
      %mul3A_1865 = arith.mulf %add3A_1851, %mul3A_1864 : vector<16xf32>
      %scatter3A_1866 = arith.constant 0 : i32
      %scatter3A_1867 = arith.constant 0 : i32
      %scatter3A_1868 = arith.constant 0 : i32
      %scatter3A_1869 = tpu.memref_slice %arg7[%scatter3A_1866, %scatter3A_1867, %scatter3A_1868] : memref<2x32x128xf32, #tpu.memory_space<vmem>> -> memref<1x32x128xf32, #tpu.memory_space<vmem>>
      %scatter3A_1870 = tpu.memref_squeeze %scatter3A_1869 : memref<1x32x128xf32, #tpu.memory_space<vmem>> -> memref<32x128xf32, #tpu.memory_space<vmem>>
      tpu.vector_store_idx %scatter3A_1870[%iota3A, %add3A_1862], %mul3A_1865 : memref<32x128xf32, #tpu.memory_space<vmem>>[vector<16xi32>, vector<16xi32>], vector<16xf32>,
      %mul3A_1871 = arith.constant 0.0833333358 : f32
      %mul3A_1872 = vector.broadcast %mul3A_1871 : f32 to vector<16xf32>
      %mul3A_1873 = arith.mulf %add3A_1857, %mul3A_1872 : vector<16xf32>
      %scatter3A_1874 = arith.constant 0 : i32
      %scatter3A_1875 = arith.constant 0 : i32
      %scatter3A_1876 = arith.constant 0 : i32
      %scatter3A_1877 = tpu.memref_slice %arg7[%scatter3A_1874, %scatter3A_1875, %scatter3A_1876] : memref<2x32x128xf32, #tpu.memory_space<vmem>> -> memref<1x32x128xf32, #tpu.memory_space<vmem>>
      %scatter3A_1878 = tpu.memref_squeeze %scatter3A_1877 : memref<1x32x128xf32, #tpu.memory_space<vmem>> -> memref<32x128xf32, #tpu.memory_space<vmem>>
      tpu.vector_store_idx %scatter3A_1878[%add3A_3, %add3A_1862], %mul3A_1873 : memref<32x128xf32, #tpu.memory_space<vmem>>[vector<16xi32>, vector<16xi32>], vector<16xf32>,
    }
    %scan3A_1008 = arith.constant 32 : i32
    %mul3A_1009 = arith.constant 512 : i32
    %mul3A_1010 = arith.muli %add3A, %mul3A_1009 : i32
    %add3A_1011 = arith.constant 256 : i32
    %add3A_1012 = arith.addi %mul3A_1010, %add3A_1011 : i32
    %dma_start3A_1013 = arith.constant 0 : i32
    %dma_start3A_1014 = arith.constant 0 : i32
    %dma_start3A_1015 = arith.constant 0 : i32
    %dma_start3A_1016 = tpu.memref_slice %arg7[%dma_start3A_1013, %dma_start3A_1014, %dma_start3A_1015] : memref<2x32x128xf32, #tpu.memory_space<vmem>> -> memref<1x32x128xf32, #tpu.memory_space<vmem>>
    %dma_start3A_1017 = tpu.memref_squeeze %dma_start3A_1016 : memref<1x32x128xf32, #tpu.memory_space<vmem>> -> memref<32x128xf32, #tpu.memory_space<vmem>>
    %dma_start3A_1018 = arith.constant 0 : i32
    %dma_start3A_1019 = tpu.memref_slice %arg4[%dma_start3A_1018, %add3A_1012] : memref<32x16384xf32, #tpu.memory_space<hbm>> -> memref<32x128xf32, #tpu.memory_space<hbm>>
    %dma_start3A_1020 = arith.constant 0 : i32
    %dma_start3A_1021 = tpu.memref_slice %arg4[%dma_start3A_1020, %add3A_1012] : memref<32x16384xf32, #tpu.memory_space<hbm>> -> memref<32x128xf32, #tpu.memory_space<hbm>>
    %dma_start3A_1022 = arith.constant 0 : i32
    %dma_start3A_1023 = arith.constant 0 : i32
    %dma_start3A_1024 = tpu.memref_slice %arg7[%dma_start3A_1013, %dma_start3A_1022, %dma_start3A_1023] : memref<2x32x128xf32, #tpu.memory_space<vmem>> -> memref<1x32x128xf32, #tpu.memory_space<vmem>>
    %dma_start3A_1025 = tpu.memref_squeeze %dma_start3A_1024 : memref<1x32x128xf32, #tpu.memory_space<vmem>> -> memref<32x128xf32, #tpu.memory_space<vmem>>
    tpu.enqueue_dma source(%dma_start3A_1025 : memref<32x128xf32, #tpu.memory_space<vmem>>) target(%dma_start3A_1021 : memref<32x128xf32, #tpu.memory_space<hbm>>) target_semaphore(%arg9 : memref<!tpu.dma_semaphore, #tpu.memory_space<semaphore_mem>>)
    %dma_wait3A_1026 = arith.constant 1 : i32
    %dma_wait3A_1027 = arith.constant 0 : i32
    %dma_wait3A_1028 = arith.constant 1536 : i32
    %dma_wait3A_1029 = arith.constant 0 : i32
    %dma_wait3A_1030 = tpu.memref_slice %arg6[%dma_wait3A_1028, %dma_wait3A_1029] : memref<3072x32xf32, #tpu.memory_space<vmem>> -> memref<128x32xf32, #tpu.memory_space<vmem>>
    %dma_wait3A_1031 = arith.constant 0 : i32
    %dma_wait3A_1032 = tpu.memref_slice %arg5[%dma_wait3A_1026, %dma_wait3A_1027, %dma_wait3A_1031] : memref<2x12x128xi32, #tpu.memory_space<vmem>> -> memref<1x1x128xi32, #tpu.memory_space<vmem>>
    %dma_wait3A_1033 = tpu.memref_squeeze %dma_wait3A_1032 : memref<1x1x128xi32, #tpu.memory_space<vmem>> -> memref<128xi32, #tpu.memory_space<vmem>>
    %dma_wait3A_1034 = arith.constant 0 : i32
    %dma_wait3A_1035 = arith.constant 0 : i32
    %dma_wait3A_1036 = tpu.memref_slice %arg3[%dma_wait3A_1034, %dma_wait3A_1035] : memref<100000x32xf32, #tpu.memory_space<hbm>> -> memref<100000x32xf32, #tpu.memory_space<hbm>>
    tpu.wait_indirect_dma semaphore(%arg8 : memref<!tpu.dma_semaphore, #tpu.memory_space<semaphore_mem>>) src(%dma_wait3A_1036 : memref<100000x32xf32, #tpu.memory_space<hbm>>) dst(%dma_wait3A_1030 : memref<128x32xf32, #tpu.memory_space<vmem>>)
    %dma_wait3A_1037 = arith.constant 1 : i32
    %dma_wait3A_1038 = arith.constant 1 : i32
    %dma_wait3A_1039 = arith.constant 1664 : i32
    %dma_wait3A_1040 = arith.constant 0 : i32
    %dma_wait3A_1041 = tpu.memref_slice %arg6[%dma_wait3A_1039, %dma_wait3A_1040] : memref<3072x32xf32, #tpu.memory_space<vmem>> -> memref<128x32xf32, #tpu.memory_space<vmem>>
    %dma_wait3A_1042 = arith.constant 0 : i32
    %dma_wait3A_1043 = tpu.memref_slice %arg5[%dma_wait3A_1037, %dma_wait3A_1038, %dma_wait3A_1042] : memref<2x12x128xi32, #tpu.memory_space<vmem>> -> memref<1x1x128xi32, #tpu.memory_space<vmem>>
    %dma_wait3A_1044 = tpu.memref_squeeze %dma_wait3A_1043 : memref<1x1x128xi32, #tpu.memory_space<vmem>> -> memref<128xi32, #tpu.memory_space<vmem>>
    %dma_wait3A_1045 = arith.constant 0 : i32
    %dma_wait3A_1046 = arith.constant 0 : i32
    %dma_wait3A_1047 = tpu.memref_slice %arg3[%dma_wait3A_1045, %dma_wait3A_1046] : memref<100000x32xf32, #tpu.memory_space<hbm>> -> memref<100000x32xf32, #tpu.memory_space<hbm>>
    tpu.wait_indirect_dma semaphore(%arg8 : memref<!tpu.dma_semaphore, #tpu.memory_space<semaphore_mem>>) src(%dma_wait3A_1047 : memref<100000x32xf32, #tpu.memory_space<hbm>>) dst(%dma_wait3A_1041 : memref<128x32xf32, #tpu.memory_space<vmem>>)
    %dma_wait3A_1048 = arith.constant 1 : i32
    %dma_wait3A_1049 = arith.constant 2 : i32
    %dma_wait3A_1050 = arith.constant 1792 : i32
    %dma_wait3A_1051 = arith.constant 0 : i32
    %dma_wait3A_1052 = tpu.memref_slice %arg6[%dma_wait3A_1050, %dma_wait3A_1051] : memref<3072x32xf32, #tpu.memory_space<vmem>> -> memref<128x32xf32, #tpu.memory_space<vmem>>
    %dma_wait3A_1053 = arith.constant 0 : i32
    %dma_wait3A_1054 = tpu.memref_slice %arg5[%dma_wait3A_1048, %dma_wait3A_1049, %dma_wait3A_1053] : memref<2x12x128xi32, #tpu.memory_space<vmem>> -> memref<1x1x128xi32, #tpu.memory_space<vmem>>
    %dma_wait3A_1055 = tpu.memref_squeeze %dma_wait3A_1054 : memref<1x1x128xi32, #tpu.memory_space<vmem>> -> memref<128xi32, #tpu.memory_space<vmem>>
    %dma_wait3A_1056 = arith.constant 0 : i32
    %dma_wait3A_1057 = arith.constant 0 : i32
    %dma_wait3A_1058 = tpu.memref_slice %arg3[%dma_wait3A_1056, %dma_wait3A_1057] : memref<100000x32xf32, #tpu.memory_space<hbm>> -> memref<100000x32xf32, #tpu.memory_space<hbm>>
    tpu.wait_indirect_dma semaphore(%arg8 : memref<!tpu.dma_semaphore, #tpu.memory_space<semaphore_mem>>) src(%dma_wait3A_1058 : memref<100000x32xf32, #tpu.memory_space<hbm>>) dst(%dma_wait3A_1052 : memref<128x32xf32, #tpu.memory_space<vmem>>)
    %dma_wait3A_1059 = arith.constant 1 : i32
    %dma_wait3A_1060 = arith.constant 3 : i32
    %dma_wait3A_1061 = arith.constant 1920 : i32
    %dma_wait3A_1062 = arith.constant 0 : i32
    %dma_wait3A_1063 = tpu.memref_slice %arg6[%dma_wait3A_1061, %dma_wait3A_1062] : memref<3072x32xf32, #tpu.memory_space<vmem>> -> memref<128x32xf32, #tpu.memory_space<vmem>>
    %dma_wait3A_1064 = arith.constant 0 : i32
    %dma_wait3A_1065 = tpu.memref_slice %arg5[%dma_wait3A_1059, %dma_wait3A_1060, %dma_wait3A_1064] : memref<2x12x128xi32, #tpu.memory_space<vmem>> -> memref<1x1x128xi32, #tpu.memory_space<vmem>>
    %dma_wait3A_1066 = tpu.memref_squeeze %dma_wait3A_1065 : memref<1x1x128xi32, #tpu.memory_space<vmem>> -> memref<128xi32, #tpu.memory_space<vmem>>
    %dma_wait3A_1067 = arith.constant 0 : i32
    %dma_wait3A_1068 = arith.constant 0 : i32
    %dma_wait3A_1069 = tpu.memref_slice %arg3[%dma_wait3A_1067, %dma_wait3A_1068] : memref<100000x32xf32, #tpu.memory_space<hbm>> -> memref<100000x32xf32, #tpu.memory_space<hbm>>
    tpu.wait_indirect_dma semaphore(%arg8 : memref<!tpu.dma_semaphore, #tpu.memory_space<semaphore_mem>>) src(%dma_wait3A_1069 : memref<100000x32xf32, #tpu.memory_space<hbm>>) dst(%dma_wait3A_1063 : memref<128x32xf32, #tpu.memory_space<vmem>>)
    %dma_wait3A_1070 = arith.constant 1 : i32
    %dma_wait3A_1071 = arith.constant 4 : i32
    %dma_wait3A_1072 = arith.constant 2048 : i32
    %dma_wait3A_1073 = arith.constant 0 : i32
    %dma_wait3A_1074 = tpu.memref_slice %arg6[%dma_wait3A_1072, %dma_wait3A_1073] : memref<3072x32xf32, #tpu.memory_space<vmem>> -> memref<128x32xf32, #tpu.memory_space<vmem>>
    %dma_wait3A_1075 = arith.constant 0 : i32
    %dma_wait3A_1076 = tpu.memref_slice %arg5[%dma_wait3A_1070, %dma_wait3A_1071, %dma_wait3A_1075] : memref<2x12x128xi32, #tpu.memory_space<vmem>> -> memref<1x1x128xi32, #tpu.memory_space<vmem>>
    %dma_wait3A_1077 = tpu.memref_squeeze %dma_wait3A_1076 : memref<1x1x128xi32, #tpu.memory_space<vmem>> -> memref<128xi32, #tpu.memory_space<vmem>>
    %dma_wait3A_1078 = arith.constant 0 : i32
    %dma_wait3A_1079 = arith.constant 0 : i32
    %dma_wait3A_1080 = tpu.memref_slice %arg3[%dma_wait3A_1078, %dma_wait3A_1079] : memref<100000x32xf32, #tpu.memory_space<hbm>> -> memref<100000x32xf32, #tpu.memory_space<hbm>>
    tpu.wait_indirect_dma semaphore(%arg8 : memref<!tpu.dma_semaphore, #tpu.memory_space<semaphore_mem>>) src(%dma_wait3A_1080 : memref<100000x32xf32, #tpu.memory_space<hbm>>) dst(%dma_wait3A_1074 : memref<128x32xf32, #tpu.memory_space<vmem>>)
    %dma_wait3A_1081 = arith.constant 1 : i32
    %dma_wait3A_1082 = arith.constant 5 : i32
    %dma_wait3A_1083 = arith.constant 2176 : i32
    %dma_wait3A_1084 = arith.constant 0 : i32
    %dma_wait3A_1085 = tpu.memref_slice %arg6[%dma_wait3A_1083, %dma_wait3A_1084] : memref<3072x32xf32, #tpu.memory_space<vmem>> -> memref<128x32xf32, #tpu.memory_space<vmem>>
    %dma_wait3A_1086 = arith.constant 0 : i32
    %dma_wait3A_1087 = tpu.memref_slice %arg5[%dma_wait3A_1081, %dma_wait3A_1082, %dma_wait3A_1086] : memref<2x12x128xi32, #tpu.memory_space<vmem>> -> memref<1x1x128xi32, #tpu.memory_space<vmem>>
    %dma_wait3A_1088 = tpu.memref_squeeze %dma_wait3A_1087 : memref<1x1x128xi32, #tpu.memory_space<vmem>> -> memref<128xi32, #tpu.memory_space<vmem>>
    %dma_wait3A_1089 = arith.constant 0 : i32
    %dma_wait3A_1090 = arith.constant 0 : i32
    %dma_wait3A_1091 = tpu.memref_slice %arg3[%dma_wait3A_1089, %dma_wait3A_1090] : memref<100000x32xf32, #tpu.memory_space<hbm>> -> memref<100000x32xf32, #tpu.memory_space<hbm>>
    tpu.wait_indirect_dma semaphore(%arg8 : memref<!tpu.dma_semaphore, #tpu.memory_space<semaphore_mem>>) src(%dma_wait3A_1091 : memref<100000x32xf32, #tpu.memory_space<hbm>>) dst(%dma_wait3A_1085 : memref<128x32xf32, #tpu.memory_space<vmem>>)
    %dma_wait3A_1092 = arith.constant 1 : i32
    %dma_wait3A_1093 = arith.constant 6 : i32
    %dma_wait3A_1094 = arith.constant 2304 : i32
    %dma_wait3A_1095 = arith.constant 0 : i32
    %dma_wait3A_1096 = tpu.memref_slice %arg6[%dma_wait3A_1094, %dma_wait3A_1095] : memref<3072x32xf32, #tpu.memory_space<vmem>> -> memref<128x32xf32, #tpu.memory_space<vmem>>
    %dma_wait3A_1097 = arith.constant 0 : i32
    %dma_wait3A_1098 = tpu.memref_slice %arg5[%dma_wait3A_1092, %dma_wait3A_1093, %dma_wait3A_1097] : memref<2x12x128xi32, #tpu.memory_space<vmem>> -> memref<1x1x128xi32, #tpu.memory_space<vmem>>
    %dma_wait3A_1099 = tpu.memref_squeeze %dma_wait3A_1098 : memref<1x1x128xi32, #tpu.memory_space<vmem>> -> memref<128xi32, #tpu.memory_space<vmem>>
    %dma_wait3A_1100 = arith.constant 0 : i32
    %dma_wait3A_1101 = arith.constant 0 : i32
    %dma_wait3A_1102 = tpu.memref_slice %arg3[%dma_wait3A_1100, %dma_wait3A_1101] : memref<100000x32xf32, #tpu.memory_space<hbm>> -> memref<100000x32xf32, #tpu.memory_space<hbm>>
    tpu.wait_indirect_dma semaphore(%arg8 : memref<!tpu.dma_semaphore, #tpu.memory_space<semaphore_mem>>) src(%dma_wait3A_1102 : memref<100000x32xf32, #tpu.memory_space<hbm>>) dst(%dma_wait3A_1096 : memref<128x32xf32, #tpu.memory_space<vmem>>)
    %dma_wait3A_1103 = arith.constant 1 : i32
    %dma_wait3A_1104 = arith.constant 7 : i32
    %dma_wait3A_1105 = arith.constant 2432 : i32
    %dma_wait3A_1106 = arith.constant 0 : i32
    %dma_wait3A_1107 = tpu.memref_slice %arg6[%dma_wait3A_1105, %dma_wait3A_1106] : memref<3072x32xf32, #tpu.memory_space<vmem>> -> memref<128x32xf32, #tpu.memory_space<vmem>>
    %dma_wait3A_1108 = arith.constant 0 : i32
    %dma_wait3A_1109 = tpu.memref_slice %arg5[%dma_wait3A_1103, %dma_wait3A_1104, %dma_wait3A_1108] : memref<2x12x128xi32, #tpu.memory_space<vmem>> -> memref<1x1x128xi32, #tpu.memory_space<vmem>>
    %dma_wait3A_1110 = tpu.memref_squeeze %dma_wait3A_1109 : memref<1x1x128xi32, #tpu.memory_space<vmem>> -> memref<128xi32, #tpu.memory_space<vmem>>
    %dma_wait3A_1111 = arith.constant 0 : i32
    %dma_wait3A_1112 = arith.constant 0 : i32
    %dma_wait3A_1113 = tpu.memref_slice %arg3[%dma_wait3A_1111, %dma_wait3A_1112] : memref<100000x32xf32, #tpu.memory_space<hbm>> -> memref<100000x32xf32, #tpu.memory_space<hbm>>
    tpu.wait_indirect_dma semaphore(%arg8 : memref<!tpu.dma_semaphore, #tpu.memory_space<semaphore_mem>>) src(%dma_wait3A_1113 : memref<100000x32xf32, #tpu.memory_space<hbm>>) dst(%dma_wait3A_1107 : memref<128x32xf32, #tpu.memory_space<vmem>>)
    %dma_wait3A_1114 = arith.constant 1 : i32
    %dma_wait3A_1115 = arith.constant 8 : i32
    %dma_wait3A_1116 = arith.constant 2560 : i32
    %dma_wait3A_1117 = arith.constant 0 : i32
    %dma_wait3A_1118 = tpu.memref_slice %arg6[%dma_wait3A_1116, %dma_wait3A_1117] : memref<3072x32xf32, #tpu.memory_space<vmem>> -> memref<128x32xf32, #tpu.memory_space<vmem>>
    %dma_wait3A_1119 = arith.constant 0 : i32
    %dma_wait3A_1120 = tpu.memref_slice %arg5[%dma_wait3A_1114, %dma_wait3A_1115, %dma_wait3A_1119] : memref<2x12x128xi32, #tpu.memory_space<vmem>> -> memref<1x1x128xi32, #tpu.memory_space<vmem>>
    %dma_wait3A_1121 = tpu.memref_squeeze %dma_wait3A_1120 : memref<1x1x128xi32, #tpu.memory_space<vmem>> -> memref<128xi32, #tpu.memory_space<vmem>>
    %dma_wait3A_1122 = arith.constant 0 : i32
    %dma_wait3A_1123 = arith.constant 0 : i32
    %dma_wait3A_1124 = tpu.memref_slice %arg3[%dma_wait3A_1122, %dma_wait3A_1123] : memref<100000x32xf32, #tpu.memory_space<hbm>> -> memref<100000x32xf32, #tpu.memory_space<hbm>>
    tpu.wait_indirect_dma semaphore(%arg8 : memref<!tpu.dma_semaphore, #tpu.memory_space<semaphore_mem>>) src(%dma_wait3A_1124 : memref<100000x32xf32, #tpu.memory_space<hbm>>) dst(%dma_wait3A_1118 : memref<128x32xf32, #tpu.memory_space<vmem>>)
    %dma_wait3A_1125 = arith.constant 1 : i32
    %dma_wait3A_1126 = arith.constant 9 : i32
    %dma_wait3A_1127 = arith.constant 2688 : i32
    %dma_wait3A_1128 = arith.constant 0 : i32
    %dma_wait3A_1129 = tpu.memref_slice %arg6[%dma_wait3A_1127, %dma_wait3A_1128] : memref<3072x32xf32, #tpu.memory_space<vmem>> -> memref<128x32xf32, #tpu.memory_space<vmem>>
    %dma_wait3A_1130 = arith.constant 0 : i32
    %dma_wait3A_1131 = tpu.memref_slice %arg5[%dma_wait3A_1125, %dma_wait3A_1126, %dma_wait3A_1130] : memref<2x12x128xi32, #tpu.memory_space<vmem>> -> memref<1x1x128xi32, #tpu.memory_space<vmem>>
    %dma_wait3A_1132 = tpu.memref_squeeze %dma_wait3A_1131 : memref<1x1x128xi32, #tpu.memory_space<vmem>> -> memref<128xi32, #tpu.memory_space<vmem>>
    %dma_wait3A_1133 = arith.constant 0 : i32
    %dma_wait3A_1134 = arith.constant 0 : i32
    %dma_wait3A_1135 = tpu.memref_slice %arg3[%dma_wait3A_1133, %dma_wait3A_1134] : memref<100000x32xf32, #tpu.memory_space<hbm>> -> memref<100000x32xf32, #tpu.memory_space<hbm>>
    tpu.wait_indirect_dma semaphore(%arg8 : memref<!tpu.dma_semaphore, #tpu.memory_space<semaphore_mem>>) src(%dma_wait3A_1135 : memref<100000x32xf32, #tpu.memory_space<hbm>>) dst(%dma_wait3A_1129 : memref<128x32xf32, #tpu.memory_space<vmem>>)
    %dma_wait3A_1136 = arith.constant 1 : i32
    %dma_wait3A_1137 = arith.constant 10 : i32
    %dma_wait3A_1138 = arith.constant 2816 : i32
    %dma_wait3A_1139 = arith.constant 0 : i32
    %dma_wait3A_1140 = tpu.memref_slice %arg6[%dma_wait3A_1138, %dma_wait3A_1139] : memref<3072x32xf32, #tpu.memory_space<vmem>> -> memref<128x32xf32, #tpu.memory_space<vmem>>
    %dma_wait3A_1141 = arith.constant 0 : i32
    %dma_wait3A_1142 = tpu.memref_slice %arg5[%dma_wait3A_1136, %dma_wait3A_1137, %dma_wait3A_1141] : memref<2x12x128xi32, #tpu.memory_space<vmem>> -> memref<1x1x128xi32, #tpu.memory_space<vmem>>
    %dma_wait3A_1143 = tpu.memref_squeeze %dma_wait3A_1142 : memref<1x1x128xi32, #tpu.memory_space<vmem>> -> memref<128xi32, #tpu.memory_space<vmem>>
    %dma_wait3A_1144 = arith.constant 0 : i32
    %dma_wait3A_1145 = arith.constant 0 : i32
    %dma_wait3A_1146 = tpu.memref_slice %arg3[%dma_wait3A_1144, %dma_wait3A_1145] : memref<100000x32xf32, #tpu.memory_space<hbm>> -> memref<100000x32xf32, #tpu.memory_space<hbm>>
    tpu.wait_indirect_dma semaphore(%arg8 : memref<!tpu.dma_semaphore, #tpu.memory_space<semaphore_mem>>) src(%dma_wait3A_1146 : memref<100000x32xf32, #tpu.memory_space<hbm>>) dst(%dma_wait3A_1140 : memref<128x32xf32, #tpu.memory_space<vmem>>)
    %dma_wait3A_1147 = arith.constant 1 : i32
    %dma_wait3A_1148 = arith.constant 11 : i32
    %dma_wait3A_1149 = arith.constant 2944 : i32
    %dma_wait3A_1150 = arith.constant 0 : i32
    %dma_wait3A_1151 = tpu.memref_slice %arg6[%dma_wait3A_1149, %dma_wait3A_1150] : memref<3072x32xf32, #tpu.memory_space<vmem>> -> memref<128x32xf32, #tpu.memory_space<vmem>>
    %dma_wait3A_1152 = arith.constant 0 : i32
    %dma_wait3A_1153 = tpu.memref_slice %arg5[%dma_wait3A_1147, %dma_wait3A_1148, %dma_wait3A_1152] : memref<2x12x128xi32, #tpu.memory_space<vmem>> -> memref<1x1x128xi32, #tpu.memory_space<vmem>>
    %dma_wait3A_1154 = tpu.memref_squeeze %dma_wait3A_1153 : memref<1x1x128xi32, #tpu.memory_space<vmem>> -> memref<128xi32, #tpu.memory_space<vmem>>
    %dma_wait3A_1155 = arith.constant 0 : i32
    %dma_wait3A_1156 = arith.constant 0 : i32
    %dma_wait3A_1157 = tpu.memref_slice %arg3[%dma_wait3A_1155, %dma_wait3A_1156] : memref<100000x32xf32, #tpu.memory_space<hbm>> -> memref<100000x32xf32, #tpu.memory_space<hbm>>
    tpu.wait_indirect_dma semaphore(%arg8 : memref<!tpu.dma_semaphore, #tpu.memory_space<semaphore_mem>>) src(%dma_wait3A_1157 : memref<100000x32xf32, #tpu.memory_space<hbm>>) dst(%dma_wait3A_1151 : memref<128x32xf32, #tpu.memory_space<vmem>>)
    %dma_wait3A_1158 = arith.constant 1 : i32
    %dma_wait3A_1159 = arith.constant 0 : i32
    %dma_wait3A_1160 = arith.constant 0 : i32
    %dma_wait3A_1161 = tpu.memref_slice %arg7[%dma_wait3A_1158, %dma_wait3A_1159, %dma_wait3A_1160] : memref<2x32x128xf32, #tpu.memory_space<vmem>> -> memref<1x32x128xf32, #tpu.memory_space<vmem>>
    %dma_wait3A_1162 = tpu.memref_squeeze %dma_wait3A_1161 : memref<1x32x128xf32, #tpu.memory_space<vmem>> -> memref<32x128xf32, #tpu.memory_space<vmem>>
    %dma_wait3A_1163 = arith.constant 0 : i32
    %dma_wait3A_1164 = tpu.memref_slice %arg4[%dma_wait3A_1163, %add3A_707] : memref<32x16384xf32, #tpu.memory_space<hbm>> -> memref<32x128xf32, #tpu.memory_space<hbm>>
    %dma_wait3A_1165 = arith.constant 0 : i32
    %dma_wait3A_1166 = tpu.memref_slice %arg4[%dma_wait3A_1165, %add3A_707] : memref<32x16384xf32, #tpu.memory_space<hbm>> -> memref<32x128xf32, #tpu.memory_space<hbm>>
    %dma_wait3A_1167 = arith.constant 0 : i32
    %dma_wait3A_1168 = arith.constant 0 : i32
    %dma_wait3A_1169 = tpu.memref_slice %arg7[%dma_wait3A_1158, %dma_wait3A_1167, %dma_wait3A_1168] : memref<2x32x128xf32, #tpu.memory_space<vmem>> -> memref<1x32x128xf32, #tpu.memory_space<vmem>>
    %dma_wait3A_1170 = tpu.memref_squeeze %dma_wait3A_1169 : memref<1x32x128xf32, #tpu.memory_space<vmem>> -> memref<32x128xf32, #tpu.memory_space<vmem>>
    tpu.wait_dma2 semaphore(%arg9 : memref<!tpu.dma_semaphore, #tpu.memory_space<semaphore_mem>>) src(%dma_wait3A_1170 : memref<32x128xf32, #tpu.memory_space<vmem>>) dst(%dma_wait3A_1166 : memref<32x128xf32, #tpu.memory_space<hbm>>)
    %scan3A_1171 = arith.constant 0 : i32
    %scan3A_1172 = arith.constant 0 : i32
    %scan3A_1173 = arith.constant 32 : i32
    %scan3A_1174 = arith.addi %scan3A_1172, %scan3A_1173 : i32
    %scan3A_1175 = arith.constant 1 : i32
    scf.for %scan3A_1220 = %scan3A_1172 to %scan3A_1174 step %scan3A_1175  : i32 {
      %mul3A_1221 = arith.constant 4 : i32
      %mul3A_1222 = arith.muli %scan3A_1220, %mul3A_1221 : i32
      %add3A_1223 = arith.constant 0 : i32
      %add3A_1224 = arith.addi %mul3A_1222, %add3A_1223 : i32
      %add3A_1225 = arith.constant 1536 : i32
      %add3A_1226 = arith.addi %add3A_1225, %add3A_1224 : i32
      %get3A = arith.index_cast %add3A_1226 : i32 to index
      %get3A_1227 = arith.constant 0 : index
      %get3A_1228 = tpu.vector_load %arg6[%get3A, %get3A_1227] {strides = array<i32>} : memref<3072x32xf32, #tpu.memory_space<vmem>>, vector<16xf32>,
      %get3A_1229 = arith.index_cast %add3A_1226 : i32 to index
      %get3A_1230 = arith.constant 16 : index
      %get3A_1231 = tpu.vector_load %arg6[%get3A_1229, %get3A_1230] {strides = array<i32>} : memref<3072x32xf32, #tpu.memory_space<vmem>>, vector<16xf32>,
      %add3A_1232 = arith.constant 128 : i32
      %add3A_1233 = arith.addi %add3A_1226, %add3A_1232 : i32
      %get3A_1234 = arith.index_cast %add3A_1233 : i32 to index
      %get3A_1235 = arith.constant 0 : index
      %get3A_1236 = tpu.vector_load %arg6[%get3A_1234, %get3A_1235] {strides = array<i32>} : memref<3072x32xf32, #tpu.memory_space<vmem>>, vector<16xf32>,
      %add3A_1237 = arith.addf %get3A_1228, %get3A_1236 : vector<16xf32>
      %add3A_1238 = arith.constant 128 : i32
      %add3A_1239 = arith.addi %add3A_1226, %add3A_1238 : i32
      %get3A_1240 = arith.index_cast %add3A_1239 : i32 to index
      %get3A_1241 = arith.constant 16 : index
      %get3A_1242 = tpu.vector_load %arg6[%get3A_1240, %get3A_1241] {strides = array<i32>} : memref<3072x32xf32, #tpu.memory_space<vmem>>, vector<16xf32>,
      %add3A_1243 = arith.addf %get3A_1231, %get3A_1242 : vector<16xf32>
      %add3A_1244 = arith.constant 256 : i32
      %add3A_1245 = arith.addi %add3A_1226, %add3A_1244 : i32
      %get3A_1246 = arith.index_cast %add3A_1245 : i32 to index
      %get3A_1247 = arith.constant 0 : index
      %get3A_1248 = tpu.vector_load %arg6[%get3A_1246, %get3A_1247] {strides = array<i32>} : memref<3072x32xf32, #tpu.memory_space<vmem>>, vector<16xf32>,
      %add3A_1249 = arith.addf %add3A_1237, %get3A_1248 : vector<16xf32>
      %add3A_1250 = arith.constant 256 : i32
      %add3A_1251 = arith.addi %add3A_1226, %add3A_1250 : i32
      %get3A_1252 = arith.index_cast %add3A_1251 : i32 to index
      %get3A_1253 = arith.constant 16 : index
      %get3A_1254 = tpu.vector_load %arg6[%get3A_1252, %get3A_1253] {strides = array<i32>} : memref<3072x32xf32, #tpu.memory_space<vmem>>, vector<16xf32>,
      %add3A_1255 = arith.addf %add3A_1243, %get3A_1254 : vector<16xf32>
      %add3A_1256 = arith.constant 384 : i32
      %add3A_1257 = arith.addi %add3A_1226, %add3A_1256 : i32
      %get3A_1258 = arith.index_cast %add3A_1257 : i32 to index
      %get3A_1259 = arith.constant 0 : index
      %get3A_1260 = tpu.vector_load %arg6[%get3A_1258, %get3A_1259] {strides = array<i32>} : memref<3072x32xf32, #tpu.memory_space<vmem>>, vector<16xf32>,
      %add3A_1261 = arith.addf %add3A_1249, %get3A_1260 : vector<16xf32>
      %add3A_1262 = arith.constant 384 : i32
      %add3A_1263 = arith.addi %add3A_1226, %add3A_1262 : i32
      %get3A_1264 = arith.index_cast %add3A_1263 : i32 to index
      %get3A_1265 = arith.constant 16 : index
      %get3A_1266 = tpu.vector_load %arg6[%get3A_1264, %get3A_1265] {strides = array<i32>} : memref<3072x32xf32, #tpu.memory_space<vmem>>, vector<16xf32>,
      %add3A_1267 = arith.addf %add3A_1255, %get3A_1266 : vector<16xf32>
      %add3A_1268 = arith.constant 512 : i32
      %add3A_1269 = arith.addi %add3A_1226, %add3A_1268 : i32
      %get3A_1270 = arith.index_cast %add3A_1269 : i32 to index
      %get3A_1271 = arith.constant 0 : index
      %get3A_1272 = tpu.vector_load %arg6[%get3A_1270, %get3A_1271] {strides = array<i32>} : memref<3072x32xf32, #tpu.memory_space<vmem>>, vector<16xf32>,
      %add3A_1273 = arith.addf %add3A_1261, %get3A_1272 : vector<16xf32>
      %add3A_1274 = arith.constant 512 : i32
      %add3A_1275 = arith.addi %add3A_1226, %add3A_1274 : i32
      %get3A_1276 = arith.index_cast %add3A_1275 : i32 to index
      %get3A_1277 = arith.constant 16 : index
      %get3A_1278 = tpu.vector_load %arg6[%get3A_1276, %get3A_1277] {strides = array<i32>} : memref<3072x32xf32, #tpu.memory_space<vmem>>, vector<16xf32>,
      %add3A_1279 = arith.addf %add3A_1267, %get3A_1278 : vector<16xf32>
      %add3A_1280 = arith.constant 640 : i32
      %add3A_1281 = arith.addi %add3A_1226, %add3A_1280 : i32
      %get3A_1282 = arith.index_cast %add3A_1281 : i32 to index
      %get3A_1283 = arith.constant 0 : index
      %get3A_1284 = tpu.vector_load %arg6[%get3A_1282, %get3A_1283] {strides = array<i32>} : memref<3072x32xf32, #tpu.memory_space<vmem>>, vector<16xf32>,
      %add3A_1285 = arith.addf %add3A_1273, %get3A_1284 : vector<16xf32>
      %add3A_1286 = arith.constant 640 : i32
      %add3A_1287 = arith.addi %add3A_1226, %add3A_1286 : i32
      %get3A_1288 = arith.index_cast %add3A_1287 : i32 to index
      %get3A_1289 = arith.constant 16 : index
      %get3A_1290 = tpu.vector_load %arg6[%get3A_1288, %get3A_1289] {strides = array<i32>} : memref<3072x32xf32, #tpu.memory_space<vmem>>, vector<16xf32>,
      %add3A_1291 = arith.addf %add3A_1279, %get3A_1290 : vector<16xf32>
      %add3A_1292 = arith.constant 768 : i32
      %add3A_1293 = arith.addi %add3A_1226, %add3A_1292 : i32
      %get3A_1294 = arith.index_cast %add3A_1293 : i32 to index
      %get3A_1295 = arith.constant 0 : index
      %get3A_1296 = tpu.vector_load %arg6[%get3A_1294, %get3A_1295] {strides = array<i32>} : memref<3072x32xf32, #tpu.memory_space<vmem>>, vector<16xf32>,
      %add3A_1297 = arith.addf %add3A_1285, %get3A_1296 : vector<16xf32>
      %add3A_1298 = arith.constant 768 : i32
      %add3A_1299 = arith.addi %add3A_1226, %add3A_1298 : i32
      %get3A_1300 = arith.index_cast %add3A_1299 : i32 to index
      %get3A_1301 = arith.constant 16 : index
      %get3A_1302 = tpu.vector_load %arg6[%get3A_1300, %get3A_1301] {strides = array<i32>} : memref<3072x32xf32, #tpu.memory_space<vmem>>, vector<16xf32>,
      %add3A_1303 = arith.addf %add3A_1291, %get3A_1302 : vector<16xf32>
      %add3A_1304 = arith.constant 896 : i32
      %add3A_1305 = arith.addi %add3A_1226, %add3A_1304 : i32
      %get3A_1306 = arith.index_cast %add3A_1305 : i32 to index
      %get3A_1307 = arith.constant 0 : index
      %get3A_1308 = tpu.vector_load %arg6[%get3A_1306, %get3A_1307] {strides = array<i32>} : memref<3072x32xf32, #tpu.memory_space<vmem>>, vector<16xf32>,
      %add3A_1309 = arith.addf %add3A_1297, %get3A_1308 : vector<16xf32>
      %add3A_1310 = arith.constant 896 : i32
      %add3A_1311 = arith.addi %add3A_1226, %add3A_1310 : i32
      %get3A_1312 = arith.index_cast %add3A_1311 : i32 to index
      %get3A_1313 = arith.constant 16 : index
      %get3A_1314 = tpu.vector_load %arg6[%get3A_1312, %get3A_1313] {strides = array<i32>} : memref<3072x32xf32, #tpu.memory_space<vmem>>, vector<16xf32>,
      %add3A_1315 = arith.addf %add3A_1303, %get3A_1314 : vector<16xf32>
      %add3A_1316 = arith.constant 1024 : i32
      %add3A_1317 = arith.addi %add3A_1226, %add3A_1316 : i32
      %get3A_1318 = arith.index_cast %add3A_1317 : i32 to index
      %get3A_1319 = arith.constant 0 : index
      %get3A_1320 = tpu.vector_load %arg6[%get3A_1318, %get3A_1319] {strides = array<i32>} : memref<3072x32xf32, #tpu.memory_space<vmem>>, vector<16xf32>,
      %add3A_1321 = arith.addf %add3A_1309, %get3A_1320 : vector<16xf32>
      %add3A_1322 = arith.constant 1024 : i32
      %add3A_1323 = arith.addi %add3A_1226, %add3A_1322 : i32
      %get3A_1324 = arith.index_cast %add3A_1323 : i32 to index
      %get3A_1325 = arith.constant 16 : index
      %get3A_1326 = tpu.vector_load %arg6[%get3A_1324, %get3A_1325] {strides = array<i32>} : memref<3072x32xf32, #tpu.memory_space<vmem>>, vector<16xf32>,
      %add3A_1327 = arith.addf %add3A_1315, %get3A_1326 : vector<16xf32>
      %add3A_1328 = arith.constant 1152 : i32
      %add3A_1329 = arith.addi %add3A_1226, %add3A_1328 : i32
      %get3A_1330 = arith.index_cast %add3A_1329 : i32 to index
      %get3A_1331 = arith.constant 0 : index
      %get3A_1332 = tpu.vector_load %arg6[%get3A_1330, %get3A_1331] {strides = array<i32>} : memref<3072x32xf32, #tpu.memory_space<vmem>>, vector<16xf32>,
      %add3A_1333 = arith.addf %add3A_1321, %get3A_1332 : vector<16xf32>
      %add3A_1334 = arith.constant 1152 : i32
      %add3A_1335 = arith.addi %add3A_1226, %add3A_1334 : i32
      %get3A_1336 = arith.index_cast %add3A_1335 : i32 to index
      %get3A_1337 = arith.constant 16 : index
      %get3A_1338 = tpu.vector_load %arg6[%get3A_1336, %get3A_1337] {strides = array<i32>} : memref<3072x32xf32, #tpu.memory_space<vmem>>, vector<16xf32>,
      %add3A_1339 = arith.addf %add3A_1327, %get3A_1338 : vector<16xf32>
      %add3A_1340 = arith.constant 1280 : i32
      %add3A_1341 = arith.addi %add3A_1226, %add3A_1340 : i32
      %get3A_1342 = arith.index_cast %add3A_1341 : i32 to index
      %get3A_1343 = arith.constant 0 : index
      %get3A_1344 = tpu.vector_load %arg6[%get3A_1342, %get3A_1343] {strides = array<i32>} : memref<3072x32xf32, #tpu.memory_space<vmem>>, vector<16xf32>,
      %add3A_1345 = arith.addf %add3A_1333, %get3A_1344 : vector<16xf32>
      %add3A_1346 = arith.constant 1280 : i32
      %add3A_1347 = arith.addi %add3A_1226, %add3A_1346 : i32
      %get3A_1348 = arith.index_cast %add3A_1347 : i32 to index
      %get3A_1349 = arith.constant 16 : index
      %get3A_1350 = tpu.vector_load %arg6[%get3A_1348, %get3A_1349] {strides = array<i32>} : memref<3072x32xf32, #tpu.memory_space<vmem>>, vector<16xf32>,
      %add3A_1351 = arith.addf %add3A_1339, %get3A_1350 : vector<16xf32>
      %add3A_1352 = arith.constant 1408 : i32
      %add3A_1353 = arith.addi %add3A_1226, %add3A_1352 : i32
      %get3A_1354 = arith.index_cast %add3A_1353 : i32 to index
      %get3A_1355 = arith.constant 0 : index
      %get3A_1356 = tpu.vector_load %arg6[%get3A_1354, %get3A_1355] {strides = array<i32>} : memref<3072x32xf32, #tpu.memory_space<vmem>>, vector<16xf32>,
      %add3A_1357 = arith.addf %add3A_1345, %get3A_1356 : vector<16xf32>
      %add3A_1358 = arith.constant 1408 : i32
      %add3A_1359 = arith.addi %add3A_1226, %add3A_1358 : i32
      %get3A_1360 = arith.index_cast %add3A_1359 : i32 to index
      %get3A_1361 = arith.constant 16 : index
      %get3A_1362 = tpu.vector_load %arg6[%get3A_1360, %get3A_1361] {strides = array<i32>} : memref<3072x32xf32, #tpu.memory_space<vmem>>, vector<16xf32>,
      %add3A_1363 = arith.addf %add3A_1351, %get3A_1362 : vector<16xf32>
      %mul3A_1364 = arith.constant 0 : i32
      %mul3A_1365 = vector.broadcast %mul3A_1364 : i32 to vector<16xi32>
      %mul3A_1366 = arith.muli %iota3A, %mul3A_1365 : vector<16xi32>
      %add3A_1367 = vector.broadcast %add3A_1224 : i32 to vector<16xi32>
      %add3A_1368 = arith.addi %mul3A_1366, %add3A_1367 : vector<16xi32>
      %mul3A_1369 = arith.constant 0.0833333358 : f32
      %mul3A_1370 = vector.broadcast %mul3A_1369 : f32 to vector<16xf32>
      %mul3A_1371 = arith.mulf %add3A_1357, %mul3A_1370 : vector<16xf32>
      %scatter3A = arith.constant 1 : i32
      %scatter3A_1372 = arith.constant 0 : i32
      %scatter3A_1373 = arith.constant 0 : i32
      %scatter3A_1374 = tpu.memref_slice %arg7[%scatter3A, %scatter3A_1372, %scatter3A_1373] : memref<2x32x128xf32, #tpu.memory_space<vmem>> -> memref<1x32x128xf32, #tpu.memory_space<vmem>>
      %scatter3A_1375 = tpu.memref_squeeze %scatter3A_1374 : memref<1x32x128xf32, #tpu.memory_space<vmem>> -> memref<32x128xf32, #tpu.memory_space<vmem>>
      tpu.vector_store_idx %scatter3A_1375[%iota3A, %add3A_1368], %mul3A_1371 : memref<32x128xf32, #tpu.memory_space<vmem>>[vector<16xi32>, vector<16xi32>], vector<16xf32>,
      %mul3A_1376 = arith.constant 0.0833333358 : f32
      %mul3A_1377 = vector.broadcast %mul3A_1376 : f32 to vector<16xf32>
      %mul3A_1378 = arith.mulf %add3A_1363, %mul3A_1377 : vector<16xf32>
      %scatter3A_1379 = arith.constant 1 : i32
      %scatter3A_1380 = arith.constant 0 : i32
      %scatter3A_1381 = arith.constant 0 : i32
      %scatter3A_1382 = tpu.memref_slice %arg7[%scatter3A_1379, %scatter3A_1380, %scatter3A_1381] : memref<2x32x128xf32, #tpu.memory_space<vmem>> -> memref<1x32x128xf32, #tpu.memory_space<vmem>>
      %scatter3A_1383 = tpu.memref_squeeze %scatter3A_1382 : memref<1x32x128xf32, #tpu.memory_space<vmem>> -> memref<32x128xf32, #tpu.memory_space<vmem>>
      tpu.vector_store_idx %scatter3A_1383[%add3A_3, %add3A_1368], %mul3A_1378 : memref<32x128xf32, #tpu.memory_space<vmem>>[vector<16xi32>, vector<16xi32>], vector<16xf32>,
      %mul3A_1384 = arith.constant 4 : i32
      %mul3A_1385 = arith.muli %scan3A_1220, %mul3A_1384 : i32
      %add3A_1386 = arith.constant 1 : i32
      %add3A_1387 = arith.addi %mul3A_1385, %add3A_1386 : i32
      %add3A_1388 = arith.constant 1536 : i32
      %add3A_1389 = arith.addi %add3A_1388, %add3A_1387 : i32
      %get3A_1390 = arith.index_cast %add3A_1389 : i32 to index
      %get3A_1391 = arith.constant 0 : index
      %get3A_1392 = tpu.vector_load %arg6[%get3A_1390, %get3A_1391] {strides = array<i32>} : memref<3072x32xf32, #tpu.memory_space<vmem>>, vector<16xf32>,
      %get3A_1393 = arith.index_cast %add3A_1389 : i32 to index
      %get3A_1394 = arith.constant 16 : index
      %get3A_1395 = tpu.vector_load %arg6[%get3A_1393, %get3A_1394] {strides = array<i32>} : memref<3072x32xf32, #tpu.memory_space<vmem>>, vector<16xf32>,
      %add3A_1396 = arith.constant 128 : i32
      %add3A_1397 = arith.addi %add3A_1389, %add3A_1396 : i32
      %get3A_1398 = arith.index_cast %add3A_1397 : i32 to index
      %get3A_1399 = arith.constant 0 : index
      %get3A_1400 = tpu.vector_load %arg6[%get3A_1398, %get3A_1399] {strides = array<i32>} : memref<3072x32xf32, #tpu.memory_space<vmem>>, vector<16xf32>,
      %add3A_1401 = arith.addf %get3A_1392, %get3A_1400 : vector<16xf32>
      %add3A_1402 = arith.constant 128 : i32
      %add3A_1403 = arith.addi %add3A_1389, %add3A_1402 : i32
      %get3A_1404 = arith.index_cast %add3A_1403 : i32 to index
      %get3A_1405 = arith.constant 16 : index
      %get3A_1406 = tpu.vector_load %arg6[%get3A_1404, %get3A_1405] {strides = array<i32>} : memref<3072x32xf32, #tpu.memory_space<vmem>>, vector<16xf32>,
      %add3A_1407 = arith.addf %get3A_1395, %get3A_1406 : vector<16xf32>
      %add3A_1408 = arith.constant 256 : i32
      %add3A_1409 = arith.addi %add3A_1389, %add3A_1408 : i32
      %get3A_1410 = arith.index_cast %add3A_1409 : i32 to index
      %get3A_1411 = arith.constant 0 : index
      %get3A_1412 = tpu.vector_load %arg6[%get3A_1410, %get3A_1411] {strides = array<i32>} : memref<3072x32xf32, #tpu.memory_space<vmem>>, vector<16xf32>,
      %add3A_1413 = arith.addf %add3A_1401, %get3A_1412 : vector<16xf32>
      %add3A_1414 = arith.constant 256 : i32
      %add3A_1415 = arith.addi %add3A_1389, %add3A_1414 : i32
      %get3A_1416 = arith.index_cast %add3A_1415 : i32 to index
      %get3A_1417 = arith.constant 16 : index
      %get3A_1418 = tpu.vector_load %arg6[%get3A_1416, %get3A_1417] {strides = array<i32>} : memref<3072x32xf32, #tpu.memory_space<vmem>>, vector<16xf32>,
      %add3A_1419 = arith.addf %add3A_1407, %get3A_1418 : vector<16xf32>
      %add3A_1420 = arith.constant 384 : i32
      %add3A_1421 = arith.addi %add3A_1389, %add3A_1420 : i32
      %get3A_1422 = arith.index_cast %add3A_1421 : i32 to index
      %get3A_1423 = arith.constant 0 : index
      %get3A_1424 = tpu.vector_load %arg6[%get3A_1422, %get3A_1423] {strides = array<i32>} : memref<3072x32xf32, #tpu.memory_space<vmem>>, vector<16xf32>,
      %add3A_1425 = arith.addf %add3A_1413, %get3A_1424 : vector<16xf32>
      %add3A_1426 = arith.constant 384 : i32
      %add3A_1427 = arith.addi %add3A_1389, %add3A_1426 : i32
      %get3A_1428 = arith.index_cast %add3A_1427 : i32 to index
      %get3A_1429 = arith.constant 16 : index
      %get3A_1430 = tpu.vector_load %arg6[%get3A_1428, %get3A_1429] {strides = array<i32>} : memref<3072x32xf32, #tpu.memory_space<vmem>>, vector<16xf32>,
      %add3A_1431 = arith.addf %add3A_1419, %get3A_1430 : vector<16xf32>
      %add3A_1432 = arith.constant 512 : i32
      %add3A_1433 = arith.addi %add3A_1389, %add3A_1432 : i32
      %get3A_1434 = arith.index_cast %add3A_1433 : i32 to index
      %get3A_1435 = arith.constant 0 : index
      %get3A_1436 = tpu.vector_load %arg6[%get3A_1434, %get3A_1435] {strides = array<i32>} : memref<3072x32xf32, #tpu.memory_space<vmem>>, vector<16xf32>,
      %add3A_1437 = arith.addf %add3A_1425, %get3A_1436 : vector<16xf32>
      %add3A_1438 = arith.constant 512 : i32
      %add3A_1439 = arith.addi %add3A_1389, %add3A_1438 : i32
      %get3A_1440 = arith.index_cast %add3A_1439 : i32 to index
      %get3A_1441 = arith.constant 16 : index
      %get3A_1442 = tpu.vector_load %arg6[%get3A_1440, %get3A_1441] {strides = array<i32>} : memref<3072x32xf32, #tpu.memory_space<vmem>>, vector<16xf32>,
      %add3A_1443 = arith.addf %add3A_1431, %get3A_1442 : vector<16xf32>
      %add3A_1444 = arith.constant 640 : i32
      %add3A_1445 = arith.addi %add3A_1389, %add3A_1444 : i32
      %get3A_1446 = arith.index_cast %add3A_1445 : i32 to index
      %get3A_1447 = arith.constant 0 : index
      %get3A_1448 = tpu.vector_load %arg6[%get3A_1446, %get3A_1447] {strides = array<i32>} : memref<3072x32xf32, #tpu.memory_space<vmem>>, vector<16xf32>,
      %add3A_1449 = arith.addf %add3A_1437, %get3A_1448 : vector<16xf32>
      %add3A_1450 = arith.constant 640 : i32
      %add3A_1451 = arith.addi %add3A_1389, %add3A_1450 : i32
      %get3A_1452 = arith.index_cast %add3A_1451 : i32 to index
      %get3A_1453 = arith.constant 16 : index
      %get3A_1454 = tpu.vector_load %arg6[%get3A_1452, %get3A_1453] {strides = array<i32>} : memref<3072x32xf32, #tpu.memory_space<vmem>>, vector<16xf32>,
      %add3A_1455 = arith.addf %add3A_1443, %get3A_1454 : vector<16xf32>
      %add3A_1456 = arith.constant 768 : i32
      %add3A_1457 = arith.addi %add3A_1389, %add3A_1456 : i32
      %get3A_1458 = arith.index_cast %add3A_1457 : i32 to index
      %get3A_1459 = arith.constant 0 : index
      %get3A_1460 = tpu.vector_load %arg6[%get3A_1458, %get3A_1459] {strides = array<i32>} : memref<3072x32xf32, #tpu.memory_space<vmem>>, vector<16xf32>,
      %add3A_1461 = arith.addf %add3A_1449, %get3A_1460 : vector<16xf32>
      %add3A_1462 = arith.constant 768 : i32
      %add3A_1463 = arith.addi %add3A_1389, %add3A_1462 : i32
      %get3A_1464 = arith.index_cast %add3A_1463 : i32 to index
      %get3A_1465 = arith.constant 16 : index
      %get3A_1466 = tpu.vector_load %arg6[%get3A_1464, %get3A_1465] {strides = array<i32>} : memref<3072x32xf32, #tpu.memory_space<vmem>>, vector<16xf32>,
      %add3A_1467 = arith.addf %add3A_1455, %get3A_1466 : vector<16xf32>
      %add3A_1468 = arith.constant 896 : i32
      %add3A_1469 = arith.addi %add3A_1389, %add3A_1468 : i32
      %get3A_1470 = arith.index_cast %add3A_1469 : i32 to index
      %get3A_1471 = arith.constant 0 : index
      %get3A_1472 = tpu.vector_load %arg6[%get3A_1470, %get3A_1471] {strides = array<i32>} : memref<3072x32xf32, #tpu.memory_space<vmem>>, vector<16xf32>,
      %add3A_1473 = arith.addf %add3A_1461, %get3A_1472 : vector<16xf32>
      %add3A_1474 = arith.constant 896 : i32
      %add3A_1475 = arith.addi %add3A_1389, %add3A_1474 : i32
      %get3A_1476 = arith.index_cast %add3A_1475 : i32 to index
      %get3A_1477 = arith.constant 16 : index
      %get3A_1478 = tpu.vector_load %arg6[%get3A_1476, %get3A_1477] {strides = array<i32>} : memref<3072x32xf32, #tpu.memory_space<vmem>>, vector<16xf32>,
      %add3A_1479 = arith.addf %add3A_1467, %get3A_1478 : vector<16xf32>
      %add3A_1480 = arith.constant 1024 : i32
      %add3A_1481 = arith.addi %add3A_1389, %add3A_1480 : i32
      %get3A_1482 = arith.index_cast %add3A_1481 : i32 to index
      %get3A_1483 = arith.constant 0 : index
      %get3A_1484 = tpu.vector_load %arg6[%get3A_1482, %get3A_1483] {strides = array<i32>} : memref<3072x32xf32, #tpu.memory_space<vmem>>, vector<16xf32>,
      %add3A_1485 = arith.addf %add3A_1473, %get3A_1484 : vector<16xf32>
      %add3A_1486 = arith.constant 1024 : i32
      %add3A_1487 = arith.addi %add3A_1389, %add3A_1486 : i32
      %get3A_1488 = arith.index_cast %add3A_1487 : i32 to index
      %get3A_1489 = arith.constant 16 : index
      %get3A_1490 = tpu.vector_load %arg6[%get3A_1488, %get3A_1489] {strides = array<i32>} : memref<3072x32xf32, #tpu.memory_space<vmem>>, vector<16xf32>,
      %add3A_1491 = arith.addf %add3A_1479, %get3A_1490 : vector<16xf32>
      %add3A_1492 = arith.constant 1152 : i32
      %add3A_1493 = arith.addi %add3A_1389, %add3A_1492 : i32
      %get3A_1494 = arith.index_cast %add3A_1493 : i32 to index
      %get3A_1495 = arith.constant 0 : index
      %get3A_1496 = tpu.vector_load %arg6[%get3A_1494, %get3A_1495] {strides = array<i32>} : memref<3072x32xf32, #tpu.memory_space<vmem>>, vector<16xf32>,
      %add3A_1497 = arith.addf %add3A_1485, %get3A_1496 : vector<16xf32>
      %add3A_1498 = arith.constant 1152 : i32
      %add3A_1499 = arith.addi %add3A_1389, %add3A_1498 : i32
      %get3A_1500 = arith.index_cast %add3A_1499 : i32 to index
      %get3A_1501 = arith.constant 16 : index
      %get3A_1502 = tpu.vector_load %arg6[%get3A_1500, %get3A_1501] {strides = array<i32>} : memref<3072x32xf32, #tpu.memory_space<vmem>>, vector<16xf32>,
      %add3A_1503 = arith.addf %add3A_1491, %get3A_1502 : vector<16xf32>
      %add3A_1504 = arith.constant 1280 : i32
      %add3A_1505 = arith.addi %add3A_1389, %add3A_1504 : i32
      %get3A_1506 = arith.index_cast %add3A_1505 : i32 to index
      %get3A_1507 = arith.constant 0 : index
      %get3A_1508 = tpu.vector_load %arg6[%get3A_1506, %get3A_1507] {strides = array<i32>} : memref<3072x32xf32, #tpu.memory_space<vmem>>, vector<16xf32>,
      %add3A_1509 = arith.addf %add3A_1497, %get3A_1508 : vector<16xf32>
      %add3A_1510 = arith.constant 1280 : i32
      %add3A_1511 = arith.addi %add3A_1389, %add3A_1510 : i32
      %get3A_1512 = arith.index_cast %add3A_1511 : i32 to index
      %get3A_1513 = arith.constant 16 : index
      %get3A_1514 = tpu.vector_load %arg6[%get3A_1512, %get3A_1513] {strides = array<i32>} : memref<3072x32xf32, #tpu.memory_space<vmem>>, vector<16xf32>,
      %add3A_1515 = arith.addf %add3A_1503, %get3A_1514 : vector<16xf32>
      %add3A_1516 = arith.constant 1408 : i32
      %add3A_1517 = arith.addi %add3A_1389, %add3A_1516 : i32
      %get3A_1518 = arith.index_cast %add3A_1517 : i32 to index
      %get3A_1519 = arith.constant 0 : index
      %get3A_1520 = tpu.vector_load %arg6[%get3A_1518, %get3A_1519] {strides = array<i32>} : memref<3072x32xf32, #tpu.memory_space<vmem>>, vector<16xf32>,
      %add3A_1521 = arith.addf %add3A_1509, %get3A_1520 : vector<16xf32>
      %add3A_1522 = arith.constant 1408 : i32
      %add3A_1523 = arith.addi %add3A_1389, %add3A_1522 : i32
      %get3A_1524 = arith.index_cast %add3A_1523 : i32 to index
      %get3A_1525 = arith.constant 16 : index
      %get3A_1526 = tpu.vector_load %arg6[%get3A_1524, %get3A_1525] {strides = array<i32>} : memref<3072x32xf32, #tpu.memory_space<vmem>>, vector<16xf32>,
      %add3A_1527 = arith.addf %add3A_1515, %get3A_1526 : vector<16xf32>
      %mul3A_1528 = arith.constant 0 : i32
      %mul3A_1529 = vector.broadcast %mul3A_1528 : i32 to vector<16xi32>
      %mul3A_1530 = arith.muli %iota3A, %mul3A_1529 : vector<16xi32>
      %add3A_1531 = vector.broadcast %add3A_1387 : i32 to vector<16xi32>
      %add3A_1532 = arith.addi %mul3A_1530, %add3A_1531 : vector<16xi32>
      %mul3A_1533 = arith.constant 0.0833333358 : f32
      %mul3A_1534 = vector.broadcast %mul3A_1533 : f32 to vector<16xf32>
      %mul3A_1535 = arith.mulf %add3A_1521, %mul3A_1534 : vector<16xf32>
      %scatter3A_1536 = arith.constant 1 : i32
      %scatter3A_1537 = arith.constant 0 : i32
      %scatter3A_1538 = arith.constant 0 : i32
      %scatter3A_1539 = tpu.memref_slice %arg7[%scatter3A_1536, %scatter3A_1537, %scatter3A_1538] : memref<2x32x128xf32, #tpu.memory_space<vmem>> -> memref<1x32x128xf32, #tpu.memory_space<vmem>>
      %scatter3A_1540 = tpu.memref_squeeze %scatter3A_1539 : memref<1x32x128xf32, #tpu.memory_space<vmem>> -> memref<32x128xf32, #tpu.memory_space<vmem>>
      tpu.vector_store_idx %scatter3A_1540[%iota3A, %add3A_1532], %mul3A_1535 : memref<32x128xf32, #tpu.memory_space<vmem>>[vector<16xi32>, vector<16xi32>], vector<16xf32>,
      %mul3A_1541 = arith.constant 0.0833333358 : f32
      %mul3A_1542 = vector.broadcast %mul3A_1541 : f32 to vector<16xf32>
      %mul3A_1543 = arith.mulf %add3A_1527, %mul3A_1542 : vector<16xf32>
      %scatter3A_1544 = arith.constant 1 : i32
      %scatter3A_1545 = arith.constant 0 : i32
      %scatter3A_1546 = arith.constant 0 : i32
      %scatter3A_1547 = tpu.memref_slice %arg7[%scatter3A_1544, %scatter3A_1545, %scatter3A_1546] : memref<2x32x128xf32, #tpu.memory_space<vmem>> -> memref<1x32x128xf32, #tpu.memory_space<vmem>>
      %scatter3A_1548 = tpu.memref_squeeze %scatter3A_1547 : memref<1x32x128xf32, #tpu.memory_space<vmem>> -> memref<32x128xf32, #tpu.memory_space<vmem>>
      tpu.vector_store_idx %scatter3A_1548[%add3A_3, %add3A_1532], %mul3A_1543 : memref<32x128xf32, #tpu.memory_space<vmem>>[vector<16xi32>, vector<16xi32>], vector<16xf32>,
      %mul3A_1549 = arith.constant 4 : i32
      %mul3A_1550 = arith.muli %scan3A_1220, %mul3A_1549 : i32
      %add3A_1551 = arith.constant 2 : i32
      %add3A_1552 = arith.addi %mul3A_1550, %add3A_1551 : i32
      %add3A_1553 = arith.constant 1536 : i32
      %add3A_1554 = arith.addi %add3A_1553, %add3A_1552 : i32
      %get3A_1555 = arith.index_cast %add3A_1554 : i32 to index
      %get3A_1556 = arith.constant 0 : index
      %get3A_1557 = tpu.vector_load %arg6[%get3A_1555, %get3A_1556] {strides = array<i32>} : memref<3072x32xf32, #tpu.memory_space<vmem>>, vector<16xf32>,
      %get3A_1558 = arith.index_cast %add3A_1554 : i32 to index
      %get3A_1559 = arith.constant 16 : index
      %get3A_1560 = tpu.vector_load %arg6[%get3A_1558, %get3A_1559] {strides = array<i32>} : memref<3072x32xf32, #tpu.memory_space<vmem>>, vector<16xf32>,
      %add3A_1561 = arith.constant 128 : i32
      %add3A_1562 = arith.addi %add3A_1554, %add3A_1561 : i32
      %get3A_1563 = arith.index_cast %add3A_1562 : i32 to index
      %get3A_1564 = arith.constant 0 : index
      %get3A_1565 = tpu.vector_load %arg6[%get3A_1563, %get3A_1564] {strides = array<i32>} : memref<3072x32xf32, #tpu.memory_space<vmem>>, vector<16xf32>,
      %add3A_1566 = arith.addf %get3A_1557, %get3A_1565 : vector<16xf32>
      %add3A_1567 = arith.constant 128 : i32
      %add3A_1568 = arith.addi %add3A_1554, %add3A_1567 : i32
      %get3A_1569 = arith.index_cast %add3A_1568 : i32 to index
      %get3A_1570 = arith.constant 16 : index
      %get3A_1571 = tpu.vector_load %arg6[%get3A_1569, %get3A_1570] {strides = array<i32>} : memref<3072x32xf32, #tpu.memory_space<vmem>>, vector<16xf32>,
      %add3A_1572 = arith.addf %get3A_1560, %get3A_1571 : vector<16xf32>
      %add3A_1573 = arith.constant 256 : i32
      %add3A_1574 = arith.addi %add3A_1554, %add3A_1573 : i32
      %get3A_1575 = arith.index_cast %add3A_1574 : i32 to index
      %get3A_1576 = arith.constant 0 : index
      %get3A_1577 = tpu.vector_load %arg6[%get3A_1575, %get3A_1576] {strides = array<i32>} : memref<3072x32xf32, #tpu.memory_space<vmem>>, vector<16xf32>,
      %add3A_1578 = arith.addf %add3A_1566, %get3A_1577 : vector<16xf32>
      %add3A_1579 = arith.constant 256 : i32
      %add3A_1580 = arith.addi %add3A_1554, %add3A_1579 : i32
      %get3A_1581 = arith.index_cast %add3A_1580 : i32 to index
      %get3A_1582 = arith.constant 16 : index
      %get3A_1583 = tpu.vector_load %arg6[%get3A_1581, %get3A_1582] {strides = array<i32>} : memref<3072x32xf32, #tpu.memory_space<vmem>>, vector<16xf32>,
      %add3A_1584 = arith.addf %add3A_1572, %get3A_1583 : vector<16xf32>
      %add3A_1585 = arith.constant 384 : i32
      %add3A_1586 = arith.addi %add3A_1554, %add3A_1585 : i32
      %get3A_1587 = arith.index_cast %add3A_1586 : i32 to index
      %get3A_1588 = arith.constant 0 : index
      %get3A_1589 = tpu.vector_load %arg6[%get3A_1587, %get3A_1588] {strides = array<i32>} : memref<3072x32xf32, #tpu.memory_space<vmem>>, vector<16xf32>,
      %add3A_1590 = arith.addf %add3A_1578, %get3A_1589 : vector<16xf32>
      %add3A_1591 = arith.constant 384 : i32
      %add3A_1592 = arith.addi %add3A_1554, %add3A_1591 : i32
      %get3A_1593 = arith.index_cast %add3A_1592 : i32 to index
      %get3A_1594 = arith.constant 16 : index
      %get3A_1595 = tpu.vector_load %arg6[%get3A_1593, %get3A_1594] {strides = array<i32>} : memref<3072x32xf32, #tpu.memory_space<vmem>>, vector<16xf32>,
      %add3A_1596 = arith.addf %add3A_1584, %get3A_1595 : vector<16xf32>
      %add3A_1597 = arith.constant 512 : i32
      %add3A_1598 = arith.addi %add3A_1554, %add3A_1597 : i32
      %get3A_1599 = arith.index_cast %add3A_1598 : i32 to index
      %get3A_1600 = arith.constant 0 : index
      %get3A_1601 = tpu.vector_load %arg6[%get3A_1599, %get3A_1600] {strides = array<i32>} : memref<3072x32xf32, #tpu.memory_space<vmem>>, vector<16xf32>,
      %add3A_1602 = arith.addf %add3A_1590, %get3A_1601 : vector<16xf32>
      %add3A_1603 = arith.constant 512 : i32
      %add3A_1604 = arith.addi %add3A_1554, %add3A_1603 : i32
      %get3A_1605 = arith.index_cast %add3A_1604 : i32 to index
      %get3A_1606 = arith.constant 16 : index
      %get3A_1607 = tpu.vector_load %arg6[%get3A_1605, %get3A_1606] {strides = array<i32>} : memref<3072x32xf32, #tpu.memory_space<vmem>>, vector<16xf32>,
      %add3A_1608 = arith.addf %add3A_1596, %get3A_1607 : vector<16xf32>
      %add3A_1609 = arith.constant 640 : i32
      %add3A_1610 = arith.addi %add3A_1554, %add3A_1609 : i32
      %get3A_1611 = arith.index_cast %add3A_1610 : i32 to index
      %get3A_1612 = arith.constant 0 : index
      %get3A_1613 = tpu.vector_load %arg6[%get3A_1611, %get3A_1612] {strides = array<i32>} : memref<3072x32xf32, #tpu.memory_space<vmem>>, vector<16xf32>,
      %add3A_1614 = arith.addf %add3A_1602, %get3A_1613 : vector<16xf32>
      %add3A_1615 = arith.constant 640 : i32
      %add3A_1616 = arith.addi %add3A_1554, %add3A_1615 : i32
      %get3A_1617 = arith.index_cast %add3A_1616 : i32 to index
      %get3A_1618 = arith.constant 16 : index
      %get3A_1619 = tpu.vector_load %arg6[%get3A_1617, %get3A_1618] {strides = array<i32>} : memref<3072x32xf32, #tpu.memory_space<vmem>>, vector<16xf32>,
      %add3A_1620 = arith.addf %add3A_1608, %get3A_1619 : vector<16xf32>
      %add3A_1621 = arith.constant 768 : i32
      %add3A_1622 = arith.addi %add3A_1554, %add3A_1621 : i32
      %get3A_1623 = arith.index_cast %add3A_1622 : i32 to index
      %get3A_1624 = arith.constant 0 : index
      %get3A_1625 = tpu.vector_load %arg6[%get3A_1623, %get3A_1624] {strides = array<i32>} : memref<3072x32xf32, #tpu.memory_space<vmem>>, vector<16xf32>,
      %add3A_1626 = arith.addf %add3A_1614, %get3A_1625 : vector<16xf32>
      %add3A_1627 = arith.constant 768 : i32
      %add3A_1628 = arith.addi %add3A_1554, %add3A_1627 : i32
      %get3A_1629 = arith.index_cast %add3A_1628 : i32 to index
      %get3A_1630 = arith.constant 16 : index
      %get3A_1631 = tpu.vector_load %arg6[%get3A_1629, %get3A_1630] {strides = array<i32>} : memref<3072x32xf32, #tpu.memory_space<vmem>>, vector<16xf32>,
      %add3A_1632 = arith.addf %add3A_1620, %get3A_1631 : vector<16xf32>
      %add3A_1633 = arith.constant 896 : i32
      %add3A_1634 = arith.addi %add3A_1554, %add3A_1633 : i32
      %get3A_1635 = arith.index_cast %add3A_1634 : i32 to index
      %get3A_1636 = arith.constant 0 : index
      %get3A_1637 = tpu.vector_load %arg6[%get3A_1635, %get3A_1636] {strides = array<i32>} : memref<3072x32xf32, #tpu.memory_space<vmem>>, vector<16xf32>,
      %add3A_1638 = arith.addf %add3A_1626, %get3A_1637 : vector<16xf32>
      %add3A_1639 = arith.constant 896 : i32
      %add3A_1640 = arith.addi %add3A_1554, %add3A_1639 : i32
      %get3A_1641 = arith.index_cast %add3A_1640 : i32 to index
      %get3A_1642 = arith.constant 16 : index
      %get3A_1643 = tpu.vector_load %arg6[%get3A_1641, %get3A_1642] {strides = array<i32>} : memref<3072x32xf32, #tpu.memory_space<vmem>>, vector<16xf32>,
      %add3A_1644 = arith.addf %add3A_1632, %get3A_1643 : vector<16xf32>
      %add3A_1645 = arith.constant 1024 : i32
      %add3A_1646 = arith.addi %add3A_1554, %add3A_1645 : i32
      %get3A_1647 = arith.index_cast %add3A_1646 : i32 to index
      %get3A_1648 = arith.constant 0 : index
      %get3A_1649 = tpu.vector_load %arg6[%get3A_1647, %get3A_1648] {strides = array<i32>} : memref<3072x32xf32, #tpu.memory_space<vmem>>, vector<16xf32>,
      %add3A_1650 = arith.addf %add3A_1638, %get3A_1649 : vector<16xf32>
      %add3A_1651 = arith.constant 1024 : i32
      %add3A_1652 = arith.addi %add3A_1554, %add3A_1651 : i32
      %get3A_1653 = arith.index_cast %add3A_1652 : i32 to index
      %get3A_1654 = arith.constant 16 : index
      %get3A_1655 = tpu.vector_load %arg6[%get3A_1653, %get3A_1654] {strides = array<i32>} : memref<3072x32xf32, #tpu.memory_space<vmem>>, vector<16xf32>,
      %add3A_1656 = arith.addf %add3A_1644, %get3A_1655 : vector<16xf32>
      %add3A_1657 = arith.constant 1152 : i32
      %add3A_1658 = arith.addi %add3A_1554, %add3A_1657 : i32
      %get3A_1659 = arith.index_cast %add3A_1658 : i32 to index
      %get3A_1660 = arith.constant 0 : index
      %get3A_1661 = tpu.vector_load %arg6[%get3A_1659, %get3A_1660] {strides = array<i32>} : memref<3072x32xf32, #tpu.memory_space<vmem>>, vector<16xf32>,
      %add3A_1662 = arith.addf %add3A_1650, %get3A_1661 : vector<16xf32>
      %add3A_1663 = arith.constant 1152 : i32
      %add3A_1664 = arith.addi %add3A_1554, %add3A_1663 : i32
      %get3A_1665 = arith.index_cast %add3A_1664 : i32 to index
      %get3A_1666 = arith.constant 16 : index
      %get3A_1667 = tpu.vector_load %arg6[%get3A_1665, %get3A_1666] {strides = array<i32>} : memref<3072x32xf32, #tpu.memory_space<vmem>>, vector<16xf32>,
      %add3A_1668 = arith.addf %add3A_1656, %get3A_1667 : vector<16xf32>
      %add3A_1669 = arith.constant 1280 : i32
      %add3A_1670 = arith.addi %add3A_1554, %add3A_1669 : i32
      %get3A_1671 = arith.index_cast %add3A_1670 : i32 to index
      %get3A_1672 = arith.constant 0 : index
      %get3A_1673 = tpu.vector_load %arg6[%get3A_1671, %get3A_1672] {strides = array<i32>} : memref<3072x32xf32, #tpu.memory_space<vmem>>, vector<16xf32>,
      %add3A_1674 = arith.addf %add3A_1662, %get3A_1673 : vector<16xf32>
      %add3A_1675 = arith.constant 1280 : i32
      %add3A_1676 = arith.addi %add3A_1554, %add3A_1675 : i32
      %get3A_1677 = arith.index_cast %add3A_1676 : i32 to index
      %get3A_1678 = arith.constant 16 : index
      %get3A_1679 = tpu.vector_load %arg6[%get3A_1677, %get3A_1678] {strides = array<i32>} : memref<3072x32xf32, #tpu.memory_space<vmem>>, vector<16xf32>,
      %add3A_1680 = arith.addf %add3A_1668, %get3A_1679 : vector<16xf32>
      %add3A_1681 = arith.constant 1408 : i32
      %add3A_1682 = arith.addi %add3A_1554, %add3A_1681 : i32
      %get3A_1683 = arith.index_cast %add3A_1682 : i32 to index
      %get3A_1684 = arith.constant 0 : index
      %get3A_1685 = tpu.vector_load %arg6[%get3A_1683, %get3A_1684] {strides = array<i32>} : memref<3072x32xf32, #tpu.memory_space<vmem>>, vector<16xf32>,
      %add3A_1686 = arith.addf %add3A_1674, %get3A_1685 : vector<16xf32>
      %add3A_1687 = arith.constant 1408 : i32
      %add3A_1688 = arith.addi %add3A_1554, %add3A_1687 : i32
      %get3A_1689 = arith.index_cast %add3A_1688 : i32 to index
      %get3A_1690 = arith.constant 16 : index
      %get3A_1691 = tpu.vector_load %arg6[%get3A_1689, %get3A_1690] {strides = array<i32>} : memref<3072x32xf32, #tpu.memory_space<vmem>>, vector<16xf32>,
      %add3A_1692 = arith.addf %add3A_1680, %get3A_1691 : vector<16xf32>
      %mul3A_1693 = arith.constant 0 : i32
      %mul3A_1694 = vector.broadcast %mul3A_1693 : i32 to vector<16xi32>
      %mul3A_1695 = arith.muli %iota3A, %mul3A_1694 : vector<16xi32>
      %add3A_1696 = vector.broadcast %add3A_1552 : i32 to vector<16xi32>
      %add3A_1697 = arith.addi %mul3A_1695, %add3A_1696 : vector<16xi32>
      %mul3A_1698 = arith.constant 0.0833333358 : f32
      %mul3A_1699 = vector.broadcast %mul3A_1698 : f32 to vector<16xf32>
      %mul3A_1700 = arith.mulf %add3A_1686, %mul3A_1699 : vector<16xf32>
      %scatter3A_1701 = arith.constant 1 : i32
      %scatter3A_1702 = arith.constant 0 : i32
      %scatter3A_1703 = arith.constant 0 : i32
      %scatter3A_1704 = tpu.memref_slice %arg7[%scatter3A_1701, %scatter3A_1702, %scatter3A_1703] : memref<2x32x128xf32, #tpu.memory_space<vmem>> -> memref<1x32x128xf32, #tpu.memory_space<vmem>>
      %scatter3A_1705 = tpu.memref_squeeze %scatter3A_1704 : memref<1x32x128xf32, #tpu.memory_space<vmem>> -> memref<32x128xf32, #tpu.memory_space<vmem>>
      tpu.vector_store_idx %scatter3A_1705[%iota3A, %add3A_1697], %mul3A_1700 : memref<32x128xf32, #tpu.memory_space<vmem>>[vector<16xi32>, vector<16xi32>], vector<16xf32>,
      %mul3A_1706 = arith.constant 0.0833333358 : f32
      %mul3A_1707 = vector.broadcast %mul3A_1706 : f32 to vector<16xf32>
      %mul3A_1708 = arith.mulf %add3A_1692, %mul3A_1707 : vector<16xf32>
      %scatter3A_1709 = arith.constant 1 : i32
      %scatter3A_1710 = arith.constant 0 : i32
      %scatter3A_1711 = arith.constant 0 : i32
      %scatter3A_1712 = tpu.memref_slice %arg7[%scatter3A_1709, %scatter3A_1710, %scatter3A_1711] : memref<2x32x128xf32, #tpu.memory_space<vmem>> -> memref<1x32x128xf32, #tpu.memory_space<vmem>>
      %scatter3A_1713 = tpu.memref_squeeze %scatter3A_1712 : memref<1x32x128xf32, #tpu.memory_space<vmem>> -> memref<32x128xf32, #tpu.memory_space<vmem>>
      tpu.vector_store_idx %scatter3A_1713[%add3A_3, %add3A_1697], %mul3A_1708 : memref<32x128xf32, #tpu.memory_space<vmem>>[vector<16xi32>, vector<16xi32>], vector<16xf32>,
      %mul3A_1714 = arith.constant 4 : i32
      %mul3A_1715 = arith.muli %scan3A_1220, %mul3A_1714 : i32
      %add3A_1716 = arith.constant 3 : i32
      %add3A_1717 = arith.addi %mul3A_1715, %add3A_1716 : i32
      %add3A_1718 = arith.constant 1536 : i32
      %add3A_1719 = arith.addi %add3A_1718, %add3A_1717 : i32
      %get3A_1720 = arith.index_cast %add3A_1719 : i32 to index
      %get3A_1721 = arith.constant 0 : index
      %get3A_1722 = tpu.vector_load %arg6[%get3A_1720, %get3A_1721] {strides = array<i32>} : memref<3072x32xf32, #tpu.memory_space<vmem>>, vector<16xf32>,
      %get3A_1723 = arith.index_cast %add3A_1719 : i32 to index
      %get3A_1724 = arith.constant 16 : index
      %get3A_1725 = tpu.vector_load %arg6[%get3A_1723, %get3A_1724] {strides = array<i32>} : memref<3072x32xf32, #tpu.memory_space<vmem>>, vector<16xf32>,
      %add3A_1726 = arith.constant 128 : i32
      %add3A_1727 = arith.addi %add3A_1719, %add3A_1726 : i32
      %get3A_1728 = arith.index_cast %add3A_1727 : i32 to index
      %get3A_1729 = arith.constant 0 : index
      %get3A_1730 = tpu.vector_load %arg6[%get3A_1728, %get3A_1729] {strides = array<i32>} : memref<3072x32xf32, #tpu.memory_space<vmem>>, vector<16xf32>,
      %add3A_1731 = arith.addf %get3A_1722, %get3A_1730 : vector<16xf32>
      %add3A_1732 = arith.constant 128 : i32
      %add3A_1733 = arith.addi %add3A_1719, %add3A_1732 : i32
      %get3A_1734 = arith.index_cast %add3A_1733 : i32 to index
      %get3A_1735 = arith.constant 16 : index
      %get3A_1736 = tpu.vector_load %arg6[%get3A_1734, %get3A_1735] {strides = array<i32>} : memref<3072x32xf32, #tpu.memory_space<vmem>>, vector<16xf32>,
      %add3A_1737 = arith.addf %get3A_1725, %get3A_1736 : vector<16xf32>
      %add3A_1738 = arith.constant 256 : i32
      %add3A_1739 = arith.addi %add3A_1719, %add3A_1738 : i32
      %get3A_1740 = arith.index_cast %add3A_1739 : i32 to index
      %get3A_1741 = arith.constant 0 : index
      %get3A_1742 = tpu.vector_load %arg6[%get3A_1740, %get3A_1741] {strides = array<i32>} : memref<3072x32xf32, #tpu.memory_space<vmem>>, vector<16xf32>,
      %add3A_1743 = arith.addf %add3A_1731, %get3A_1742 : vector<16xf32>
      %add3A_1744 = arith.constant 256 : i32
      %add3A_1745 = arith.addi %add3A_1719, %add3A_1744 : i32
      %get3A_1746 = arith.index_cast %add3A_1745 : i32 to index
      %get3A_1747 = arith.constant 16 : index
      %get3A_1748 = tpu.vector_load %arg6[%get3A_1746, %get3A_1747] {strides = array<i32>} : memref<3072x32xf32, #tpu.memory_space<vmem>>, vector<16xf32>,
      %add3A_1749 = arith.addf %add3A_1737, %get3A_1748 : vector<16xf32>
      %add3A_1750 = arith.constant 384 : i32
      %add3A_1751 = arith.addi %add3A_1719, %add3A_1750 : i32
      %get3A_1752 = arith.index_cast %add3A_1751 : i32 to index
      %get3A_1753 = arith.constant 0 : index
      %get3A_1754 = tpu.vector_load %arg6[%get3A_1752, %get3A_1753] {strides = array<i32>} : memref<3072x32xf32, #tpu.memory_space<vmem>>, vector<16xf32>,
      %add3A_1755 = arith.addf %add3A_1743, %get3A_1754 : vector<16xf32>
      %add3A_1756 = arith.constant 384 : i32
      %add3A_1757 = arith.addi %add3A_1719, %add3A_1756 : i32
      %get3A_1758 = arith.index_cast %add3A_1757 : i32 to index
      %get3A_1759 = arith.constant 16 : index
      %get3A_1760 = tpu.vector_load %arg6[%get3A_1758, %get3A_1759] {strides = array<i32>} : memref<3072x32xf32, #tpu.memory_space<vmem>>, vector<16xf32>,
      %add3A_1761 = arith.addf %add3A_1749, %get3A_1760 : vector<16xf32>
      %add3A_1762 = arith.constant 512 : i32
      %add3A_1763 = arith.addi %add3A_1719, %add3A_1762 : i32
      %get3A_1764 = arith.index_cast %add3A_1763 : i32 to index
      %get3A_1765 = arith.constant 0 : index
      %get3A_1766 = tpu.vector_load %arg6[%get3A_1764, %get3A_1765] {strides = array<i32>} : memref<3072x32xf32, #tpu.memory_space<vmem>>, vector<16xf32>,
      %add3A_1767 = arith.addf %add3A_1755, %get3A_1766 : vector<16xf32>
      %add3A_1768 = arith.constant 512 : i32
      %add3A_1769 = arith.addi %add3A_1719, %add3A_1768 : i32
      %get3A_1770 = arith.index_cast %add3A_1769 : i32 to index
      %get3A_1771 = arith.constant 16 : index
      %get3A_1772 = tpu.vector_load %arg6[%get3A_1770, %get3A_1771] {strides = array<i32>} : memref<3072x32xf32, #tpu.memory_space<vmem>>, vector<16xf32>,
      %add3A_1773 = arith.addf %add3A_1761, %get3A_1772 : vector<16xf32>
      %add3A_1774 = arith.constant 640 : i32
      %add3A_1775 = arith.addi %add3A_1719, %add3A_1774 : i32
      %get3A_1776 = arith.index_cast %add3A_1775 : i32 to index
      %get3A_1777 = arith.constant 0 : index
      %get3A_1778 = tpu.vector_load %arg6[%get3A_1776, %get3A_1777] {strides = array<i32>} : memref<3072x32xf32, #tpu.memory_space<vmem>>, vector<16xf32>,
      %add3A_1779 = arith.addf %add3A_1767, %get3A_1778 : vector<16xf32>
      %add3A_1780 = arith.constant 640 : i32
      %add3A_1781 = arith.addi %add3A_1719, %add3A_1780 : i32
      %get3A_1782 = arith.index_cast %add3A_1781 : i32 to index
      %get3A_1783 = arith.constant 16 : index
      %get3A_1784 = tpu.vector_load %arg6[%get3A_1782, %get3A_1783] {strides = array<i32>} : memref<3072x32xf32, #tpu.memory_space<vmem>>, vector<16xf32>,
      %add3A_1785 = arith.addf %add3A_1773, %get3A_1784 : vector<16xf32>
      %add3A_1786 = arith.constant 768 : i32
      %add3A_1787 = arith.addi %add3A_1719, %add3A_1786 : i32
      %get3A_1788 = arith.index_cast %add3A_1787 : i32 to index
      %get3A_1789 = arith.constant 0 : index
      %get3A_1790 = tpu.vector_load %arg6[%get3A_1788, %get3A_1789] {strides = array<i32>} : memref<3072x32xf32, #tpu.memory_space<vmem>>, vector<16xf32>,
      %add3A_1791 = arith.addf %add3A_1779, %get3A_1790 : vector<16xf32>
      %add3A_1792 = arith.constant 768 : i32
      %add3A_1793 = arith.addi %add3A_1719, %add3A_1792 : i32
      %get3A_1794 = arith.index_cast %add3A_1793 : i32 to index
      %get3A_1795 = arith.constant 16 : index
      %get3A_1796 = tpu.vector_load %arg6[%get3A_1794, %get3A_1795] {strides = array<i32>} : memref<3072x32xf32, #tpu.memory_space<vmem>>, vector<16xf32>,
      %add3A_1797 = arith.addf %add3A_1785, %get3A_1796 : vector<16xf32>
      %add3A_1798 = arith.constant 896 : i32
      %add3A_1799 = arith.addi %add3A_1719, %add3A_1798 : i32
      %get3A_1800 = arith.index_cast %add3A_1799 : i32 to index
      %get3A_1801 = arith.constant 0 : index
      %get3A_1802 = tpu.vector_load %arg6[%get3A_1800, %get3A_1801] {strides = array<i32>} : memref<3072x32xf32, #tpu.memory_space<vmem>>, vector<16xf32>,
      %add3A_1803 = arith.addf %add3A_1791, %get3A_1802 : vector<16xf32>
      %add3A_1804 = arith.constant 896 : i32
      %add3A_1805 = arith.addi %add3A_1719, %add3A_1804 : i32
      %get3A_1806 = arith.index_cast %add3A_1805 : i32 to index
      %get3A_1807 = arith.constant 16 : index
      %get3A_1808 = tpu.vector_load %arg6[%get3A_1806, %get3A_1807] {strides = array<i32>} : memref<3072x32xf32, #tpu.memory_space<vmem>>, vector<16xf32>,
      %add3A_1809 = arith.addf %add3A_1797, %get3A_1808 : vector<16xf32>
      %add3A_1810 = arith.constant 1024 : i32
      %add3A_1811 = arith.addi %add3A_1719, %add3A_1810 : i32
      %get3A_1812 = arith.index_cast %add3A_1811 : i32 to index
      %get3A_1813 = arith.constant 0 : index
      %get3A_1814 = tpu.vector_load %arg6[%get3A_1812, %get3A_1813] {strides = array<i32>} : memref<3072x32xf32, #tpu.memory_space<vmem>>, vector<16xf32>,
      %add3A_1815 = arith.addf %add3A_1803, %get3A_1814 : vector<16xf32>
      %add3A_1816 = arith.constant 1024 : i32
      %add3A_1817 = arith.addi %add3A_1719, %add3A_1816 : i32
      %get3A_1818 = arith.index_cast %add3A_1817 : i32 to index
      %get3A_1819 = arith.constant 16 : index
      %get3A_1820 = tpu.vector_load %arg6[%get3A_1818, %get3A_1819] {strides = array<i32>} : memref<3072x32xf32, #tpu.memory_space<vmem>>, vector<16xf32>,
      %add3A_1821 = arith.addf %add3A_1809, %get3A_1820 : vector<16xf32>
      %add3A_1822 = arith.constant 1152 : i32
      %add3A_1823 = arith.addi %add3A_1719, %add3A_1822 : i32
      %get3A_1824 = arith.index_cast %add3A_1823 : i32 to index
      %get3A_1825 = arith.constant 0 : index
      %get3A_1826 = tpu.vector_load %arg6[%get3A_1824, %get3A_1825] {strides = array<i32>} : memref<3072x32xf32, #tpu.memory_space<vmem>>, vector<16xf32>,
      %add3A_1827 = arith.addf %add3A_1815, %get3A_1826 : vector<16xf32>
      %add3A_1828 = arith.constant 1152 : i32
      %add3A_1829 = arith.addi %add3A_1719, %add3A_1828 : i32
      %get3A_1830 = arith.index_cast %add3A_1829 : i32 to index
      %get3A_1831 = arith.constant 16 : index
      %get3A_1832 = tpu.vector_load %arg6[%get3A_1830, %get3A_1831] {strides = array<i32>} : memref<3072x32xf32, #tpu.memory_space<vmem>>, vector<16xf32>,
      %add3A_1833 = arith.addf %add3A_1821, %get3A_1832 : vector<16xf32>
      %add3A_1834 = arith.constant 1280 : i32
      %add3A_1835 = arith.addi %add3A_1719, %add3A_1834 : i32
      %get3A_1836 = arith.index_cast %add3A_1835 : i32 to index
      %get3A_1837 = arith.constant 0 : index
      %get3A_1838 = tpu.vector_load %arg6[%get3A_1836, %get3A_1837] {strides = array<i32>} : memref<3072x32xf32, #tpu.memory_space<vmem>>, vector<16xf32>,
      %add3A_1839 = arith.addf %add3A_1827, %get3A_1838 : vector<16xf32>
      %add3A_1840 = arith.constant 1280 : i32
      %add3A_1841 = arith.addi %add3A_1719, %add3A_1840 : i32
      %get3A_1842 = arith.index_cast %add3A_1841 : i32 to index
      %get3A_1843 = arith.constant 16 : index
      %get3A_1844 = tpu.vector_load %arg6[%get3A_1842, %get3A_1843] {strides = array<i32>} : memref<3072x32xf32, #tpu.memory_space<vmem>>, vector<16xf32>,
      %add3A_1845 = arith.addf %add3A_1833, %get3A_1844 : vector<16xf32>
      %add3A_1846 = arith.constant 1408 : i32
      %add3A_1847 = arith.addi %add3A_1719, %add3A_1846 : i32
      %get3A_1848 = arith.index_cast %add3A_1847 : i32 to index
      %get3A_1849 = arith.constant 0 : index
      %get3A_1850 = tpu.vector_load %arg6[%get3A_1848, %get3A_1849] {strides = array<i32>} : memref<3072x32xf32, #tpu.memory_space<vmem>>, vector<16xf32>,
      %add3A_1851 = arith.addf %add3A_1839, %get3A_1850 : vector<16xf32>
      %add3A_1852 = arith.constant 1408 : i32
      %add3A_1853 = arith.addi %add3A_1719, %add3A_1852 : i32
      %get3A_1854 = arith.index_cast %add3A_1853 : i32 to index
      %get3A_1855 = arith.constant 16 : index
      %get3A_1856 = tpu.vector_load %arg6[%get3A_1854, %get3A_1855] {strides = array<i32>} : memref<3072x32xf32, #tpu.memory_space<vmem>>, vector<16xf32>,
      %add3A_1857 = arith.addf %add3A_1845, %get3A_1856 : vector<16xf32>
      %mul3A_1858 = arith.constant 0 : i32
      %mul3A_1859 = vector.broadcast %mul3A_1858 : i32 to vector<16xi32>
      %mul3A_1860 = arith.muli %iota3A, %mul3A_1859 : vector<16xi32>
      %add3A_1861 = vector.broadcast %add3A_1717 : i32 to vector<16xi32>
      %add3A_1862 = arith.addi %mul3A_1860, %add3A_1861 : vector<16xi32>
      %mul3A_1863 = arith.constant 0.0833333358 : f32
      %mul3A_1864 = vector.broadcast %mul3A_1863 : f32 to vector<16xf32>
      %mul3A_1865 = arith.mulf %add3A_1851, %mul3A_1864 : vector<16xf32>
      %scatter3A_1866 = arith.constant 1 : i32
      %scatter3A_1867 = arith.constant 0 : i32
      %scatter3A_1868 = arith.constant 0 : i32
      %scatter3A_1869 = tpu.memref_slice %arg7[%scatter3A_1866, %scatter3A_1867, %scatter3A_1868] : memref<2x32x128xf32, #tpu.memory_space<vmem>> -> memref<1x32x128xf32, #tpu.memory_space<vmem>>
      %scatter3A_1870 = tpu.memref_squeeze %scatter3A_1869 : memref<1x32x128xf32, #tpu.memory_space<vmem>> -> memref<32x128xf32, #tpu.memory_space<vmem>>
      tpu.vector_store_idx %scatter3A_1870[%iota3A, %add3A_1862], %mul3A_1865 : memref<32x128xf32, #tpu.memory_space<vmem>>[vector<16xi32>, vector<16xi32>], vector<16xf32>,
      %mul3A_1871 = arith.constant 0.0833333358 : f32
      %mul3A_1872 = vector.broadcast %mul3A_1871 : f32 to vector<16xf32>
      %mul3A_1873 = arith.mulf %add3A_1857, %mul3A_1872 : vector<16xf32>
      %scatter3A_1874 = arith.constant 1 : i32
      %scatter3A_1875 = arith.constant 0 : i32
      %scatter3A_1876 = arith.constant 0 : i32
      %scatter3A_1877 = tpu.memref_slice %arg7[%scatter3A_1874, %scatter3A_1875, %scatter3A_1876] : memref<2x32x128xf32, #tpu.memory_space<vmem>> -> memref<1x32x128xf32, #tpu.memory_space<vmem>>
      %scatter3A_1878 = tpu.memref_squeeze %scatter3A_1877 : memref<1x32x128xf32, #tpu.memory_space<vmem>> -> memref<32x128xf32, #tpu.memory_space<vmem>>
      tpu.vector_store_idx %scatter3A_1878[%add3A_3, %add3A_1862], %mul3A_1873 : memref<32x128xf32, #tpu.memory_space<vmem>>[vector<16xi32>, vector<16xi32>], vector<16xf32>,
    }
    %scan3A_1176 = arith.constant 32 : i32
    %mul3A_1177 = arith.constant 512 : i32
    %mul3A_1178 = arith.muli %add3A, %mul3A_1177 : i32
    %add3A_1179 = arith.constant 384 : i32
    %add3A_1180 = arith.addi %mul3A_1178, %add3A_1179 : i32
    %dma_start3A_1181 = arith.constant 1 : i32
    %dma_start3A_1182 = arith.constant 0 : i32
    %dma_start3A_1183 = arith.constant 0 : i32
    %dma_start3A_1184 = tpu.memref_slice %arg7[%dma_start3A_1181, %dma_start3A_1182, %dma_start3A_1183] : memref<2x32x128xf32, #tpu.memory_space<vmem>> -> memref<1x32x128xf32, #tpu.memory_space<vmem>>
    %dma_start3A_1185 = tpu.memref_squeeze %dma_start3A_1184 : memref<1x32x128xf32, #tpu.memory_space<vmem>> -> memref<32x128xf32, #tpu.memory_space<vmem>>
    %dma_start3A_1186 = arith.constant 0 : i32
    %dma_start3A_1187 = tpu.memref_slice %arg4[%dma_start3A_1186, %add3A_1180] : memref<32x16384xf32, #tpu.memory_space<hbm>> -> memref<32x128xf32, #tpu.memory_space<hbm>>
    %dma_start3A_1188 = arith.constant 0 : i32
    %dma_start3A_1189 = tpu.memref_slice %arg4[%dma_start3A_1188, %add3A_1180] : memref<32x16384xf32, #tpu.memory_space<hbm>> -> memref<32x128xf32, #tpu.memory_space<hbm>>
    %dma_start3A_1190 = arith.constant 0 : i32
    %dma_start3A_1191 = arith.constant 0 : i32
    %dma_start3A_1192 = tpu.memref_slice %arg7[%dma_start3A_1181, %dma_start3A_1190, %dma_start3A_1191] : memref<2x32x128xf32, #tpu.memory_space<vmem>> -> memref<1x32x128xf32, #tpu.memory_space<vmem>>
    %dma_start3A_1193 = tpu.memref_squeeze %dma_start3A_1192 : memref<1x32x128xf32, #tpu.memory_space<vmem>> -> memref<32x128xf32, #tpu.memory_space<vmem>>
    tpu.enqueue_dma source(%dma_start3A_1193 : memref<32x128xf32, #tpu.memory_space<vmem>>) target(%dma_start3A_1189 : memref<32x128xf32, #tpu.memory_space<hbm>>) target_semaphore(%arg9 : memref<!tpu.dma_semaphore, #tpu.memory_space<semaphore_mem>>)
    %dma_wait3A_1194 = arith.constant 0 : i32
    %dma_wait3A_1195 = arith.constant 0 : i32
    %dma_wait3A_1196 = arith.constant 0 : i32
    %dma_wait3A_1197 = tpu.memref_slice %arg7[%dma_wait3A_1194, %dma_wait3A_1195, %dma_wait3A_1196] : memref<2x32x128xf32, #tpu.memory_space<vmem>> -> memref<1x32x128xf32, #tpu.memory_space<vmem>>
    %dma_wait3A_1198 = tpu.memref_squeeze %dma_wait3A_1197 : memref<1x32x128xf32, #tpu.memory_space<vmem>> -> memref<32x128xf32, #tpu.memory_space<vmem>>
    %dma_wait3A_1199 = arith.constant 0 : i32
    %dma_wait3A_1200 = tpu.memref_slice %arg4[%dma_wait3A_1199, %add3A_1012] : memref<32x16384xf32, #tpu.memory_space<hbm>> -> memref<32x128xf32, #tpu.memory_space<hbm>>
    %dma_wait3A_1201 = arith.constant 0 : i32
    %dma_wait3A_1202 = tpu.memref_slice %arg4[%dma_wait3A_1201, %add3A_1012] : memref<32x16384xf32, #tpu.memory_space<hbm>> -> memref<32x128xf32, #tpu.memory_space<hbm>>
    %dma_wait3A_1203 = arith.constant 0 : i32
    %dma_wait3A_1204 = arith.constant 0 : i32
    %dma_wait3A_1205 = tpu.memref_slice %arg7[%dma_wait3A_1194, %dma_wait3A_1203, %dma_wait3A_1204] : memref<2x32x128xf32, #tpu.memory_space<vmem>> -> memref<1x32x128xf32, #tpu.memory_space<vmem>>
    %dma_wait3A_1206 = tpu.memref_squeeze %dma_wait3A_1205 : memref<1x32x128xf32, #tpu.memory_space<vmem>> -> memref<32x128xf32, #tpu.memory_space<vmem>>
    tpu.wait_dma2 semaphore(%arg9 : memref<!tpu.dma_semaphore, #tpu.memory_space<semaphore_mem>>) src(%dma_wait3A_1206 : memref<32x128xf32, #tpu.memory_space<vmem>>) dst(%dma_wait3A_1202 : memref<32x128xf32, #tpu.memory_space<hbm>>)
    %dma_wait3A_1207 = arith.constant 1 : i32
    %dma_wait3A_1208 = arith.constant 0 : i32
    %dma_wait3A_1209 = arith.constant 0 : i32
    %dma_wait3A_1210 = tpu.memref_slice %arg7[%dma_wait3A_1207, %dma_wait3A_1208, %dma_wait3A_1209] : memref<2x32x128xf32, #tpu.memory_space<vmem>> -> memref<1x32x128xf32, #tpu.memory_space<vmem>>
    %dma_wait3A_1211 = tpu.memref_squeeze %dma_wait3A_1210 : memref<1x32x128xf32, #tpu.memory_space<vmem>> -> memref<32x128xf32, #tpu.memory_space<vmem>>
    %dma_wait3A_1212 = arith.constant 0 : i32
    %dma_wait3A_1213 = tpu.memref_slice %arg4[%dma_wait3A_1212, %add3A_1180] : memref<32x16384xf32, #tpu.memory_space<hbm>> -> memref<32x128xf32, #tpu.memory_space<hbm>>
    %dma_wait3A_1214 = arith.constant 0 : i32
    %dma_wait3A_1215 = tpu.memref_slice %arg4[%dma_wait3A_1214, %add3A_1180] : memref<32x16384xf32, #tpu.memory_space<hbm>> -> memref<32x128xf32, #tpu.memory_space<hbm>>
    %dma_wait3A_1216 = arith.constant 0 : i32
    %dma_wait3A_1217 = arith.constant 0 : i32
    %dma_wait3A_1218 = tpu.memref_slice %arg7[%dma_wait3A_1207, %dma_wait3A_1216, %dma_wait3A_1217] : memref<2x32x128xf32, #tpu.memory_space<vmem>> -> memref<1x32x128xf32, #tpu.memory_space<vmem>>
    %dma_wait3A_1219 = tpu.memref_squeeze %dma_wait3A_1218 : memref<1x32x128xf32, #tpu.memory_space<vmem>> -> memref<32x128xf32, #tpu.memory_space<vmem>>
    tpu.wait_dma2 semaphore(%arg9 : memref<!tpu.dma_semaphore, #tpu.memory_space<semaphore_mem>>) src(%dma_wait3A_1219 : memref<32x128xf32, #tpu.memory_space<vmem>>) dst(%dma_wait3A_1215 : memref<32x128xf32, #tpu.memory_space<hbm>>)
    return
  }
}

module attributes {stable_mosaic.version = 14 : i64} {
  func.func @body(%arg0: i32, %arg1: memref<2048x28xf32, #tpu.memory_space<vmem>>, %arg2: memref<28x64xf32, #tpu.memory_space<vmem>>, %arg3: memref<1x64xf32, #tpu.memory_space<vmem>>, %arg4: memref<64x32xf32, #tpu.memory_space<vmem>>, %arg5: memref<1x32xf32, #tpu.memory_space<vmem>>, %arg6: memref<32x32xf32, #tpu.memory_space<vmem>>, %arg7: memref<1x32xf32, #tpu.memory_space<vmem>>, %arg8: memref<2048x32xf32, #tpu.memory_space<vmem>>) attributes {dimension_semantics = [#tpu.dimension_semantics<arbitrary>], iteration_bounds = array<i64: 8>, scalar_prefetch = 0 : i64, scratch_operands = 0 : i64, tpu.core_type = #tpu.core_type<tc>, window_params = [{transform_indices = @transform_0, window_bounds = array<i64: 2048, 28>}, {pipeline_mode = #tpu.pipeline_mode<synchronous>, transform_indices = @transform_1, window_bounds = array<i64: 28, 64>}, {pipeline_mode = #tpu.pipeline_mode<synchronous>, transform_indices = @transform_2, window_bounds = array<i64: 1, 64>}, {pipeline_mode = #tpu.pipeline_mode<synchronous>, transform_indices = @transform_3, window_bounds = array<i64: 64, 32>}, {pipeline_mode = #tpu.pipeline_mode<synchronous>, transform_indices = @transform_4, window_bounds = array<i64: 1, 32>}, {pipeline_mode = #tpu.pipeline_mode<synchronous>, transform_indices = @transform_5, window_bounds = array<i64: 32, 32>}, {pipeline_mode = #tpu.pipeline_mode<synchronous>, transform_indices = @transform_6, window_bounds = array<i64: 1, 32>}, {transform_indices = @transform_7, window_bounds = array<i64: 2048, 32>}]} {
    %get3A = arith.constant 0 : index
    %get3A_0 = arith.constant 0 : index
    %get3A_1 = vector.load %arg1[%get3A, %get3A_0] : memref<2048x28xf32, #tpu.memory_space<vmem>>, vector<2048x28xf32>
    %get3A_2 = arith.constant 0 : index
    %get3A_3 = arith.constant 0 : index
    %get3A_4 = vector.load %arg2[%get3A_2, %get3A_3] : memref<28x64xf32, #tpu.memory_space<vmem>>, vector<28x64xf32>
    %dot_general3A = arith.constant dense<0.000000e+00> : vector<2048x64xf32>
    %dot_general3A_5 = tpu.matmul %get3A_1, %get3A_4, %dot_general3A {dimension_numbers = #tpu.dot_dimension_numbers<[1], [0], [0], [1], [0, 0, 1, 1], [], []>, transpose_lhs_hint = false} : vector<2048x28xf32>, vector<28x64xf32>, vector<2048x64xf32> -> vector<2048x64xf32>
    %get3A_6 = arith.constant 0 : index
    %get3A_7 = arith.constant 0 : index
    %get3A_8 = vector.load %arg3[%get3A_6, %get3A_7] : memref<1x64xf32, #tpu.memory_space<vmem>>, vector<1x64xf32>
    %add3A = vector.broadcast %get3A_8 : vector<1x64xf32> to vector<2048x64xf32>
    %add3A_9 = arith.addf %dot_general3A_5, %add3A : vector<2048x64xf32>
    %max3A = arith.constant 0.000000e+00 : f32
    %max3A_10 = vector.broadcast %max3A : f32 to vector<2048x64xf32>
    %max3A_11 = arith.maximumf %add3A_9, %max3A_10 : vector<2048x64xf32>
    %get3A_12 = arith.constant 0 : index
    %get3A_13 = arith.constant 0 : index
    %get3A_14 = vector.load %arg4[%get3A_12, %get3A_13] : memref<64x32xf32, #tpu.memory_space<vmem>>, vector<64x32xf32>
    %dot_general3A_15 = arith.constant dense<0.000000e+00> : vector<2048x32xf32>
    %dot_general3A_16 = tpu.matmul %max3A_11, %get3A_14, %dot_general3A_15 {dimension_numbers = #tpu.dot_dimension_numbers<[1], [0], [0], [1], [0, 0, 1, 1], [], []>, transpose_lhs_hint = false} : vector<2048x64xf32>, vector<64x32xf32>, vector<2048x32xf32> -> vector<2048x32xf32>
    %get3A_17 = arith.constant 0 : index
    %get3A_18 = arith.constant 0 : index
    %get3A_19 = vector.load %arg5[%get3A_17, %get3A_18] : memref<1x32xf32, #tpu.memory_space<vmem>>, vector<1x32xf32>
    %add3A_20 = vector.broadcast %get3A_19 : vector<1x32xf32> to vector<2048x32xf32>
    %add3A_21 = arith.addf %dot_general3A_16, %add3A_20 : vector<2048x32xf32>
    %get3A_22 = arith.constant 0 : index
    %get3A_23 = arith.constant 0 : index
    %get3A_24 = vector.load %arg6[%get3A_22, %get3A_23] : memref<32x32xf32, #tpu.memory_space<vmem>>, vector<32x32xf32>
    %dot_general3A_25 = arith.constant dense<0.000000e+00> : vector<2048x32xf32>
    %dot_general3A_26 = tpu.matmul %add3A_21, %get3A_24, %dot_general3A_25 {dimension_numbers = #tpu.dot_dimension_numbers<[1], [0], [0], [1], [0, 0, 1, 1], [], []>, transpose_lhs_hint = false} : vector<2048x32xf32>, vector<32x32xf32>, vector<2048x32xf32> -> vector<2048x32xf32>
    %get3A_27 = arith.constant 0 : index
    %get3A_28 = arith.constant 0 : index
    %get3A_29 = vector.load %arg7[%get3A_27, %get3A_28] : memref<1x32xf32, #tpu.memory_space<vmem>>, vector<1x32xf32>
    %add3A_30 = vector.broadcast %get3A_29 : vector<1x32xf32> to vector<2048x32xf32>
    %add3A_31 = arith.addf %dot_general3A_26, %add3A_30 : vector<2048x32xf32>
    %swap3A = arith.constant 0 : index
    %swap3A_32 = arith.constant 0 : index
    %swap3A_33 = vector.load %arg8[%swap3A, %swap3A_32] : memref<2048x32xf32, #tpu.memory_space<vmem>>, vector<2048x32xf32>
    tpu.vector_store %arg8[%swap3A, %swap3A_32], %add3A_31 {strides = array<i32>} : memref<2048x32xf32, #tpu.memory_space<vmem>>, vector<2048x32xf32>,
    return
  }
  func.func @transform_0(%arg0: i32) -> (i32, i32) {
    %c0_i32 = arith.constant 0 : i32
    %c0_i32_0 = arith.constant 0 : i32
    return %arg0, %c0_i32 : i32, i32
  }
  func.func @transform_1(%arg0: i32) -> (i32, i32) {
    %c0_i32 = arith.constant 0 : i32
    %c0_i32_0 = arith.constant 0 : i32
    %c0_i32_1 = arith.constant 0 : i32
    return %c0_i32, %c0_i32_0 : i32, i32
  }
  func.func @transform_2(%arg0: i32) -> (i32, i32) {
    %c0_i32 = arith.constant 0 : i32
    %c0_i32_0 = arith.constant 0 : i32
    %c0_i32_1 = arith.constant 0 : i32
    return %c0_i32, %c0_i32_0 : i32, i32
  }
  func.func @transform_3(%arg0: i32) -> (i32, i32) {
    %c0_i32 = arith.constant 0 : i32
    %c0_i32_0 = arith.constant 0 : i32
    %c0_i32_1 = arith.constant 0 : i32
    return %c0_i32, %c0_i32_0 : i32, i32
  }
  func.func @transform_4(%arg0: i32) -> (i32, i32) {
    %c0_i32 = arith.constant 0 : i32
    %c0_i32_0 = arith.constant 0 : i32
    %c0_i32_1 = arith.constant 0 : i32
    return %c0_i32, %c0_i32_0 : i32, i32
  }
  func.func @transform_5(%arg0: i32) -> (i32, i32) {
    %c0_i32 = arith.constant 0 : i32
    %c0_i32_0 = arith.constant 0 : i32
    %c0_i32_1 = arith.constant 0 : i32
    return %c0_i32, %c0_i32_0 : i32, i32
  }
  func.func @transform_6(%arg0: i32) -> (i32, i32) {
    %c0_i32 = arith.constant 0 : i32
    %c0_i32_0 = arith.constant 0 : i32
    %c0_i32_1 = arith.constant 0 : i32
    return %c0_i32, %c0_i32_0 : i32, i32
  }
  func.func @transform_7(%arg0: i32) -> (i32, i32) {
    %c0_i32 = arith.constant 0 : i32
    %c0_i32_0 = arith.constant 0 : i32
    return %arg0, %c0_i32 : i32, i32
  }
}

module attributes {stable_mosaic.version = 14 : i64} {
  func.func @body(%arg0: i32, %arg1: memref<32x2048xf32, #tpu.memory_space<vmem>>, %arg2: memref<2048x32xf32, #tpu.memory_space<vmem>>, %arg3: memref<32x32xf32, #tpu.memory_space<vmem>>, %arg4: memref<32x32xf32, #tpu.memory_space<vmem>>, %arg5: memref<32x1xf32, #tpu.memory_space<vmem>>, %arg6: memref<32x2048xf32, #tpu.memory_space<vmem>>) attributes {dimension_semantics = [#tpu.dimension_semantics<arbitrary>], iteration_bounds = array<i64: 8>, scalar_prefetch = 0 : i64, scratch_operands = 0 : i64, tpu.core_type = #tpu.core_type<tc>, window_params = [{transform_indices = @transform_0, window_bounds = array<i64: 32, 2048>}, {transform_indices = @transform_1, window_bounds = array<i64: 2048, 32>}, {pipeline_mode = #tpu.pipeline_mode<synchronous>, transform_indices = @transform_2, window_bounds = array<i64: 32, 32>}, {pipeline_mode = #tpu.pipeline_mode<synchronous>, transform_indices = @transform_3, window_bounds = array<i64: 32, 32>}, {pipeline_mode = #tpu.pipeline_mode<synchronous>, transform_indices = @transform_4, window_bounds = array<i64: 32, 1>}, {transform_indices = @transform_5, window_bounds = array<i64: 32, 2048>}]} {
    %get3A = arith.constant 0 : index
    %get3A_0 = arith.constant 0 : index
    %get3A_1 = vector.load %arg1[%get3A, %get3A_0] : memref<32x2048xf32, #tpu.memory_space<vmem>>, vector<32x2048xf32>
    %get3A_2 = arith.constant 0 : index
    %get3A_3 = arith.constant 0 : index
    %get3A_4 = vector.load %arg3[%get3A_2, %get3A_3] : memref<32x32xf32, #tpu.memory_space<vmem>>, vector<32x32xf32>
    %dot_general3A = arith.constant dense<0.000000e+00> : vector<2048x32xf32>
    %dot_general3A_5 = tpu.matmul %get3A_1, %get3A_4, %dot_general3A {dimension_numbers = #tpu.dot_dimension_numbers<[0], [0], [1], [1], [0, 1, 1, 1], [], []>, transpose_lhs_hint = false} : vector<32x2048xf32>, vector<32x32xf32>, vector<2048x32xf32> -> vector<2048x32xf32>
    %get3A_6 = arith.constant 0 : index
    %get3A_7 = arith.constant 0 : index
    %get3A_8 = vector.load %arg2[%get3A_6, %get3A_7] : memref<2048x32xf32, #tpu.memory_space<vmem>>, vector<2048x32xf32>
    %add3A = arith.addf %dot_general3A_5, %get3A_8 : vector<2048x32xf32>
    %max3A = arith.constant 0.000000e+00 : f32
    %max3A_9 = vector.broadcast %max3A : f32 to vector<2048x32xf32>
    %max3A_10 = arith.maximumf %add3A, %max3A_9 : vector<2048x32xf32>
    %get3A_11 = arith.constant 0 : index
    %get3A_12 = arith.constant 0 : index
    %get3A_13 = vector.load %arg4[%get3A_11, %get3A_12] : memref<32x32xf32, #tpu.memory_space<vmem>>, vector<32x32xf32>
    %dot_general3A_14 = arith.constant dense<0.000000e+00> : vector<32x2048xf32>
    %dot_general3A_15 = tpu.matmul %get3A_13, %max3A_10, %dot_general3A_14 {dimension_numbers = #tpu.dot_dimension_numbers<[0], [1], [1], [0], [0, 1, 1, 0], [], []>, transpose_lhs_hint = false} : vector<32x32xf32>, vector<2048x32xf32>, vector<32x2048xf32> -> vector<32x2048xf32>
    %get3A_16 = arith.constant 0 : index
    %get3A_17 = arith.constant 0 : index
    %get3A_18 = vector.load %arg5[%get3A_16, %get3A_17] : memref<32x1xf32, #tpu.memory_space<vmem>>, vector<32x1xf32>
    %add3A_19 = vector.broadcast %get3A_18 : vector<32x1xf32> to vector<32x2048xf32>
    %add3A_20 = arith.addf %dot_general3A_15, %add3A_19 : vector<32x2048xf32>
    %swap3A = arith.constant 0 : index
    %swap3A_21 = arith.constant 0 : index
    %swap3A_22 = vector.load %arg6[%swap3A, %swap3A_21] : memref<32x2048xf32, #tpu.memory_space<vmem>>, vector<32x2048xf32>
    tpu.vector_store %arg6[%swap3A, %swap3A_21], %add3A_20 {strides = array<i32>} : memref<32x2048xf32, #tpu.memory_space<vmem>>, vector<32x2048xf32>,
    return
  }
  func.func @transform_0(%arg0: i32) -> (i32, i32) {
    %c0_i32 = arith.constant 0 : i32
    %c0_i32_0 = arith.constant 0 : i32
    return %c0_i32, %arg0 : i32, i32
  }
  func.func @transform_1(%arg0: i32) -> (i32, i32) {
    %c0_i32 = arith.constant 0 : i32
    %c0_i32_0 = arith.constant 0 : i32
    return %arg0, %c0_i32 : i32, i32
  }
  func.func @transform_2(%arg0: i32) -> (i32, i32) {
    %c0_i32 = arith.constant 0 : i32
    %c0_i32_0 = arith.constant 0 : i32
    %c0_i32_1 = arith.constant 0 : i32
    return %c0_i32, %c0_i32_0 : i32, i32
  }
  func.func @transform_3(%arg0: i32) -> (i32, i32) {
    %c0_i32 = arith.constant 0 : i32
    %c0_i32_0 = arith.constant 0 : i32
    %c0_i32_1 = arith.constant 0 : i32
    return %c0_i32, %c0_i32_0 : i32, i32
  }
  func.func @transform_4(%arg0: i32) -> (i32, i32) {
    %c0_i32 = arith.constant 0 : i32
    %c0_i32_0 = arith.constant 0 : i32
    %c0_i32_1 = arith.constant 0 : i32
    return %c0_i32, %c0_i32_0 : i32, i32
  }
  func.func @transform_5(%arg0: i32) -> (i32, i32) {
    %c0_i32 = arith.constant 0 : i32
    %c0_i32_0 = arith.constant 0 : i32
    return %c0_i32, %arg0 : i32, i32
  }
}

</mosaic_0001>

<sc_bundles>
// kernel: kernel.5.cloned.1.call-start
scs
__scs_entry_jumppad:
0x0: {  	(pc) =	sbr.rel $0x88, $3  }
0x1: {  	(tag) =	ssettag $0x0;
	lr =	simm.s32 $0x1  }
0x2: {  	[smem:$0x3F96] =	sst lr;
	_ =	strace $0xD0000000  }
0x3: {  	_ = 	snop  }
0x4: {  	_ = 	snop  }
0x5: {  	_ = 	snop  }
0x6: {  	_ = 	snop  }
0x7: {  	_ = 	snop  }
__scs_overlays_trampoline_lowered:
0x8: {  	[smem:$0x3FA5] =	sst s0  }
0x9: {  	[smem:$0x3FA6] =	sst s1  }
0xa: {  	[smem:$0x3FA7] =	sst s2  }
0xb: {  	[smem:$0x3FA8] =	sst s3  }
0xc: {  	[smem:$0x3FA9] =	sst s4  }
0xd: {  	[smem:$0x3FAA] =	sst s5  }
0xe: {  	[smem:$0x3FAB] =	sst s6  }
0xf: {  	[smem:$0x3FAC] =	sst s7  }
0x10: {  	[smem:$0x3FAD] =	sst s8  }
0x11: {  	[smem:$0x3FAE] =	sst s9;
	s0 =	simm.s32 @!p0 $0x0  }
0x12: {  	s1 =	sld [smem:$0x3F94];
	s0 =	simm.s32 @p0 $0x1  }
0x13: {  	[smem:$0x3FAF] =	sst s0;
	s0 =	simm.s32 @!p1 $0x0  }
0x14: {  	s2 =	sld [smem:$0x3F93];
	s0 =	simm.s32 @p1 $0x1  }
0x15: {  	[smem:$0x3FB0] =	sst s0;
	s0 =	simm.s32 @!p2 $0x0  }
0x16: {  	s3 =	sld [smem:$0x3FDB];
	s0 =	simm.s32 @p2 $0x1  }
0x17: {  	s4 =	simm.s32 $0x1BF5;
	[smem:$0x3FB2] =	sst s0  }
0x18: {  	s0 =	sld [smem:$0x3F95];
	_ =	swait.ge [sflag:s4], $0x0  }
0x19: {  	s7 =	sld [smem:$0x3F96]  }
0x1a: {  	s8 =	sadd.s32 $0xFFFFE003, lr  }
0x1b: {  	s9 =	sadd.s32 $0xFFFFFEF7, lr;
	s5 =	simm.s32 $0xFFFFFFFF;
	p2 =	slt.u32 s8, $0xFFFFF086  }
0x1c: {  	p1 =	slt.u32 s9, $0xF7A;
	s5 =	simm.s32 @!p2 $0x0  }
0x1d: {  	s5 =	simm.s32 @p1 $0x1;
	p0 =	seq.s32 s7, s2  }
0x1e: {  	s7 =	smul.u32 @!p0 $0xF7A, s2;
	p2 =	seq.s32 @!p0 s5, $0x0  }
0x1f: {  	s9 =	smul.u32 $0xF7A, s1;
	s8 =	simm.s32 @!p0 $0x1BF5;
	p2 =	por !p2, p0  }
0x20: {  	[sflag:s8] =	ssyncset.s32 @!p0 $0xFFFFF086;
	s6 =	sadd.s32 @!p0 s3, s7;
	s7 =	simm.s32 @!p0 $0x108  }
0x21: {  	s3 =	sadd.s32 s3, s9;
	s6 =	sadd.s32 @!p0 $0x88, s6;
	s7 =	simm.s32 @p2 $0x1082  }
0x22: {  	[simem:s7], [sflag:s8] =	dma.local @!p0 [hbm:s6], $0xF7A  }
0x23: {  	s9 =	sor.u32 $0xD0000000, s2;
	s6 =	simm.s32 $0x108;
	_ =	swait.ge @!p0 [sflag:s8], $0x0  }
0x24: {  	s3 =	sadd.s32 $0x88, s3;
	s6 =	simm.s32 @!p1 $0x1082;
	[sflag:s4] =	ssyncset.s32 $0xFFFFF086  }
0x25: {  	[simem:s6], [sflag:s4] =	dma.local [hbm:s3], $0xF7A  }
0x26: {  	[smem:$0x3F96] =	sst s1;
	(tag) =	ssettag s2;
	_ =	strace s9  }
0x27: {  	s1 =	sld [smem:$0x3FA6]  }
0x28: {  	s2 =	sld [smem:$0x3FA7]  }
0x29: {  	s4 =	sld [smem:$0x3FA9]  }
0x2a: {  	p0 =	seq.s32 s5, $0x0;
	s5 =	sld [smem:$0x3FAA]  }
0x2b: {  	s6 =	sld [smem:$0x3FAB]  }
0x2c: {  	s7 =	sld [smem:$0x3FAC]  }
0x2d: {  	s3 =	simm.s32 $0x108;
	s8 =	sld [smem:$0x3FAD]  }
0x2e: {  	s3 =	simm.s32 @!p0 $0x1082;
	s9 =	sld [smem:$0x3FAE]  }
0x2f: {  	lr =	sadd.s32 s0, s3;
	s0 =	sld [smem:$0x3FA5]  }
0x30: {  	s3 =	sld [smem:$0x3FA8]  }
0x31: {  	[smem:$0x3FB1] =	sst s10  }
0x32: {  	s10 =	sld [smem:$0x3FAF];
	_ =	sdelay $0x3  }
0x33: {  	p0 =	seq.s32 s10, $0x1;
	s10 =	sld [smem:$0x3FB1];
	_ =	sdelay $0x3  }
0x34: {  	[smem:$0x3FB1] =	sst s10  }
0x35: {  	s10 =	sld [smem:$0x3FB0];
	_ =	sdelay $0x3  }
0x36: {  	p1 =	seq.s32 s10, $0x1;
	s10 =	sld [smem:$0x3FB1];
	_ =	sdelay $0x3  }
0x37: {  	[smem:$0x3FB1] =	sst s10  }
0x38: {  	s10 =	sld [smem:$0x3FB2]  }
0x39: {  	_ = 	snop;
	(pc) =	sbr.ind lr, $3  }
0x3a: {  	_ = 	snop  }
0x3b: {  	_ = 	snop  }
0x3c: {  	p2 =	seq.s32 s10, $0x1;
	s10 =	sld [smem:$0x3FB1]  }
0x3d: {  	_ =	shalt  }
0x3e: {  	_ =	shalt  }
0x3f: {  	_ =	shalt  }
0x40: {  	_ =	shalt  }
0x41: {  	_ =	shalt  }
0x42: {  	_ =	shalt  }
0x43: {  	_ =	shalt  }
0x44: {  	_ =	shalt  }
0x45: {  	_ =	shalt  }
0x46: {  	_ =	shalt  }
0x47: {  	_ =	shalt  }
0x48: {  	_ =	shalt  }
0x49: {  	_ =	shalt  }
0x4a: {  	_ =	shalt  }
0x4b: {  	_ =	shalt  }
0x4c: {  	_ =	shalt  }
0x4d: {  	_ =	shalt  }
0x4e: {  	_ =	shalt  }
0x4f: {  	_ =	shalt  }
0x50: {  	_ =	shalt  }
0x51: {  	_ =	shalt  }
0x52: {  	_ =	shalt  }
0x53: {  	_ =	shalt  }
0x54: {  	_ =	shalt  }
0x55: {  	_ =	shalt  }
0x56: {  	_ =	shalt  }
0x57: {  	_ =	shalt  }
0x58: {  	_ =	shalt  }
0x59: {  	_ =	shalt  }
0x5a: {  	_ =	shalt  }
0x5b: {  	_ =	shalt  }
0x5c: {  	_ =	shalt  }
0x5d: {  	_ =	shalt  }
0x5e: {  	_ =	shalt  }
0x5f: {  	_ =	shalt  }
0x60: {  	_ =	shalt  }
0x61: {  	_ =	shalt  }
0x62: {  	_ =	shalt  }
0x63: {  	_ =	shalt  }
0x64: {  	_ =	shalt  }
0x65: {  	_ =	shalt  }
0x66: {  	_ =	shalt  }
0x67: {  	_ =	shalt  }
0x68: {  	_ =	shalt  }
0x69: {  	_ =	shalt  }
0x6a: {  	_ =	shalt  }
0x6b: {  	_ =	shalt  }
0x6c: {  	_ =	shalt  }
0x6d: {  	_ =	shalt  }
0x6e: {  	_ =	shalt  }
0x6f: {  	_ =	shalt  }
0x70: {  	_ =	shalt  }
0x71: {  	_ =	shalt  }
0x72: {  	_ =	shalt  }
0x73: {  	_ =	shalt  }
0x74: {  	_ =	shalt  }
0x75: {  	_ =	shalt  }
0x76: {  	_ =	shalt  }
0x77: {  	_ =	shalt  }
0x78: {  	_ =	shalt  }
0x79: {  	_ =	shalt  }
0x7a: {  	_ =	shalt  }
0x7b: {  	_ =	shalt  }
0x7c: {  	_ =	shalt  }
0x7d: {  	_ =	shalt  }
0x7e: {  	_ =	shalt  }
0x7f: {  	_ =	shalt  }
0x80: {  	_ =	shalt  }
0x81: {  	_ =	shalt  }
0x82: {  	_ =	shalt  }
0x83: {  	_ =	shalt  }
0x84: {  	_ =	shalt  }
0x85: {  	_ =	shalt  }
0x86: {  	_ =	shalt  }
0x87: {  	_ =	shalt  }
.Lfunc_end0:
.L_simem_size_0:
called_computation_lowered:
.L_overlay_start_0:
0x88: {  	s2 =	sld [smem:$0x3FD9]  }
0x89: {  	s3 =	sld [smem:$0x3FFE];
	_ =	sdelay $0x1  }
0x8a: {  	s1 =	srdreg.scid  }
0x8b: {  	s0 =	sand.u32 $0x1, s1  }
0x8c: {  	s17 =	sshll.u32 s0, $0xA;
	s2 =	sadd.s32 s3, s2  }
0x8d: {  	s2 =	sadd.s32 s2, s17  }
0x8e: {  	[smem:$0x3FBD] =	sst s2  }
0x8f: {  	_ = 	snop  }
0x90: {  	s2 =	sld [smem:$0x3FD0];
	(tm) =	ssettm $0x1  }
0x91: {  	s18 =	sld [smem:$0x3FFB];
	_ =	sdelay $0x3  }
0x92: {  	_ =	strace s18  }
0x93: {  	s3 =	sld [smem:$0x3FFC];
	_ =	sdelay $0x3  }
0x94: {  	_ =	strace s3  }
0x95: {  	s3 =	sld [smem:$0x3FFD];
	_ =	sdelay $0x3  }
0x96: {  	_ =	strace s3  }
0x97: {  	_ =	strace $0x8FFFFFFF  }
0x98: {  	s19 =	sld [smem:$0x3FDB];
	_ =	sdelay $0x1  }
0x99: {  	s4 =	simm.s32 $_scs_section_size  }
0x9a: {  	s5 =	simm.s32 $_size__tile_overlayer_lowered;
	s6 =	simm.s32 $_tile_overlayer_lowered  }
0x9b: {  	s22 =	simm.s32 $0x1BFF;
	s21 =	sshll.u32 s6, $0x1;
	s3 =	sadd.s32 s4, s19  }
0x9c: {  	s7 =	simm.s32 $0x0;
	s20 =	sshll.u32 s5, $0x1;
	s5 =	sadd.s32 s21, s3  }
0x9d: {  	[timem:s7], [sflag:s22] =	dma.local [hbm:s5], s20  }
0x9e: {  	_ =	swait.ge [sflag:s22], s20  }
0x9f: {  	s4 =	ssub.s32 $0x0, s20;
	[sflag:s22] =	ssyncset.done $0x0  }
0xa0: {  	[sflag:s22] =	ssyncadd.s32 s4;
	_ =	sdelay $0x1  }
0xa1: {  	s23 =	simm.s32 $0x1B8B  }
0xa2: {  	_ =	swait.ge [sflag:s23], $0x1  }
0xa3: {  	[sflag:s23] =	ssyncset.done $0x0  }
0xa4: {  	s25 =	simm.s32 $0x1B8E;
	s24 =	sld [smem:$0x3FFE];
	[sflag:s23] =	ssyncadd.s32 $0xFFFFFFFF  }
0xa5: {  	s26 =	simm.s32 $execute0_lowered;
	[smem:$0x3FD2] =	sst s25  }
0xa6: {  	s5 =	sshll.u32 s26, $0x1;
	_ =	strace $0x80000046;
	[dreg:$0x1] =	wrdreg $0xFFFFFFFF  }
0xa7: {  	s28 =	simm.s32 $_size_execute0_lowered;
	s3 =	sadd.s32 s3, s5;
	[dreg:$0x0] =	wrdreg $0x0  }
0xa8: {  	s5 =	sshll.u32 s28, $0x1;
	[dreg:$0x2] =	wrdreg s3  }
0xa9: {  	[dreg:$0x3] =	wrdreg s5  }
0xaa: {  	[dreg:$0x4] =	wrdreg $0xC0  }
0xab: {  	_ =	task [dreg:s7], $0x5FFFF  }
0xac: {  	[dreg:$0x1] =	wrdreg $0xFFFFFFFF  }
0xad: {  	[dreg:$0x0] =	wrdreg $0x60  }
0xae: {  	[dreg:$0x2] =	wrdreg s24  }
0xaf: {  	[dreg:$0x3] =	wrdreg s2  }
0xb0: {  	[dreg:$0x4] =	wrdreg $0x9  }
0xb1: {  	_ =	task.clear_ibuf [dreg:s7], $0x5FFFF;
	_ =	strace $0x90000046  }
0xb2: {  	s29 =	simm.s32 $0x9;
	_ =	strace $0x80000048  }
0xb3: {  	_ =	swait.ge [sflag:s29], $0x1  }
0xb4: {  	[sflag:s29] =	ssyncadd.s32 $0xFFFFFFFF  }
0xb5: {  	_ =	strace $0x90000048  }
0xb6: {  	_ =	sfence  }
0xb7: {  	s30 =	sld [smem:$0x0];
	_ =	sdelay $0x2  }
0xb8: {  	s31 =	sshll.u32 s1, $0xD;
	s1 =	sshrl.u32 s1, $0x2  }
0xb9: {  	s3 =	sand.u32 $0x4000, s31;
	s1 =	sadd.s32 s1, s30  }
0xba: {  	s0 =	sor.u32 s3, s0;
	s1 =	sshll.u32 s1, $0x11  }
0xbb: {  	s0 =	sor.u32 s1, s0  }
0xbc: {  	s0 =	sadd.s32 $0x8F2B, s0  }
0xbd: {  	[sflag:s0] =	ssyncadd.remote.s32 $0x1  }
0xbe: {  	_ =	sfence.sel $0xFFFF  }
0xbf: {  	[dreg:$0x0] =	wrdreg $0xFFFFFFFF;
	(pc) =	sbr.abs _section_cstart, $3  }
0xc0: {  	[dreg:$0x1] =	wrdreg $0xFFFFFFFF  }
0xc1: {  	_ =	task.clear_ibuf [dreg:s7], $0x2FFFF;
	_ =	strace $0x9FFFFFFF  }
0xc2: {  	(tm) =	ssettm $0x7FFFFFFF  }
0xc3: {  	_ =	shalt  }
tec
execute0_lowered:
.L_overlay_start_1:
0x0: {  	(tag) =	ssettag $0x1  }
0x1: {  	s0 =	rddreg [dreg:$0x0]  }
0x2: {  	s1 =	rddreg [dreg:$0x1]  }
0x3: {  	s2 =	simm.s32 $0x0;
	s22 =	srdreg.scid;
	s3 =	stileid.u32  }
0x4: {  	s13 =	simm.s32 $0x80;
	s14 =	simm.s32 $0x4000;
	s19 =	simm.s32 $0x600  }
0x5: {  	s30 =	simm.s32 $0x11C00;
	s31 =	simm.s32 $0x900;
	s15 =	simm.s32 $0x13C00  }
0x6: {  	s16 =	simm.s32 $0xA00;
	s17 =	simm.s32 $0x14C00;
	s18 =	simm.s32 $0xA80  }
0x7: {  	s20 =	simm.s32 $0x15C00;
	s21 =	simm.s32 $0xB00;
	[smem:$0x7FF] =	sst s2  }
0x8: {  	s4 =	sadd.s32 $0x1800, s0;
	s2 =	sand.u32 $0x1, s22;
	s6 =	sshll.u32 s3, $0x7  }
0x9: {  	s3 =	sadd.s32 $0x18E200, s0;
	s22 =	simm.s32 $0x16C00;
	s5 =	ssub.s32 $0x2, s2  }
0xa: {  	_ =	strace $0x80000047;
	s2 =	sshll.u32 s2, $0x6;
	s23 =	sshrl.u32 s5, $0x1  }
0xb: {  	s2 =	sor.u32 s2, s6;
	s6 =	simm.s32 $0x0;
	s0 =	ssub.s32 s5, s23  }
0xc: {  	s24 =	sadd.s32 s4, s2;
	s25 =	sor.u32 $0x10, s2;
	s28 =	sadd.s32 s1, s2  }
0xd: {  	s29 =	sor.u32 $0x20, s2;
	s2 =	sor.u32 $0x30, s2;
	s23 =	simm.s32 $0xB80  }
0xe: {  	s5 =	simm.s32 $0x19C00;
	[dreg:$0x3] =	wrdreg s24;
	s26 =	sadd.s32 s4, s25  }
0xf: {  	[dreg:$0x5] =	wrdreg s28;
	s7 =	sadd.s32 s4, s29;
	s8 =	sadd.s32 s1, s25  }
0x10: {  	v0 =	vlaneseq.u32;
	s9 =	sadd.s32 s4, s2;
	s10 =	sadd.s32 s1, s29;
	s11 =	sadd.s32 s1, s2  }
0x11: {  	v0 =	vmul.u32 $0x80, v0;
	s12 =	smax.u32 s0, $0x1;
	s0 =	simm.s32 $0x12C00;
	s2 =	simm.s32 $0x980  }
0x12: {  	s4 =	simm.s32 $0x17C00;
	s24 =	simm.s32 $0x1;
	[dreg:$0x4] =	wrdreg s26  }
0x13: {  	v1 =	vor.u32 $0x800, v0;
	s25 =	simm.s32 $0x18C00;
	[dreg:$0x6] =	wrdreg s7;
	s26 =	simm.s32 $0x2  }
.LBB2_1:
0x14: {  	s1 =	simm.s32 $0x0;
	s7 =	rddreg [dreg:$0x3];
	s28 =	simm.s32 $0x3  }
0x15: {  	[tilespmem:s1], [sflag:$0x3] =	stream.strided.gather [hbm4b:s7+s13], $0x600, s14, s13, $0x38;
	[tilespmem:$0x1AC00] =	vst v63  }
0x16: {  	_ =	swait.ge [sflag:s28], $0x600  }
0x17: {  	[sflag:s28] =	ssyncset.done $0x0  }
0x18: {  	s7 =	simm.s32 $0xC00;
	[sflag:s28] =	ssyncadd.s32 $0xFFFFFA00  }
0x19: {  	[tilespmem:s7], [sflag:$0x1] =	stream.indirect.gather [hbm4b:s3+s13], $0x20, s1, s13, $0xb8;
	[tilespmem:$0x1AC00] =	vst v63  }
0x1a: {  	s7 =	simm.s32 $0x1C00  }
0x1b: {  	[tilespmem:s7], [sflag:$0x1] =	stream.indirect.gather [hbm4b:s3+s13], $0x20, s13, s13, $0xb8;
	[tilespmem:$0x1AC00] =	vst v63  }
0x1c: {  	s1 =	simm.s32 $0x100;
	s7 =	simm.s32 $0x2C00  }
0x1d: {  	[tilespmem:s7], [sflag:$0x1] =	stream.indirect.gather [hbm4b:s3+s13], $0x20, s1, s13, $0xb8;
	[tilespmem:$0x1AC00] =	vst v63  }
0x1e: {  	s1 =	simm.s32 $0x180;
	s7 =	simm.s32 $0x3C00  }
0x1f: {  	[tilespmem:s7], [sflag:$0x1] =	stream.indirect.gather [hbm4b:s3+s13], $0x20, s1, s13, $0xb8;
	[tilespmem:$0x1AC00] =	vst v63  }
0x20: {  	s1 =	simm.s32 $0x200;
	s7 =	simm.s32 $0x4C00  }
0x21: {  	[tilespmem:s7], [sflag:$0x1] =	stream.indirect.gather [hbm4b:s3+s13], $0x20, s1, s13, $0xb8;
	[tilespmem:$0x1AC00] =	vst v63  }
0x22: {  	s1 =	simm.s32 $0x280;
	s7 =	simm.s32 $0x5C00  }
0x23: {  	[tilespmem:s7], [sflag:$0x1] =	stream.indirect.gather [hbm4b:s3+s13], $0x20, s1, s13, $0xb8;
	[tilespmem:$0x1AC00] =	vst v63  }
0x24: {  	s1 =	simm.s32 $0x300;
	s7 =	simm.s32 $0x6C00  }
0x25: {  	[tilespmem:s7], [sflag:$0x1] =	stream.indirect.gather [hbm4b:s3+s13], $0x20, s1, s13, $0xb8;
	[tilespmem:$0x1AC00] =	vst v63  }
0x26: {  	s1 =	simm.s32 $0x380;
	s7 =	simm.s32 $0x7C00  }
0x27: {  	[tilespmem:s7], [sflag:$0x1] =	stream.indirect.gather [hbm4b:s3+s13], $0x20, s1, s13, $0xb8;
	[tilespmem:$0x1AC00] =	vst v63  }
0x28: {  	s1 =	simm.s32 $0x400;
	s7 =	simm.s32 $0x8C00  }
0x29: {  	[tilespmem:s7], [sflag:$0x1] =	stream.indirect.gather [hbm4b:s3+s13], $0x20, s1, s13, $0xb8;
	[tilespmem:$0x1AC00] =	vst v63  }
0x2a: {  	s1 =	simm.s32 $0x480;
	s7 =	simm.s32 $0x9C00  }
0x2b: {  	[tilespmem:s7], [sflag:$0x1] =	stream.indirect.gather [hbm4b:s3+s13], $0x20, s1, s13, $0xb8;
	[tilespmem:$0x1AC00] =	vst v63  }
0x2c: {  	s1 =	simm.s32 $0x500;
	s7 =	simm.s32 $0xAC00  }
0x2d: {  	[tilespmem:s7], [sflag:$0x1] =	stream.indirect.gather [hbm4b:s3+s13], $0x20, s1, s13, $0xb8;
	[tilespmem:$0x1AC00] =	vst v63  }
0x2e: {  	s1 =	simm.s32 $0x580;
	s7 =	simm.s32 $0xBC00  }
0x2f: {  	[tilespmem:s7], [sflag:$0x1] =	stream.indirect.gather [hbm4b:s3+s13], $0x20, s1, s13, $0xb8;
	[tilespmem:$0x1AC00] =	vst v63  }
0x30: {  	s7 =	rddreg [dreg:$0x4]  }
0x31: {  	[tilespmem:s19], [sflag:$0x3] =	stream.strided.gather [hbm4b:s7+s13], $0x600, s14, s13, $0x38;
	[tilespmem:$0x1AC00] =	vst v63  }
0x32: {  	_ =	swait.ge [sflag:s28], $0x600  }
0x33: {  	[sflag:s28] =	ssyncset.done $0x0  }
0x34: {  	s7 =	simm.s32 $0xCC00;
	[sflag:s28] =	ssyncadd.s32 $0xFFFFFA00  }
0x35: {  	[tilespmem:s7], [sflag:$0x1] =	stream.indirect.gather [hbm4b:s3+s13], $0x20, s19, s13, $0xb8;
	[tilespmem:$0x1AC00] =	vst v63  }
0x36: {  	s1 =	simm.s32 $0x680;
	s7 =	simm.s32 $0xDC00  }
0x37: {  	[tilespmem:s7], [sflag:$0x1] =	stream.indirect.gather [hbm4b:s3+s13], $0x20, s1, s13, $0xb8;
	[tilespmem:$0x1AC00] =	vst v63  }
0x38: {  	s1 =	simm.s32 $0x700;
	s7 =	simm.s32 $0xEC00  }
0x39: {  	[tilespmem:s7], [sflag:$0x1] =	stream.indirect.gather [hbm4b:s3+s13], $0x20, s1, s13, $0xb8;
	[tilespmem:$0x1AC00] =	vst v63  }
0x3a: {  	s1 =	simm.s32 $0x780;
	s7 =	simm.s32 $0xFC00  }
0x3b: {  	[tilespmem:s7], [sflag:$0x1] =	stream.indirect.gather [hbm4b:s3+s13], $0x20, s1, s13, $0xb8;
	[tilespmem:$0x1AC00] =	vst v63  }
0x3c: {  	s1 =	simm.s32 $0x800;
	s7 =	simm.s32 $0x10C00  }
0x3d: {  	[tilespmem:s7], [sflag:$0x1] =	stream.indirect.gather [hbm4b:s3+s13], $0x20, s1, s13, $0xb8;
	[tilespmem:$0x1AC00] =	vst v63  }
0x3e: {  	s7 =	simm.s32 $0x880  }
0x3f: {  	[tilespmem:s30], [sflag:$0x1] =	stream.indirect.gather [hbm4b:s3+s13], $0x20, s7, s13, $0xb8;
	[tilespmem:$0x1AC00] =	vst v63  }
0x40: {  	_ = 	snop  }
0x41: {  	[tilespmem:s0], [sflag:$0x1] =	stream.indirect.gather [hbm4b:s3+s13], $0x20, s31, s13, $0xb8;
	[tilespmem:$0x1AC00] =	vst v63  }
0x42: {  	_ = 	snop  }
0x43: {  	[tilespmem:s15], [sflag:$0x1] =	stream.indirect.gather [hbm4b:s3+s13], $0x20, s2, s13, $0xb8;
	[tilespmem:$0x1AC00] =	vst v63  }
0x44: {  	_ = 	snop  }
0x45: {  	[tilespmem:s17], [sflag:$0x1] =	stream.indirect.gather [hbm4b:s3+s13], $0x20, s16, s13, $0xb8;
	[tilespmem:$0x1AC00] =	vst v63  }
0x46: {  	_ = 	snop  }
0x47: {  	[tilespmem:s20], [sflag:$0x1] =	stream.indirect.gather [hbm4b:s3+s13], $0x20, s18, s13, $0xb8;
	[tilespmem:$0x1AC00] =	vst v63  }
0x48: {  	_ = 	snop  }
0x49: {  	[tilespmem:s22], [sflag:$0x1] =	stream.indirect.gather [hbm4b:s3+s13], $0x20, s21, s13, $0xb8;
	[tilespmem:$0x1AC00] =	vst v63  }
0x4a: {  	_ = 	snop  }
0x4b: {  	[tilespmem:s4], [sflag:$0x1] =	stream.indirect.gather [hbm4b:s3+s13], $0x20, s23, s13, $0xb8;
	[tilespmem:$0x1AC00] =	vst v63  }
0x4c: {  	_ =	swait.ge [sflag:s24], $0x1000  }
0x4d: {  	[sflag:s24] =	ssyncset.done $0x0  }
0x4e: {  	[sflag:s24] =	ssyncadd.s32 $0xFFFFF000  }
0x4f: {  	_ =	swait.ge [sflag:s24], $0x1000  }
0x50: {  	[sflag:s24] =	ssyncset.done $0x0  }
0x51: {  	[sflag:s24] =	ssyncadd.s32 $0xFFFFF000  }
0x52: {  	_ =	swait.ge [sflag:s24], $0x1000  }
0x53: {  	[sflag:s24] =	ssyncset.done $0x0  }
0x54: {  	[sflag:s24] =	ssyncadd.s32 $0xFFFFF000  }
0x55: {  	_ =	swait.ge [sflag:s24], $0x1000  }
0x56: {  	[sflag:s24] =	ssyncset.done $0x0  }
0x57: {  	[sflag:s24] =	ssyncadd.s32 $0xFFFFF000  }
0x58: {  	_ =	swait.ge [sflag:s24], $0x1000  }
0x59: {  	[sflag:s24] =	ssyncset.done $0x0  }
0x5a: {  	[sflag:s24] =	ssyncadd.s32 $0xFFFFF000  }
0x5b: {  	_ =	swait.ge [sflag:s24], $0x1000  }
0x5c: {  	[sflag:s24] =	ssyncset.done $0x0  }
0x5d: {  	[sflag:s24] =	ssyncadd.s32 $0xFFFFF000  }
0x5e: {  	_ =	swait.ge [sflag:s24], $0x1000  }
0x5f: {  	[sflag:s24] =	ssyncset.done $0x0  }
0x60: {  	[sflag:s24] =	ssyncadd.s32 $0xFFFFF000  }
0x61: {  	_ =	swait.ge [sflag:s24], $0x1000  }
0x62: {  	[sflag:s24] =	ssyncset.done $0x0  }
0x63: {  	[sflag:s24] =	ssyncadd.s32 $0xFFFFF000  }
0x64: {  	_ =	swait.ge [sflag:s24], $0x1000  }
0x65: {  	[sflag:s24] =	ssyncset.done $0x0  }
0x66: {  	[sflag:s24] =	ssyncadd.s32 $0xFFFFF000  }
0x67: {  	_ =	swait.ge [sflag:s24], $0x1000  }
0x68: {  	[sflag:s24] =	ssyncset.done $0x0  }
0x69: {  	[sflag:s24] =	ssyncadd.s32 $0xFFFFF000  }
0x6a: {  	_ =	swait.ge [sflag:s24], $0x1000  }
0x6b: {  	[sflag:s24] =	ssyncset.done $0x0  }
0x6c: {  	[sflag:s24] =	ssyncadd.s32 $0xFFFFF000  }
0x6d: {  	_ =	swait.ge [sflag:s24], $0x1000  }
0x6e: {  	[sflag:s24] =	ssyncset.done $0x0  }
0x6f: {  	s29 =	simm.s32 $0x0;
	[sflag:s24] =	ssyncadd.s32 $0xFFFFF000  }
0x70: {  	v2 =	vld [tilespmem:s29+$0x1C10]  }
0x71: {  	v3 =	vld [tilespmem:s29+$0xC00]  }
0x72: {  	v4 =	vld [tilespmem:s29+$0x1C00]  }
0x73: {  	v5 =	vld [tilespmem:s29+$0xC10]  }
0x74: {  	v6 =	vld [tilespmem:s29+$0x2C00]  }
0x75: {  	v7 =	vld [tilespmem:s29+$0x2C10]  }
0x76: {  	v8 =	vld [tilespmem:s29+$0x3C00]  }
0x77: {  	v3 =	vadd.f32 v4, v3;
	v4 =	vld [tilespmem:s29+$0x3C10]  }
0x78: {  	v2 =	vadd.f32 v2, v5;
	v5 =	vld [tilespmem:s29+$0x4C00]  }
0x79: {  	v3 =	vadd.f32 v6, v3;
	v6 =	vld [tilespmem:s29+$0x4C10]  }
0x7a: {  	v2 =	vadd.f32 v7, v2;
	v7 =	vld [tilespmem:s29+$0x5C00]  }
0x7b: {  	v3 =	vadd.f32 v8, v3;
	v8 =	vld [tilespmem:s29+$0x5C10]  }
0x7c: {  	v2 =	vadd.f32 v4, v2;
	v4 =	vld [tilespmem:s29+$0x6C00]  }
0x7d: {  	v3 =	vadd.f32 v5, v3;
	v5 =	vld [tilespmem:s29+$0x6C10]  }
0x7e: {  	v2 =	vadd.f32 v6, v2;
	v6 =	vld [tilespmem:s29+$0x7C00]  }
0x7f: {  	v3 =	vadd.f32 v7, v3;
	v7 =	vld [tilespmem:s29+$0x7C10]  }
0x80: {  	v2 =	vadd.f32 v8, v2;
	v8 =	vld [tilespmem:s29+$0x8C00]  }
0x81: {  	v3 =	vadd.f32 v4, v3;
	v4 =	vld [tilespmem:s29+$0x8C10]  }
0x82: {  	v2 =	vadd.f32 v5, v2;
	v5 =	vld [tilespmem:s29+$0x9C00]  }
0x83: {  	v3 =	vadd.f32 v6, v3;
	v6 =	vld [tilespmem:s29+$0x9C10]  }
0x84: {  	v2 =	vadd.f32 v7, v2;
	v7 =	vld [tilespmem:s29+$0xAC00]  }
0x85: {  	s1 =	simm.s32 $0x0;
	v3 =	vadd.f32 v8, v3;
	v8 =	vld [tilespmem:s29+$0xAC10]  }
0x86: {  	v9 =	vmov s1;
	v2 =	vadd.f32 v4, v2;
	v4 =	vld [tilespmem:s29+$0xBC00]  }
0x87: {  	v9 =	vand.u32 $0x7C, v9;
	v3 =	vadd.f32 v5, v3;
	v5 =	vld [tilespmem:s29+$0xBC10]  }
0x88: {  	v2 =	vadd.f32 v6, v2;
	v6 =	vbroadcast v9, $0x0  }
0x89: {  	v3 =	vadd.f32 v7, v3  }
0x8a: {  	v2 =	vadd.f32 v8, v2;
	v7 =	vor.u32 v0, v6  }
0x8b: {  	v3 =	vadd.f32 v4, v3;
	v4 =	vor.u32 v1, v6  }
0x8c: {  	v2 =	vadd.f32 v5, v2  }
0x8d: {  	v3 =	vmul.f32 $8.333333580e-02, v3  }
0x8e: {  	v2 =	vmul.f32 $8.333333580e-02, v2  }
0x8f: {  	[tilespmem:v7+s25+$0x0] =	vst.idx.msk $0xffff, v3  }
0x90: {  	[tilespmem:v4+s25+$0x0] =	vst.idx.msk $0xffff, v2  }
0x91: {  	v2 =	vld [tilespmem:s29+$0x1C20]  }
0x92: {  	v3 =	vld [tilespmem:s29+$0xC30]  }
0x93: {  	v4 =	vld [tilespmem:s29+$0xC20]  }
0x94: {  	v5 =	vld [tilespmem:s29+$0x1C30]  }
0x95: {  	v6 =	vld [tilespmem:s29+$0x2C20]  }
0x96: {  	v7 =	vld [tilespmem:s29+$0x2C30]  }
0x97: {  	v8 =	vld [tilespmem:s29+$0x3C20]  }
0x98: {  	v9 =	vld [tilespmem:s29+$0x3C30];
	v2 =	vadd.f32 v2, v4  }
0x99: {  	v3 =	vadd.f32 v5, v3;
	v4 =	vld [tilespmem:s29+$0x4C20]  }
0x9a: {  	v5 =	vld [tilespmem:s29+$0x4C30];
	v2 =	vadd.f32 v6, v2  }
0x9b: {  	v3 =	vadd.f32 v7, v3;
	v6 =	vld [tilespmem:s29+$0x5C20]  }
0x9c: {  	v7 =	vld [tilespmem:s29+$0x5C30];
	v2 =	vadd.f32 v8, v2  }
0x9d: {  	v3 =	vadd.f32 v9, v3;
	v8 =	vld [tilespmem:s29+$0x6C20]  }
0x9e: {  	v9 =	vld [tilespmem:s29+$0x6C30];
	v2 =	vadd.f32 v4, v2  }
0x9f: {  	v3 =	vadd.f32 v5, v3;
	v4 =	vld [tilespmem:s29+$0x7C20]  }
0xa0: {  	v5 =	vld [tilespmem:s29+$0x7C30];
	v2 =	vadd.f32 v6, v2  }
0xa1: {  	v3 =	vadd.f32 v7, v3;
	v6 =	vld [tilespmem:s29+$0x8C20]  }
0xa2: {  	v7 =	vld [tilespmem:s29+$0x8C30];
	v2 =	vadd.f32 v8, v2  }
0xa3: {  	v3 =	vadd.f32 v9, v3;
	v8 =	vld [tilespmem:s29+$0x9C20]  }
0xa4: {  	v9 =	vld [tilespmem:s29+$0x9C30];
	v2 =	vadd.f32 v4, v2  }
0xa5: {  	v3 =	vadd.f32 v5, v3;
	v4 =	vld [tilespmem:s29+$0xAC20]  }
0xa6: {  	s1 =	simm.s32 $0x1;
	v5 =	vld [tilespmem:s29+$0xAC30];
	v2 =	vadd.f32 v6, v2  }
0xa7: {  	v3 =	vadd.f32 v7, v3;
	v6 =	vld [tilespmem:s29+$0xBC20];
	v7 =	vmov s1  }
0xa8: {  	v10 =	vld [tilespmem:s29+$0xBC30];
	v7 =	vand.u32 $0x7D, v7;
	v2 =	vadd.f32 v8, v2  }
0xa9: {  	v3 =	vadd.f32 v9, v3;
	v7 =	vbroadcast v7, $0x0  }
0xaa: {  	v2 =	vadd.f32 v4, v2  }
0xab: {  	v3 =	vadd.f32 v5, v3;
	v4 =	vor.u32 v0, v7  }
0xac: {  	v5 =	vor.u32 v1, v7;
	v2 =	vadd.f32 v6, v2  }
0xad: {  	v3 =	vadd.f32 v10, v3  }
0xae: {  	v2 =	vmul.f32 $8.333333580e-02, v2  }
0xaf: {  	v3 =	vmul.f32 $8.333333580e-02, v3  }
0xb0: {  	[tilespmem:v4+s25+$0x0] =	vst.idx.msk $0xffff, v2  }
0xb1: {  	[tilespmem:v5+s25+$0x0] =	vst.idx.msk $0xffff, v3  }
0xb2: {  	v2 =	vld [tilespmem:s29+$0xC50]  }
0xb3: {  	v3 =	vld [tilespmem:s29+$0x1C40]  }
0xb4: {  	v4 =	vld [tilespmem:s29+$0xC40]  }
0xb5: {  	v5 =	vld [tilespmem:s29+$0x1C50]  }
0xb6: {  	v6 =	vld [tilespmem:s29+$0x2C40]  }
0xb7: {  	v7 =	vld [tilespmem:s29+$0x2C50]  }
0xb8: {  	v8 =	vld [tilespmem:s29+$0x3C40]  }
0xb9: {  	v3 =	vadd.f32 v3, v4;
	v4 =	vld [tilespmem:s29+$0x3C50]  }
0xba: {  	v2 =	vadd.f32 v5, v2;
	v5 =	vld [tilespmem:s29+$0x4C40]  }
0xbb: {  	v3 =	vadd.f32 v6, v3;
	v6 =	vld [tilespmem:s29+$0x4C50]  }
0xbc: {  	v2 =	vadd.f32 v7, v2;
	v7 =	vld [tilespmem:s29+$0x5C40]  }
0xbd: {  	v3 =	vadd.f32 v8, v3;
	v8 =	vld [tilespmem:s29+$0x5C50]  }
0xbe: {  	v2 =	vadd.f32 v4, v2;
	v4 =	vld [tilespmem:s29+$0x6C40]  }
0xbf: {  	v3 =	vadd.f32 v5, v3;
	v5 =	vld [tilespmem:s29+$0x6C50]  }
0xc0: {  	v2 =	vadd.f32 v6, v2;
	v6 =	vld [tilespmem:s29+$0x7C40]  }
0xc1: {  	v3 =	vadd.f32 v7, v3;
	v7 =	vld [tilespmem:s29+$0x7C50]  }
0xc2: {  	v2 =	vadd.f32 v8, v2;
	v8 =	vld [tilespmem:s29+$0x8C40]  }
0xc3: {  	v3 =	vadd.f32 v4, v3;
	v4 =	vld [tilespmem:s29+$0x8C50]  }
0xc4: {  	v2 =	vadd.f32 v5, v2;
	v5 =	vld [tilespmem:s29+$0x9C40]  }
0xc5: {  	v3 =	vadd.f32 v6, v3;
	v6 =	vld [tilespmem:s29+$0x9C50]  }
0xc6: {  	v2 =	vadd.f32 v7, v2;
	v7 =	vld [tilespmem:s29+$0xAC40]  }
0xc7: {  	s1 =	simm.s32 $0x2;
	v3 =	vadd.f32 v8, v3;
	v8 =	vld [tilespmem:s29+$0xAC50]  }
0xc8: {  	v9 =	vmov s1;
	v2 =	vadd.f32 v4, v2;
	v4 =	vld [tilespmem:s29+$0xBC40]  }
0xc9: {  	v9 =	vand.u32 $0x7E, v9;
	v3 =	vadd.f32 v5, v3;
	v5 =	vld [tilespmem:s29+$0xBC50]  }
0xca: {  	v2 =	vadd.f32 v6, v2;
	v6 =	vbroadcast v9, $0x0  }
0xcb: {  	v3 =	vadd.f32 v7, v3  }
0xcc: {  	v2 =	vadd.f32 v8, v2;
	v7 =	vor.u32 v0, v6  }
0xcd: {  	v3 =	vadd.f32 v4, v3;
	v4 =	vor.u32 v1, v6  }
0xce: {  	v2 =	vadd.f32 v5, v2  }
0xcf: {  	v3 =	vmul.f32 $8.333333580e-02, v3  }
0xd0: {  	v2 =	vmul.f32 $8.333333580e-02, v2  }
0xd1: {  	[tilespmem:v7+s25+$0x0] =	vst.idx.msk $0xffff, v3  }
0xd2: {  	[tilespmem:v4+s25+$0x0] =	vst.idx.msk $0xffff, v2  }
0xd3: {  	v2 =	vld [tilespmem:s29+$0x2C70]  }
0xd4: {  	v3 =	vld [tilespmem:s29+$0x1C60]  }
0xd5: {  	v4 =	vld [tilespmem:s29+$0xC70]  }
0xd6: {  	v5 =	vld [tilespmem:s29+$0x1C70]  }
0xd7: {  	v6 =	vld [tilespmem:s29+$0xC60]  }
0xd8: {  	v7 =	vld [tilespmem:s29+$0x2C60]  }
0xd9: {  	v8 =	vld [tilespmem:s29+$0x3C60]  }
0xda: {  	v9 =	vld [tilespmem:s29+$0x3C70]  }
0xdb: {  	v10 =	vld [tilespmem:s29+$0x4C60]  }
0xdc: {  	v11 =	vld [tilespmem:s29+$0x6C60];
	v4 =	vadd.f32 v5, v4;
	v3 =	vadd.f32 v3, v6  }
0xdd: {  	v5 =	vld [tilespmem:s29+$0x4C70]  }
0xde: {  	v6 =	vld [tilespmem:s29+$0x5C60];
	v2 =	vadd.f32 v2, v4;
	v3 =	vadd.f32 v7, v3  }
0xdf: {  	v7 =	vld [tilespmem:s29+$0x5C70]  }
0xe0: {  	v12 =	vld [tilespmem:s29+$0x7C60];
	v2 =	vadd.f32 v9, v2;
	v3 =	vadd.f32 v8, v3  }
0xe1: {  	v8 =	vld [tilespmem:s29+$0x6C70]  }
0xe2: {  	v4 =	vld [tilespmem:s29+$0x8C60];
	v2 =	vadd.f32 v5, v2;
	v3 =	vadd.f32 v10, v3  }
0xe3: {  	v9 =	vld [tilespmem:s29+$0x7C70]  }
0xe4: {  	v5 =	vld [tilespmem:s29+$0x8C70];
	v2 =	vadd.f32 v7, v2;
	v6 =	vadd.f32 v6, v3  }
0xe5: {  	v3 =	vld [tilespmem:s29+$0x9C60];
	v7 =	vmov s28  }
0xe6: {  	v10 =	vand.u32 $0x7F, v7;
	v7 =	vld [tilespmem:s29+$0xAC60];
	v2 =	vadd.f32 v8, v2;
	v8 =	vadd.f32 v11, v6  }
0xe7: {  	v6 =	vld [tilespmem:s29+$0x9C70]  }
0xe8: {  	s7 =	simm.s32 $0x200;
	v9 =	vadd.f32 v9, v2;
	v2 =	vbroadcast v10, $0x0;
	v10 =	vadd.f32 v12, v8;
	v8 =	vld [tilespmem:s29+$0xAC70]  }
.LBB2_2:
0xe9: {  	p0 =	sne.s32 s7, $0x3E00  }
0xea: {  	v11 =	vld [tilespmem:s29+$0xBC60];
	s28 =	sadd.s32 $0x4, s28;
	s1 =	smov.u32 s7;
	s7 =	sadd.s32 $0x200, s7  }
0xeb: {  	v5 =	vadd.f32 v5, v9;
	v12 =	vmov s28;
	v4 =	vadd.f32 v4, v10;
	v9 =	vld [tilespmem:s29+$0xBC70]  }
0xec: {  	v10 =	vand.u32 $0x7F, v12  }
0xed: {  	v10 =	vbroadcast v10, $0x0;
	v3 =	vadd.f32 v3, v4;
	v4 =	vadd.f32 v6, v5;
	_ =	sdelay $0x1  }
0xee: {  	v5 =	vor.u32 v0, v2;
	v3 =	vadd.f32 v7, v3;
	v4 =	vadd.f32 v8, v4  }
0xef: {  	v6 =	vor.u32 v1, v2;
	v2 =	vmov v10  }
0xf0: {  	v3 =	vadd.f32 v11, v3;
	v4 =	vadd.f32 v9, v4;
	_ =	sdelay $0x1  }
0xf1: {  	v3 =	vmul.f32 $8.333333580e-02, v3;
	v4 =	vmul.f32 $8.333333580e-02, v4;
	_ =	sdelay $0x1  }
0xf2: {  	[tilespmem:v5+s25+$0x0] =	vst.idx.msk $0xffff, v3  }
0xf3: {  	s29 =	sshra.s32 s1, $0x2;
	[tilespmem:v6+s25+$0x0] =	vst.idx.msk $0xffff, v4  }
0xf4: {  	v3 =	vld [tilespmem:s29+$0x1C10]  }
0xf5: {  	v4 =	vld [tilespmem:s29+$0xC00]  }
0xf6: {  	v5 =	vld [tilespmem:s29+$0x1C00]  }
0xf7: {  	v6 =	vld [tilespmem:s29+$0xC10]  }
0xf8: {  	v7 =	vld [tilespmem:s29+$0x2C00]  }
0xf9: {  	v8 =	vld [tilespmem:s29+$0x2C10]  }
0xfa: {  	v9 =	vld [tilespmem:s29+$0x3C00]  }
0xfb: {  	v4 =	vadd.f32 v5, v4;
	v5 =	vld [tilespmem:s29+$0x3C10]  }
0xfc: {  	v3 =	vadd.f32 v3, v6;
	v6 =	vld [tilespmem:s29+$0x4C00]  }
0xfd: {  	v4 =	vadd.f32 v7, v4;
	v7 =	vld [tilespmem:s29+$0x4C10]  }
0xfe: {  	v3 =	vadd.f32 v8, v3;
	v8 =	vld [tilespmem:s29+$0x5C00]  }
0xff: {  	v4 =	vadd.f32 v9, v4;
	v9 =	vld [tilespmem:s29+$0x5C10]  }
0x100: {  	v3 =	vadd.f32 v5, v3;
	v5 =	vld [tilespmem:s29+$0x6C00]  }
0x101: {  	v4 =	vadd.f32 v6, v4;
	v6 =	vld [tilespmem:s29+$0x6C10]  }
0x102: {  	v3 =	vadd.f32 v7, v3;
	v7 =	vld [tilespmem:s29+$0x7C00]  }
0x103: {  	v4 =	vadd.f32 v8, v4;
	v8 =	vld [tilespmem:s29+$0x7C10]  }
0x104: {  	v3 =	vadd.f32 v9, v3;
	v9 =	vld [tilespmem:s29+$0x8C00]  }
0x105: {  	v4 =	vadd.f32 v5, v4;
	v5 =	vld [tilespmem:s29+$0x8C10]  }
0x106: {  	v3 =	vadd.f32 v6, v3;
	v6 =	vld [tilespmem:s29+$0x9C00]  }
0x107: {  	v4 =	vadd.f32 v7, v4;
	v7 =	vld [tilespmem:s29+$0x9C10]  }
0x108: {  	v3 =	vadd.f32 v8, v3;
	v8 =	vld [tilespmem:s29+$0xAC00]  }
0x109: {  	s1 =	sadd.s32 $0xFFFFFFFD, s28;
	v4 =	vadd.f32 v9, v4;
	v9 =	vld [tilespmem:s29+$0xAC10]  }
0x10a: {  	v10 =	vmov s1;
	v3 =	vadd.f32 v5, v3;
	v5 =	vld [tilespmem:s29+$0xBC00]  }
0x10b: {  	v10 =	vand.u32 $0x7C, v10;
	v4 =	vadd.f32 v6, v4;
	v6 =	vld [tilespmem:s29+$0xBC10]  }
0x10c: {  	v3 =	vadd.f32 v7, v3;
	v7 =	vbroadcast v10, $0x0  }
0x10d: {  	v4 =	vadd.f32 v8, v4  }
0x10e: {  	v3 =	vadd.f32 v9, v3;
	v8 =	vor.u32 v0, v7  }
0x10f: {  	v4 =	vadd.f32 v5, v4;
	v5 =	vor.u32 v1, v7  }
0x110: {  	v3 =	vadd.f32 v6, v3  }
0x111: {  	v4 =	vmul.f32 $8.333333580e-02, v4  }
0x112: {  	v3 =	vmul.f32 $8.333333580e-02, v3  }
0x113: {  	[tilespmem:v8+s25+$0x0] =	vst.idx.msk $0xffff, v4  }
0x114: {  	[tilespmem:v5+s25+$0x0] =	vst.idx.msk $0xffff, v3  }
0x115: {  	v3 =	vld [tilespmem:s29+$0x2C20]  }
0x116: {  	v4 =	vld [tilespmem:s29+$0x1C20]  }
0x117: {  	v5 =	vld [tilespmem:s29+$0xC30]  }
0x118: {  	v6 =	vld [tilespmem:s29+$0x1C30]  }
0x119: {  	v7 =	vld [tilespmem:s29+$0xC20]  }
0x11a: {  	v8 =	vld [tilespmem:s29+$0x2C30];
	_ =	sdelay $0x1  }
0x11b: {  	v9 =	vld [tilespmem:s29+$0x3C30]  }
0x11c: {  	v5 =	vadd.f32 v6, v5;
	v6 =	vld [tilespmem:s29+$0x3C20]  }
0x11d: {  	v4 =	vadd.f32 v4, v7;
	v7 =	vld [tilespmem:s29+$0x4C30]  }
0x11e: {  	v5 =	vadd.f32 v8, v5;
	v8 =	vld [tilespmem:s29+$0x4C20]  }
0x11f: {  	v3 =	vadd.f32 v3, v4;
	v4 =	vld [tilespmem:s29+$0x5C30]  }
0x120: {  	v5 =	vadd.f32 v9, v5;
	v9 =	vld [tilespmem:s29+$0x5C20]  }
0x121: {  	v3 =	vadd.f32 v6, v3;
	v6 =	vld [tilespmem:s29+$0x6C30]  }
0x122: {  	v5 =	vadd.f32 v7, v5;
	v7 =	vld [tilespmem:s29+$0x6C20]  }
0x123: {  	v3 =	vadd.f32 v8, v3;
	v8 =	vld [tilespmem:s29+$0x7C30]  }
0x124: {  	v4 =	vadd.f32 v4, v5;
	v5 =	vld [tilespmem:s29+$0x7C20]  }
0x125: {  	v3 =	vadd.f32 v9, v3;
	v9 =	vld [tilespmem:s29+$0x8C30]  }
0x126: {  	v4 =	vadd.f32 v6, v4;
	v6 =	vld [tilespmem:s29+$0x8C20]  }
0x127: {  	v3 =	vadd.f32 v7, v3;
	v7 =	vld [tilespmem:s29+$0x9C30]  }
0x128: {  	v4 =	vadd.f32 v8, v4;
	v8 =	vld [tilespmem:s29+$0x9C20]  }
0x129: {  	v3 =	vadd.f32 v5, v3;
	v5 =	vld [tilespmem:s29+$0xAC30]  }
0x12a: {  	v4 =	vadd.f32 v9, v4;
	v9 =	vld [tilespmem:s29+$0xAC20]  }
0x12b: {  	s1 =	sadd.s32 $0xFFFFFFFE, s28;
	v3 =	vadd.f32 v6, v3;
	v6 =	vld [tilespmem:s29+$0xBC30]  }
0x12c: {  	v10 =	vmov s1;
	v4 =	vadd.f32 v7, v4;
	v7 =	vld [tilespmem:s29+$0xBC20]  }
0x12d: {  	v3 =	vadd.f32 v8, v3;
	v8 =	vand.u32 $0x7D, v10  }
0x12e: {  	v4 =	vadd.f32 v5, v4;
	v5 =	vbroadcast v8, $0x0  }
0x12f: {  	v3 =	vadd.f32 v9, v3  }
0x130: {  	v4 =	vadd.f32 v6, v4;
	v6 =	vor.u32 v0, v5  }
0x131: {  	v5 =	vor.u32 v1, v5;
	v3 =	vadd.f32 v7, v3;
	_ =	sdelay $0x1  }
0x132: {  	v3 =	vmul.f32 $8.333333580e-02, v3  }
0x133: {  	v4 =	vmul.f32 $8.333333580e-02, v4  }
0x134: {  	[tilespmem:v6+s25+$0x0] =	vst.idx.msk $0xffff, v3  }
0x135: {  	[tilespmem:v5+s25+$0x0] =	vst.idx.msk $0xffff, v4  }
0x136: {  	v3 =	vld [tilespmem:s29+$0xC50]  }
0x137: {  	v4 =	vld [tilespmem:s29+$0x1C40]  }
0x138: {  	v5 =	vld [tilespmem:s29+$0xC40]  }
0x139: {  	v6 =	vld [tilespmem:s29+$0x1C50]  }
0x13a: {  	v7 =	vld [tilespmem:s29+$0x2C40]  }
0x13b: {  	v8 =	vld [tilespmem:s29+$0x2C50]  }
0x13c: {  	v9 =	vld [tilespmem:s29+$0x3C40]  }
0x13d: {  	v4 =	vadd.f32 v4, v5;
	v5 =	vld [tilespmem:s29+$0x3C50]  }
0x13e: {  	v3 =	vadd.f32 v6, v3;
	v6 =	vld [tilespmem:s29+$0x4C40]  }
0x13f: {  	v4 =	vadd.f32 v7, v4;
	v7 =	vld [tilespmem:s29+$0x4C50]  }
0x140: {  	v3 =	vadd.f32 v8, v3;
	v8 =	vld [tilespmem:s29+$0x5C40]  }
0x141: {  	v4 =	vadd.f32 v9, v4;
	v9 =	vld [tilespmem:s29+$0x5C50]  }
0x142: {  	v3 =	vadd.f32 v5, v3;
	v5 =	vld [tilespmem:s29+$0x6C40]  }
0x143: {  	v4 =	vadd.f32 v6, v4;
	v6 =	vld [tilespmem:s29+$0x6C50]  }
0x144: {  	v3 =	vadd.f32 v7, v3;
	v7 =	vld [tilespmem:s29+$0x7C40]  }
0x145: {  	v4 =	vadd.f32 v8, v4;
	v8 =	vld [tilespmem:s29+$0x7C50]  }
0x146: {  	v3 =	vadd.f32 v9, v3;
	v9 =	vld [tilespmem:s29+$0x8C40]  }
0x147: {  	v4 =	vadd.f32 v5, v4;
	v5 =	vld [tilespmem:s29+$0x8C50]  }
0x148: {  	v3 =	vadd.f32 v6, v3;
	v6 =	vld [tilespmem:s29+$0x9C40]  }
0x149: {  	v4 =	vadd.f32 v7, v4;
	v7 =	vld [tilespmem:s29+$0x9C50]  }
0x14a: {  	v3 =	vadd.f32 v8, v3;
	v8 =	vld [tilespmem:s29+$0xAC40]  }
0x14b: {  	s1 =	sadd.s32 $0xFFFFFFFF, s28;
	v4 =	vadd.f32 v9, v4;
	v9 =	vld [tilespmem:s29+$0xAC50]  }
0x14c: {  	v10 =	vmov s1;
	v3 =	vadd.f32 v5, v3;
	v5 =	vld [tilespmem:s29+$0xBC40]  }
0x14d: {  	v10 =	vand.u32 $0x7E, v10;
	v4 =	vadd.f32 v6, v4;
	v6 =	vld [tilespmem:s29+$0xBC50]  }
0x14e: {  	v3 =	vadd.f32 v7, v3;
	v7 =	vbroadcast v10, $0x0  }
0x14f: {  	v4 =	vadd.f32 v8, v4  }
0x150: {  	v3 =	vadd.f32 v9, v3;
	v8 =	vor.u32 v0, v7  }
0x151: {  	v4 =	vadd.f32 v5, v4;
	v5 =	vor.u32 v1, v7  }
0x152: {  	v3 =	vadd.f32 v6, v3  }
0x153: {  	v4 =	vmul.f32 $8.333333580e-02, v4  }
0x154: {  	v3 =	vmul.f32 $8.333333580e-02, v3  }
0x155: {  	[tilespmem:v8+s25+$0x0] =	vst.idx.msk $0xffff, v4  }
0x156: {  	[tilespmem:v5+s25+$0x0] =	vst.idx.msk $0xffff, v3  }
0x157: {  	v3 =	vld [tilespmem:s29+$0x2C70]  }
0x158: {  	v4 =	vld [tilespmem:s29+$0x1C60]  }
0x159: {  	v5 =	vld [tilespmem:s29+$0xC70]  }
0x15a: {  	v6 =	vld [tilespmem:s29+$0x1C70]  }
0x15b: {  	v7 =	vld [tilespmem:s29+$0xC60]  }
0x15c: {  	v8 =	vld [tilespmem:s29+$0x2C60]  }
0x15d: {  	v9 =	vld [tilespmem:s29+$0x3C60]  }
0x15e: {  	v10 =	vld [tilespmem:s29+$0x3C70]  }
0x15f: {  	v5 =	vadd.f32 v6, v5;
	v6 =	vld [tilespmem:s29+$0x4C60]  }
0x160: {  	v4 =	vadd.f32 v4, v7;
	v7 =	vld [tilespmem:s29+$0x4C70]  }
0x161: {  	v3 =	vadd.f32 v3, v5;
	v5 =	vld [tilespmem:s29+$0x5C60]  }
0x162: {  	v4 =	vadd.f32 v8, v4;
	v8 =	vld [tilespmem:s29+$0x5C70]  }
0x163: {  	v3 =	vadd.f32 v10, v3;
	v10 =	vld [tilespmem:s29+$0x6C60]  }
0x164: {  	v4 =	vadd.f32 v9, v4;
	v9 =	vld [tilespmem:s29+$0x6C70]  }
0x165: {  	v3 =	vadd.f32 v7, v3;
	v11 =	vld [tilespmem:s29+$0x7C60]  }
0x166: {  	v6 =	vadd.f32 v6, v4;
	v7 =	vld [tilespmem:s29+$0x7C70]  }
0x167: {  	v3 =	vadd.f32 v8, v3;
	v4 =	vld [tilespmem:s29+$0x8C60]  }
.Ltmp0:
0x168: {  	v6 =	vadd.f32 v5, v6;
	v5 =	vld [tilespmem:s29+$0x8C70];
	(pc) =	sbr.rel @p0 .LBB2_2-.Ltmp0, $4  }
0x169: {  	v8 =	vadd.f32 v9, v3;
	v3 =	vld [tilespmem:s29+$0x9C60]  }
0x16a: {  	v10 =	vadd.f32 v10, v6;
	v6 =	vld [tilespmem:s29+$0x9C70]  }
0x16b: {  	v9 =	vadd.f32 v7, v8;
	v7 =	vld [tilespmem:s29+$0xAC60]  }
0x16c: {  	v10 =	vadd.f32 v11, v10;
	v8 =	vld [tilespmem:s29+$0xAC70]  }
0x16d: {  	_ = 	snop  }
0x16e: {  	v4 =	vadd.f32 v4, v10  }
0x16f: {  	v5 =	vadd.f32 v5, v9;
	v10 =	vld [tilespmem:s29+$0xBC60]  }
0x170: {  	v9 =	vld [tilespmem:s29+$0xBC70];
	v3 =	vadd.f32 v3, v4  }
0x171: {  	v4 =	vadd.f32 v6, v5  }
0x172: {  	v3 =	vadd.f32 v7, v3  }
0x173: {  	v5 =	vor.u32 v0, v2;
	v4 =	vadd.f32 v8, v4  }
0x174: {  	v2 =	vor.u32 v1, v2;
	v3 =	vadd.f32 v10, v3  }
0x175: {  	v4 =	vadd.f32 v9, v4  }
0x176: {  	v3 =	vmul.f32 $8.333333580e-02, v3  }
0x177: {  	v4 =	vmul.f32 $8.333333580e-02, v4  }
0x178: {  	[tilespmem:v5+s25+$0x0] =	vst.idx.msk $0xffff, v3  }
0x179: {  	s1 =	rddreg [dreg:$0x5];
	[tilespmem:v2+s25+$0x0] =	vst.idx.msk $0xffff, v4  }
0x17a: {  	[hbm4b:s1+s13] =	stream.strided.scatter [tilespmem:s25], [sflag:$0x2], $0x1000, s14, s13, $0x38;
	[tilespmem:$0x1AC00] =	vst v63  }
0x17b: {  	s7 =	rddreg [dreg:$0x6];
	s28 =	simm.s32 $0x3;
	s1 =	simm.s32 $0x0  }
0x17c: {  	[tilespmem:s1], [sflag:$0x3] =	stream.strided.gather [hbm4b:s7+s13], $0x600, s14, s13, $0x38;
	[tilespmem:$0x1AC00] =	vst v63  }
0x17d: {  	_ =	swait.ge [sflag:s28], $0x600  }
0x17e: {  	[sflag:s28] =	ssyncset.done $0x0  }
0x17f: {  	s7 =	simm.s32 $0xC00;
	[sflag:s28] =	ssyncadd.s32 $0xFFFFFA00  }
0x180: {  	[tilespmem:s7], [sflag:$0x1] =	stream.indirect.gather [hbm4b:s3+s13], $0x20, s1, s13, $0xb8;
	[tilespmem:$0x1AC00] =	vst v63  }
0x181: {  	s7 =	simm.s32 $0x1C00  }
0x182: {  	[tilespmem:s7], [sflag:$0x1] =	stream.indirect.gather [hbm4b:s3+s13], $0x20, s13, s13, $0xb8;
	[tilespmem:$0x1AC00] =	vst v63  }
0x183: {  	s1 =	simm.s32 $0x100;
	s7 =	simm.s32 $0x2C00  }
0x184: {  	[tilespmem:s7], [sflag:$0x1] =	stream.indirect.gather [hbm4b:s3+s13], $0x20, s1, s13, $0xb8;
	[tilespmem:$0x1AC00] =	vst v63  }
0x185: {  	s1 =	simm.s32 $0x180;
	s7 =	simm.s32 $0x3C00  }
0x186: {  	[tilespmem:s7], [sflag:$0x1] =	stream.indirect.gather [hbm4b:s3+s13], $0x20, s1, s13, $0xb8;
	[tilespmem:$0x1AC00] =	vst v63  }
0x187: {  	s1 =	simm.s32 $0x200;
	s7 =	simm.s32 $0x4C00  }
0x188: {  	[tilespmem:s7], [sflag:$0x1] =	stream.indirect.gather [hbm4b:s3+s13], $0x20, s1, s13, $0xb8;
	[tilespmem:$0x1AC00] =	vst v63  }
0x189: {  	s1 =	simm.s32 $0x280;
	s7 =	simm.s32 $0x5C00  }
0x18a: {  	[tilespmem:s7], [sflag:$0x1] =	stream.indirect.gather [hbm4b:s3+s13], $0x20, s1, s13, $0xb8;
	[tilespmem:$0x1AC00] =	vst v63  }
0x18b: {  	s1 =	simm.s32 $0x300;
	s7 =	simm.s32 $0x6C00  }
0x18c: {  	[tilespmem:s7], [sflag:$0x1] =	stream.indirect.gather [hbm4b:s3+s13], $0x20, s1, s13, $0xb8;
	[tilespmem:$0x1AC00] =	vst v63  }
0x18d: {  	s1 =	simm.s32 $0x380;
	s7 =	simm.s32 $0x7C00  }
0x18e: {  	[tilespmem:s7], [sflag:$0x1] =	stream.indirect.gather [hbm4b:s3+s13], $0x20, s1, s13, $0xb8;
	[tilespmem:$0x1AC00] =	vst v63  }
0x18f: {  	s1 =	simm.s32 $0x400;
	s7 =	simm.s32 $0x8C00  }
0x190: {  	[tilespmem:s7], [sflag:$0x1] =	stream.indirect.gather [hbm4b:s3+s13], $0x20, s1, s13, $0xb8;
	[tilespmem:$0x1AC00] =	vst v63  }
0x191: {  	s1 =	simm.s32 $0x480;
	s7 =	simm.s32 $0x9C00  }
0x192: {  	[tilespmem:s7], [sflag:$0x1] =	stream.indirect.gather [hbm4b:s3+s13], $0x20, s1, s13, $0xb8;
	[tilespmem:$0x1AC00] =	vst v63  }
0x193: {  	s1 =	simm.s32 $0x500;
	s7 =	simm.s32 $0xAC00  }
0x194: {  	[tilespmem:s7], [sflag:$0x1] =	stream.indirect.gather [hbm4b:s3+s13], $0x20, s1, s13, $0xb8;
	[tilespmem:$0x1AC00] =	vst v63  }
0x195: {  	s1 =	simm.s32 $0x580;
	s7 =	simm.s32 $0xBC00  }
0x196: {  	[tilespmem:s7], [sflag:$0x1] =	stream.indirect.gather [hbm4b:s3+s13], $0x20, s1, s13, $0xb8;
	[tilespmem:$0x1AC00] =	vst v63  }
0x197: {  	_ =	swait.ge [sflag:s24], $0x1000  }
0x198: {  	[sflag:s24] =	ssyncset.done $0x0  }
0x199: {  	[sflag:s24] =	ssyncadd.s32 $0xFFFFF000  }
0x19a: {  	_ =	swait.ge [sflag:s24], $0x1000  }
0x19b: {  	[sflag:s24] =	ssyncset.done $0x0  }
0x19c: {  	[sflag:s24] =	ssyncadd.s32 $0xFFFFF000  }
0x19d: {  	_ =	swait.ge [sflag:s24], $0x1000  }
0x19e: {  	[sflag:s24] =	ssyncset.done $0x0  }
0x19f: {  	[sflag:s24] =	ssyncadd.s32 $0xFFFFF000  }
0x1a0: {  	_ =	swait.ge [sflag:s24], $0x1000  }
0x1a1: {  	[sflag:s24] =	ssyncset.done $0x0  }
0x1a2: {  	[sflag:s24] =	ssyncadd.s32 $0xFFFFF000  }
0x1a3: {  	_ =	swait.ge [sflag:s24], $0x1000  }
0x1a4: {  	[sflag:s24] =	ssyncset.done $0x0  }
0x1a5: {  	[sflag:s24] =	ssyncadd.s32 $0xFFFFF000  }
0x1a6: {  	_ =	swait.ge [sflag:s24], $0x1000  }
0x1a7: {  	[sflag:s24] =	ssyncset.done $0x0  }
0x1a8: {  	[sflag:s24] =	ssyncadd.s32 $0xFFFFF000  }
0x1a9: {  	_ =	swait.ge [sflag:s24], $0x1000  }
0x1aa: {  	[sflag:s24] =	ssyncset.done $0x0  }
0x1ab: {  	[sflag:s24] =	ssyncadd.s32 $0xFFFFF000  }
0x1ac: {  	_ =	swait.ge [sflag:s24], $0x1000  }
0x1ad: {  	[sflag:s24] =	ssyncset.done $0x0  }
0x1ae: {  	[sflag:s24] =	ssyncadd.s32 $0xFFFFF000  }
0x1af: {  	_ =	swait.ge [sflag:s24], $0x1000  }
0x1b0: {  	[sflag:s24] =	ssyncset.done $0x0  }
0x1b1: {  	[sflag:s24] =	ssyncadd.s32 $0xFFFFF000  }
0x1b2: {  	_ =	swait.ge [sflag:s24], $0x1000  }
0x1b3: {  	[sflag:s24] =	ssyncset.done $0x0  }
0x1b4: {  	[sflag:s24] =	ssyncadd.s32 $0xFFFFF000  }
0x1b5: {  	_ =	swait.ge [sflag:s24], $0x1000  }
0x1b6: {  	[sflag:s24] =	ssyncset.done $0x0  }
0x1b7: {  	[sflag:s24] =	ssyncadd.s32 $0xFFFFF000  }
0x1b8: {  	_ =	swait.ge [sflag:s24], $0x1000  }
0x1b9: {  	[sflag:s24] =	ssyncset.done $0x0  }
0x1ba: {  	s29 =	simm.s32 $0x0;
	[sflag:s24] =	ssyncadd.s32 $0xFFFFF000  }
0x1bb: {  	v2 =	vld [tilespmem:s29+$0xDC10]  }
0x1bc: {  	v3 =	vld [tilespmem:s29+$0xCC00]  }
0x1bd: {  	v4 =	vld [tilespmem:s29+$0xDC00]  }
0x1be: {  	v5 =	vld [tilespmem:s29+$0xCC10]  }
0x1bf: {  	v6 =	vld [tilespmem:s29+$0xEC00]  }
0x1c0: {  	v7 =	vld [tilespmem:s29+$0xEC10]  }
0x1c1: {  	v8 =	vld [tilespmem:s29+$0xFC00]  }
0x1c2: {  	v3 =	vadd.f32 v4, v3;
	v4 =	vld [tilespmem:s29+$0xFC10]  }
0x1c3: {  	v2 =	vadd.f32 v2, v5;
	v5 =	vld [tilespmem:s29+$0x10C00]  }
0x1c4: {  	v3 =	vadd.f32 v6, v3;
	v6 =	vld [tilespmem:s29+$0x10C10]  }
0x1c5: {  	v2 =	vadd.f32 v7, v2;
	v7 =	vld [tilespmem:s29+$0x11C00]  }
0x1c6: {  	v3 =	vadd.f32 v8, v3;
	v8 =	vld [tilespmem:s29+$0x11C10]  }
0x1c7: {  	v2 =	vadd.f32 v4, v2;
	v4 =	vld [tilespmem:s29+$0x12C00]  }
0x1c8: {  	v3 =	vadd.f32 v5, v3;
	v5 =	vld [tilespmem:s29+$0x12C10]  }
0x1c9: {  	v2 =	vadd.f32 v6, v2;
	v6 =	vld [tilespmem:s29+$0x13C00]  }
0x1ca: {  	v3 =	vadd.f32 v7, v3;
	v7 =	vld [tilespmem:s29+$0x13C10]  }
0x1cb: {  	v2 =	vadd.f32 v8, v2;
	v8 =	vld [tilespmem:s29+$0x14C00]  }
0x1cc: {  	v3 =	vadd.f32 v4, v3;
	v4 =	vld [tilespmem:s29+$0x14C10]  }
0x1cd: {  	v2 =	vadd.f32 v5, v2;
	v5 =	vld [tilespmem:s29+$0x15C00]  }
0x1ce: {  	v3 =	vadd.f32 v6, v3;
	v6 =	vld [tilespmem:s29+$0x15C10]  }
0x1cf: {  	v2 =	vadd.f32 v7, v2;
	v7 =	vld [tilespmem:s29+$0x16C00]  }
0x1d0: {  	s7 =	simm.s32 $0x0;
	v3 =	vadd.f32 v8, v3;
	v8 =	vld [tilespmem:s29+$0x16C10]  }
0x1d1: {  	v9 =	vmov s7;
	v2 =	vadd.f32 v4, v2;
	v4 =	vld [tilespmem:s29+$0x17C00]  }
0x1d2: {  	v9 =	vand.u32 $0x7C, v9;
	v3 =	vadd.f32 v5, v3;
	v5 =	vld [tilespmem:s29+$0x17C10]  }
0x1d3: {  	v2 =	vadd.f32 v6, v2;
	v6 =	vbroadcast v9, $0x0  }
0x1d4: {  	v3 =	vadd.f32 v7, v3  }
0x1d5: {  	v2 =	vadd.f32 v8, v2;
	v7 =	vor.u32 v0, v6  }
0x1d6: {  	v3 =	vadd.f32 v4, v3;
	v4 =	vor.u32 v1, v6  }
0x1d7: {  	v2 =	vadd.f32 v5, v2  }
0x1d8: {  	v3 =	vmul.f32 $8.333333580e-02, v3  }
0x1d9: {  	v2 =	vmul.f32 $8.333333580e-02, v2  }
0x1da: {  	[tilespmem:v7+s5+$0x0] =	vst.idx.msk $0xffff, v3  }
0x1db: {  	[tilespmem:v4+s5+$0x0] =	vst.idx.msk $0xffff, v2  }
0x1dc: {  	v2 =	vld [tilespmem:s29+$0xDC20]  }
0x1dd: {  	v3 =	vld [tilespmem:s29+$0xCC30]  }
0x1de: {  	v4 =	vld [tilespmem:s29+$0xCC20]  }
0x1df: {  	v5 =	vld [tilespmem:s29+$0xDC30]  }
0x1e0: {  	v6 =	vld [tilespmem:s29+$0xEC20]  }
0x1e1: {  	v7 =	vld [tilespmem:s29+$0xEC30]  }
0x1e2: {  	v8 =	vld [tilespmem:s29+$0xFC20]  }
0x1e3: {  	v9 =	vld [tilespmem:s29+$0xFC30];
	v2 =	vadd.f32 v2, v4  }
0x1e4: {  	v3 =	vadd.f32 v5, v3;
	v4 =	vld [tilespmem:s29+$0x10C20]  }
0x1e5: {  	v5 =	vld [tilespmem:s29+$0x10C30];
	v2 =	vadd.f32 v6, v2  }
0x1e6: {  	v3 =	vadd.f32 v7, v3;
	v6 =	vld [tilespmem:s29+$0x11C20]  }
0x1e7: {  	v7 =	vld [tilespmem:s29+$0x11C30];
	v2 =	vadd.f32 v8, v2  }
0x1e8: {  	v3 =	vadd.f32 v9, v3;
	v8 =	vld [tilespmem:s29+$0x12C20]  }
0x1e9: {  	v9 =	vld [tilespmem:s29+$0x12C30];
	v2 =	vadd.f32 v4, v2  }
0x1ea: {  	v3 =	vadd.f32 v5, v3;
	v4 =	vld [tilespmem:s29+$0x13C20]  }
0x1eb: {  	v5 =	vld [tilespmem:s29+$0x13C30];
	v2 =	vadd.f32 v6, v2  }
0x1ec: {  	v3 =	vadd.f32 v7, v3;
	v6 =	vld [tilespmem:s29+$0x14C20]  }
0x1ed: {  	v7 =	vld [tilespmem:s29+$0x14C30];
	v2 =	vadd.f32 v8, v2  }
0x1ee: {  	v3 =	vadd.f32 v9, v3;
	v8 =	vld [tilespmem:s29+$0x15C20]  }
0x1ef: {  	v9 =	vld [tilespmem:s29+$0x15C30];
	v2 =	vadd.f32 v4, v2  }
0x1f0: {  	v3 =	vadd.f32 v5, v3;
	v4 =	vld [tilespmem:s29+$0x16C20]  }
0x1f1: {  	s7 =	simm.s32 $0x1;
	v5 =	vld [tilespmem:s29+$0x16C30];
	v2 =	vadd.f32 v6, v2  }
0x1f2: {  	v3 =	vadd.f32 v7, v3;
	v6 =	vld [tilespmem:s29+$0x17C20];
	v7 =	vmov s7  }
0x1f3: {  	v10 =	vld [tilespmem:s29+$0x17C30];
	v7 =	vand.u32 $0x7D, v7;
	v2 =	vadd.f32 v8, v2  }
0x1f4: {  	v3 =	vadd.f32 v9, v3;
	v7 =	vbroadcast v7, $0x0  }
0x1f5: {  	v2 =	vadd.f32 v4, v2  }
0x1f6: {  	v3 =	vadd.f32 v5, v3;
	v4 =	vor.u32 v0, v7  }
0x1f7: {  	v5 =	vor.u32 v1, v7;
	v2 =	vadd.f32 v6, v2  }
0x1f8: {  	v3 =	vadd.f32 v10, v3  }
0x1f9: {  	v2 =	vmul.f32 $8.333333580e-02, v2  }
0x1fa: {  	v3 =	vmul.f32 $8.333333580e-02, v3  }
0x1fb: {  	[tilespmem:v4+s5+$0x0] =	vst.idx.msk $0xffff, v2  }
0x1fc: {  	[tilespmem:v5+s5+$0x0] =	vst.idx.msk $0xffff, v3  }
0x1fd: {  	v2 =	vld [tilespmem:s29+$0xCC50]  }
0x1fe: {  	v3 =	vld [tilespmem:s29+$0xDC40]  }
0x1ff: {  	v4 =	vld [tilespmem:s29+$0xCC40]  }
0x200: {  	v5 =	vld [tilespmem:s29+$0xDC50]  }
0x201: {  	v6 =	vld [tilespmem:s29+$0xEC40]  }
0x202: {  	v7 =	vld [tilespmem:s29+$0xEC50]  }
0x203: {  	v8 =	vld [tilespmem:s29+$0xFC40]  }
0x204: {  	v3 =	vadd.f32 v3, v4;
	v4 =	vld [tilespmem:s29+$0xFC50]  }
0x205: {  	v2 =	vadd.f32 v5, v2;
	v5 =	vld [tilespmem:s29+$0x10C40]  }
0x206: {  	v3 =	vadd.f32 v6, v3;
	v6 =	vld [tilespmem:s29+$0x10C50]  }
0x207: {  	v2 =	vadd.f32 v7, v2;
	v7 =	vld [tilespmem:s29+$0x11C40]  }
0x208: {  	v3 =	vadd.f32 v8, v3;
	v8 =	vld [tilespmem:s29+$0x11C50]  }
0x209: {  	v2 =	vadd.f32 v4, v2;
	v4 =	vld [tilespmem:s29+$0x12C40]  }
0x20a: {  	v3 =	vadd.f32 v5, v3;
	v5 =	vld [tilespmem:s29+$0x12C50]  }
0x20b: {  	v2 =	vadd.f32 v6, v2;
	v6 =	vld [tilespmem:s29+$0x13C40]  }
0x20c: {  	v3 =	vadd.f32 v7, v3;
	v7 =	vld [tilespmem:s29+$0x13C50]  }
0x20d: {  	v2 =	vadd.f32 v8, v2;
	v8 =	vld [tilespmem:s29+$0x14C40]  }
0x20e: {  	v3 =	vadd.f32 v4, v3;
	v4 =	vld [tilespmem:s29+$0x14C50]  }
0x20f: {  	v2 =	vadd.f32 v5, v2;
	v5 =	vld [tilespmem:s29+$0x15C40]  }
0x210: {  	v3 =	vadd.f32 v6, v3;
	v6 =	vld [tilespmem:s29+$0x15C50]  }
0x211: {  	v2 =	vadd.f32 v7, v2;
	v7 =	vld [tilespmem:s29+$0x16C40]  }
0x212: {  	s7 =	simm.s32 $0x2;
	v3 =	vadd.f32 v8, v3;
	v8 =	vld [tilespmem:s29+$0x16C50]  }
0x213: {  	v9 =	vmov s7;
	v2 =	vadd.f32 v4, v2;
	v4 =	vld [tilespmem:s29+$0x17C40]  }
0x214: {  	v9 =	vand.u32 $0x7E, v9;
	v3 =	vadd.f32 v5, v3;
	v5 =	vld [tilespmem:s29+$0x17C50]  }
0x215: {  	v2 =	vadd.f32 v6, v2;
	v6 =	vbroadcast v9, $0x0  }
0x216: {  	v3 =	vadd.f32 v7, v3  }
0x217: {  	v2 =	vadd.f32 v8, v2;
	v7 =	vor.u32 v0, v6  }
0x218: {  	v3 =	vadd.f32 v4, v3;
	v4 =	vor.u32 v1, v6  }
0x219: {  	v2 =	vadd.f32 v5, v2  }
0x21a: {  	v3 =	vmul.f32 $8.333333580e-02, v3  }
0x21b: {  	v2 =	vmul.f32 $8.333333580e-02, v2  }
0x21c: {  	[tilespmem:v7+s5+$0x0] =	vst.idx.msk $0xffff, v3  }
0x21d: {  	[tilespmem:v4+s5+$0x0] =	vst.idx.msk $0xffff, v2  }
0x21e: {  	v2 =	vld [tilespmem:s29+$0xEC70]  }
0x21f: {  	v3 =	vld [tilespmem:s29+$0xDC60]  }
0x220: {  	v4 =	vld [tilespmem:s29+$0xCC70]  }
0x221: {  	v5 =	vld [tilespmem:s29+$0xDC70]  }
0x222: {  	v6 =	vld [tilespmem:s29+$0xCC60]  }
0x223: {  	v7 =	vld [tilespmem:s29+$0xEC60]  }
0x224: {  	v8 =	vld [tilespmem:s29+$0xFC60]  }
0x225: {  	v9 =	vld [tilespmem:s29+$0xFC70]  }
0x226: {  	v10 =	vld [tilespmem:s29+$0x10C60]  }
0x227: {  	v11 =	vld [tilespmem:s29+$0x12C60];
	v4 =	vadd.f32 v5, v4;
	v3 =	vadd.f32 v3, v6  }
0x228: {  	v5 =	vld [tilespmem:s29+$0x10C70]  }
0x229: {  	v6 =	vld [tilespmem:s29+$0x11C60];
	v2 =	vadd.f32 v2, v4;
	v3 =	vadd.f32 v7, v3  }
0x22a: {  	v7 =	vld [tilespmem:s29+$0x11C70]  }
0x22b: {  	v12 =	vld [tilespmem:s29+$0x13C60];
	v2 =	vadd.f32 v9, v2;
	v3 =	vadd.f32 v8, v3  }
0x22c: {  	v8 =	vld [tilespmem:s29+$0x12C70]  }
0x22d: {  	v4 =	vld [tilespmem:s29+$0x14C60];
	v2 =	vadd.f32 v5, v2;
	v3 =	vadd.f32 v10, v3  }
0x22e: {  	v9 =	vld [tilespmem:s29+$0x13C70]  }
0x22f: {  	v5 =	vld [tilespmem:s29+$0x14C70];
	v2 =	vadd.f32 v7, v2;
	v6 =	vadd.f32 v6, v3  }
0x230: {  	v3 =	vld [tilespmem:s29+$0x15C60]  }
0x231: {  	v7 =	vmov s28;
	v8 =	vadd.f32 v8, v2;
	v10 =	vadd.f32 v11, v6;
	v6 =	vld [tilespmem:s29+$0x15C70]  }
0x232: {  	v2 =	vand.u32 $0x7F, v7;
	v7 =	vld [tilespmem:s29+$0x16C60]  }
0x233: {  	s7 =	simm.s32 $0x200;
	v2 =	vbroadcast v2, $0x0;
	v9 =	vadd.f32 v9, v8;
	v10 =	vadd.f32 v12, v10;
	v8 =	vld [tilespmem:s29+$0x16C70]  }
.LBB2_4:
0x234: {  	p0 =	sne.s32 s7, $0x3E00  }
0x235: {  	v11 =	vld [tilespmem:s29+$0x17C60];
	s28 =	sadd.s32 $0x4, s28;
	s1 =	smov.u32 s7;
	s7 =	sadd.s32 $0x200, s7  }
0x236: {  	v5 =	vadd.f32 v5, v9;
	v12 =	vmov s28;
	v4 =	vadd.f32 v4, v10;
	v9 =	vld [tilespmem:s29+$0x17C70]  }
0x237: {  	v10 =	vand.u32 $0x7F, v12  }
0x238: {  	v10 =	vbroadcast v10, $0x0;
	v3 =	vadd.f32 v3, v4;
	v4 =	vadd.f32 v6, v5;
	_ =	sdelay $0x1  }
0x239: {  	v5 =	vor.u32 v0, v2;
	v3 =	vadd.f32 v7, v3;
	v4 =	vadd.f32 v8, v4  }
0x23a: {  	v6 =	vor.u32 v1, v2;
	v2 =	vmov v10  }
0x23b: {  	v3 =	vadd.f32 v11, v3;
	v4 =	vadd.f32 v9, v4;
	_ =	sdelay $0x1  }
0x23c: {  	v3 =	vmul.f32 $8.333333580e-02, v3;
	v4 =	vmul.f32 $8.333333580e-02, v4;
	_ =	sdelay $0x1  }
0x23d: {  	[tilespmem:v5+s5+$0x0] =	vst.idx.msk $0xffff, v3  }
0x23e: {  	s29 =	sshra.s32 s1, $0x2;
	[tilespmem:v6+s5+$0x0] =	vst.idx.msk $0xffff, v4  }
0x23f: {  	v3 =	vld [tilespmem:s29+$0xDC10]  }
0x240: {  	v4 =	vld [tilespmem:s29+$0xCC00]  }
0x241: {  	v5 =	vld [tilespmem:s29+$0xDC00]  }
0x242: {  	v6 =	vld [tilespmem:s29+$0xCC10]  }
0x243: {  	v7 =	vld [tilespmem:s29+$0xEC00]  }
0x244: {  	v8 =	vld [tilespmem:s29+$0xEC10]  }
0x245: {  	v9 =	vld [tilespmem:s29+$0xFC00]  }
0x246: {  	v4 =	vadd.f32 v5, v4;
	v5 =	vld [tilespmem:s29+$0xFC10]  }
0x247: {  	v3 =	vadd.f32 v3, v6;
	v6 =	vld [tilespmem:s29+$0x10C00]  }
0x248: {  	v4 =	vadd.f32 v7, v4;
	v7 =	vld [tilespmem:s29+$0x10C10]  }
0x249: {  	v3 =	vadd.f32 v8, v3;
	v8 =	vld [tilespmem:s29+$0x11C00]  }
0x24a: {  	v4 =	vadd.f32 v9, v4;
	v9 =	vld [tilespmem:s29+$0x11C10]  }
0x24b: {  	v3 =	vadd.f32 v5, v3;
	v5 =	vld [tilespmem:s29+$0x12C00]  }
0x24c: {  	v4 =	vadd.f32 v6, v4;
	v6 =	vld [tilespmem:s29+$0x12C10]  }
0x24d: {  	v3 =	vadd.f32 v7, v3;
	v7 =	vld [tilespmem:s29+$0x13C00]  }
0x24e: {  	v4 =	vadd.f32 v8, v4;
	v8 =	vld [tilespmem:s29+$0x13C10]  }
0x24f: {  	v3 =	vadd.f32 v9, v3;
	v9 =	vld [tilespmem:s29+$0x14C00]  }
0x250: {  	v4 =	vadd.f32 v5, v4;
	v5 =	vld [tilespmem:s29+$0x14C10]  }
0x251: {  	v3 =	vadd.f32 v6, v3;
	v6 =	vld [tilespmem:s29+$0x15C00]  }
0x252: {  	v4 =	vadd.f32 v7, v4;
	v7 =	vld [tilespmem:s29+$0x15C10]  }
0x253: {  	v3 =	vadd.f32 v8, v3;
	v8 =	vld [tilespmem:s29+$0x16C00]  }
0x254: {  	s1 =	sadd.s32 $0xFFFFFFFD, s28;
	v4 =	vadd.f32 v9, v4;
	v9 =	vld [tilespmem:s29+$0x16C10]  }
0x255: {  	v10 =	vmov s1;
	v3 =	vadd.f32 v5, v3;
	v5 =	vld [tilespmem:s29+$0x17C00]  }
0x256: {  	v10 =	vand.u32 $0x7C, v10;
	v4 =	vadd.f32 v6, v4;
	v6 =	vld [tilespmem:s29+$0x17C10]  }
0x257: {  	v3 =	vadd.f32 v7, v3;
	v7 =	vbroadcast v10, $0x0  }
0x258: {  	v4 =	vadd.f32 v8, v4  }
0x259: {  	v3 =	vadd.f32 v9, v3;
	v8 =	vor.u32 v0, v7  }
0x25a: {  	v4 =	vadd.f32 v5, v4;
	v5 =	vor.u32 v1, v7  }
0x25b: {  	v3 =	vadd.f32 v6, v3  }
0x25c: {  	v4 =	vmul.f32 $8.333333580e-02, v4  }
0x25d: {  	v3 =	vmul.f32 $8.333333580e-02, v3  }
0x25e: {  	[tilespmem:v8+s5+$0x0] =	vst.idx.msk $0xffff, v4  }
0x25f: {  	[tilespmem:v5+s5+$0x0] =	vst.idx.msk $0xffff, v3  }
0x260: {  	v3 =	vld [tilespmem:s29+$0xEC20]  }
0x261: {  	v4 =	vld [tilespmem:s29+$0xDC20]  }
0x262: {  	v5 =	vld [tilespmem:s29+$0xCC30]  }
0x263: {  	v6 =	vld [tilespmem:s29+$0xDC30]  }
0x264: {  	v7 =	vld [tilespmem:s29+$0xCC20]  }
0x265: {  	v8 =	vld [tilespmem:s29+$0xEC30];
	_ =	sdelay $0x1  }
0x266: {  	v9 =	vld [tilespmem:s29+$0xFC30]  }
0x267: {  	v5 =	vadd.f32 v6, v5;
	v6 =	vld [tilespmem:s29+$0xFC20]  }
0x268: {  	v4 =	vadd.f32 v4, v7;
	v7 =	vld [tilespmem:s29+$0x10C30]  }
0x269: {  	v5 =	vadd.f32 v8, v5;
	v8 =	vld [tilespmem:s29+$0x10C20]  }
0x26a: {  	v3 =	vadd.f32 v3, v4;
	v4 =	vld [tilespmem:s29+$0x11C30]  }
0x26b: {  	v5 =	vadd.f32 v9, v5;
	v9 =	vld [tilespmem:s29+$0x11C20]  }
0x26c: {  	v3 =	vadd.f32 v6, v3;
	v6 =	vld [tilespmem:s29+$0x12C30]  }
0x26d: {  	v5 =	vadd.f32 v7, v5;
	v7 =	vld [tilespmem:s29+$0x12C20]  }
0x26e: {  	v3 =	vadd.f32 v8, v3;
	v8 =	vld [tilespmem:s29+$0x13C30]  }
0x26f: {  	v4 =	vadd.f32 v4, v5;
	v5 =	vld [tilespmem:s29+$0x13C20]  }
0x270: {  	v3 =	vadd.f32 v9, v3;
	v9 =	vld [tilespmem:s29+$0x14C30]  }
0x271: {  	v4 =	vadd.f32 v6, v4;
	v6 =	vld [tilespmem:s29+$0x14C20]  }
0x272: {  	v3 =	vadd.f32 v7, v3;
	v7 =	vld [tilespmem:s29+$0x15C30]  }
0x273: {  	v4 =	vadd.f32 v8, v4;
	v8 =	vld [tilespmem:s29+$0x15C20]  }
0x274: {  	v3 =	vadd.f32 v5, v3;
	v5 =	vld [tilespmem:s29+$0x16C30]  }
0x275: {  	v4 =	vadd.f32 v9, v4;
	v9 =	vld [tilespmem:s29+$0x16C20]  }
0x276: {  	s1 =	sadd.s32 $0xFFFFFFFE, s28;
	v3 =	vadd.f32 v6, v3;
	v6 =	vld [tilespmem:s29+$0x17C30]  }
0x277: {  	v10 =	vmov s1;
	v4 =	vadd.f32 v7, v4;
	v7 =	vld [tilespmem:s29+$0x17C20]  }
0x278: {  	v3 =	vadd.f32 v8, v3;
	v8 =	vand.u32 $0x7D, v10  }
0x279: {  	v4 =	vadd.f32 v5, v4;
	v5 =	vbroadcast v8, $0x0  }
0x27a: {  	v3 =	vadd.f32 v9, v3  }
0x27b: {  	v4 =	vadd.f32 v6, v4;
	v6 =	vor.u32 v0, v5  }
0x27c: {  	v5 =	vor.u32 v1, v5;
	v3 =	vadd.f32 v7, v3;
	_ =	sdelay $0x1  }
0x27d: {  	v3 =	vmul.f32 $8.333333580e-02, v3  }
0x27e: {  	v4 =	vmul.f32 $8.333333580e-02, v4  }
0x27f: {  	[tilespmem:v6+s5+$0x0] =	vst.idx.msk $0xffff, v3  }
0x280: {  	[tilespmem:v5+s5+$0x0] =	vst.idx.msk $0xffff, v4  }
0x281: {  	v3 =	vld [tilespmem:s29+$0xCC50]  }
0x282: {  	v4 =	vld [tilespmem:s29+$0xDC40]  }
0x283: {  	v5 =	vld [tilespmem:s29+$0xCC40]  }
0x284: {  	v6 =	vld [tilespmem:s29+$0xDC50]  }
0x285: {  	v7 =	vld [tilespmem:s29+$0xEC40]  }
0x286: {  	v8 =	vld [tilespmem:s29+$0xEC50]  }
0x287: {  	v9 =	vld [tilespmem:s29+$0xFC40]  }
0x288: {  	v4 =	vadd.f32 v4, v5;
	v5 =	vld [tilespmem:s29+$0xFC50]  }
0x289: {  	v3 =	vadd.f32 v6, v3;
	v6 =	vld [tilespmem:s29+$0x10C40]  }
0x28a: {  	v4 =	vadd.f32 v7, v4;
	v7 =	vld [tilespmem:s29+$0x10C50]  }
0x28b: {  	v3 =	vadd.f32 v8, v3;
	v8 =	vld [tilespmem:s29+$0x11C40]  }
0x28c: {  	v4 =	vadd.f32 v9, v4;
	v9 =	vld [tilespmem:s29+$0x11C50]  }
0x28d: {  	v3 =	vadd.f32 v5, v3;
	v5 =	vld [tilespmem:s29+$0x12C40]  }
0x28e: {  	v4 =	vadd.f32 v6, v4;
	v6 =	vld [tilespmem:s29+$0x12C50]  }
0x28f: {  	v3 =	vadd.f32 v7, v3;
	v7 =	vld [tilespmem:s29+$0x13C40]  }
0x290: {  	v4 =	vadd.f32 v8, v4;
	v8 =	vld [tilespmem:s29+$0x13C50]  }
0x291: {  	v3 =	vadd.f32 v9, v3;
	v9 =	vld [tilespmem:s29+$0x14C40]  }
0x292: {  	v4 =	vadd.f32 v5, v4;
	v5 =	vld [tilespmem:s29+$0x14C50]  }
0x293: {  	v3 =	vadd.f32 v6, v3;
	v6 =	vld [tilespmem:s29+$0x15C40]  }
0x294: {  	v4 =	vadd.f32 v7, v4;
	v7 =	vld [tilespmem:s29+$0x15C50]  }
0x295: {  	v3 =	vadd.f32 v8, v3;
	v8 =	vld [tilespmem:s29+$0x16C40]  }
0x296: {  	s1 =	sadd.s32 $0xFFFFFFFF, s28;
	v4 =	vadd.f32 v9, v4;
	v9 =	vld [tilespmem:s29+$0x16C50]  }
0x297: {  	v10 =	vmov s1;
	v3 =	vadd.f32 v5, v3;
	v5 =	vld [tilespmem:s29+$0x17C40]  }
0x298: {  	v10 =	vand.u32 $0x7E, v10;
	v4 =	vadd.f32 v6, v4;
	v6 =	vld [tilespmem:s29+$0x17C50]  }
0x299: {  	v3 =	vadd.f32 v7, v3;
	v7 =	vbroadcast v10, $0x0  }
0x29a: {  	v4 =	vadd.f32 v8, v4  }
0x29b: {  	v3 =	vadd.f32 v9, v3;
	v8 =	vor.u32 v0, v7  }
0x29c: {  	v4 =	vadd.f32 v5, v4;
	v5 =	vor.u32 v1, v7  }
0x29d: {  	v3 =	vadd.f32 v6, v3  }
0x29e: {  	v4 =	vmul.f32 $8.333333580e-02, v4  }
0x29f: {  	v3 =	vmul.f32 $8.333333580e-02, v3  }
0x2a0: {  	[tilespmem:v8+s5+$0x0] =	vst.idx.msk $0xffff, v4  }
0x2a1: {  	[tilespmem:v5+s5+$0x0] =	vst.idx.msk $0xffff, v3  }
0x2a2: {  	v3 =	vld [tilespmem:s29+$0xEC70]  }
0x2a3: {  	v4 =	vld [tilespmem:s29+$0xDC60]  }
0x2a4: {  	v5 =	vld [tilespmem:s29+$0xCC70]  }
0x2a5: {  	v6 =	vld [tilespmem:s29+$0xDC70]  }
0x2a6: {  	v7 =	vld [tilespmem:s29+$0xCC60]  }
0x2a7: {  	v8 =	vld [tilespmem:s29+$0xEC60]  }
0x2a8: {  	v9 =	vld [tilespmem:s29+$0xFC60]  }
0x2a9: {  	v10 =	vld [tilespmem:s29+$0xFC70]  }
0x2aa: {  	v5 =	vadd.f32 v6, v5;
	v6 =	vld [tilespmem:s29+$0x10C60]  }
0x2ab: {  	v4 =	vadd.f32 v4, v7;
	v7 =	vld [tilespmem:s29+$0x10C70]  }
0x2ac: {  	v3 =	vadd.f32 v3, v5;
	v5 =	vld [tilespmem:s29+$0x11C60]  }
0x2ad: {  	v4 =	vadd.f32 v8, v4;
	v8 =	vld [tilespmem:s29+$0x11C70]  }
0x2ae: {  	v3 =	vadd.f32 v10, v3;
	v10 =	vld [tilespmem:s29+$0x12C60]  }
0x2af: {  	v4 =	vadd.f32 v9, v4;
	v9 =	vld [tilespmem:s29+$0x12C70]  }
0x2b0: {  	v3 =	vadd.f32 v7, v3;
	v11 =	vld [tilespmem:s29+$0x13C60]  }
0x2b1: {  	v6 =	vadd.f32 v6, v4;
	v7 =	vld [tilespmem:s29+$0x13C70]  }
0x2b2: {  	v3 =	vadd.f32 v8, v3;
	v4 =	vld [tilespmem:s29+$0x14C60]  }
.Ltmp1:
0x2b3: {  	v6 =	vadd.f32 v5, v6;
	v5 =	vld [tilespmem:s29+$0x14C70];
	(pc) =	sbr.rel @p0 .LBB2_4-.Ltmp1, $4  }
0x2b4: {  	v8 =	vadd.f32 v9, v3;
	v3 =	vld [tilespmem:s29+$0x15C60]  }
0x2b5: {  	v10 =	vadd.f32 v10, v6;
	v6 =	vld [tilespmem:s29+$0x15C70]  }
0x2b6: {  	v9 =	vadd.f32 v7, v8;
	v7 =	vld [tilespmem:s29+$0x16C60]  }
0x2b7: {  	v10 =	vadd.f32 v11, v10;
	v8 =	vld [tilespmem:s29+$0x16C70]  }
0x2b8: {  	_ = 	snop  }
0x2b9: {  	v4 =	vadd.f32 v4, v10  }
0x2ba: {  	v5 =	vadd.f32 v5, v9;
	v10 =	vld [tilespmem:s29+$0x17C60]  }
0x2bb: {  	v9 =	vld [tilespmem:s29+$0x17C70];
	v3 =	vadd.f32 v3, v4  }
0x2bc: {  	v4 =	vadd.f32 v6, v5  }
0x2bd: {  	v3 =	vadd.f32 v7, v3  }
0x2be: {  	v5 =	vor.u32 v0, v2;
	v4 =	vadd.f32 v8, v4  }
0x2bf: {  	v2 =	vor.u32 v1, v2;
	v3 =	vadd.f32 v10, v3  }
0x2c0: {  	v4 =	vadd.f32 v9, v4  }
0x2c1: {  	v3 =	vmul.f32 $8.333333580e-02, v3  }
0x2c2: {  	v4 =	vmul.f32 $8.333333580e-02, v4  }
0x2c3: {  	[tilespmem:v5+s5+$0x0] =	vst.idx.msk $0xffff, v3  }
0x2c4: {  	[tilespmem:v2+s5+$0x0] =	vst.idx.msk $0xffff, v4  }
0x2c5: {  	[hbm4b:s8+s13] =	stream.strided.scatter [tilespmem:s5], [sflag:$0x2], $0x1000, s14, s13, $0x38;
	[tilespmem:$0x1AC00] =	vst v63  }
0x2c6: {  	s28 =	simm.s32 $0x3  }
0x2c7: {  	[tilespmem:s19], [sflag:$0x3] =	stream.strided.gather [hbm4b:s9+s13], $0x600, s14, s13, $0x38;
	[tilespmem:$0x1AC00] =	vst v63  }
0x2c8: {  	_ =	swait.ge [sflag:s28], $0x600  }
0x2c9: {  	[sflag:s28] =	ssyncset.done $0x0  }
0x2ca: {  	s1 =	simm.s32 $0xCC00;
	[sflag:s28] =	ssyncadd.s32 $0xFFFFFA00  }
0x2cb: {  	[tilespmem:s1], [sflag:$0x1] =	stream.indirect.gather [hbm4b:s3+s13], $0x20, s19, s13, $0xb8;
	[tilespmem:$0x1AC00] =	vst v63  }
0x2cc: {  	s7 =	simm.s32 $0xDC00;
	s1 =	simm.s32 $0x680  }
0x2cd: {  	[tilespmem:s7], [sflag:$0x1] =	stream.indirect.gather [hbm4b:s3+s13], $0x20, s1, s13, $0xb8;
	[tilespmem:$0x1AC00] =	vst v63  }
0x2ce: {  	s1 =	simm.s32 $0x700;
	s7 =	simm.s32 $0xEC00  }
0x2cf: {  	[tilespmem:s7], [sflag:$0x1] =	stream.indirect.gather [hbm4b:s3+s13], $0x20, s1, s13, $0xb8;
	[tilespmem:$0x1AC00] =	vst v63  }
0x2d0: {  	s1 =	simm.s32 $0x780;
	s7 =	simm.s32 $0xFC00  }
0x2d1: {  	[tilespmem:s7], [sflag:$0x1] =	stream.indirect.gather [hbm4b:s3+s13], $0x20, s1, s13, $0xb8;
	[tilespmem:$0x1AC00] =	vst v63  }
0x2d2: {  	s1 =	simm.s32 $0x800;
	s7 =	simm.s32 $0x10C00  }
0x2d3: {  	[tilespmem:s7], [sflag:$0x1] =	stream.indirect.gather [hbm4b:s3+s13], $0x20, s1, s13, $0xb8;
	[tilespmem:$0x1AC00] =	vst v63  }
0x2d4: {  	s7 =	simm.s32 $0x880  }
0x2d5: {  	[tilespmem:s30], [sflag:$0x1] =	stream.indirect.gather [hbm4b:s3+s13], $0x20, s7, s13, $0xb8;
	[tilespmem:$0x1AC00] =	vst v63  }
0x2d6: {  	_ = 	snop  }
0x2d7: {  	[tilespmem:s0], [sflag:$0x1] =	stream.indirect.gather [hbm4b:s3+s13], $0x20, s31, s13, $0xb8;
	[tilespmem:$0x1AC00] =	vst v63  }
0x2d8: {  	_ = 	snop  }
0x2d9: {  	[tilespmem:s15], [sflag:$0x1] =	stream.indirect.gather [hbm4b:s3+s13], $0x20, s2, s13, $0xb8;
	[tilespmem:$0x1AC00] =	vst v63  }
0x2da: {  	_ = 	snop  }
0x2db: {  	[tilespmem:s17], [sflag:$0x1] =	stream.indirect.gather [hbm4b:s3+s13], $0x20, s16, s13, $0xb8;
	[tilespmem:$0x1AC00] =	vst v63  }
0x2dc: {  	_ = 	snop  }
0x2dd: {  	[tilespmem:s20], [sflag:$0x1] =	stream.indirect.gather [hbm4b:s3+s13], $0x20, s18, s13, $0xb8;
	[tilespmem:$0x1AC00] =	vst v63  }
0x2de: {  	_ = 	snop  }
0x2df: {  	[tilespmem:s22], [sflag:$0x1] =	stream.indirect.gather [hbm4b:s3+s13], $0x20, s21, s13, $0xb8;
	[tilespmem:$0x1AC00] =	vst v63  }
0x2e0: {  	_ = 	snop  }
0x2e1: {  	[tilespmem:s4], [sflag:$0x1] =	stream.indirect.gather [hbm4b:s3+s13], $0x20, s23, s13, $0xb8;
	[tilespmem:$0x1AC00] =	vst v63  }
0x2e2: {  	_ =	swait.ge [sflag:s24], $0x1000  }
0x2e3: {  	[sflag:s24] =	ssyncset.done $0x0  }
0x2e4: {  	[sflag:s24] =	ssyncadd.s32 $0xFFFFF000  }
0x2e5: {  	_ =	swait.ge [sflag:s24], $0x1000  }
0x2e6: {  	[sflag:s24] =	ssyncset.done $0x0  }
0x2e7: {  	[sflag:s24] =	ssyncadd.s32 $0xFFFFF000  }
0x2e8: {  	_ =	swait.ge [sflag:s24], $0x1000  }
0x2e9: {  	[sflag:s24] =	ssyncset.done $0x0  }
0x2ea: {  	[sflag:s24] =	ssyncadd.s32 $0xFFFFF000  }
0x2eb: {  	_ =	swait.ge [sflag:s24], $0x1000  }
0x2ec: {  	[sflag:s24] =	ssyncset.done $0x0  }
0x2ed: {  	[sflag:s24] =	ssyncadd.s32 $0xFFFFF000  }
0x2ee: {  	_ =	swait.ge [sflag:s24], $0x1000  }
0x2ef: {  	[sflag:s24] =	ssyncset.done $0x0  }
0x2f0: {  	[sflag:s24] =	ssyncadd.s32 $0xFFFFF000  }
0x2f1: {  	_ =	swait.ge [sflag:s24], $0x1000  }
0x2f2: {  	[sflag:s24] =	ssyncset.done $0x0  }
0x2f3: {  	[sflag:s24] =	ssyncadd.s32 $0xFFFFF000  }
0x2f4: {  	_ =	swait.ge [sflag:s24], $0x1000  }
0x2f5: {  	[sflag:s24] =	ssyncset.done $0x0  }
0x2f6: {  	[sflag:s24] =	ssyncadd.s32 $0xFFFFF000  }
0x2f7: {  	_ =	swait.ge [sflag:s24], $0x1000  }
0x2f8: {  	[sflag:s24] =	ssyncset.done $0x0  }
0x2f9: {  	[sflag:s24] =	ssyncadd.s32 $0xFFFFF000  }
0x2fa: {  	_ =	swait.ge [sflag:s24], $0x1000  }
0x2fb: {  	[sflag:s24] =	ssyncset.done $0x0  }
0x2fc: {  	[sflag:s24] =	ssyncadd.s32 $0xFFFFF000  }
0x2fd: {  	_ =	swait.ge [sflag:s24], $0x1000  }
0x2fe: {  	[sflag:s24] =	ssyncset.done $0x0  }
0x2ff: {  	[sflag:s24] =	ssyncadd.s32 $0xFFFFF000  }
0x300: {  	_ =	swait.ge [sflag:s24], $0x1000  }
0x301: {  	[sflag:s24] =	ssyncset.done $0x0  }
0x302: {  	[sflag:s24] =	ssyncadd.s32 $0xFFFFF000  }
0x303: {  	_ =	swait.ge [sflag:s24], $0x1000  }
0x304: {  	[sflag:s24] =	ssyncset.done $0x0  }
0x305: {  	[sflag:s24] =	ssyncadd.s32 $0xFFFFF000  }
0x306: {  	_ =	swait.ge [sflag:s26], $0x1000  }
0x307: {  	[sflag:s26] =	ssyncset.done $0x0  }
0x308: {  	s29 =	simm.s32 $0x0;
	[sflag:s26] =	ssyncadd.s32 $0xFFFFF000  }
0x309: {  	v2 =	vld [tilespmem:s29+$0x1C10]  }
0x30a: {  	v3 =	vld [tilespmem:s29+$0xC00]  }
0x30b: {  	v4 =	vld [tilespmem:s29+$0x1C00]  }
0x30c: {  	v5 =	vld [tilespmem:s29+$0xC10]  }
0x30d: {  	v6 =	vld [tilespmem:s29+$0x2C00]  }
0x30e: {  	v7 =	vld [tilespmem:s29+$0x2C10]  }
0x30f: {  	v8 =	vld [tilespmem:s29+$0x3C00]  }
0x310: {  	v3 =	vadd.f32 v4, v3;
	v4 =	vld [tilespmem:s29+$0x3C10]  }
0x311: {  	v2 =	vadd.f32 v2, v5;
	v5 =	vld [tilespmem:s29+$0x4C00]  }
0x312: {  	v3 =	vadd.f32 v6, v3;
	v6 =	vld [tilespmem:s29+$0x4C10]  }
0x313: {  	v2 =	vadd.f32 v7, v2;
	v7 =	vld [tilespmem:s29+$0x5C00]  }
0x314: {  	v3 =	vadd.f32 v8, v3;
	v8 =	vld [tilespmem:s29+$0x5C10]  }
0x315: {  	v2 =	vadd.f32 v4, v2;
	v4 =	vld [tilespmem:s29+$0x6C00]  }
0x316: {  	v3 =	vadd.f32 v5, v3;
	v5 =	vld [tilespmem:s29+$0x6C10]  }
0x317: {  	v2 =	vadd.f32 v6, v2;
	v6 =	vld [tilespmem:s29+$0x7C00]  }
0x318: {  	v3 =	vadd.f32 v7, v3;
	v7 =	vld [tilespmem:s29+$0x7C10]  }
0x319: {  	v2 =	vadd.f32 v8, v2;
	v8 =	vld [tilespmem:s29+$0x8C00]  }
0x31a: {  	v3 =	vadd.f32 v4, v3;
	v4 =	vld [tilespmem:s29+$0x8C10]  }
0x31b: {  	v2 =	vadd.f32 v5, v2;
	v5 =	vld [tilespmem:s29+$0x9C00]  }
0x31c: {  	v3 =	vadd.f32 v6, v3;
	v6 =	vld [tilespmem:s29+$0x9C10]  }
0x31d: {  	v2 =	vadd.f32 v7, v2;
	v7 =	vld [tilespmem:s29+$0xAC00]  }
0x31e: {  	s7 =	simm.s32 $0x0;
	v3 =	vadd.f32 v8, v3;
	v8 =	vld [tilespmem:s29+$0xAC10]  }
0x31f: {  	v9 =	vmov s7;
	v2 =	vadd.f32 v4, v2;
	v4 =	vld [tilespmem:s29+$0xBC00]  }
0x320: {  	v9 =	vand.u32 $0x7C, v9;
	v3 =	vadd.f32 v5, v3;
	v5 =	vld [tilespmem:s29+$0xBC10]  }
0x321: {  	v2 =	vadd.f32 v6, v2;
	v6 =	vbroadcast v9, $0x0  }
0x322: {  	v3 =	vadd.f32 v7, v3  }
0x323: {  	v2 =	vadd.f32 v8, v2;
	v7 =	vor.u32 v0, v6  }
0x324: {  	v3 =	vadd.f32 v4, v3;
	v4 =	vor.u32 v1, v6  }
0x325: {  	v2 =	vadd.f32 v5, v2  }
0x326: {  	v3 =	vmul.f32 $8.333333580e-02, v3  }
0x327: {  	v2 =	vmul.f32 $8.333333580e-02, v2  }
0x328: {  	[tilespmem:v7+s25+$0x0] =	vst.idx.msk $0xffff, v3  }
0x329: {  	[tilespmem:v4+s25+$0x0] =	vst.idx.msk $0xffff, v2  }
0x32a: {  	v2 =	vld [tilespmem:s29+$0x1C20]  }
0x32b: {  	v3 =	vld [tilespmem:s29+$0xC30]  }
0x32c: {  	v4 =	vld [tilespmem:s29+$0xC20]  }
0x32d: {  	v5 =	vld [tilespmem:s29+$0x1C30]  }
0x32e: {  	v6 =	vld [tilespmem:s29+$0x2C20]  }
0x32f: {  	v7 =	vld [tilespmem:s29+$0x2C30]  }
0x330: {  	v8 =	vld [tilespmem:s29+$0x3C20]  }
0x331: {  	v9 =	vld [tilespmem:s29+$0x3C30];
	v2 =	vadd.f32 v2, v4  }
0x332: {  	v3 =	vadd.f32 v5, v3;
	v4 =	vld [tilespmem:s29+$0x4C20]  }
0x333: {  	v5 =	vld [tilespmem:s29+$0x4C30];
	v2 =	vadd.f32 v6, v2  }
0x334: {  	v3 =	vadd.f32 v7, v3;
	v6 =	vld [tilespmem:s29+$0x5C20]  }
0x335: {  	v7 =	vld [tilespmem:s29+$0x5C30];
	v2 =	vadd.f32 v8, v2  }
0x336: {  	v3 =	vadd.f32 v9, v3;
	v8 =	vld [tilespmem:s29+$0x6C20]  }
0x337: {  	v9 =	vld [tilespmem:s29+$0x6C30];
	v2 =	vadd.f32 v4, v2  }
0x338: {  	v3 =	vadd.f32 v5, v3;
	v4 =	vld [tilespmem:s29+$0x7C20]  }
0x339: {  	v5 =	vld [tilespmem:s29+$0x7C30];
	v2 =	vadd.f32 v6, v2  }
0x33a: {  	v3 =	vadd.f32 v7, v3;
	v6 =	vld [tilespmem:s29+$0x8C20]  }
0x33b: {  	v7 =	vld [tilespmem:s29+$0x8C30];
	v2 =	vadd.f32 v8, v2  }
0x33c: {  	v3 =	vadd.f32 v9, v3;
	v8 =	vld [tilespmem:s29+$0x9C20]  }
0x33d: {  	v9 =	vld [tilespmem:s29+$0x9C30];
	v2 =	vadd.f32 v4, v2  }
0x33e: {  	v3 =	vadd.f32 v5, v3;
	v4 =	vld [tilespmem:s29+$0xAC20]  }
0x33f: {  	s7 =	simm.s32 $0x1;
	v5 =	vld [tilespmem:s29+$0xAC30];
	v2 =	vadd.f32 v6, v2  }
0x340: {  	v3 =	vadd.f32 v7, v3;
	v6 =	vld [tilespmem:s29+$0xBC20];
	v7 =	vmov s7  }
0x341: {  	v10 =	vld [tilespmem:s29+$0xBC30];
	v7 =	vand.u32 $0x7D, v7;
	v2 =	vadd.f32 v8, v2  }
0x342: {  	v3 =	vadd.f32 v9, v3;
	v7 =	vbroadcast v7, $0x0  }
0x343: {  	v2 =	vadd.f32 v4, v2  }
0x344: {  	v3 =	vadd.f32 v5, v3;
	v4 =	vor.u32 v0, v7  }
0x345: {  	v5 =	vor.u32 v1, v7;
	v2 =	vadd.f32 v6, v2  }
0x346: {  	v3 =	vadd.f32 v10, v3  }
0x347: {  	v2 =	vmul.f32 $8.333333580e-02, v2  }
0x348: {  	v3 =	vmul.f32 $8.333333580e-02, v3  }
0x349: {  	[tilespmem:v4+s25+$0x0] =	vst.idx.msk $0xffff, v2  }
0x34a: {  	[tilespmem:v5+s25+$0x0] =	vst.idx.msk $0xffff, v3  }
0x34b: {  	v2 =	vld [tilespmem:s29+$0xC50]  }
0x34c: {  	v3 =	vld [tilespmem:s29+$0x1C40]  }
0x34d: {  	v4 =	vld [tilespmem:s29+$0xC40]  }
0x34e: {  	v5 =	vld [tilespmem:s29+$0x1C50]  }
0x34f: {  	v6 =	vld [tilespmem:s29+$0x2C40]  }
0x350: {  	v7 =	vld [tilespmem:s29+$0x2C50]  }
0x351: {  	v8 =	vld [tilespmem:s29+$0x3C40]  }
0x352: {  	v3 =	vadd.f32 v3, v4;
	v4 =	vld [tilespmem:s29+$0x3C50]  }
0x353: {  	v2 =	vadd.f32 v5, v2;
	v5 =	vld [tilespmem:s29+$0x4C40]  }
0x354: {  	v3 =	vadd.f32 v6, v3;
	v6 =	vld [tilespmem:s29+$0x4C50]  }
0x355: {  	v2 =	vadd.f32 v7, v2;
	v7 =	vld [tilespmem:s29+$0x5C40]  }
0x356: {  	v3 =	vadd.f32 v8, v3;
	v8 =	vld [tilespmem:s29+$0x5C50]  }
0x357: {  	v2 =	vadd.f32 v4, v2;
	v4 =	vld [tilespmem:s29+$0x6C40]  }
0x358: {  	v3 =	vadd.f32 v5, v3;
	v5 =	vld [tilespmem:s29+$0x6C50]  }
0x359: {  	v2 =	vadd.f32 v6, v2;
	v6 =	vld [tilespmem:s29+$0x7C40]  }
0x35a: {  	v3 =	vadd.f32 v7, v3;
	v7 =	vld [tilespmem:s29+$0x7C50]  }
0x35b: {  	v2 =	vadd.f32 v8, v2;
	v8 =	vld [tilespmem:s29+$0x8C40]  }
0x35c: {  	v3 =	vadd.f32 v4, v3;
	v4 =	vld [tilespmem:s29+$0x8C50]  }
0x35d: {  	v2 =	vadd.f32 v5, v2;
	v5 =	vld [tilespmem:s29+$0x9C40]  }
0x35e: {  	v3 =	vadd.f32 v6, v3;
	v6 =	vld [tilespmem:s29+$0x9C50]  }
0x35f: {  	v2 =	vadd.f32 v7, v2;
	v7 =	vld [tilespmem:s29+$0xAC40]  }
0x360: {  	s7 =	simm.s32 $0x2;
	v3 =	vadd.f32 v8, v3;
	v8 =	vld [tilespmem:s29+$0xAC50]  }
0x361: {  	v9 =	vmov s7;
	v2 =	vadd.f32 v4, v2;
	v4 =	vld [tilespmem:s29+$0xBC40]  }
0x362: {  	v9 =	vand.u32 $0x7E, v9;
	v3 =	vadd.f32 v5, v3;
	v5 =	vld [tilespmem:s29+$0xBC50]  }
0x363: {  	v2 =	vadd.f32 v6, v2;
	v6 =	vbroadcast v9, $0x0  }
0x364: {  	v3 =	vadd.f32 v7, v3  }
0x365: {  	v2 =	vadd.f32 v8, v2;
	v7 =	vor.u32 v0, v6  }
0x366: {  	v3 =	vadd.f32 v4, v3;
	v4 =	vor.u32 v1, v6  }
0x367: {  	v2 =	vadd.f32 v5, v2  }
0x368: {  	v3 =	vmul.f32 $8.333333580e-02, v3  }
0x369: {  	v2 =	vmul.f32 $8.333333580e-02, v2  }
0x36a: {  	[tilespmem:v7+s25+$0x0] =	vst.idx.msk $0xffff, v3  }
0x36b: {  	[tilespmem:v4+s25+$0x0] =	vst.idx.msk $0xffff, v2  }
0x36c: {  	v2 =	vld [tilespmem:s29+$0x2C70]  }
0x36d: {  	v3 =	vld [tilespmem:s29+$0x1C60]  }
0x36e: {  	v4 =	vld [tilespmem:s29+$0xC70]  }
0x36f: {  	v5 =	vld [tilespmem:s29+$0x1C70]  }
0x370: {  	v6 =	vld [tilespmem:s29+$0xC60]  }
0x371: {  	v7 =	vld [tilespmem:s29+$0x2C60]  }
0x372: {  	v8 =	vld [tilespmem:s29+$0x3C60]  }
0x373: {  	v9 =	vld [tilespmem:s29+$0x3C70]  }
0x374: {  	v10 =	vld [tilespmem:s29+$0x4C60]  }
0x375: {  	v11 =	vld [tilespmem:s29+$0x6C60];
	v4 =	vadd.f32 v5, v4;
	v3 =	vadd.f32 v3, v6  }
0x376: {  	v5 =	vld [tilespmem:s29+$0x4C70]  }
0x377: {  	v6 =	vld [tilespmem:s29+$0x5C60];
	v2 =	vadd.f32 v2, v4;
	v3 =	vadd.f32 v7, v3  }
0x378: {  	v7 =	vld [tilespmem:s29+$0x5C70]  }
0x379: {  	v12 =	vld [tilespmem:s29+$0x7C60];
	v2 =	vadd.f32 v9, v2;
	v3 =	vadd.f32 v8, v3  }
0x37a: {  	v8 =	vld [tilespmem:s29+$0x6C70]  }
0x37b: {  	v4 =	vld [tilespmem:s29+$0x8C60];
	v2 =	vadd.f32 v5, v2;
	v3 =	vadd.f32 v10, v3  }
0x37c: {  	v9 =	vld [tilespmem:s29+$0x7C70]  }
0x37d: {  	v5 =	vld [tilespmem:s29+$0x8C70];
	v2 =	vadd.f32 v7, v2;
	v6 =	vadd.f32 v6, v3  }
0x37e: {  	v3 =	vld [tilespmem:s29+$0x9C60]  }
0x37f: {  	v7 =	vmov s28;
	v8 =	vadd.f32 v8, v2;
	v10 =	vadd.f32 v11, v6;
	v6 =	vld [tilespmem:s29+$0x9C70]  }
0x380: {  	v2 =	vand.u32 $0x7F, v7;
	v7 =	vld [tilespmem:s29+$0xAC60]  }
0x381: {  	s7 =	simm.s32 $0x200;
	v2 =	vbroadcast v2, $0x0;
	v9 =	vadd.f32 v9, v8;
	v10 =	vadd.f32 v12, v10;
	v8 =	vld [tilespmem:s29+$0xAC70]  }
.LBB2_6:
0x382: {  	p0 =	sne.s32 s7, $0x3E00  }
0x383: {  	v11 =	vld [tilespmem:s29+$0xBC60];
	s28 =	sadd.s32 $0x4, s28;
	s1 =	smov.u32 s7;
	s7 =	sadd.s32 $0x200, s7  }
0x384: {  	v5 =	vadd.f32 v5, v9;
	v12 =	vmov s28;
	v4 =	vadd.f32 v4, v10;
	v9 =	vld [tilespmem:s29+$0xBC70]  }
0x385: {  	v10 =	vand.u32 $0x7F, v12  }
0x386: {  	v10 =	vbroadcast v10, $0x0;
	v3 =	vadd.f32 v3, v4;
	v4 =	vadd.f32 v6, v5;
	_ =	sdelay $0x1  }
0x387: {  	v5 =	vor.u32 v0, v2;
	v3 =	vadd.f32 v7, v3;
	v4 =	vadd.f32 v8, v4  }
0x388: {  	v6 =	vor.u32 v1, v2;
	v2 =	vmov v10  }
0x389: {  	v3 =	vadd.f32 v11, v3;
	v4 =	vadd.f32 v9, v4;
	_ =	sdelay $0x1  }
0x38a: {  	v3 =	vmul.f32 $8.333333580e-02, v3;
	v4 =	vmul.f32 $8.333333580e-02, v4;
	_ =	sdelay $0x1  }
0x38b: {  	[tilespmem:v5+s25+$0x0] =	vst.idx.msk $0xffff, v3  }
0x38c: {  	s29 =	sshra.s32 s1, $0x2;
	[tilespmem:v6+s25+$0x0] =	vst.idx.msk $0xffff, v4  }
0x38d: {  	v3 =	vld [tilespmem:s29+$0x1C10]  }
0x38e: {  	v4 =	vld [tilespmem:s29+$0xC00]  }
0x38f: {  	v5 =	vld [tilespmem:s29+$0x1C00]  }
0x390: {  	v6 =	vld [tilespmem:s29+$0xC10]  }
0x391: {  	v7 =	vld [tilespmem:s29+$0x2C00]  }
0x392: {  	v8 =	vld [tilespmem:s29+$0x2C10]  }
0x393: {  	v9 =	vld [tilespmem:s29+$0x3C00]  }
0x394: {  	v4 =	vadd.f32 v5, v4;
	v5 =	vld [tilespmem:s29+$0x3C10]  }
0x395: {  	v3 =	vadd.f32 v3, v6;
	v6 =	vld [tilespmem:s29+$0x4C00]  }
0x396: {  	v4 =	vadd.f32 v7, v4;
	v7 =	vld [tilespmem:s29+$0x4C10]  }
0x397: {  	v3 =	vadd.f32 v8, v3;
	v8 =	vld [tilespmem:s29+$0x5C00]  }
0x398: {  	v4 =	vadd.f32 v9, v4;
	v9 =	vld [tilespmem:s29+$0x5C10]  }
0x399: {  	v3 =	vadd.f32 v5, v3;
	v5 =	vld [tilespmem:s29+$0x6C00]  }
0x39a: {  	v4 =	vadd.f32 v6, v4;
	v6 =	vld [tilespmem:s29+$0x6C10]  }
0x39b: {  	v3 =	vadd.f32 v7, v3;
	v7 =	vld [tilespmem:s29+$0x7C00]  }
0x39c: {  	v4 =	vadd.f32 v8, v4;
	v8 =	vld [tilespmem:s29+$0x7C10]  }
0x39d: {  	v3 =	vadd.f32 v9, v3;
	v9 =	vld [tilespmem:s29+$0x8C00]  }
0x39e: {  	v4 =	vadd.f32 v5, v4;
	v5 =	vld [tilespmem:s29+$0x8C10]  }
0x39f: {  	v3 =	vadd.f32 v6, v3;
	v6 =	vld [tilespmem:s29+$0x9C00]  }
0x3a0: {  	v4 =	vadd.f32 v7, v4;
	v7 =	vld [tilespmem:s29+$0x9C10]  }
0x3a1: {  	v3 =	vadd.f32 v8, v3;
	v8 =	vld [tilespmem:s29+$0xAC00]  }
0x3a2: {  	s1 =	sadd.s32 $0xFFFFFFFD, s28;
	v4 =	vadd.f32 v9, v4;
	v9 =	vld [tilespmem:s29+$0xAC10]  }
0x3a3: {  	v10 =	vmov s1;
	v3 =	vadd.f32 v5, v3;
	v5 =	vld [tilespmem:s29+$0xBC00]  }
0x3a4: {  	v10 =	vand.u32 $0x7C, v10;
	v4 =	vadd.f32 v6, v4;
	v6 =	vld [tilespmem:s29+$0xBC10]  }
0x3a5: {  	v3 =	vadd.f32 v7, v3;
	v7 =	vbroadcast v10, $0x0  }
0x3a6: {  	v4 =	vadd.f32 v8, v4  }
0x3a7: {  	v3 =	vadd.f32 v9, v3;
	v8 =	vor.u32 v0, v7  }
0x3a8: {  	v4 =	vadd.f32 v5, v4;
	v5 =	vor.u32 v1, v7  }
0x3a9: {  	v3 =	vadd.f32 v6, v3  }
0x3aa: {  	v4 =	vmul.f32 $8.333333580e-02, v4  }
0x3ab: {  	v3 =	vmul.f32 $8.333333580e-02, v3  }
0x3ac: {  	[tilespmem:v8+s25+$0x0] =	vst.idx.msk $0xffff, v4  }
0x3ad: {  	[tilespmem:v5+s25+$0x0] =	vst.idx.msk $0xffff, v3  }
0x3ae: {  	v3 =	vld [tilespmem:s29+$0x2C20]  }
0x3af: {  	v4 =	vld [tilespmem:s29+$0x1C20]  }
0x3b0: {  	v5 =	vld [tilespmem:s29+$0xC30]  }
0x3b1: {  	v6 =	vld [tilespmem:s29+$0x1C30]  }
0x3b2: {  	v7 =	vld [tilespmem:s29+$0xC20]  }
0x3b3: {  	v8 =	vld [tilespmem:s29+$0x2C30];
	_ =	sdelay $0x1  }
0x3b4: {  	v9 =	vld [tilespmem:s29+$0x3C30]  }
0x3b5: {  	v5 =	vadd.f32 v6, v5;
	v6 =	vld [tilespmem:s29+$0x3C20]  }
0x3b6: {  	v4 =	vadd.f32 v4, v7;
	v7 =	vld [tilespmem:s29+$0x4C30]  }
0x3b7: {  	v5 =	vadd.f32 v8, v5;
	v8 =	vld [tilespmem:s29+$0x4C20]  }
0x3b8: {  	v3 =	vadd.f32 v3, v4;
	v4 =	vld [tilespmem:s29+$0x5C30]  }
0x3b9: {  	v5 =	vadd.f32 v9, v5;
	v9 =	vld [tilespmem:s29+$0x5C20]  }
0x3ba: {  	v3 =	vadd.f32 v6, v3;
	v6 =	vld [tilespmem:s29+$0x6C30]  }
0x3bb: {  	v5 =	vadd.f32 v7, v5;
	v7 =	vld [tilespmem:s29+$0x6C20]  }
0x3bc: {  	v3 =	vadd.f32 v8, v3;
	v8 =	vld [tilespmem:s29+$0x7C30]  }
0x3bd: {  	v4 =	vadd.f32 v4, v5;
	v5 =	vld [tilespmem:s29+$0x7C20]  }
0x3be: {  	v3 =	vadd.f32 v9, v3;
	v9 =	vld [tilespmem:s29+$0x8C30]  }
0x3bf: {  	v4 =	vadd.f32 v6, v4;
	v6 =	vld [tilespmem:s29+$0x8C20]  }
0x3c0: {  	v3 =	vadd.f32 v7, v3;
	v7 =	vld [tilespmem:s29+$0x9C30]  }
0x3c1: {  	v4 =	vadd.f32 v8, v4;
	v8 =	vld [tilespmem:s29+$0x9C20]  }
0x3c2: {  	v3 =	vadd.f32 v5, v3;
	v5 =	vld [tilespmem:s29+$0xAC30]  }
0x3c3: {  	v4 =	vadd.f32 v9, v4;
	v9 =	vld [tilespmem:s29+$0xAC20]  }
0x3c4: {  	s1 =	sadd.s32 $0xFFFFFFFE, s28;
	v3 =	vadd.f32 v6, v3;
	v6 =	vld [tilespmem:s29+$0xBC30]  }
0x3c5: {  	v10 =	vmov s1;
	v4 =	vadd.f32 v7, v4;
	v7 =	vld [tilespmem:s29+$0xBC20]  }
0x3c6: {  	v3 =	vadd.f32 v8, v3;
	v8 =	vand.u32 $0x7D, v10  }
0x3c7: {  	v4 =	vadd.f32 v5, v4;
	v5 =	vbroadcast v8, $0x0  }
0x3c8: {  	v3 =	vadd.f32 v9, v3  }
0x3c9: {  	v4 =	vadd.f32 v6, v4;
	v6 =	vor.u32 v0, v5  }
0x3ca: {  	v5 =	vor.u32 v1, v5;
	v3 =	vadd.f32 v7, v3;
	_ =	sdelay $0x1  }
0x3cb: {  	v3 =	vmul.f32 $8.333333580e-02, v3  }
0x3cc: {  	v4 =	vmul.f32 $8.333333580e-02, v4  }
0x3cd: {  	[tilespmem:v6+s25+$0x0] =	vst.idx.msk $0xffff, v3  }
0x3ce: {  	[tilespmem:v5+s25+$0x0] =	vst.idx.msk $0xffff, v4  }
0x3cf: {  	v3 =	vld [tilespmem:s29+$0xC50]  }
0x3d0: {  	v4 =	vld [tilespmem:s29+$0x1C40]  }
0x3d1: {  	v5 =	vld [tilespmem:s29+$0xC40]  }
0x3d2: {  	v6 =	vld [tilespmem:s29+$0x1C50]  }
0x3d3: {  	v7 =	vld [tilespmem:s29+$0x2C40]  }
0x3d4: {  	v8 =	vld [tilespmem:s29+$0x2C50]  }
0x3d5: {  	v9 =	vld [tilespmem:s29+$0x3C40]  }
0x3d6: {  	v4 =	vadd.f32 v4, v5;
	v5 =	vld [tilespmem:s29+$0x3C50]  }
0x3d7: {  	v3 =	vadd.f32 v6, v3;
	v6 =	vld [tilespmem:s29+$0x4C40]  }
0x3d8: {  	v4 =	vadd.f32 v7, v4;
	v7 =	vld [tilespmem:s29+$0x4C50]  }
0x3d9: {  	v3 =	vadd.f32 v8, v3;
	v8 =	vld [tilespmem:s29+$0x5C40]  }
0x3da: {  	v4 =	vadd.f32 v9, v4;
	v9 =	vld [tilespmem:s29+$0x5C50]  }
0x3db: {  	v3 =	vadd.f32 v5, v3;
	v5 =	vld [tilespmem:s29+$0x6C40]  }
0x3dc: {  	v4 =	vadd.f32 v6, v4;
	v6 =	vld [tilespmem:s29+$0x6C50]  }
0x3dd: {  	v3 =	vadd.f32 v7, v3;
	v7 =	vld [tilespmem:s29+$0x7C40]  }
0x3de: {  	v4 =	vadd.f32 v8, v4;
	v8 =	vld [tilespmem:s29+$0x7C50]  }
0x3df: {  	v3 =	vadd.f32 v9, v3;
	v9 =	vld [tilespmem:s29+$0x8C40]  }
0x3e0: {  	v4 =	vadd.f32 v5, v4;
	v5 =	vld [tilespmem:s29+$0x8C50]  }
0x3e1: {  	v3 =	vadd.f32 v6, v3;
	v6 =	vld [tilespmem:s29+$0x9C40]  }
0x3e2: {  	v4 =	vadd.f32 v7, v4;
	v7 =	vld [tilespmem:s29+$0x9C50]  }
0x3e3: {  	v3 =	vadd.f32 v8, v3;
	v8 =	vld [tilespmem:s29+$0xAC40]  }
0x3e4: {  	s1 =	sadd.s32 $0xFFFFFFFF, s28;
	v4 =	vadd.f32 v9, v4;
	v9 =	vld [tilespmem:s29+$0xAC50]  }
0x3e5: {  	v10 =	vmov s1;
	v3 =	vadd.f32 v5, v3;
	v5 =	vld [tilespmem:s29+$0xBC40]  }
0x3e6: {  	v10 =	vand.u32 $0x7E, v10;
	v4 =	vadd.f32 v6, v4;
	v6 =	vld [tilespmem:s29+$0xBC50]  }
0x3e7: {  	v3 =	vadd.f32 v7, v3;
	v7 =	vbroadcast v10, $0x0  }
0x3e8: {  	v4 =	vadd.f32 v8, v4  }
0x3e9: {  	v3 =	vadd.f32 v9, v3;
	v8 =	vor.u32 v0, v7  }
0x3ea: {  	v4 =	vadd.f32 v5, v4;
	v5 =	vor.u32 v1, v7  }
0x3eb: {  	v3 =	vadd.f32 v6, v3  }
0x3ec: {  	v4 =	vmul.f32 $8.333333580e-02, v4  }
0x3ed: {  	v3 =	vmul.f32 $8.333333580e-02, v3  }
0x3ee: {  	[tilespmem:v8+s25+$0x0] =	vst.idx.msk $0xffff, v4  }
0x3ef: {  	[tilespmem:v5+s25+$0x0] =	vst.idx.msk $0xffff, v3  }
0x3f0: {  	v3 =	vld [tilespmem:s29+$0x2C70]  }
0x3f1: {  	v4 =	vld [tilespmem:s29+$0x1C60]  }
0x3f2: {  	v5 =	vld [tilespmem:s29+$0xC70]  }
0x3f3: {  	v6 =	vld [tilespmem:s29+$0x1C70]  }
0x3f4: {  	v7 =	vld [tilespmem:s29+$0xC60]  }
0x3f5: {  	v8 =	vld [tilespmem:s29+$0x2C60]  }
0x3f6: {  	v9 =	vld [tilespmem:s29+$0x3C60]  }
0x3f7: {  	v10 =	vld [tilespmem:s29+$0x3C70]  }
0x3f8: {  	v5 =	vadd.f32 v6, v5;
	v6 =	vld [tilespmem:s29+$0x4C60]  }
0x3f9: {  	v4 =	vadd.f32 v4, v7;
	v7 =	vld [tilespmem:s29+$0x4C70]  }
0x3fa: {  	v3 =	vadd.f32 v3, v5;
	v5 =	vld [tilespmem:s29+$0x5C60]  }
0x3fb: {  	v4 =	vadd.f32 v8, v4;
	v8 =	vld [tilespmem:s29+$0x5C70]  }
0x3fc: {  	v3 =	vadd.f32 v10, v3;
	v10 =	vld [tilespmem:s29+$0x6C60]  }
0x3fd: {  	v4 =	vadd.f32 v9, v4;
	v9 =	vld [tilespmem:s29+$0x6C70]  }
0x3fe: {  	v3 =	vadd.f32 v7, v3;
	v11 =	vld [tilespmem:s29+$0x7C60]  }
0x3ff: {  	v6 =	vadd.f32 v6, v4;
	v7 =	vld [tilespmem:s29+$0x7C70]  }
0x400: {  	v3 =	vadd.f32 v8, v3;
	v4 =	vld [tilespmem:s29+$0x8C60]  }
.Ltmp2:
0x401: {  	v6 =	vadd.f32 v5, v6;
	v5 =	vld [tilespmem:s29+$0x8C70];
	(pc) =	sbr.rel @p0 .LBB2_6-.Ltmp2, $4  }
0x402: {  	v8 =	vadd.f32 v9, v3;
	v3 =	vld [tilespmem:s29+$0x9C60]  }
0x403: {  	v10 =	vadd.f32 v10, v6;
	v6 =	vld [tilespmem:s29+$0x9C70]  }
0x404: {  	v9 =	vadd.f32 v7, v8;
	v7 =	vld [tilespmem:s29+$0xAC60]  }
0x405: {  	v10 =	vadd.f32 v11, v10;
	v8 =	vld [tilespmem:s29+$0xAC70]  }
0x406: {  	_ = 	snop  }
0x407: {  	v4 =	vadd.f32 v4, v10  }
0x408: {  	v5 =	vadd.f32 v5, v9;
	v10 =	vld [tilespmem:s29+$0xBC60]  }
0x409: {  	v9 =	vld [tilespmem:s29+$0xBC70];
	v3 =	vadd.f32 v3, v4  }
0x40a: {  	v4 =	vadd.f32 v6, v5  }
0x40b: {  	v3 =	vadd.f32 v7, v3  }
0x40c: {  	v5 =	vor.u32 v0, v2;
	v4 =	vadd.f32 v8, v4  }
0x40d: {  	v2 =	vor.u32 v1, v2;
	v3 =	vadd.f32 v10, v3  }
0x40e: {  	v4 =	vadd.f32 v9, v4  }
0x40f: {  	v3 =	vmul.f32 $8.333333580e-02, v3  }
0x410: {  	v4 =	vmul.f32 $8.333333580e-02, v4  }
0x411: {  	[tilespmem:v5+s25+$0x0] =	vst.idx.msk $0xffff, v3  }
0x412: {  	[tilespmem:v2+s25+$0x0] =	vst.idx.msk $0xffff, v4  }
0x413: {  	[hbm4b:s10+s13] =	stream.strided.scatter [tilespmem:s25], [sflag:$0x2], $0x1000, s14, s13, $0x38;
	[tilespmem:$0x1AC00] =	vst v63  }
0x414: {  	_ =	swait.ge [sflag:s24], $0x1000  }
0x415: {  	[sflag:s24] =	ssyncset.done $0x0  }
0x416: {  	[sflag:s24] =	ssyncadd.s32 $0xFFFFF000  }
0x417: {  	_ =	swait.ge [sflag:s24], $0x1000  }
0x418: {  	[sflag:s24] =	ssyncset.done $0x0  }
0x419: {  	[sflag:s24] =	ssyncadd.s32 $0xFFFFF000  }
0x41a: {  	_ =	swait.ge [sflag:s24], $0x1000  }
0x41b: {  	[sflag:s24] =	ssyncset.done $0x0  }
0x41c: {  	[sflag:s24] =	ssyncadd.s32 $0xFFFFF000  }
0x41d: {  	_ =	swait.ge [sflag:s24], $0x1000  }
0x41e: {  	[sflag:s24] =	ssyncset.done $0x0  }
0x41f: {  	[sflag:s24] =	ssyncadd.s32 $0xFFFFF000  }
0x420: {  	_ =	swait.ge [sflag:s24], $0x1000  }
0x421: {  	[sflag:s24] =	ssyncset.done $0x0  }
0x422: {  	[sflag:s24] =	ssyncadd.s32 $0xFFFFF000  }
0x423: {  	_ =	swait.ge [sflag:s24], $0x1000  }
0x424: {  	[sflag:s24] =	ssyncset.done $0x0  }
0x425: {  	[sflag:s24] =	ssyncadd.s32 $0xFFFFF000  }
0x426: {  	_ =	swait.ge [sflag:s24], $0x1000  }
0x427: {  	[sflag:s24] =	ssyncset.done $0x0  }
0x428: {  	[sflag:s24] =	ssyncadd.s32 $0xFFFFF000  }
0x429: {  	_ =	swait.ge [sflag:s24], $0x1000  }
0x42a: {  	[sflag:s24] =	ssyncset.done $0x0  }
0x42b: {  	[sflag:s24] =	ssyncadd.s32 $0xFFFFF000  }
0x42c: {  	_ =	swait.ge [sflag:s24], $0x1000  }
0x42d: {  	[sflag:s24] =	ssyncset.done $0x0  }
0x42e: {  	[sflag:s24] =	ssyncadd.s32 $0xFFFFF000  }
0x42f: {  	_ =	swait.ge [sflag:s24], $0x1000  }
0x430: {  	[sflag:s24] =	ssyncset.done $0x0  }
0x431: {  	[sflag:s24] =	ssyncadd.s32 $0xFFFFF000  }
0x432: {  	_ =	swait.ge [sflag:s24], $0x1000  }
0x433: {  	[sflag:s24] =	ssyncset.done $0x0  }
0x434: {  	[sflag:s24] =	ssyncadd.s32 $0xFFFFF000  }
0x435: {  	_ =	swait.ge [sflag:s24], $0x1000  }
0x436: {  	[sflag:s24] =	ssyncset.done $0x0  }
0x437: {  	[sflag:s24] =	ssyncadd.s32 $0xFFFFF000  }
0x438: {  	_ =	swait.ge [sflag:s26], $0x1000  }
0x439: {  	[sflag:s26] =	ssyncset.done $0x0  }
0x43a: {  	s28 =	simm.s32 $0x0;
	[sflag:s26] =	ssyncadd.s32 $0xFFFFF000  }
0x43b: {  	v2 =	vld [tilespmem:s28+$0xDC10]  }
0x43c: {  	v3 =	vld [tilespmem:s28+$0xCC00]  }
0x43d: {  	v4 =	vld [tilespmem:s28+$0xDC00]  }
0x43e: {  	v5 =	vld [tilespmem:s28+$0xCC10]  }
0x43f: {  	v6 =	vld [tilespmem:s28+$0xEC00]  }
0x440: {  	v7 =	vld [tilespmem:s28+$0xEC10]  }
0x441: {  	v8 =	vld [tilespmem:s28+$0xFC00]  }
0x442: {  	v3 =	vadd.f32 v4, v3;
	v4 =	vld [tilespmem:s28+$0xFC10]  }
0x443: {  	v2 =	vadd.f32 v2, v5;
	v5 =	vld [tilespmem:s28+$0x10C00]  }
0x444: {  	v3 =	vadd.f32 v6, v3;
	v6 =	vld [tilespmem:s28+$0x10C10]  }
0x445: {  	v2 =	vadd.f32 v7, v2;
	v7 =	vld [tilespmem:s28+$0x11C00]  }
0x446: {  	v3 =	vadd.f32 v8, v3;
	v8 =	vld [tilespmem:s28+$0x11C10]  }
0x447: {  	v2 =	vadd.f32 v4, v2;
	v4 =	vld [tilespmem:s28+$0x12C00]  }
0x448: {  	v3 =	vadd.f32 v5, v3;
	v5 =	vld [tilespmem:s28+$0x12C10]  }
0x449: {  	v2 =	vadd.f32 v6, v2;
	v6 =	vld [tilespmem:s28+$0x13C00]  }
0x44a: {  	v3 =	vadd.f32 v7, v3;
	v7 =	vld [tilespmem:s28+$0x13C10]  }
0x44b: {  	v2 =	vadd.f32 v8, v2;
	v8 =	vld [tilespmem:s28+$0x14C00]  }
0x44c: {  	v3 =	vadd.f32 v4, v3;
	v4 =	vld [tilespmem:s28+$0x14C10]  }
0x44d: {  	v2 =	vadd.f32 v5, v2;
	v5 =	vld [tilespmem:s28+$0x15C00]  }
0x44e: {  	v3 =	vadd.f32 v6, v3;
	v6 =	vld [tilespmem:s28+$0x15C10]  }
0x44f: {  	v2 =	vadd.f32 v7, v2;
	v7 =	vld [tilespmem:s28+$0x16C00]  }
0x450: {  	s1 =	simm.s32 $0x0;
	v3 =	vadd.f32 v8, v3;
	v8 =	vld [tilespmem:s28+$0x16C10]  }
0x451: {  	v9 =	vmov s1;
	v2 =	vadd.f32 v4, v2;
	v4 =	vld [tilespmem:s28+$0x17C00]  }
0x452: {  	v9 =	vand.u32 $0x7C, v9;
	v3 =	vadd.f32 v5, v3;
	v5 =	vld [tilespmem:s28+$0x17C10]  }
0x453: {  	v2 =	vadd.f32 v6, v2;
	v6 =	vbroadcast v9, $0x0  }
0x454: {  	v3 =	vadd.f32 v7, v3  }
0x455: {  	v2 =	vadd.f32 v8, v2;
	v7 =	vor.u32 v0, v6  }
0x456: {  	v3 =	vadd.f32 v4, v3;
	v4 =	vor.u32 v1, v6  }
0x457: {  	v2 =	vadd.f32 v5, v2  }
0x458: {  	v3 =	vmul.f32 $8.333333580e-02, v3  }
0x459: {  	v2 =	vmul.f32 $8.333333580e-02, v2  }
0x45a: {  	[tilespmem:v7+s5+$0x0] =	vst.idx.msk $0xffff, v3  }
0x45b: {  	[tilespmem:v4+s5+$0x0] =	vst.idx.msk $0xffff, v2  }
0x45c: {  	v2 =	vld [tilespmem:s28+$0xDC20]  }
0x45d: {  	v3 =	vld [tilespmem:s28+$0xCC30]  }
0x45e: {  	v4 =	vld [tilespmem:s28+$0xCC20]  }
0x45f: {  	v5 =	vld [tilespmem:s28+$0xDC30]  }
0x460: {  	v6 =	vld [tilespmem:s28+$0xEC20]  }
0x461: {  	v7 =	vld [tilespmem:s28+$0xEC30]  }
0x462: {  	v8 =	vld [tilespmem:s28+$0xFC20]  }
0x463: {  	v9 =	vld [tilespmem:s28+$0xFC30];
	v2 =	vadd.f32 v2, v4  }
0x464: {  	v3 =	vadd.f32 v5, v3;
	v4 =	vld [tilespmem:s28+$0x10C20]  }
0x465: {  	v5 =	vld [tilespmem:s28+$0x10C30];
	v2 =	vadd.f32 v6, v2  }
0x466: {  	v3 =	vadd.f32 v7, v3;
	v6 =	vld [tilespmem:s28+$0x11C20]  }
0x467: {  	v7 =	vld [tilespmem:s28+$0x11C30];
	v2 =	vadd.f32 v8, v2  }
0x468: {  	v3 =	vadd.f32 v9, v3;
	v8 =	vld [tilespmem:s28+$0x12C20]  }
0x469: {  	v9 =	vld [tilespmem:s28+$0x12C30];
	v2 =	vadd.f32 v4, v2  }
0x46a: {  	v3 =	vadd.f32 v5, v3;
	v4 =	vld [tilespmem:s28+$0x13C20]  }
0x46b: {  	v5 =	vld [tilespmem:s28+$0x13C30];
	v2 =	vadd.f32 v6, v2  }
0x46c: {  	v3 =	vadd.f32 v7, v3;
	v6 =	vld [tilespmem:s28+$0x14C20]  }
0x46d: {  	v7 =	vld [tilespmem:s28+$0x14C30];
	v2 =	vadd.f32 v8, v2  }
0x46e: {  	v3 =	vadd.f32 v9, v3;
	v8 =	vld [tilespmem:s28+$0x15C20]  }
0x46f: {  	v9 =	vld [tilespmem:s28+$0x15C30];
	v2 =	vadd.f32 v4, v2  }
0x470: {  	v3 =	vadd.f32 v5, v3;
	v4 =	vld [tilespmem:s28+$0x16C20]  }
0x471: {  	s7 =	simm.s32 $0x1;
	v5 =	vld [tilespmem:s28+$0x16C30];
	v2 =	vadd.f32 v6, v2  }
0x472: {  	v3 =	vadd.f32 v7, v3;
	v6 =	vld [tilespmem:s28+$0x17C20];
	v7 =	vmov s7  }
0x473: {  	v10 =	vld [tilespmem:s28+$0x17C30];
	v7 =	vand.u32 $0x7D, v7;
	v2 =	vadd.f32 v8, v2  }
0x474: {  	v3 =	vadd.f32 v9, v3;
	v7 =	vbroadcast v7, $0x0  }
0x475: {  	v2 =	vadd.f32 v4, v2  }
0x476: {  	v3 =	vadd.f32 v5, v3;
	v4 =	vor.u32 v0, v7  }
0x477: {  	v5 =	vor.u32 v1, v7;
	v2 =	vadd.f32 v6, v2  }
0x478: {  	v3 =	vadd.f32 v10, v3  }
0x479: {  	v2 =	vmul.f32 $8.333333580e-02, v2  }
0x47a: {  	v3 =	vmul.f32 $8.333333580e-02, v3  }
0x47b: {  	[tilespmem:v4+s5+$0x0] =	vst.idx.msk $0xffff, v2  }
0x47c: {  	[tilespmem:v5+s5+$0x0] =	vst.idx.msk $0xffff, v3  }
0x47d: {  	v2 =	vld [tilespmem:s28+$0xCC50]  }
0x47e: {  	v3 =	vld [tilespmem:s28+$0xDC40]  }
0x47f: {  	v4 =	vld [tilespmem:s28+$0xCC40]  }
0x480: {  	v5 =	vld [tilespmem:s28+$0xDC50]  }
0x481: {  	v6 =	vld [tilespmem:s28+$0xEC40]  }
0x482: {  	v7 =	vld [tilespmem:s28+$0xEC50]  }
0x483: {  	v8 =	vld [tilespmem:s28+$0xFC40]  }
0x484: {  	v3 =	vadd.f32 v3, v4;
	v4 =	vld [tilespmem:s28+$0xFC50]  }
0x485: {  	v2 =	vadd.f32 v5, v2;
	v5 =	vld [tilespmem:s28+$0x10C40]  }
0x486: {  	v3 =	vadd.f32 v6, v3;
	v6 =	vld [tilespmem:s28+$0x10C50]  }
0x487: {  	v2 =	vadd.f32 v7, v2;
	v7 =	vld [tilespmem:s28+$0x11C40]  }
0x488: {  	v3 =	vadd.f32 v8, v3;
	v8 =	vld [tilespmem:s28+$0x11C50]  }
0x489: {  	v2 =	vadd.f32 v4, v2;
	v4 =	vld [tilespmem:s28+$0x12C40]  }
0x48a: {  	v3 =	vadd.f32 v5, v3;
	v5 =	vld [tilespmem:s28+$0x12C50]  }
0x48b: {  	v2 =	vadd.f32 v6, v2;
	v6 =	vld [tilespmem:s28+$0x13C40]  }
0x48c: {  	v3 =	vadd.f32 v7, v3;
	v7 =	vld [tilespmem:s28+$0x13C50]  }
0x48d: {  	v2 =	vadd.f32 v8, v2;
	v8 =	vld [tilespmem:s28+$0x14C40]  }
0x48e: {  	v3 =	vadd.f32 v4, v3;
	v4 =	vld [tilespmem:s28+$0x14C50]  }
0x48f: {  	v2 =	vadd.f32 v5, v2;
	v5 =	vld [tilespmem:s28+$0x15C40]  }
0x490: {  	v3 =	vadd.f32 v6, v3;
	v6 =	vld [tilespmem:s28+$0x15C50]  }
0x491: {  	v2 =	vadd.f32 v7, v2;
	v7 =	vld [tilespmem:s28+$0x16C40]  }
0x492: {  	s7 =	simm.s32 $0x2;
	v3 =	vadd.f32 v8, v3;
	v8 =	vld [tilespmem:s28+$0x16C50]  }
0x493: {  	v9 =	vmov s7;
	v2 =	vadd.f32 v4, v2;
	v4 =	vld [tilespmem:s28+$0x17C40]  }
0x494: {  	v9 =	vand.u32 $0x7E, v9;
	v3 =	vadd.f32 v5, v3;
	v5 =	vld [tilespmem:s28+$0x17C50]  }
0x495: {  	v2 =	vadd.f32 v6, v2;
	v6 =	vbroadcast v9, $0x0  }
0x496: {  	v3 =	vadd.f32 v7, v3  }
0x497: {  	v2 =	vadd.f32 v8, v2;
	v7 =	vor.u32 v0, v6  }
0x498: {  	v3 =	vadd.f32 v4, v3;
	v4 =	vor.u32 v1, v6  }
0x499: {  	v2 =	vadd.f32 v5, v2  }
0x49a: {  	v3 =	vmul.f32 $8.333333580e-02, v3  }
0x49b: {  	v2 =	vmul.f32 $8.333333580e-02, v2  }
0x49c: {  	[tilespmem:v7+s5+$0x0] =	vst.idx.msk $0xffff, v3  }
0x49d: {  	[tilespmem:v4+s5+$0x0] =	vst.idx.msk $0xffff, v2  }
0x49e: {  	v2 =	vld [tilespmem:s28+$0xEC70]  }
0x49f: {  	v3 =	vld [tilespmem:s28+$0xDC60]  }
0x4a0: {  	v4 =	vld [tilespmem:s28+$0xCC70]  }
0x4a1: {  	v5 =	vld [tilespmem:s28+$0xDC70]  }
0x4a2: {  	v6 =	vld [tilespmem:s28+$0xCC60]  }
0x4a3: {  	v7 =	vld [tilespmem:s28+$0xEC60]  }
0x4a4: {  	v8 =	vld [tilespmem:s28+$0xFC60]  }
0x4a5: {  	v9 =	vld [tilespmem:s28+$0xFC70]  }
0x4a6: {  	v10 =	vld [tilespmem:s28+$0x10C60]  }
0x4a7: {  	v11 =	vld [tilespmem:s28+$0x13C60];
	v4 =	vadd.f32 v5, v4;
	v3 =	vadd.f32 v3, v6  }
0x4a8: {  	v5 =	vld [tilespmem:s28+$0x10C70]  }
0x4a9: {  	v6 =	vld [tilespmem:s28+$0x11C60];
	v2 =	vadd.f32 v2, v4;
	v3 =	vadd.f32 v7, v3  }
0x4aa: {  	v4 =	vld [tilespmem:s28+$0x11C70]  }
0x4ab: {  	v7 =	vld [tilespmem:s28+$0x12C60];
	v2 =	vadd.f32 v9, v2;
	v3 =	vadd.f32 v8, v3  }
0x4ac: {  	v8 =	vld [tilespmem:s28+$0x12C70]  }
0x4ad: {  	v9 =	vld [tilespmem:s28+$0x13C70];
	v2 =	vadd.f32 v5, v2;
	v5 =	vadd.f32 v10, v3  }
0x4ae: {  	v3 =	vld [tilespmem:s28+$0x14C60]  }
0x4af: {  	v2 =	vadd.f32 v4, v2;
	v6 =	vadd.f32 v6, v5;
	v5 =	vld [tilespmem:s28+$0x14C70]  }
0x4b0: {  	s29 =	simm.s32 $0x3;
	v4 =	vld [tilespmem:s28+$0x15C60]  }
0x4b1: {  	v10 =	vmov s29;
	v8 =	vadd.f32 v8, v2;
	v12 =	vadd.f32 v7, v6;
	v6 =	vld [tilespmem:s28+$0x15C70]  }
0x4b2: {  	v2 =	vand.u32 $0x7F, v10;
	v7 =	vld [tilespmem:s28+$0x16C60]  }
0x4b3: {  	s7 =	simm.s32 $0x200;
	v2 =	vbroadcast v2, $0x0;
	v9 =	vadd.f32 v9, v8;
	v10 =	vadd.f32 v11, v12;
	v8 =	vld [tilespmem:s28+$0x16C70]  }
.LBB2_8:
0x4b4: {  	p0 =	sne.s32 s7, $0x3E00  }
0x4b5: {  	v11 =	vld [tilespmem:s28+$0x17C60];
	s29 =	sadd.s32 $0x4, s29;
	s1 =	smov.u32 s7;
	s7 =	sadd.s32 $0x200, s7  }
0x4b6: {  	v5 =	vadd.f32 v5, v9;
	v12 =	vmov s29;
	v3 =	vadd.f32 v3, v10;
	v9 =	vld [tilespmem:s28+$0x17C70]  }
0x4b7: {  	v10 =	vand.u32 $0x7F, v12  }
0x4b8: {  	v10 =	vbroadcast v10, $0x0;
	v3 =	vadd.f32 v4, v3;
	v4 =	vadd.f32 v6, v5;
	_ =	sdelay $0x1  }
0x4b9: {  	v5 =	vor.u32 v0, v2;
	v3 =	vadd.f32 v7, v3;
	v4 =	vadd.f32 v8, v4  }
0x4ba: {  	v6 =	vor.u32 v1, v2;
	v2 =	vmov v10  }
0x4bb: {  	v3 =	vadd.f32 v11, v3;
	v4 =	vadd.f32 v9, v4;
	_ =	sdelay $0x1  }
0x4bc: {  	v3 =	vmul.f32 $8.333333580e-02, v3;
	v4 =	vmul.f32 $8.333333580e-02, v4;
	_ =	sdelay $0x1  }
0x4bd: {  	[tilespmem:v5+s5+$0x0] =	vst.idx.msk $0xffff, v3  }
0x4be: {  	s28 =	sshra.s32 s1, $0x2;
	[tilespmem:v6+s5+$0x0] =	vst.idx.msk $0xffff, v4  }
0x4bf: {  	v3 =	vld [tilespmem:s28+$0xDC10]  }
0x4c0: {  	v4 =	vld [tilespmem:s28+$0xCC00]  }
0x4c1: {  	v5 =	vld [tilespmem:s28+$0xDC00]  }
0x4c2: {  	v6 =	vld [tilespmem:s28+$0xCC10]  }
0x4c3: {  	v7 =	vld [tilespmem:s28+$0xEC00]  }
0x4c4: {  	v8 =	vld [tilespmem:s28+$0xEC10]  }
0x4c5: {  	v9 =	vld [tilespmem:s28+$0xFC00]  }
0x4c6: {  	v4 =	vadd.f32 v5, v4;
	v5 =	vld [tilespmem:s28+$0xFC10]  }
0x4c7: {  	v3 =	vadd.f32 v3, v6;
	v6 =	vld [tilespmem:s28+$0x10C00]  }
0x4c8: {  	v4 =	vadd.f32 v7, v4;
	v7 =	vld [tilespmem:s28+$0x10C10]  }
0x4c9: {  	v3 =	vadd.f32 v8, v3;
	v8 =	vld [tilespmem:s28+$0x11C00]  }
0x4ca: {  	v4 =	vadd.f32 v9, v4;
	v9 =	vld [tilespmem:s28+$0x11C10]  }
0x4cb: {  	v3 =	vadd.f32 v5, v3;
	v5 =	vld [tilespmem:s28+$0x12C00]  }
0x4cc: {  	v4 =	vadd.f32 v6, v4;
	v6 =	vld [tilespmem:s28+$0x12C10]  }
0x4cd: {  	v3 =	vadd.f32 v7, v3;
	v7 =	vld [tilespmem:s28+$0x13C00]  }
0x4ce: {  	v4 =	vadd.f32 v8, v4;
	v8 =	vld [tilespmem:s28+$0x13C10]  }
0x4cf: {  	v3 =	vadd.f32 v9, v3;
	v9 =	vld [tilespmem:s28+$0x14C00]  }
0x4d0: {  	v4 =	vadd.f32 v5, v4;
	v5 =	vld [tilespmem:s28+$0x14C10]  }
0x4d1: {  	v3 =	vadd.f32 v6, v3;
	v6 =	vld [tilespmem:s28+$0x15C00]  }
0x4d2: {  	v4 =	vadd.f32 v7, v4;
	v7 =	vld [tilespmem:s28+$0x15C10]  }
0x4d3: {  	v3 =	vadd.f32 v8, v3;
	v8 =	vld [tilespmem:s28+$0x16C00]  }
0x4d4: {  	s1 =	sadd.s32 $0xFFFFFFFD, s29;
	v4 =	vadd.f32 v9, v4;
	v9 =	vld [tilespmem:s28+$0x16C10]  }
0x4d5: {  	v10 =	vmov s1;
	v3 =	vadd.f32 v5, v3;
	v5 =	vld [tilespmem:s28+$0x17C00]  }
0x4d6: {  	v10 =	vand.u32 $0x7C, v10;
	v4 =	vadd.f32 v6, v4;
	v6 =	vld [tilespmem:s28+$0x17C10]  }
0x4d7: {  	v3 =	vadd.f32 v7, v3;
	v7 =	vbroadcast v10, $0x0  }
0x4d8: {  	v4 =	vadd.f32 v8, v4  }
0x4d9: {  	v3 =	vadd.f32 v9, v3;
	v8 =	vor.u32 v0, v7  }
0x4da: {  	v4 =	vadd.f32 v5, v4;
	v5 =	vor.u32 v1, v7  }
0x4db: {  	v3 =	vadd.f32 v6, v3  }
0x4dc: {  	v4 =	vmul.f32 $8.333333580e-02, v4  }
0x4dd: {  	v3 =	vmul.f32 $8.333333580e-02, v3  }
0x4de: {  	[tilespmem:v8+s5+$0x0] =	vst.idx.msk $0xffff, v4  }
0x4df: {  	[tilespmem:v5+s5+$0x0] =	vst.idx.msk $0xffff, v3  }
0x4e0: {  	v3 =	vld [tilespmem:s28+$0xEC20]  }
0x4e1: {  	v4 =	vld [tilespmem:s28+$0xDC20]  }
0x4e2: {  	v5 =	vld [tilespmem:s28+$0xCC30]  }
0x4e3: {  	v6 =	vld [tilespmem:s28+$0xDC30]  }
0x4e4: {  	v7 =	vld [tilespmem:s28+$0xCC20]  }
0x4e5: {  	v8 =	vld [tilespmem:s28+$0xEC30];
	_ =	sdelay $0x1  }
0x4e6: {  	v9 =	vld [tilespmem:s28+$0xFC30]  }
0x4e7: {  	v5 =	vadd.f32 v6, v5;
	v6 =	vld [tilespmem:s28+$0xFC20]  }
0x4e8: {  	v4 =	vadd.f32 v4, v7;
	v7 =	vld [tilespmem:s28+$0x10C30]  }
0x4e9: {  	v5 =	vadd.f32 v8, v5;
	v8 =	vld [tilespmem:s28+$0x10C20]  }
0x4ea: {  	v3 =	vadd.f32 v3, v4;
	v4 =	vld [tilespmem:s28+$0x11C30]  }
0x4eb: {  	v5 =	vadd.f32 v9, v5;
	v9 =	vld [tilespmem:s28+$0x11C20]  }
0x4ec: {  	v3 =	vadd.f32 v6, v3;
	v6 =	vld [tilespmem:s28+$0x12C30]  }
0x4ed: {  	v5 =	vadd.f32 v7, v5;
	v7 =	vld [tilespmem:s28+$0x12C20]  }
0x4ee: {  	v3 =	vadd.f32 v8, v3;
	v8 =	vld [tilespmem:s28+$0x13C30]  }
0x4ef: {  	v4 =	vadd.f32 v4, v5;
	v5 =	vld [tilespmem:s28+$0x13C20]  }
0x4f0: {  	v3 =	vadd.f32 v9, v3;
	v9 =	vld [tilespmem:s28+$0x14C30]  }
0x4f1: {  	v4 =	vadd.f32 v6, v4;
	v6 =	vld [tilespmem:s28+$0x14C20]  }
0x4f2: {  	v3 =	vadd.f32 v7, v3;
	v7 =	vld [tilespmem:s28+$0x15C30]  }
0x4f3: {  	v4 =	vadd.f32 v8, v4;
	v8 =	vld [tilespmem:s28+$0x15C20]  }
0x4f4: {  	v3 =	vadd.f32 v5, v3;
	v5 =	vld [tilespmem:s28+$0x16C30]  }
0x4f5: {  	v4 =	vadd.f32 v9, v4;
	v9 =	vld [tilespmem:s28+$0x16C20]  }
0x4f6: {  	s1 =	sadd.s32 $0xFFFFFFFE, s29;
	v3 =	vadd.f32 v6, v3;
	v6 =	vld [tilespmem:s28+$0x17C30]  }
0x4f7: {  	v10 =	vmov s1;
	v4 =	vadd.f32 v7, v4;
	v7 =	vld [tilespmem:s28+$0x17C20]  }
0x4f8: {  	v3 =	vadd.f32 v8, v3;
	v8 =	vand.u32 $0x7D, v10  }
0x4f9: {  	v4 =	vadd.f32 v5, v4;
	v5 =	vbroadcast v8, $0x0  }
0x4fa: {  	v3 =	vadd.f32 v9, v3  }
0x4fb: {  	v4 =	vadd.f32 v6, v4;
	v6 =	vor.u32 v0, v5  }
0x4fc: {  	v5 =	vor.u32 v1, v5;
	v3 =	vadd.f32 v7, v3;
	_ =	sdelay $0x1  }
0x4fd: {  	v3 =	vmul.f32 $8.333333580e-02, v3  }
0x4fe: {  	v4 =	vmul.f32 $8.333333580e-02, v4  }
0x4ff: {  	[tilespmem:v6+s5+$0x0] =	vst.idx.msk $0xffff, v3  }
0x500: {  	[tilespmem:v5+s5+$0x0] =	vst.idx.msk $0xffff, v4  }
0x501: {  	v3 =	vld [tilespmem:s28+$0xCC50]  }
0x502: {  	v4 =	vld [tilespmem:s28+$0xDC40]  }
0x503: {  	v5 =	vld [tilespmem:s28+$0xCC40]  }
0x504: {  	v6 =	vld [tilespmem:s28+$0xDC50]  }
0x505: {  	v7 =	vld [tilespmem:s28+$0xEC40]  }
0x506: {  	v8 =	vld [tilespmem:s28+$0xEC50]  }
0x507: {  	v9 =	vld [tilespmem:s28+$0xFC40]  }
0x508: {  	v4 =	vadd.f32 v4, v5;
	v5 =	vld [tilespmem:s28+$0xFC50]  }
0x509: {  	v3 =	vadd.f32 v6, v3;
	v6 =	vld [tilespmem:s28+$0x10C40]  }
0x50a: {  	v4 =	vadd.f32 v7, v4;
	v7 =	vld [tilespmem:s28+$0x10C50]  }
0x50b: {  	v3 =	vadd.f32 v8, v3;
	v8 =	vld [tilespmem:s28+$0x11C40]  }
0x50c: {  	v4 =	vadd.f32 v9, v4;
	v9 =	vld [tilespmem:s28+$0x11C50]  }
0x50d: {  	v3 =	vadd.f32 v5, v3;
	v5 =	vld [tilespmem:s28+$0x12C40]  }
0x50e: {  	v4 =	vadd.f32 v6, v4;
	v6 =	vld [tilespmem:s28+$0x12C50]  }
0x50f: {  	v3 =	vadd.f32 v7, v3;
	v7 =	vld [tilespmem:s28+$0x13C40]  }
0x510: {  	v4 =	vadd.f32 v8, v4;
	v8 =	vld [tilespmem:s28+$0x13C50]  }
0x511: {  	v3 =	vadd.f32 v9, v3;
	v9 =	vld [tilespmem:s28+$0x14C40]  }
0x512: {  	v4 =	vadd.f32 v5, v4;
	v5 =	vld [tilespmem:s28+$0x14C50]  }
0x513: {  	v3 =	vadd.f32 v6, v3;
	v6 =	vld [tilespmem:s28+$0x15C40]  }
0x514: {  	v4 =	vadd.f32 v7, v4;
	v7 =	vld [tilespmem:s28+$0x15C50]  }
0x515: {  	v3 =	vadd.f32 v8, v3;
	v8 =	vld [tilespmem:s28+$0x16C40]  }
0x516: {  	s1 =	sadd.s32 $0xFFFFFFFF, s29;
	v4 =	vadd.f32 v9, v4;
	v9 =	vld [tilespmem:s28+$0x16C50]  }
0x517: {  	v10 =	vmov s1;
	v3 =	vadd.f32 v5, v3;
	v5 =	vld [tilespmem:s28+$0x17C40]  }
0x518: {  	v10 =	vand.u32 $0x7E, v10;
	v4 =	vadd.f32 v6, v4;
	v6 =	vld [tilespmem:s28+$0x17C50]  }
0x519: {  	v3 =	vadd.f32 v7, v3;
	v7 =	vbroadcast v10, $0x0  }
0x51a: {  	v4 =	vadd.f32 v8, v4  }
0x51b: {  	v3 =	vadd.f32 v9, v3;
	v8 =	vor.u32 v0, v7  }
0x51c: {  	v4 =	vadd.f32 v5, v4;
	v5 =	vor.u32 v1, v7  }
0x51d: {  	v3 =	vadd.f32 v6, v3  }
0x51e: {  	v4 =	vmul.f32 $8.333333580e-02, v4  }
0x51f: {  	v3 =	vmul.f32 $8.333333580e-02, v3  }
0x520: {  	[tilespmem:v8+s5+$0x0] =	vst.idx.msk $0xffff, v4  }
0x521: {  	[tilespmem:v5+s5+$0x0] =	vst.idx.msk $0xffff, v3  }
0x522: {  	v3 =	vld [tilespmem:s28+$0xEC70]  }
0x523: {  	v4 =	vld [tilespmem:s28+$0xDC60]  }
0x524: {  	v5 =	vld [tilespmem:s28+$0xCC70]  }
0x525: {  	v6 =	vld [tilespmem:s28+$0xDC70]  }
0x526: {  	v7 =	vld [tilespmem:s28+$0xCC60]  }
0x527: {  	v8 =	vld [tilespmem:s28+$0xEC60]  }
0x528: {  	v9 =	vld [tilespmem:s28+$0xFC60]  }
0x529: {  	v10 =	vld [tilespmem:s28+$0xFC70]  }
0x52a: {  	v5 =	vadd.f32 v6, v5;
	v6 =	vld [tilespmem:s28+$0x10C60]  }
0x52b: {  	v4 =	vadd.f32 v4, v7;
	v7 =	vld [tilespmem:s28+$0x10C70]  }
0x52c: {  	v3 =	vadd.f32 v3, v5;
	v5 =	vld [tilespmem:s28+$0x11C60]  }
0x52d: {  	v4 =	vadd.f32 v8, v4;
	v8 =	vld [tilespmem:s28+$0x11C70]  }
0x52e: {  	v3 =	vadd.f32 v10, v3;
	v10 =	vld [tilespmem:s28+$0x12C60]  }
0x52f: {  	v4 =	vadd.f32 v9, v4;
	v9 =	vld [tilespmem:s28+$0x12C70]  }
0x530: {  	v3 =	vadd.f32 v7, v3;
	v11 =	vld [tilespmem:s28+$0x13C60]  }
0x531: {  	v4 =	vadd.f32 v6, v4;
	v7 =	vld [tilespmem:s28+$0x13C70]  }
0x532: {  	v6 =	vadd.f32 v8, v3;
	v3 =	vld [tilespmem:s28+$0x14C60]  }
.Ltmp3:
0x533: {  	v8 =	vadd.f32 v5, v4;
	v5 =	vld [tilespmem:s28+$0x14C70];
	(pc) =	sbr.rel @p0 .LBB2_8-.Ltmp3, $4  }
0x534: {  	v9 =	vadd.f32 v9, v6;
	v4 =	vld [tilespmem:s28+$0x15C60]  }
0x535: {  	v8 =	vadd.f32 v10, v8;
	v6 =	vld [tilespmem:s28+$0x15C70]  }
0x536: {  	v9 =	vadd.f32 v7, v9;
	v7 =	vld [tilespmem:s28+$0x16C60]  }
0x537: {  	v10 =	vadd.f32 v11, v8;
	v8 =	vld [tilespmem:s28+$0x16C70]  }
0x538: {  	_ = 	snop  }
0x539: {  	v3 =	vadd.f32 v3, v10  }
0x53a: {  	v60 =	vld [tilespmem:s28+$0x17C60];
	v5 =	vadd.f32 v5, v9  }
0x53b: {  	v61 =	vld [tilespmem:s28+$0x17C70];
	v3 =	vadd.f32 v4, v3  }
0x53c: {  	v62 =	vadd.f32 v6, v5  }
0x53d: {  	v3 =	vadd.f32 v7, v3  }
0x53e: {  	v63 =	vor.u32 v0, v2;
	v4 =	vadd.f32 v8, v62  }
0x53f: {  	v2 =	vor.u32 v1, v2;
	v3 =	vadd.f32 v60, v3  }
0x540: {  	v4 =	vadd.f32 v61, v4  }
0x541: {  	v3 =	vmul.f32 $8.333333580e-02, v3  }
0x542: {  	v4 =	vmul.f32 $8.333333580e-02, v4  }
0x543: {  	[tilespmem:v63+s5+$0x0] =	vst.idx.msk $0xffff, v3  }
0x544: {  	s6 =	sadd.s32 $0x1, s6;
	[tilespmem:v2+s5+$0x0] =	vst.idx.msk $0xffff, v4  }
0x545: {  	[hbm4b:s11+s13] =	stream.strided.scatter [tilespmem:s5], [sflag:$0x2], $0x1000, s14, s13, $0x38;
	[tilespmem:$0x1AC00] =	vst v63  }
0x546: {  	p0 =	sne.s32 s6, s12;
	_ =	swait.ge [sflag:s26], $0x1000  }
.Ltmp4:
0x547: {  	[sflag:s26] =	ssyncset.done $0x0;
	(pc) =	sbr.rel @p0 .LBB2_1-.Ltmp4, $4  }
0x548: {  	[sflag:s26] =	ssyncadd.s32 $0xFFFFF000  }
0x549: {  	_ =	swait.ge [sflag:s26], $0x1000  }
0x54a: {  	[sflag:s26] =	ssyncset.done $0x0  }
0x54b: {  	[sflag:s26] =	ssyncadd.s32 $0xFFFFF000  }
0x54c: {  	_ =	sfence.sel $0x180000  }
0x54d: {  	[bflag:$0x0] =	sbarrier.arrive $0xFFFF  }
0x54e: {  	_ =	strace $0x90000047  }
0x54f: {  	s0 =	stileid.u32;
	[bflag:$0x2] =	sbarrier.arrive $0xFFFF  }
0x550: {  	p0 =	sne.s32 s0, $0x0;
	s0 =	rddreg [dreg:$0x2]  }
0x551: {  	s0 =	sadd.s32 @!p0 $0x100000, s0  }
0x552: {  	[sflag:s0] =	ssyncadd.tile.s32 @!p0 $0x1;
	_ =	shalt  }
.Lfunc_end2:
_tile_overlayer_lowered:
.L_overlay_start_2:
0x553: {  	(tag) =	ssettag $0x2  }
0x554: {  	s0 =	rddreg [dreg:$0x0];
	s2 =	stileid.u32  }
0x555: {  	s1 =	rddreg [dreg:$0x1];
	p0 =	sne.s32 s2, $0x0  }
0x556: {  	s3 =	rddreg [dreg:$0x2];
	[bflag:$0x3] =	sbarrier.arrive $0xFFFF;
	s2 =	simm.s32 @!p0 $0x1C03  }
0x557: {  	[timem:s3], [sflag:s2] =	dma.local @!p0 [hbm:s0], s1  }
0x558: {  	s0 =	simm.s32 @!p0 $0x3  }
0x559: {  	_ =	swait.ge @!p0 [sflag:s0], s1  }
0x55a: {  	s1 =	ssub.s32 @!p0 $0x0, s1;
	[sflag:s0] =	ssyncset.done @!p0 $0x0  }
0x55b: {  	[sflag:s0] =	ssyncadd.s32 @!p0 s1  }
0x55c: {  	[bflag:$0x3] =	sbarrier.arrive $0xFFFF  }
0x55d: {  	_ =	shalt  }

</sc_bundles>
